<compile_context>
chip_gen: v7x
topology: tpu7x:2x2x1
jax: 0.10.2.dev20260603
libtpu: 0.0.44.dev20260713+nightly
codegen_flags: <defaults>
</compile_context>

<pallas_src>
import functools

import jax
import jax.numpy as jnp
from jax import lax
from jax.experimental import pallas as pl
from jax.experimental.pallas import tpu as pltpu
from jax.experimental.pallas import tpu_sc as plsc

N = 10000
D = 128
G = 64
E = 320000

NC = 2
NS = 16
NW = NC * NS

NP = 10240
RPT = NP // NS
NB = 80
CH = 16
EP = NW * NB * 128
EB = EP // 128
BN = 512
NG = NP // BN

_mesh = plsc.VectorSubcoreMesh(
    core_axis_name="c", subcore_axis_name="s", num_cores=NC, num_subcores=NS
)


@functools.partial(
    pl.kernel,
    out_type=jax.ShapeDtypeStruct((NC * NP, D), jnp.float32),
    mesh=_mesh,
    scratch_types=[
        pltpu.VMEM((NB, 128), jnp.int32),
        pltpu.VMEM((128, D), jnp.float32),
        pltpu.SemaphoreType.DMA,
        pltpu.VMEM_SHARED((NP, D), jnp.float32),
    ],
)
def _sc_deg(dst_hbm, ones_hbm, zeros_hbm, out_hbm, dst_v, ones_v, sem,
            acc_sh):
    cid = lax.axis_index("c")
    sid = lax.axis_index("s")
    wid = cid * NS + sid
    pltpu.sync_copy(dst_hbm.at[pl.ds(wid * NB, NB)], dst_v)
    pltpu.sync_copy(ones_hbm, ones_v)
    pltpu.sync_copy(zeros_hbm, acc_sh.at[pl.ds(sid * RPT, RPT)])
    plsc.subcore_barrier()

    def body(j, carry):
        base = j * CH
        for k in range(CH):
            pltpu.async_copy(
                ones_v, acc_sh.at[dst_v.at[base + k]], sem, add=True)
        for k in range(CH):
            pltpu.make_async_copy(
                ones_v, acc_sh.at[dst_v.at[base + k]], sem).wait()
        return carry

    lax.fori_loop(0, NB // CH, body, 0)
    plsc.subcore_barrier()
    pltpu.sync_copy(
        acc_sh.at[pl.ds(sid * RPT, RPT)],
        out_hbm.at[pl.ds(cid * NP + sid * RPT, RPT)],
    )


@functools.partial(
    pl.kernel,
    out_type=jax.ShapeDtypeStruct((NC * NP, D), jnp.float32),
    mesh=_mesh,
    scratch_types=[
        pltpu.VMEM((CH, 128), jnp.int32),
        pltpu.VMEM((CH, 128), jnp.int32),
        pltpu.VMEM((128, D), jnp.float32),
        pltpu.VMEM((128, D), jnp.float32),
        pltpu.SemaphoreType.DMA,
        pltpu.SemaphoreType.DMA,
        pltpu.VMEM_SHARED((NP, D), jnp.float32),
    ],
)
def _sc_agg(hs_hbm, src_hbm, dst_hbm, zeros_hbm, out_hbm,
            src_v, dst_v, rows_a, rows_b, sem_a, sem_b, acc_sh):
    cid = lax.axis_index("c")
    sid = lax.axis_index("s")
    wid = cid * NS + sid
    pltpu.sync_copy(zeros_hbm, acc_sh.at[pl.ds(sid * RPT, RPT)])
    plsc.subcore_barrier()

    def chunk(cc, carry):
        base = wid * NB + cc * CH
        pltpu.sync_copy(src_hbm.at[pl.ds(base, CH)], src_v)
        pltpu.sync_copy(dst_hbm.at[pl.ds(base, CH)], dst_v)
        pltpu.async_copy(hs_hbm.at[src_v.at[0]], rows_a, sem_a)
        for k in range(0, CH, 2):
            pltpu.make_async_copy(hs_hbm.at[src_v.at[k]], rows_a, sem_a).wait()
            pltpu.async_copy(hs_hbm.at[src_v.at[k + 1]], rows_b, sem_b)
            pltpu.sync_copy(rows_a, acc_sh.at[dst_v.at[k]], add=True)
            pltpu.make_async_copy(
                hs_hbm.at[src_v.at[k + 1]], rows_b, sem_b).wait()
            if k + 2 < CH:
                pltpu.async_copy(hs_hbm.at[src_v.at[k + 2]], rows_a, sem_a)
            pltpu.sync_copy(rows_b, acc_sh.at[dst_v.at[k + 1]], add=True)
        return carry

    lax.fori_loop(0, NB // CH, chunk, 0)
    plsc.subcore_barrier()
    pltpu.sync_copy(
        acc_sh.at[pl.ds(sid * RPT, RPT)],
        out_hbm.at[pl.ds(cid * NP + sid * RPT, RPT)],
    )


def _dis_block(degp_ref):
    deg = degp_ref[0, :, 0:1] + degp_ref[1, :, 0:1] + 1.0
    return lax.rsqrt(deg)


def _tc_hs1_body(x_ref, w_ref, degp_ref, out_ref):
    h = jnp.dot(x_ref[...], w_ref[...], preferred_element_type=jnp.float32)
    out_ref[...] = h * _dis_block(degp_ref)


def _tc_mid_body(degp_ref, agg_ref, hs1_ref, b1_ref, w2_ref, out_ref):
    dis = _dis_block(degp_ref)
    tot = agg_ref[0] + agg_ref[1] + hs1_ref[...]
    h1o = jnp.maximum(tot * dis + b1_ref[...], 0.0)
    h2 = jnp.dot(h1o, w2_ref[...], preferred_element_type=jnp.float32)
    out_ref[...] = h2 * dis


def _tc_final_body(degp_ref, agg_ref, hs2_ref, b2_ref, bt_ref, wlt_ref,
                   blin_ref, out_ref, acc_ref, cnt_ref):
    i = pl.program_id(0)

    @pl.when(i == 0)
    def _():
        acc_ref[...] = jnp.zeros_like(acc_ref)
        cnt_ref[...] = jnp.zeros_like(cnt_ref)

    dis = _dis_block(degp_ref)
    h2o = (agg_ref[0] + agg_ref[1] + hs2_ref[...]) * dis + b2_ref[...]
    bt = bt_ref[0]
    gids = lax.broadcasted_iota(jnp.int32, (G, BN), 0)
    onehot = (bt == gids).astype(jnp.float32)
    acc_ref[...] += jnp.dot(onehot, h2o, preferred_element_type=jnp.float32,
                            precision=lax.Precision.HIGHEST)
    cnt_ref[...] += jnp.broadcast_to(
        jnp.sum(onehot, axis=1, keepdims=True), (G, D)
    )

    @pl.when(i == NG - 1)
    def _():
        pooled = acc_ref[...] / jnp.maximum(cnt_ref[...], 1.0)
        r = jnp.sum(pooled * wlt_ref[...], axis=1, keepdims=True)
        out_ref[...] = jnp.broadcast_to(r + blin_ref[0, 0], (G, D))


def _tc_hs1(x_pad, w1, degp):
    return pl.pallas_call(
        _tc_hs1_body,
        grid=(NG,),
        in_specs=[
            pl.BlockSpec((BN, D), lambda i: (i, 0)),
            pl.BlockSpec((D, D), lambda i: (0, 0)),
            pl.BlockSpec((NC, BN, D), lambda i: (0, i, 0)),
        ],
        out_specs=pl.BlockSpec((BN, D), lambda i: (i, 0)),
        out_shape=jax.ShapeDtypeStruct((NP, D), jnp.float32),
    )(x_pad, w1, degp)


def _tc_mid(degp, agg1, hs1, b1, w2):
    return pl.pallas_call(
        _tc_mid_body,
        grid=(NG,),
        in_specs=[
            pl.BlockSpec((NC, BN, D), lambda i: (0, i, 0)),
            pl.BlockSpec((NC, BN, D), lambda i: (0, i, 0)),
            pl.BlockSpec((BN, D), lambda i: (i, 0)),
            pl.BlockSpec((1, D), lambda i: (0, 0)),
            pl.BlockSpec((D, D), lambda i: (0, 0)),
        ],
        out_specs=pl.BlockSpec((BN, D), lambda i: (i, 0)),
        out_shape=jax.ShapeDtypeStruct((NP, D), jnp.float32),
    )(degp, agg1, hs1, b1, w2)


def _tc_final(degp, agg2, hs2, b2, bt3d, wlt, blin2):
    return pl.pallas_call(
        _tc_final_body,
        grid=(NG,),
        in_specs=[
            pl.BlockSpec((NC, BN, D), lambda i: (0, i, 0)),
            pl.BlockSpec((NC, BN, D), lambda i: (0, i, 0)),
            pl.BlockSpec((BN, D), lambda i: (i, 0)),
            pl.BlockSpec((1, D), lambda i: (0, 0)),
            pl.BlockSpec((1, 1, BN), lambda i: (i, 0, 0)),
            pl.BlockSpec((1, D), lambda i: (0, 0)),
            pl.BlockSpec((1, 1), lambda i: (0, 0)),
        ],
        out_specs=pl.BlockSpec((G, D), lambda i: (0, 0)),
        out_shape=jax.ShapeDtypeStruct((G, D), jnp.float32),
        scratch_shapes=[
            pltpu.VMEM((G, D), jnp.float32),
            pltpu.VMEM((G, D), jnp.float32),
        ],
    )(degp, agg2, hs2, b2, bt3d, wlt, blin2)


def kernel(x, edge_index, batch, W1, b1, W2, b2, Wlin, blin):
    f32 = jnp.float32
    x_pad = jnp.zeros((NP, D), f32).at[:N].set(x)

    npad = EP - E
    pad_idx = (N + jnp.arange(npad, dtype=jnp.int32) % (NP - N)).astype(
        edge_index.dtype
    )
    src2d = jnp.concatenate([edge_index[0], pad_idx]).reshape(EB, 128)
    dst2d = jnp.concatenate([edge_index[1], pad_idx]).reshape(EB, 128)

    bt3d = jnp.concatenate(
        [batch, jnp.full((NP - N,), G, batch.dtype)]
    ).reshape(NG, 1, BN)

    onesD = jnp.ones((128, D), f32)
    zerosD = jnp.zeros((RPT, D), f32)

    degp = _sc_deg(dst2d, onesD, zerosD).reshape(NC, NP, D)
    hs1 = _tc_hs1(x_pad, W1, degp)
    agg1 = _sc_agg(hs1, src2d, dst2d, zerosD).reshape(NC, NP, D)
    hs2 = _tc_mid(degp, agg1, hs1, b1.reshape(1, D), W2)
    agg2 = _sc_agg(hs2, src2d, dst2d, zerosD).reshape(NC, NP, D)
    outf = _tc_final(
        degp, agg2, hs2, b2.reshape(1, D), bt3d,
        Wlin.reshape(1, D), blin.reshape(1, 1),
    )
    return outf[:, :1]

# --- scband reference (transcript-rebuilt; emitter-appended) ---
"""Pipeline reference for scband-gcn-34694745817696 (READ-ONLY COPY).

The authoritative reference and input builder live on the scoring server;
editing this copy changes nothing except your own understanding.
"""

import jax, jax.numpy as jnp
import numpy as np

N = 10000
E = 320000
G = 64
D_IN = 128
D_H = 128
D_OUT = 1


def gcn_conv(x, edge_index, W, b):
    # PyG GCNConv (normalize=True, add_self_loops=True):
    #   h = x @ W; add self loops; deg from dst; norm = deg^-1/2[src]*deg^-1/2[dst]
    #   out = scatter_add(norm * h[src], dst) + b
    n = x.shape[0]
    loop = jnp.arange(n, dtype=edge_index.dtype)
    src = jnp.concatenate([edge_index[0], loop])
    dst = jnp.concatenate([edge_index[1], loop])
    h = x @ W
    deg = jnp.zeros((n,), dtype=h.dtype).at[dst].add(1.0)
    dis = jnp.where(deg > 0, jax.lax.rsqrt(jnp.maximum(deg, 1e-12)), 0.0)
    norm = dis[src] * dis[dst]
    msg = norm[:, None] * jnp.take(h, src, axis=0)
    out = jnp.zeros((n, W.shape[1]), dtype=h.dtype).at[dst].add(msg)
    return out + b


def setup_inputs(seed: int = 0) -> dict:
    key = jax.random.key(seed)
    ks = jax.random.split(key, 9)
    x = jax.random.normal(ks[0], (N, D_IN), dtype=jnp.float32)
    edge_index = jax.random.randint(ks[1], (2, E), 0, N, dtype=jnp.int32)
    batch = jnp.sort(jax.random.randint(ks[2], (N,), 0, G, dtype=jnp.int32))
    s1 = 1.0 / np.sqrt(D_IN)
    s2 = 1.0 / np.sqrt(D_H)
    W1 = jax.random.normal(ks[3], (D_IN, D_H), dtype=jnp.float32) * s1
    b1 = jnp.zeros((D_H,), dtype=jnp.float32)
    W2 = jax.random.normal(ks[4], (D_H, D_H), dtype=jnp.float32) * s2
    b2 = jnp.zeros((D_H,), dtype=jnp.float32)
    Wlin = jax.random.normal(ks[5], (D_H, D_OUT), dtype=jnp.float32) * s2
    blin = jnp.zeros((D_OUT,), dtype=jnp.float32)
    return {"x": x, "edge_index": edge_index, "batch": batch,
            "W1": W1, "b1": b1, "W2": W2, "b2": b2,
            "Wlin": Wlin, "blin": blin}


def reference(x, edge_index, batch, W1, b1, W2, b2, Wlin, blin):
    h = jax.nn.relu(gcn_conv(x, edge_index, W1, b1))
    # dropout is identity in eval mode
    h = gcn_conv(h, edge_index, W2, b2)
    sums = jax.ops.segment_sum(h, batch, num_segments=G)
    counts = jnp.zeros((G,), dtype=h.dtype).at[batch].add(1.0)
    pooled = sums / jnp.maximum(counts, 1.0)[:, None]
    return pooled @ Wlin + blin

if __name__ == "__main__":
    import jax
    _d = setup_inputs()
    print(jax.jit(kernel)(*tuple(_d.values())))

</pallas_src>

<mosaic_0001>
#map = affine_map<(d0, d1) -> (0, 0)>
module attributes {stable_mosaic.version = 14 : i64} {
  func.func @_sc_agg(%arg0: i32, %arg1: i32, %arg2: memref<10240x128xf32, #tpu.memory_space<hbm>>, %arg3: memref<2560x128xi32, #tpu.memory_space<hbm>>, %arg4: memref<2560x128xi32, #tpu.memory_space<hbm>>, %arg5: memref<640x128xf32, #tpu.memory_space<hbm>>, %arg6: memref<20480x128xf32, #tpu.memory_space<hbm>>, %arg7: memref<16x128xi32, #tpu.memory_space<vmem>>, %arg8: memref<16x128xi32, #tpu.memory_space<vmem>>, %arg9: memref<128x128xf32, #tpu.memory_space<vmem>>, %arg10: memref<128x128xf32, #tpu.memory_space<vmem>>, %arg11: memref<!tpu.dma_semaphore, #tpu.memory_space<semaphore_mem>>, %arg12: memref<!tpu.dma_semaphore, #tpu.memory_space<semaphore_mem>>, %arg13: memref<10240x128xf32, #tpu.memory_space<vmem_shared>>) attributes {dimension_semantics = [#tpu.dimension_semantics<core_parallel>, #tpu.dimension_semantics<subcore_parallel>], iteration_bounds = array<i64: 2, 16>, scalar_prefetch = 0 : i64, scratch_operands = 7 : i64, tpu.core_type = #tpu.core_type<sc_vector_subcore>, window_params = [{transform_indices = #map}, {transform_indices = #map}, {transform_indices = #map}, {transform_indices = #map}, {transform_indices = #map}]} {
    %mul3A = arith.constant 16 : i32
    %mul3A_0 = arith.muli %arg0, %mul3A : i32
    %add3A = arith.addi %mul3A_0, %arg1 : i32
    %mul3A_1 = arith.constant 640 : i32
    %mul3A_2 = arith.muli %arg1, %mul3A_1 : i32
    "tpu.region"() ({
      %run_scoped3A = tpu.sem_alloc : memref<!tpu.dma_semaphore, #tpu.memory_space<semaphore_mem>>
      %dma_start3A = arith.constant 0 : i32
      %dma_start3A_16 = tpu.memref_slice %arg13[%mul3A_2, %dma_start3A] : memref<10240x128xf32, #tpu.memory_space<vmem_shared>> -> memref<640x128xf32, #tpu.memory_space<vmem_shared>>
      tpu.enqueue_dma source(%arg5 : memref<640x128xf32, #tpu.memory_space<hbm>>) target(%dma_start3A_16 : memref<640x128xf32, #tpu.memory_space<vmem_shared>>) target_semaphore(%run_scoped3A : memref<!tpu.dma_semaphore, #tpu.memory_space<semaphore_mem>>)
      %dma_wait3A = arith.constant 0 : i32
      %dma_wait3A_17 = tpu.memref_slice %arg13[%mul3A_2, %dma_wait3A] : memref<10240x128xf32, #tpu.memory_space<vmem_shared>> -> memref<640x128xf32, #tpu.memory_space<vmem_shared>>
      tpu.wait_dma2 semaphore(%run_scoped3A : memref<!tpu.dma_semaphore, #tpu.memory_space<semaphore_mem>>) src(%arg5 : memref<640x128xf32, #tpu.memory_space<hbm>>) dst(%dma_wait3A_17 : memref<640x128xf32, #tpu.memory_space<vmem_shared>>)
      tpu.yield
    }) : () -> ()
    %barrier3A = arith.constant 0 : index
    tpu.barrier barrier_id(%barrier3A)
    %scan3A = arith.constant 0 : i32
    %scan3A_3 = arith.constant 0 : i32
    %scan3A_4 = arith.constant 5 : i32
    %scan3A_5 = arith.addi %scan3A_3, %scan3A_4 : i32
    %scan3A_6 = arith.constant 1 : i32
    scf.for %scan3A_16 = %scan3A_3 to %scan3A_5 step %scan3A_6  : i32 {
      %mul3A_17 = arith.constant 80 : i32
      %mul3A_18 = arith.muli %add3A, %mul3A_17 : i32
      %mul3A_19 = arith.constant 16 : i32
      %mul3A_20 = arith.muli %scan3A_16, %mul3A_19 : i32
      %add3A_21 = arith.addi %mul3A_18, %mul3A_20 : i32
      "tpu.region"() ({
        %run_scoped3A_259 = tpu.sem_alloc : memref<!tpu.dma_semaphore, #tpu.memory_space<semaphore_mem>>
        %dma_start3A_260 = arith.constant 0 : i32
        %dma_start3A_261 = tpu.memref_slice %arg3[%add3A_21, %dma_start3A_260] : memref<2560x128xi32, #tpu.memory_space<hbm>> -> memref<16x128xi32, #tpu.memory_space<hbm>>
        %dma_start3A_262 = arith.constant 0 : i32
        %dma_start3A_263 = tpu.memref_slice %arg3[%add3A_21, %dma_start3A_262] : memref<2560x128xi32, #tpu.memory_space<hbm>> -> memref<16x128xi32, #tpu.memory_space<hbm>>
        tpu.enqueue_dma source(%dma_start3A_263 : memref<16x128xi32, #tpu.memory_space<hbm>>) target(%arg7 : memref<16x128xi32, #tpu.memory_space<vmem>>) target_semaphore(%run_scoped3A_259 : memref<!tpu.dma_semaphore, #tpu.memory_space<semaphore_mem>>)
        %dma_wait3A_264 = arith.constant 0 : i32
        %dma_wait3A_265 = tpu.memref_slice %arg3[%add3A_21, %dma_wait3A_264] : memref<2560x128xi32, #tpu.memory_space<hbm>> -> memref<16x128xi32, #tpu.memory_space<hbm>>
        %dma_wait3A_266 = arith.constant 0 : i32
        %dma_wait3A_267 = tpu.memref_slice %arg3[%add3A_21, %dma_wait3A_266] : memref<2560x128xi32, #tpu.memory_space<hbm>> -> memref<16x128xi32, #tpu.memory_space<hbm>>
        tpu.wait_dma2 semaphore(%run_scoped3A_259 : memref<!tpu.dma_semaphore, #tpu.memory_space<semaphore_mem>>) src(%dma_wait3A_267 : memref<16x128xi32, #tpu.memory_space<hbm>>) dst(%arg7 : memref<16x128xi32, #tpu.memory_space<vmem>>)
        tpu.yield
      }) : () -> ()
      "tpu.region"() ({
        %run_scoped3A_259 = tpu.sem_alloc : memref<!tpu.dma_semaphore, #tpu.memory_space<semaphore_mem>>
        %dma_start3A_260 = arith.constant 0 : i32
        %dma_start3A_261 = tpu.memref_slice %arg4[%add3A_21, %dma_start3A_260] : memref<2560x128xi32, #tpu.memory_space<hbm>> -> memref<16x128xi32, #tpu.memory_space<hbm>>
        %dma_start3A_262 = arith.constant 0 : i32
        %dma_start3A_263 = tpu.memref_slice %arg4[%add3A_21, %dma_start3A_262] : memref<2560x128xi32, #tpu.memory_space<hbm>> -> memref<16x128xi32, #tpu.memory_space<hbm>>
        tpu.enqueue_dma source(%dma_start3A_263 : memref<16x128xi32, #tpu.memory_space<hbm>>) target(%arg8 : memref<16x128xi32, #tpu.memory_space<vmem>>) target_semaphore(%run_scoped3A_259 : memref<!tpu.dma_semaphore, #tpu.memory_space<semaphore_mem>>)
        %dma_wait3A_264 = arith.constant 0 : i32
        %dma_wait3A_265 = tpu.memref_slice %arg4[%add3A_21, %dma_wait3A_264] : memref<2560x128xi32, #tpu.memory_space<hbm>> -> memref<16x128xi32, #tpu.memory_space<hbm>>
        %dma_wait3A_266 = arith.constant 0 : i32
        %dma_wait3A_267 = tpu.memref_slice %arg4[%add3A_21, %dma_wait3A_266] : memref<2560x128xi32, #tpu.memory_space<hbm>> -> memref<16x128xi32, #tpu.memory_space<hbm>>
        tpu.wait_dma2 semaphore(%run_scoped3A_259 : memref<!tpu.dma_semaphore, #tpu.memory_space<semaphore_mem>>) src(%dma_wait3A_267 : memref<16x128xi32, #tpu.memory_space<hbm>>) dst(%arg8 : memref<16x128xi32, #tpu.memory_space<vmem>>)
        tpu.yield
      }) : () -> ()
      %dma_start3A = arith.constant 0 : i32
      %dma_start3A_22 = arith.constant 0 : i32
      %dma_start3A_23 = tpu.memref_slice %arg7[%dma_start3A, %dma_start3A_22] : memref<16x128xi32, #tpu.memory_space<vmem>> -> memref<1x128xi32, #tpu.memory_space<vmem>>
      %dma_start3A_24 = tpu.memref_squeeze %dma_start3A_23 : memref<1x128xi32, #tpu.memory_space<vmem>> -> memref<128xi32, #tpu.memory_space<vmem>>
      %dma_start3A_25 = arith.constant 0 : i32
      %dma_start3A_26 = arith.constant 0 : i32
      %dma_start3A_27 = tpu.memref_slice %arg2[%dma_start3A_25, %dma_start3A_26] : memref<10240x128xf32, #tpu.memory_space<hbm>> -> memref<10240x128xf32, #tpu.memory_space<hbm>>
      tpu.enqueue_indirect_dma source(%dma_start3A_27 : memref<10240x128xf32, #tpu.memory_space<hbm>>) target(%arg9 : memref<128x128xf32, #tpu.memory_space<vmem>>) offsets(%dma_start3A_24 : memref<128xi32, #tpu.memory_space<vmem>>) semaphore(%arg11 : memref<!tpu.dma_semaphore, #tpu.memory_space<semaphore_mem>>)
      %dma_wait3A = arith.constant 0 : i32
      %dma_wait3A_28 = arith.constant 0 : i32
      %dma_wait3A_29 = tpu.memref_slice %arg7[%dma_wait3A, %dma_wait3A_28] : memref<16x128xi32, #tpu.memory_space<vmem>> -> memref<1x128xi32, #tpu.memory_space<vmem>>
      %dma_wait3A_30 = tpu.memref_squeeze %dma_wait3A_29 : memref<1x128xi32, #tpu.memory_space<vmem>> -> memref<128xi32, #tpu.memory_space<vmem>>
      %dma_wait3A_31 = arith.constant 0 : i32
      %dma_wait3A_32 = arith.constant 0 : i32
      %dma_wait3A_33 = tpu.memref_slice %arg2[%dma_wait3A_31, %dma_wait3A_32] : memref<10240x128xf32, #tpu.memory_space<hbm>> -> memref<10240x128xf32, #tpu.memory_space<hbm>>
      tpu.wait_indirect_dma semaphore(%arg11 : memref<!tpu.dma_semaphore, #tpu.memory_space<semaphore_mem>>) src(%dma_wait3A_33 : memref<10240x128xf32, #tpu.memory_space<hbm>>) dst(%arg9 : memref<128x128xf32, #tpu.memory_space<vmem>>)
      %dma_start3A_34 = arith.constant 1 : i32
      %dma_start3A_35 = arith.constant 0 : i32
      %dma_start3A_36 = tpu.memref_slice %arg7[%dma_start3A_34, %dma_start3A_35] : memref<16x128xi32, #tpu.memory_space<vmem>> -> memref<1x128xi32, #tpu.memory_space<vmem>>
      %dma_start3A_37 = tpu.memref_squeeze %dma_start3A_36 : memref<1x128xi32, #tpu.memory_space<vmem>> -> memref<128xi32, #tpu.memory_space<vmem>>
      %dma_start3A_38 = arith.constant 0 : i32
      %dma_start3A_39 = arith.constant 0 : i32
      %dma_start3A_40 = tpu.memref_slice %arg2[%dma_start3A_38, %dma_start3A_39] : memref<10240x128xf32, #tpu.memory_space<hbm>> -> memref<10240x128xf32, #tpu.memory_space<hbm>>
      tpu.enqueue_indirect_dma source(%dma_start3A_40 : memref<10240x128xf32, #tpu.memory_space<hbm>>) target(%arg10 : memref<128x128xf32, #tpu.memory_space<vmem>>) offsets(%dma_start3A_37 : memref<128xi32, #tpu.memory_space<vmem>>) semaphore(%arg12 : memref<!tpu.dma_semaphore, #tpu.memory_space<semaphore_mem>>)
      %run_scoped3A = arith.constant 0 : i32
      "tpu.region"() ({
        %run_scoped3A_259 = tpu.sem_alloc : memref<!tpu.dma_semaphore, #tpu.memory_space<semaphore_mem>>
        %dma_start3A_260 = arith.constant 0 : i32
        %dma_start3A_261 = tpu.memref_slice %arg8[%run_scoped3A, %dma_start3A_260] : memref<16x128xi32, #tpu.memory_space<vmem>> -> memref<1x128xi32, #tpu.memory_space<vmem>>
        %dma_start3A_262 = tpu.memref_squeeze %dma_start3A_261 : memref<1x128xi32, #tpu.memory_space<vmem>> -> memref<128xi32, #tpu.memory_space<vmem>>
        %dma_start3A_263 = arith.constant 0 : i32
        %dma_start3A_264 = arith.constant 0 : i32
        %dma_start3A_265 = tpu.memref_slice %arg13[%dma_start3A_263, %dma_start3A_264] : memref<10240x128xf32, #tpu.memory_space<vmem_shared>> -> memref<10240x128xf32, #tpu.memory_space<vmem_shared>>
        tpu.enqueue_indirect_dma source(%arg9 : memref<128x128xf32, #tpu.memory_space<vmem>>) target(%dma_start3A_265 : memref<10240x128xf32, #tpu.memory_space<vmem_shared>>) offsets(%dma_start3A_262 : memref<128xi32, #tpu.memory_space<vmem>>) semaphore(%run_scoped3A_259 : memref<!tpu.dma_semaphore, #tpu.memory_space<semaphore_mem>>) {add = true}
        %dma_wait3A_266 = arith.constant 0 : i32
        %dma_wait3A_267 = tpu.memref_slice %arg8[%run_scoped3A, %dma_wait3A_266] : memref<16x128xi32, #tpu.memory_space<vmem>> -> memref<1x128xi32, #tpu.memory_space<vmem>>
        %dma_wait3A_268 = tpu.memref_squeeze %dma_wait3A_267 : memref<1x128xi32, #tpu.memory_space<vmem>> -> memref<128xi32, #tpu.memory_space<vmem>>
        %dma_wait3A_269 = arith.constant 0 : i32
        %dma_wait3A_270 = arith.constant 0 : i32
        %dma_wait3A_271 = tpu.memref_slice %arg13[%dma_wait3A_269, %dma_wait3A_270] : memref<10240x128xf32, #tpu.memory_space<vmem_shared>> -> memref<10240x128xf32, #tpu.memory_space<vmem_shared>>
        tpu.wait_indirect_dma semaphore(%run_scoped3A_259 : memref<!tpu.dma_semaphore, #tpu.memory_space<semaphore_mem>>) src(%arg9 : memref<128x128xf32, #tpu.memory_space<vmem>>) dst(%dma_wait3A_271 : memref<10240x128xf32, #tpu.memory_space<vmem_shared>>)
        tpu.yield
      }) : () -> ()
      %dma_wait3A_41 = arith.constant 1 : i32
      %dma_wait3A_42 = arith.constant 0 : i32
      %dma_wait3A_43 = tpu.memref_slice %arg7[%dma_wait3A_41, %dma_wait3A_42] : memref<16x128xi32, #tpu.memory_space<vmem>> -> memref<1x128xi32, #tpu.memory_space<vmem>>
      %dma_wait3A_44 = tpu.memref_squeeze %dma_wait3A_43 : memref<1x128xi32, #tpu.memory_space<vmem>> -> memref<128xi32, #tpu.memory_space<vmem>>
      %dma_wait3A_45 = arith.constant 0 : i32
      %dma_wait3A_46 = arith.constant 0 : i32
      %dma_wait3A_47 = tpu.memref_slice %arg2[%dma_wait3A_45, %dma_wait3A_46] : memref<10240x128xf32, #tpu.memory_space<hbm>> -> memref<10240x128xf32, #tpu.memory_space<hbm>>
      tpu.wait_indirect_dma semaphore(%arg12 : memref<!tpu.dma_semaphore, #tpu.memory_space<semaphore_mem>>) src(%dma_wait3A_47 : memref<10240x128xf32, #tpu.memory_space<hbm>>) dst(%arg10 : memref<128x128xf32, #tpu.memory_space<vmem>>)
      %dma_start3A_48 = arith.constant 2 : i32
      %dma_start3A_49 = arith.constant 0 : i32
      %dma_start3A_50 = tpu.memref_slice %arg7[%dma_start3A_48, %dma_start3A_49] : memref<16x128xi32, #tpu.memory_space<vmem>> -> memref<1x128xi32, #tpu.memory_space<vmem>>
      %dma_start3A_51 = tpu.memref_squeeze %dma_start3A_50 : memref<1x128xi32, #tpu.memory_space<vmem>> -> memref<128xi32, #tpu.memory_space<vmem>>
      %dma_start3A_52 = arith.constant 0 : i32
      %dma_start3A_53 = arith.constant 0 : i32
      %dma_start3A_54 = tpu.memref_slice %arg2[%dma_start3A_52, %dma_start3A_53] : memref<10240x128xf32, #tpu.memory_space<hbm>> -> memref<10240x128xf32, #tpu.memory_space<hbm>>
      tpu.enqueue_indirect_dma source(%dma_start3A_54 : memref<10240x128xf32, #tpu.memory_space<hbm>>) target(%arg9 : memref<128x128xf32, #tpu.memory_space<vmem>>) offsets(%dma_start3A_51 : memref<128xi32, #tpu.memory_space<vmem>>) semaphore(%arg11 : memref<!tpu.dma_semaphore, #tpu.memory_space<semaphore_mem>>)
      %run_scoped3A_55 = arith.constant 1 : i32
      "tpu.region"() ({
        %run_scoped3A_259 = tpu.sem_alloc : memref<!tpu.dma_semaphore, #tpu.memory_space<semaphore_mem>>
        %dma_start3A_260 = arith.constant 0 : i32
        %dma_start3A_261 = tpu.memref_slice %arg8[%run_scoped3A_55, %dma_start3A_260] : memref<16x128xi32, #tpu.memory_space<vmem>> -> memref<1x128xi32, #tpu.memory_space<vmem>>
        %dma_start3A_262 = tpu.memref_squeeze %dma_start3A_261 : memref<1x128xi32, #tpu.memory_space<vmem>> -> memref<128xi32, #tpu.memory_space<vmem>>
        %dma_start3A_263 = arith.constant 0 : i32
        %dma_start3A_264 = arith.constant 0 : i32
        %dma_start3A_265 = tpu.memref_slice %arg13[%dma_start3A_263, %dma_start3A_264] : memref<10240x128xf32, #tpu.memory_space<vmem_shared>> -> memref<10240x128xf32, #tpu.memory_space<vmem_shared>>
        tpu.enqueue_indirect_dma source(%arg10 : memref<128x128xf32, #tpu.memory_space<vmem>>) target(%dma_start3A_265 : memref<10240x128xf32, #tpu.memory_space<vmem_shared>>) offsets(%dma_start3A_262 : memref<128xi32, #tpu.memory_space<vmem>>) semaphore(%run_scoped3A_259 : memref<!tpu.dma_semaphore, #tpu.memory_space<semaphore_mem>>) {add = true}
        %dma_wait3A_266 = arith.constant 0 : i32
        %dma_wait3A_267 = tpu.memref_slice %arg8[%run_scoped3A_55, %dma_wait3A_266] : memref<16x128xi32, #tpu.memory_space<vmem>> -> memref<1x128xi32, #tpu.memory_space<vmem>>
        %dma_wait3A_268 = tpu.memref_squeeze %dma_wait3A_267 : memref<1x128xi32, #tpu.memory_space<vmem>> -> memref<128xi32, #tpu.memory_space<vmem>>
        %dma_wait3A_269 = arith.constant 0 : i32
        %dma_wait3A_270 = arith.constant 0 : i32
        %dma_wait3A_271 = tpu.memref_slice %arg13[%dma_wait3A_269, %dma_wait3A_270] : memref<10240x128xf32, #tpu.memory_space<vmem_shared>> -> memref<10240x128xf32, #tpu.memory_space<vmem_shared>>
        tpu.wait_indirect_dma semaphore(%run_scoped3A_259 : memref<!tpu.dma_semaphore, #tpu.memory_space<semaphore_mem>>) src(%arg10 : memref<128x128xf32, #tpu.memory_space<vmem>>) dst(%dma_wait3A_271 : memref<10240x128xf32, #tpu.memory_space<vmem_shared>>)
        tpu.yield
      }) : () -> ()
      %dma_wait3A_56 = arith.constant 2 : i32
      %dma_wait3A_57 = arith.constant 0 : i32
      %dma_wait3A_58 = tpu.memref_slice %arg7[%dma_wait3A_56, %dma_wait3A_57] : memref<16x128xi32, #tpu.memory_space<vmem>> -> memref<1x128xi32, #tpu.memory_space<vmem>>
      %dma_wait3A_59 = tpu.memref_squeeze %dma_wait3A_58 : memref<1x128xi32, #tpu.memory_space<vmem>> -> memref<128xi32, #tpu.memory_space<vmem>>
      %dma_wait3A_60 = arith.constant 0 : i32
      %dma_wait3A_61 = arith.constant 0 : i32
      %dma_wait3A_62 = tpu.memref_slice %arg2[%dma_wait3A_60, %dma_wait3A_61] : memref<10240x128xf32, #tpu.memory_space<hbm>> -> memref<10240x128xf32, #tpu.memory_space<hbm>>
      tpu.wait_indirect_dma semaphore(%arg11 : memref<!tpu.dma_semaphore, #tpu.memory_space<semaphore_mem>>) src(%dma_wait3A_62 : memref<10240x128xf32, #tpu.memory_space<hbm>>) dst(%arg9 : memref<128x128xf32, #tpu.memory_space<vmem>>)
      %dma_start3A_63 = arith.constant 3 : i32
      %dma_start3A_64 = arith.constant 0 : i32
      %dma_start3A_65 = tpu.memref_slice %arg7[%dma_start3A_63, %dma_start3A_64] : memref<16x128xi32, #tpu.memory_space<vmem>> -> memref<1x128xi32, #tpu.memory_space<vmem>>
      %dma_start3A_66 = tpu.memref_squeeze %dma_start3A_65 : memref<1x128xi32, #tpu.memory_space<vmem>> -> memref<128xi32, #tpu.memory_space<vmem>>
      %dma_start3A_67 = arith.constant 0 : i32
      %dma_start3A_68 = arith.constant 0 : i32
      %dma_start3A_69 = tpu.memref_slice %arg2[%dma_start3A_67, %dma_start3A_68] : memref<10240x128xf32, #tpu.memory_space<hbm>> -> memref<10240x128xf32, #tpu.memory_space<hbm>>
      tpu.enqueue_indirect_dma source(%dma_start3A_69 : memref<10240x128xf32, #tpu.memory_space<hbm>>) target(%arg10 : memref<128x128xf32, #tpu.memory_space<vmem>>) offsets(%dma_start3A_66 : memref<128xi32, #tpu.memory_space<vmem>>) semaphore(%arg12 : memref<!tpu.dma_semaphore, #tpu.memory_space<semaphore_mem>>)
      %run_scoped3A_70 = arith.constant 2 : i32
      "tpu.region"() ({
        %run_scoped3A_259 = tpu.sem_alloc : memref<!tpu.dma_semaphore, #tpu.memory_space<semaphore_mem>>
        %dma_start3A_260 = arith.constant 0 : i32
        %dma_start3A_261 = tpu.memref_slice %arg8[%run_scoped3A_70, %dma_start3A_260] : memref<16x128xi32, #tpu.memory_space<vmem>> -> memref<1x128xi32, #tpu.memory_space<vmem>>
        %dma_start3A_262 = tpu.memref_squeeze %dma_start3A_261 : memref<1x128xi32, #tpu.memory_space<vmem>> -> memref<128xi32, #tpu.memory_space<vmem>>
        %dma_start3A_263 = arith.constant 0 : i32
        %dma_start3A_264 = arith.constant 0 : i32
        %dma_start3A_265 = tpu.memref_slice %arg13[%dma_start3A_263, %dma_start3A_264] : memref<10240x128xf32, #tpu.memory_space<vmem_shared>> -> memref<10240x128xf32, #tpu.memory_space<vmem_shared>>
        tpu.enqueue_indirect_dma source(%arg9 : memref<128x128xf32, #tpu.memory_space<vmem>>) target(%dma_start3A_265 : memref<10240x128xf32, #tpu.memory_space<vmem_shared>>) offsets(%dma_start3A_262 : memref<128xi32, #tpu.memory_space<vmem>>) semaphore(%run_scoped3A_259 : memref<!tpu.dma_semaphore, #tpu.memory_space<semaphore_mem>>) {add = true}
        %dma_wait3A_266 = arith.constant 0 : i32
        %dma_wait3A_267 = tpu.memref_slice %arg8[%run_scoped3A_70, %dma_wait3A_266] : memref<16x128xi32, #tpu.memory_space<vmem>> -> memref<1x128xi32, #tpu.memory_space<vmem>>
        %dma_wait3A_268 = tpu.memref_squeeze %dma_wait3A_267 : memref<1x128xi32, #tpu.memory_space<vmem>> -> memref<128xi32, #tpu.memory_space<vmem>>
        %dma_wait3A_269 = arith.constant 0 : i32
        %dma_wait3A_270 = arith.constant 0 : i32
        %dma_wait3A_271 = tpu.memref_slice %arg13[%dma_wait3A_269, %dma_wait3A_270] : memref<10240x128xf32, #tpu.memory_space<vmem_shared>> -> memref<10240x128xf32, #tpu.memory_space<vmem_shared>>
        tpu.wait_indirect_dma semaphore(%run_scoped3A_259 : memref<!tpu.dma_semaphore, #tpu.memory_space<semaphore_mem>>) src(%arg9 : memref<128x128xf32, #tpu.memory_space<vmem>>) dst(%dma_wait3A_271 : memref<10240x128xf32, #tpu.memory_space<vmem_shared>>)
        tpu.yield
      }) : () -> ()
      %dma_wait3A_71 = arith.constant 3 : i32
      %dma_wait3A_72 = arith.constant 0 : i32
      %dma_wait3A_73 = tpu.memref_slice %arg7[%dma_wait3A_71, %dma_wait3A_72] : memref<16x128xi32, #tpu.memory_space<vmem>> -> memref<1x128xi32, #tpu.memory_space<vmem>>
      %dma_wait3A_74 = tpu.memref_squeeze %dma_wait3A_73 : memref<1x128xi32, #tpu.memory_space<vmem>> -> memref<128xi32, #tpu.memory_space<vmem>>
      %dma_wait3A_75 = arith.constant 0 : i32
      %dma_wait3A_76 = arith.constant 0 : i32
      %dma_wait3A_77 = tpu.memref_slice %arg2[%dma_wait3A_75, %dma_wait3A_76] : memref<10240x128xf32, #tpu.memory_space<hbm>> -> memref<10240x128xf32, #tpu.memory_space<hbm>>
      tpu.wait_indirect_dma semaphore(%arg12 : memref<!tpu.dma_semaphore, #tpu.memory_space<semaphore_mem>>) src(%dma_wait3A_77 : memref<10240x128xf32, #tpu.memory_space<hbm>>) dst(%arg10 : memref<128x128xf32, #tpu.memory_space<vmem>>)
      %dma_start3A_78 = arith.constant 4 : i32
      %dma_start3A_79 = arith.constant 0 : i32
      %dma_start3A_80 = tpu.memref_slice %arg7[%dma_start3A_78, %dma_start3A_79] : memref<16x128xi32, #tpu.memory_space<vmem>> -> memref<1x128xi32, #tpu.memory_space<vmem>>
      %dma_start3A_81 = tpu.memref_squeeze %dma_start3A_80 : memref<1x128xi32, #tpu.memory_space<vmem>> -> memref<128xi32, #tpu.memory_space<vmem>>
      %dma_start3A_82 = arith.constant 0 : i32
      %dma_start3A_83 = arith.constant 0 : i32
      %dma_start3A_84 = tpu.memref_slice %arg2[%dma_start3A_82, %dma_start3A_83] : memref<10240x128xf32, #tpu.memory_space<hbm>> -> memref<10240x128xf32, #tpu.memory_space<hbm>>
      tpu.enqueue_indirect_dma source(%dma_start3A_84 : memref<10240x128xf32, #tpu.memory_space<hbm>>) target(%arg9 : memref<128x128xf32, #tpu.memory_space<vmem>>) offsets(%dma_start3A_81 : memref<128xi32, #tpu.memory_space<vmem>>) semaphore(%arg11 : memref<!tpu.dma_semaphore, #tpu.memory_space<semaphore_mem>>)
      %run_scoped3A_85 = arith.constant 3 : i32
      "tpu.region"() ({
        %run_scoped3A_259 = tpu.sem_alloc : memref<!tpu.dma_semaphore, #tpu.memory_space<semaphore_mem>>
        %dma_start3A_260 = arith.constant 0 : i32
        %dma_start3A_261 = tpu.memref_slice %arg8[%run_scoped3A_85, %dma_start3A_260] : memref<16x128xi32, #tpu.memory_space<vmem>> -> memref<1x128xi32, #tpu.memory_space<vmem>>
        %dma_start3A_262 = tpu.memref_squeeze %dma_start3A_261 : memref<1x128xi32, #tpu.memory_space<vmem>> -> memref<128xi32, #tpu.memory_space<vmem>>
        %dma_start3A_263 = arith.constant 0 : i32
        %dma_start3A_264 = arith.constant 0 : i32
        %dma_start3A_265 = tpu.memref_slice %arg13[%dma_start3A_263, %dma_start3A_264] : memref<10240x128xf32, #tpu.memory_space<vmem_shared>> -> memref<10240x128xf32, #tpu.memory_space<vmem_shared>>
        tpu.enqueue_indirect_dma source(%arg10 : memref<128x128xf32, #tpu.memory_space<vmem>>) target(%dma_start3A_265 : memref<10240x128xf32, #tpu.memory_space<vmem_shared>>) offsets(%dma_start3A_262 : memref<128xi32, #tpu.memory_space<vmem>>) semaphore(%run_scoped3A_259 : memref<!tpu.dma_semaphore, #tpu.memory_space<semaphore_mem>>) {add = true}
        %dma_wait3A_266 = arith.constant 0 : i32
        %dma_wait3A_267 = tpu.memref_slice %arg8[%run_scoped3A_85, %dma_wait3A_266] : memref<16x128xi32, #tpu.memory_space<vmem>> -> memref<1x128xi32, #tpu.memory_space<vmem>>
        %dma_wait3A_268 = tpu.memref_squeeze %dma_wait3A_267 : memref<1x128xi32, #tpu.memory_space<vmem>> -> memref<128xi32, #tpu.memory_space<vmem>>
        %dma_wait3A_269 = arith.constant 0 : i32
        %dma_wait3A_270 = arith.constant 0 : i32
        %dma_wait3A_271 = tpu.memref_slice %arg13[%dma_wait3A_269, %dma_wait3A_270] : memref<10240x128xf32, #tpu.memory_space<vmem_shared>> -> memref<10240x128xf32, #tpu.memory_space<vmem_shared>>
        tpu.wait_indirect_dma semaphore(%run_scoped3A_259 : memref<!tpu.dma_semaphore, #tpu.memory_space<semaphore_mem>>) src(%arg10 : memref<128x128xf32, #tpu.memory_space<vmem>>) dst(%dma_wait3A_271 : memref<10240x128xf32, #tpu.memory_space<vmem_shared>>)
        tpu.yield
      }) : () -> ()
      %dma_wait3A_86 = arith.constant 4 : i32
      %dma_wait3A_87 = arith.constant 0 : i32
      %dma_wait3A_88 = tpu.memref_slice %arg7[%dma_wait3A_86, %dma_wait3A_87] : memref<16x128xi32, #tpu.memory_space<vmem>> -> memref<1x128xi32, #tpu.memory_space<vmem>>
      %dma_wait3A_89 = tpu.memref_squeeze %dma_wait3A_88 : memref<1x128xi32, #tpu.memory_space<vmem>> -> memref<128xi32, #tpu.memory_space<vmem>>
      %dma_wait3A_90 = arith.constant 0 : i32
      %dma_wait3A_91 = arith.constant 0 : i32
      %dma_wait3A_92 = tpu.memref_slice %arg2[%dma_wait3A_90, %dma_wait3A_91] : memref<10240x128xf32, #tpu.memory_space<hbm>> -> memref<10240x128xf32, #tpu.memory_space<hbm>>
      tpu.wait_indirect_dma semaphore(%arg11 : memref<!tpu.dma_semaphore, #tpu.memory_space<semaphore_mem>>) src(%dma_wait3A_92 : memref<10240x128xf32, #tpu.memory_space<hbm>>) dst(%arg9 : memref<128x128xf32, #tpu.memory_space<vmem>>)
      %dma_start3A_93 = arith.constant 5 : i32
      %dma_start3A_94 = arith.constant 0 : i32
      %dma_start3A_95 = tpu.memref_slice %arg7[%dma_start3A_93, %dma_start3A_94] : memref<16x128xi32, #tpu.memory_space<vmem>> -> memref<1x128xi32, #tpu.memory_space<vmem>>
      %dma_start3A_96 = tpu.memref_squeeze %dma_start3A_95 : memref<1x128xi32, #tpu.memory_space<vmem>> -> memref<128xi32, #tpu.memory_space<vmem>>
      %dma_start3A_97 = arith.constant 0 : i32
      %dma_start3A_98 = arith.constant 0 : i32
      %dma_start3A_99 = tpu.memref_slice %arg2[%dma_start3A_97, %dma_start3A_98] : memref<10240x128xf32, #tpu.memory_space<hbm>> -> memref<10240x128xf32, #tpu.memory_space<hbm>>
      tpu.enqueue_indirect_dma source(%dma_start3A_99 : memref<10240x128xf32, #tpu.memory_space<hbm>>) target(%arg10 : memref<128x128xf32, #tpu.memory_space<vmem>>) offsets(%dma_start3A_96 : memref<128xi32, #tpu.memory_space<vmem>>) semaphore(%arg12 : memref<!tpu.dma_semaphore, #tpu.memory_space<semaphore_mem>>)
      %run_scoped3A_100 = arith.constant 4 : i32
      "tpu.region"() ({
        %run_scoped3A_259 = tpu.sem_alloc : memref<!tpu.dma_semaphore, #tpu.memory_space<semaphore_mem>>
        %dma_start3A_260 = arith.constant 0 : i32
        %dma_start3A_261 = tpu.memref_slice %arg8[%run_scoped3A_100, %dma_start3A_260] : memref<16x128xi32, #tpu.memory_space<vmem>> -> memref<1x128xi32, #tpu.memory_space<vmem>>
        %dma_start3A_262 = tpu.memref_squeeze %dma_start3A_261 : memref<1x128xi32, #tpu.memory_space<vmem>> -> memref<128xi32, #tpu.memory_space<vmem>>
        %dma_start3A_263 = arith.constant 0 : i32
        %dma_start3A_264 = arith.constant 0 : i32
        %dma_start3A_265 = tpu.memref_slice %arg13[%dma_start3A_263, %dma_start3A_264] : memref<10240x128xf32, #tpu.memory_space<vmem_shared>> -> memref<10240x128xf32, #tpu.memory_space<vmem_shared>>
        tpu.enqueue_indirect_dma source(%arg9 : memref<128x128xf32, #tpu.memory_space<vmem>>) target(%dma_start3A_265 : memref<10240x128xf32, #tpu.memory_space<vmem_shared>>) offsets(%dma_start3A_262 : memref<128xi32, #tpu.memory_space<vmem>>) semaphore(%run_scoped3A_259 : memref<!tpu.dma_semaphore, #tpu.memory_space<semaphore_mem>>) {add = true}
        %dma_wait3A_266 = arith.constant 0 : i32
        %dma_wait3A_267 = tpu.memref_slice %arg8[%run_scoped3A_100, %dma_wait3A_266] : memref<16x128xi32, #tpu.memory_space<vmem>> -> memref<1x128xi32, #tpu.memory_space<vmem>>
        %dma_wait3A_268 = tpu.memref_squeeze %dma_wait3A_267 : memref<1x128xi32, #tpu.memory_space<vmem>> -> memref<128xi32, #tpu.memory_space<vmem>>
        %dma_wait3A_269 = arith.constant 0 : i32
        %dma_wait3A_270 = arith.constant 0 : i32
        %dma_wait3A_271 = tpu.memref_slice %arg13[%dma_wait3A_269, %dma_wait3A_270] : memref<10240x128xf32, #tpu.memory_space<vmem_shared>> -> memref<10240x128xf32, #tpu.memory_space<vmem_shared>>
        tpu.wait_indirect_dma semaphore(%run_scoped3A_259 : memref<!tpu.dma_semaphore, #tpu.memory_space<semaphore_mem>>) src(%arg9 : memref<128x128xf32, #tpu.memory_space<vmem>>) dst(%dma_wait3A_271 : memref<10240x128xf32, #tpu.memory_space<vmem_shared>>)
        tpu.yield
      }) : () -> ()
      %dma_wait3A_101 = arith.constant 5 : i32
      %dma_wait3A_102 = arith.constant 0 : i32
      %dma_wait3A_103 = tpu.memref_slice %arg7[%dma_wait3A_101, %dma_wait3A_102] : memref<16x128xi32, #tpu.memory_space<vmem>> -> memref<1x128xi32, #tpu.memory_space<vmem>>
      %dma_wait3A_104 = tpu.memref_squeeze %dma_wait3A_103 : memref<1x128xi32, #tpu.memory_space<vmem>> -> memref<128xi32, #tpu.memory_space<vmem>>
      %dma_wait3A_105 = arith.constant 0 : i32
      %dma_wait3A_106 = arith.constant 0 : i32
      %dma_wait3A_107 = tpu.memref_slice %arg2[%dma_wait3A_105, %dma_wait3A_106] : memref<10240x128xf32, #tpu.memory_space<hbm>> -> memref<10240x128xf32, #tpu.memory_space<hbm>>
      tpu.wait_indirect_dma semaphore(%arg12 : memref<!tpu.dma_semaphore, #tpu.memory_space<semaphore_mem>>) src(%dma_wait3A_107 : memref<10240x128xf32, #tpu.memory_space<hbm>>) dst(%arg10 : memref<128x128xf32, #tpu.memory_space<vmem>>)
      %dma_start3A_108 = arith.constant 6 : i32
      %dma_start3A_109 = arith.constant 0 : i32
      %dma_start3A_110 = tpu.memref_slice %arg7[%dma_start3A_108, %dma_start3A_109] : memref<16x128xi32, #tpu.memory_space<vmem>> -> memref<1x128xi32, #tpu.memory_space<vmem>>
      %dma_start3A_111 = tpu.memref_squeeze %dma_start3A_110 : memref<1x128xi32, #tpu.memory_space<vmem>> -> memref<128xi32, #tpu.memory_space<vmem>>
      %dma_start3A_112 = arith.constant 0 : i32
      %dma_start3A_113 = arith.constant 0 : i32
      %dma_start3A_114 = tpu.memref_slice %arg2[%dma_start3A_112, %dma_start3A_113] : memref<10240x128xf32, #tpu.memory_space<hbm>> -> memref<10240x128xf32, #tpu.memory_space<hbm>>
      tpu.enqueue_indirect_dma source(%dma_start3A_114 : memref<10240x128xf32, #tpu.memory_space<hbm>>) target(%arg9 : memref<128x128xf32, #tpu.memory_space<vmem>>) offsets(%dma_start3A_111 : memref<128xi32, #tpu.memory_space<vmem>>) semaphore(%arg11 : memref<!tpu.dma_semaphore, #tpu.memory_space<semaphore_mem>>)
      %run_scoped3A_115 = arith.constant 5 : i32
      "tpu.region"() ({
        %run_scoped3A_259 = tpu.sem_alloc : memref<!tpu.dma_semaphore, #tpu.memory_space<semaphore_mem>>
        %dma_start3A_260 = arith.constant 0 : i32
        %dma_start3A_261 = tpu.memref_slice %arg8[%run_scoped3A_115, %dma_start3A_260] : memref<16x128xi32, #tpu.memory_space<vmem>> -> memref<1x128xi32, #tpu.memory_space<vmem>>
        %dma_start3A_262 = tpu.memref_squeeze %dma_start3A_261 : memref<1x128xi32, #tpu.memory_space<vmem>> -> memref<128xi32, #tpu.memory_space<vmem>>
        %dma_start3A_263 = arith.constant 0 : i32
        %dma_start3A_264 = arith.constant 0 : i32
        %dma_start3A_265 = tpu.memref_slice %arg13[%dma_start3A_263, %dma_start3A_264] : memref<10240x128xf32, #tpu.memory_space<vmem_shared>> -> memref<10240x128xf32, #tpu.memory_space<vmem_shared>>
        tpu.enqueue_indirect_dma source(%arg10 : memref<128x128xf32, #tpu.memory_space<vmem>>) target(%dma_start3A_265 : memref<10240x128xf32, #tpu.memory_space<vmem_shared>>) offsets(%dma_start3A_262 : memref<128xi32, #tpu.memory_space<vmem>>) semaphore(%run_scoped3A_259 : memref<!tpu.dma_semaphore, #tpu.memory_space<semaphore_mem>>) {add = true}
        %dma_wait3A_266 = arith.constant 0 : i32
        %dma_wait3A_267 = tpu.memref_slice %arg8[%run_scoped3A_115, %dma_wait3A_266] : memref<16x128xi32, #tpu.memory_space<vmem>> -> memref<1x128xi32, #tpu.memory_space<vmem>>
        %dma_wait3A_268 = tpu.memref_squeeze %dma_wait3A_267 : memref<1x128xi32, #tpu.memory_space<vmem>> -> memref<128xi32, #tpu.memory_space<vmem>>
        %dma_wait3A_269 = arith.constant 0 : i32
        %dma_wait3A_270 = arith.constant 0 : i32
        %dma_wait3A_271 = tpu.memref_slice %arg13[%dma_wait3A_269, %dma_wait3A_270] : memref<10240x128xf32, #tpu.memory_space<vmem_shared>> -> memref<10240x128xf32, #tpu.memory_space<vmem_shared>>
        tpu.wait_indirect_dma semaphore(%run_scoped3A_259 : memref<!tpu.dma_semaphore, #tpu.memory_space<semaphore_mem>>) src(%arg10 : memref<128x128xf32, #tpu.memory_space<vmem>>) dst(%dma_wait3A_271 : memref<10240x128xf32, #tpu.memory_space<vmem_shared>>)
        tpu.yield
      }) : () -> ()
      %dma_wait3A_116 = arith.constant 6 : i32
      %dma_wait3A_117 = arith.constant 0 : i32
      %dma_wait3A_118 = tpu.memref_slice %arg7[%dma_wait3A_116, %dma_wait3A_117] : memref<16x128xi32, #tpu.memory_space<vmem>> -> memref<1x128xi32, #tpu.memory_space<vmem>>
      %dma_wait3A_119 = tpu.memref_squeeze %dma_wait3A_118 : memref<1x128xi32, #tpu.memory_space<vmem>> -> memref<128xi32, #tpu.memory_space<vmem>>
      %dma_wait3A_120 = arith.constant 0 : i32
      %dma_wait3A_121 = arith.constant 0 : i32
      %dma_wait3A_122 = tpu.memref_slice %arg2[%dma_wait3A_120, %dma_wait3A_121] : memref<10240x128xf32, #tpu.memory_space<hbm>> -> memref<10240x128xf32, #tpu.memory_space<hbm>>
      tpu.wait_indirect_dma semaphore(%arg11 : memref<!tpu.dma_semaphore, #tpu.memory_space<semaphore_mem>>) src(%dma_wait3A_122 : memref<10240x128xf32, #tpu.memory_space<hbm>>) dst(%arg9 : memref<128x128xf32, #tpu.memory_space<vmem>>)
      %dma_start3A_123 = arith.constant 7 : i32
      %dma_start3A_124 = arith.constant 0 : i32
      %dma_start3A_125 = tpu.memref_slice %arg7[%dma_start3A_123, %dma_start3A_124] : memref<16x128xi32, #tpu.memory_space<vmem>> -> memref<1x128xi32, #tpu.memory_space<vmem>>
      %dma_start3A_126 = tpu.memref_squeeze %dma_start3A_125 : memref<1x128xi32, #tpu.memory_space<vmem>> -> memref<128xi32, #tpu.memory_space<vmem>>
      %dma_start3A_127 = arith.constant 0 : i32
      %dma_start3A_128 = arith.constant 0 : i32
      %dma_start3A_129 = tpu.memref_slice %arg2[%dma_start3A_127, %dma_start3A_128] : memref<10240x128xf32, #tpu.memory_space<hbm>> -> memref<10240x128xf32, #tpu.memory_space<hbm>>
      tpu.enqueue_indirect_dma source(%dma_start3A_129 : memref<10240x128xf32, #tpu.memory_space<hbm>>) target(%arg10 : memref<128x128xf32, #tpu.memory_space<vmem>>) offsets(%dma_start3A_126 : memref<128xi32, #tpu.memory_space<vmem>>) semaphore(%arg12 : memref<!tpu.dma_semaphore, #tpu.memory_space<semaphore_mem>>)
      %run_scoped3A_130 = arith.constant 6 : i32
      "tpu.region"() ({
        %run_scoped3A_259 = tpu.sem_alloc : memref<!tpu.dma_semaphore, #tpu.memory_space<semaphore_mem>>
        %dma_start3A_260 = arith.constant 0 : i32
        %dma_start3A_261 = tpu.memref_slice %arg8[%run_scoped3A_130, %dma_start3A_260] : memref<16x128xi32, #tpu.memory_space<vmem>> -> memref<1x128xi32, #tpu.memory_space<vmem>>
        %dma_start3A_262 = tpu.memref_squeeze %dma_start3A_261 : memref<1x128xi32, #tpu.memory_space<vmem>> -> memref<128xi32, #tpu.memory_space<vmem>>
        %dma_start3A_263 = arith.constant 0 : i32
        %dma_start3A_264 = arith.constant 0 : i32
        %dma_start3A_265 = tpu.memref_slice %arg13[%dma_start3A_263, %dma_start3A_264] : memref<10240x128xf32, #tpu.memory_space<vmem_shared>> -> memref<10240x128xf32, #tpu.memory_space<vmem_shared>>
        tpu.enqueue_indirect_dma source(%arg9 : memref<128x128xf32, #tpu.memory_space<vmem>>) target(%dma_start3A_265 : memref<10240x128xf32, #tpu.memory_space<vmem_shared>>) offsets(%dma_start3A_262 : memref<128xi32, #tpu.memory_space<vmem>>) semaphore(%run_scoped3A_259 : memref<!tpu.dma_semaphore, #tpu.memory_space<semaphore_mem>>) {add = true}
        %dma_wait3A_266 = arith.constant 0 : i32
        %dma_wait3A_267 = tpu.memref_slice %arg8[%run_scoped3A_130, %dma_wait3A_266] : memref<16x128xi32, #tpu.memory_space<vmem>> -> memref<1x128xi32, #tpu.memory_space<vmem>>
        %dma_wait3A_268 = tpu.memref_squeeze %dma_wait3A_267 : memref<1x128xi32, #tpu.memory_space<vmem>> -> memref<128xi32, #tpu.memory_space<vmem>>
        %dma_wait3A_269 = arith.constant 0 : i32
        %dma_wait3A_270 = arith.constant 0 : i32
        %dma_wait3A_271 = tpu.memref_slice %arg13[%dma_wait3A_269, %dma_wait3A_270] : memref<10240x128xf32, #tpu.memory_space<vmem_shared>> -> memref<10240x128xf32, #tpu.memory_space<vmem_shared>>
        tpu.wait_indirect_dma semaphore(%run_scoped3A_259 : memref<!tpu.dma_semaphore, #tpu.memory_space<semaphore_mem>>) src(%arg9 : memref<128x128xf32, #tpu.memory_space<vmem>>) dst(%dma_wait3A_271 : memref<10240x128xf32, #tpu.memory_space<vmem_shared>>)
        tpu.yield
      }) : () -> ()
      %dma_wait3A_131 = arith.constant 7 : i32
      %dma_wait3A_132 = arith.constant 0 : i32
      %dma_wait3A_133 = tpu.memref_slice %arg7[%dma_wait3A_131, %dma_wait3A_132] : memref<16x128xi32, #tpu.memory_space<vmem>> -> memref<1x128xi32, #tpu.memory_space<vmem>>
      %dma_wait3A_134 = tpu.memref_squeeze %dma_wait3A_133 : memref<1x128xi32, #tpu.memory_space<vmem>> -> memref<128xi32, #tpu.memory_space<vmem>>
      %dma_wait3A_135 = arith.constant 0 : i32
      %dma_wait3A_136 = arith.constant 0 : i32
      %dma_wait3A_137 = tpu.memref_slice %arg2[%dma_wait3A_135, %dma_wait3A_136] : memref<10240x128xf32, #tpu.memory_space<hbm>> -> memref<10240x128xf32, #tpu.memory_space<hbm>>
      tpu.wait_indirect_dma semaphore(%arg12 : memref<!tpu.dma_semaphore, #tpu.memory_space<semaphore_mem>>) src(%dma_wait3A_137 : memref<10240x128xf32, #tpu.memory_space<hbm>>) dst(%arg10 : memref<128x128xf32, #tpu.memory_space<vmem>>)
      %dma_start3A_138 = arith.constant 8 : i32
      %dma_start3A_139 = arith.constant 0 : i32
      %dma_start3A_140 = tpu.memref_slice %arg7[%dma_start3A_138, %dma_start3A_139] : memref<16x128xi32, #tpu.memory_space<vmem>> -> memref<1x128xi32, #tpu.memory_space<vmem>>
      %dma_start3A_141 = tpu.memref_squeeze %dma_start3A_140 : memref<1x128xi32, #tpu.memory_space<vmem>> -> memref<128xi32, #tpu.memory_space<vmem>>
      %dma_start3A_142 = arith.constant 0 : i32
      %dma_start3A_143 = arith.constant 0 : i32
      %dma_start3A_144 = tpu.memref_slice %arg2[%dma_start3A_142, %dma_start3A_143] : memref<10240x128xf32, #tpu.memory_space<hbm>> -> memref<10240x128xf32, #tpu.memory_space<hbm>>
      tpu.enqueue_indirect_dma source(%dma_start3A_144 : memref<10240x128xf32, #tpu.memory_space<hbm>>) target(%arg9 : memref<128x128xf32, #tpu.memory_space<vmem>>) offsets(%dma_start3A_141 : memref<128xi32, #tpu.memory_space<vmem>>) semaphore(%arg11 : memref<!tpu.dma_semaphore, #tpu.memory_space<semaphore_mem>>)
      %run_scoped3A_145 = arith.constant 7 : i32
      "tpu.region"() ({
        %run_scoped3A_259 = tpu.sem_alloc : memref<!tpu.dma_semaphore, #tpu.memory_space<semaphore_mem>>
        %dma_start3A_260 = arith.constant 0 : i32
        %dma_start3A_261 = tpu.memref_slice %arg8[%run_scoped3A_145, %dma_start3A_260] : memref<16x128xi32, #tpu.memory_space<vmem>> -> memref<1x128xi32, #tpu.memory_space<vmem>>
        %dma_start3A_262 = tpu.memref_squeeze %dma_start3A_261 : memref<1x128xi32, #tpu.memory_space<vmem>> -> memref<128xi32, #tpu.memory_space<vmem>>
        %dma_start3A_263 = arith.constant 0 : i32
        %dma_start3A_264 = arith.constant 0 : i32
        %dma_start3A_265 = tpu.memref_slice %arg13[%dma_start3A_263, %dma_start3A_264] : memref<10240x128xf32, #tpu.memory_space<vmem_shared>> -> memref<10240x128xf32, #tpu.memory_space<vmem_shared>>
        tpu.enqueue_indirect_dma source(%arg10 : memref<128x128xf32, #tpu.memory_space<vmem>>) target(%dma_start3A_265 : memref<10240x128xf32, #tpu.memory_space<vmem_shared>>) offsets(%dma_start3A_262 : memref<128xi32, #tpu.memory_space<vmem>>) semaphore(%run_scoped3A_259 : memref<!tpu.dma_semaphore, #tpu.memory_space<semaphore_mem>>) {add = true}
        %dma_wait3A_266 = arith.constant 0 : i32
        %dma_wait3A_267 = tpu.memref_slice %arg8[%run_scoped3A_145, %dma_wait3A_266] : memref<16x128xi32, #tpu.memory_space<vmem>> -> memref<1x128xi32, #tpu.memory_space<vmem>>
        %dma_wait3A_268 = tpu.memref_squeeze %dma_wait3A_267 : memref<1x128xi32, #tpu.memory_space<vmem>> -> memref<128xi32, #tpu.memory_space<vmem>>
        %dma_wait3A_269 = arith.constant 0 : i32
        %dma_wait3A_270 = arith.constant 0 : i32
        %dma_wait3A_271 = tpu.memref_slice %arg13[%dma_wait3A_269, %dma_wait3A_270] : memref<10240x128xf32, #tpu.memory_space<vmem_shared>> -> memref<10240x128xf32, #tpu.memory_space<vmem_shared>>
        tpu.wait_indirect_dma semaphore(%run_scoped3A_259 : memref<!tpu.dma_semaphore, #tpu.memory_space<semaphore_mem>>) src(%arg10 : memref<128x128xf32, #tpu.memory_space<vmem>>) dst(%dma_wait3A_271 : memref<10240x128xf32, #tpu.memory_space<vmem_shared>>)
        tpu.yield
      }) : () -> ()
      %dma_wait3A_146 = arith.constant 8 : i32
      %dma_wait3A_147 = arith.constant 0 : i32
      %dma_wait3A_148 = tpu.memref_slice %arg7[%dma_wait3A_146, %dma_wait3A_147] : memref<16x128xi32, #tpu.memory_space<vmem>> -> memref<1x128xi32, #tpu.memory_space<vmem>>
      %dma_wait3A_149 = tpu.memref_squeeze %dma_wait3A_148 : memref<1x128xi32, #tpu.memory_space<vmem>> -> memref<128xi32, #tpu.memory_space<vmem>>
      %dma_wait3A_150 = arith.constant 0 : i32
      %dma_wait3A_151 = arith.constant 0 : i32
      %dma_wait3A_152 = tpu.memref_slice %arg2[%dma_wait3A_150, %dma_wait3A_151] : memref<10240x128xf32, #tpu.memory_space<hbm>> -> memref<10240x128xf32, #tpu.memory_space<hbm>>
      tpu.wait_indirect_dma semaphore(%arg11 : memref<!tpu.dma_semaphore, #tpu.memory_space<semaphore_mem>>) src(%dma_wait3A_152 : memref<10240x128xf32, #tpu.memory_space<hbm>>) dst(%arg9 : memref<128x128xf32, #tpu.memory_space<vmem>>)
      %dma_start3A_153 = arith.constant 9 : i32
      %dma_start3A_154 = arith.constant 0 : i32
      %dma_start3A_155 = tpu.memref_slice %arg7[%dma_start3A_153, %dma_start3A_154] : memref<16x128xi32, #tpu.memory_space<vmem>> -> memref<1x128xi32, #tpu.memory_space<vmem>>
      %dma_start3A_156 = tpu.memref_squeeze %dma_start3A_155 : memref<1x128xi32, #tpu.memory_space<vmem>> -> memref<128xi32, #tpu.memory_space<vmem>>
      %dma_start3A_157 = arith.constant 0 : i32
      %dma_start3A_158 = arith.constant 0 : i32
      %dma_start3A_159 = tpu.memref_slice %arg2[%dma_start3A_157, %dma_start3A_158] : memref<10240x128xf32, #tpu.memory_space<hbm>> -> memref<10240x128xf32, #tpu.memory_space<hbm>>
      tpu.enqueue_indirect_dma source(%dma_start3A_159 : memref<10240x128xf32, #tpu.memory_space<hbm>>) target(%arg10 : memref<128x128xf32, #tpu.memory_space<vmem>>) offsets(%dma_start3A_156 : memref<128xi32, #tpu.memory_space<vmem>>) semaphore(%arg12 : memref<!tpu.dma_semaphore, #tpu.memory_space<semaphore_mem>>)
      %run_scoped3A_160 = arith.constant 8 : i32
      "tpu.region"() ({
        %run_scoped3A_259 = tpu.sem_alloc : memref<!tpu.dma_semaphore, #tpu.memory_space<semaphore_mem>>
        %dma_start3A_260 = arith.constant 0 : i32
        %dma_start3A_261 = tpu.memref_slice %arg8[%run_scoped3A_160, %dma_start3A_260] : memref<16x128xi32, #tpu.memory_space<vmem>> -> memref<1x128xi32, #tpu.memory_space<vmem>>
        %dma_start3A_262 = tpu.memref_squeeze %dma_start3A_261 : memref<1x128xi32, #tpu.memory_space<vmem>> -> memref<128xi32, #tpu.memory_space<vmem>>
        %dma_start3A_263 = arith.constant 0 : i32
        %dma_start3A_264 = arith.constant 0 : i32
        %dma_start3A_265 = tpu.memref_slice %arg13[%dma_start3A_263, %dma_start3A_264] : memref<10240x128xf32, #tpu.memory_space<vmem_shared>> -> memref<10240x128xf32, #tpu.memory_space<vmem_shared>>
        tpu.enqueue_indirect_dma source(%arg9 : memref<128x128xf32, #tpu.memory_space<vmem>>) target(%dma_start3A_265 : memref<10240x128xf32, #tpu.memory_space<vmem_shared>>) offsets(%dma_start3A_262 : memref<128xi32, #tpu.memory_space<vmem>>) semaphore(%run_scoped3A_259 : memref<!tpu.dma_semaphore, #tpu.memory_space<semaphore_mem>>) {add = true}
        %dma_wait3A_266 = arith.constant 0 : i32
        %dma_wait3A_267 = tpu.memref_slice %arg8[%run_scoped3A_160, %dma_wait3A_266] : memref<16x128xi32, #tpu.memory_space<vmem>> -> memref<1x128xi32, #tpu.memory_space<vmem>>
        %dma_wait3A_268 = tpu.memref_squeeze %dma_wait3A_267 : memref<1x128xi32, #tpu.memory_space<vmem>> -> memref<128xi32, #tpu.memory_space<vmem>>
        %dma_wait3A_269 = arith.constant 0 : i32
        %dma_wait3A_270 = arith.constant 0 : i32
        %dma_wait3A_271 = tpu.memref_slice %arg13[%dma_wait3A_269, %dma_wait3A_270] : memref<10240x128xf32, #tpu.memory_space<vmem_shared>> -> memref<10240x128xf32, #tpu.memory_space<vmem_shared>>
        tpu.wait_indirect_dma semaphore(%run_scoped3A_259 : memref<!tpu.dma_semaphore, #tpu.memory_space<semaphore_mem>>) src(%arg9 : memref<128x128xf32, #tpu.memory_space<vmem>>) dst(%dma_wait3A_271 : memref<10240x128xf32, #tpu.memory_space<vmem_shared>>)
        tpu.yield
      }) : () -> ()
      %dma_wait3A_161 = arith.constant 9 : i32
      %dma_wait3A_162 = arith.constant 0 : i32
      %dma_wait3A_163 = tpu.memref_slice %arg7[%dma_wait3A_161, %dma_wait3A_162] : memref<16x128xi32, #tpu.memory_space<vmem>> -> memref<1x128xi32, #tpu.memory_space<vmem>>
      %dma_wait3A_164 = tpu.memref_squeeze %dma_wait3A_163 : memref<1x128xi32, #tpu.memory_space<vmem>> -> memref<128xi32, #tpu.memory_space<vmem>>
      %dma_wait3A_165 = arith.constant 0 : i32
      %dma_wait3A_166 = arith.constant 0 : i32
      %dma_wait3A_167 = tpu.memref_slice %arg2[%dma_wait3A_165, %dma_wait3A_166] : memref<10240x128xf32, #tpu.memory_space<hbm>> -> memref<10240x128xf32, #tpu.memory_space<hbm>>
      tpu.wait_indirect_dma semaphore(%arg12 : memref<!tpu.dma_semaphore, #tpu.memory_space<semaphore_mem>>) src(%dma_wait3A_167 : memref<10240x128xf32, #tpu.memory_space<hbm>>) dst(%arg10 : memref<128x128xf32, #tpu.memory_space<vmem>>)
      %dma_start3A_168 = arith.constant 10 : i32
      %dma_start3A_169 = arith.constant 0 : i32
      %dma_start3A_170 = tpu.memref_slice %arg7[%dma_start3A_168, %dma_start3A_169] : memref<16x128xi32, #tpu.memory_space<vmem>> -> memref<1x128xi32, #tpu.memory_space<vmem>>
      %dma_start3A_171 = tpu.memref_squeeze %dma_start3A_170 : memref<1x128xi32, #tpu.memory_space<vmem>> -> memref<128xi32, #tpu.memory_space<vmem>>
      %dma_start3A_172 = arith.constant 0 : i32
      %dma_start3A_173 = arith.constant 0 : i32
      %dma_start3A_174 = tpu.memref_slice %arg2[%dma_start3A_172, %dma_start3A_173] : memref<10240x128xf32, #tpu.memory_space<hbm>> -> memref<10240x128xf32, #tpu.memory_space<hbm>>
      tpu.enqueue_indirect_dma source(%dma_start3A_174 : memref<10240x128xf32, #tpu.memory_space<hbm>>) target(%arg9 : memref<128x128xf32, #tpu.memory_space<vmem>>) offsets(%dma_start3A_171 : memref<128xi32, #tpu.memory_space<vmem>>) semaphore(%arg11 : memref<!tpu.dma_semaphore, #tpu.memory_space<semaphore_mem>>)
      %run_scoped3A_175 = arith.constant 9 : i32
      "tpu.region"() ({
        %run_scoped3A_259 = tpu.sem_alloc : memref<!tpu.dma_semaphore, #tpu.memory_space<semaphore_mem>>
        %dma_start3A_260 = arith.constant 0 : i32
        %dma_start3A_261 = tpu.memref_slice %arg8[%run_scoped3A_175, %dma_start3A_260] : memref<16x128xi32, #tpu.memory_space<vmem>> -> memref<1x128xi32, #tpu.memory_space<vmem>>
        %dma_start3A_262 = tpu.memref_squeeze %dma_start3A_261 : memref<1x128xi32, #tpu.memory_space<vmem>> -> memref<128xi32, #tpu.memory_space<vmem>>
        %dma_start3A_263 = arith.constant 0 : i32
        %dma_start3A_264 = arith.constant 0 : i32
        %dma_start3A_265 = tpu.memref_slice %arg13[%dma_start3A_263, %dma_start3A_264] : memref<10240x128xf32, #tpu.memory_space<vmem_shared>> -> memref<10240x128xf32, #tpu.memory_space<vmem_shared>>
        tpu.enqueue_indirect_dma source(%arg10 : memref<128x128xf32, #tpu.memory_space<vmem>>) target(%dma_start3A_265 : memref<10240x128xf32, #tpu.memory_space<vmem_shared>>) offsets(%dma_start3A_262 : memref<128xi32, #tpu.memory_space<vmem>>) semaphore(%run_scoped3A_259 : memref<!tpu.dma_semaphore, #tpu.memory_space<semaphore_mem>>) {add = true}
        %dma_wait3A_266 = arith.constant 0 : i32
        %dma_wait3A_267 = tpu.memref_slice %arg8[%run_scoped3A_175, %dma_wait3A_266] : memref<16x128xi32, #tpu.memory_space<vmem>> -> memref<1x128xi32, #tpu.memory_space<vmem>>
        %dma_wait3A_268 = tpu.memref_squeeze %dma_wait3A_267 : memref<1x128xi32, #tpu.memory_space<vmem>> -> memref<128xi32, #tpu.memory_space<vmem>>
        %dma_wait3A_269 = arith.constant 0 : i32
        %dma_wait3A_270 = arith.constant 0 : i32
        %dma_wait3A_271 = tpu.memref_slice %arg13[%dma_wait3A_269, %dma_wait3A_270] : memref<10240x128xf32, #tpu.memory_space<vmem_shared>> -> memref<10240x128xf32, #tpu.memory_space<vmem_shared>>
        tpu.wait_indirect_dma semaphore(%run_scoped3A_259 : memref<!tpu.dma_semaphore, #tpu.memory_space<semaphore_mem>>) src(%arg10 : memref<128x128xf32, #tpu.memory_space<vmem>>) dst(%dma_wait3A_271 : memref<10240x128xf32, #tpu.memory_space<vmem_shared>>)
        tpu.yield
      }) : () -> ()
      %dma_wait3A_176 = arith.constant 10 : i32
      %dma_wait3A_177 = arith.constant 0 : i32
      %dma_wait3A_178 = tpu.memref_slice %arg7[%dma_wait3A_176, %dma_wait3A_177] : memref<16x128xi32, #tpu.memory_space<vmem>> -> memref<1x128xi32, #tpu.memory_space<vmem>>
      %dma_wait3A_179 = tpu.memref_squeeze %dma_wait3A_178 : memref<1x128xi32, #tpu.memory_space<vmem>> -> memref<128xi32, #tpu.memory_space<vmem>>
      %dma_wait3A_180 = arith.constant 0 : i32
      %dma_wait3A_181 = arith.constant 0 : i32
      %dma_wait3A_182 = tpu.memref_slice %arg2[%dma_wait3A_180, %dma_wait3A_181] : memref<10240x128xf32, #tpu.memory_space<hbm>> -> memref<10240x128xf32, #tpu.memory_space<hbm>>
      tpu.wait_indirect_dma semaphore(%arg11 : memref<!tpu.dma_semaphore, #tpu.memory_space<semaphore_mem>>) src(%dma_wait3A_182 : memref<10240x128xf32, #tpu.memory_space<hbm>>) dst(%arg9 : memref<128x128xf32, #tpu.memory_space<vmem>>)
      %dma_start3A_183 = arith.constant 11 : i32
      %dma_start3A_184 = arith.constant 0 : i32
      %dma_start3A_185 = tpu.memref_slice %arg7[%dma_start3A_183, %dma_start3A_184] : memref<16x128xi32, #tpu.memory_space<vmem>> -> memref<1x128xi32, #tpu.memory_space<vmem>>
      %dma_start3A_186 = tpu.memref_squeeze %dma_start3A_185 : memref<1x128xi32, #tpu.memory_space<vmem>> -> memref<128xi32, #tpu.memory_space<vmem>>
      %dma_start3A_187 = arith.constant 0 : i32
      %dma_start3A_188 = arith.constant 0 : i32
      %dma_start3A_189 = tpu.memref_slice %arg2[%dma_start3A_187, %dma_start3A_188] : memref<10240x128xf32, #tpu.memory_space<hbm>> -> memref<10240x128xf32, #tpu.memory_space<hbm>>
      tpu.enqueue_indirect_dma source(%dma_start3A_189 : memref<10240x128xf32, #tpu.memory_space<hbm>>) target(%arg10 : memref<128x128xf32, #tpu.memory_space<vmem>>) offsets(%dma_start3A_186 : memref<128xi32, #tpu.memory_space<vmem>>) semaphore(%arg12 : memref<!tpu.dma_semaphore, #tpu.memory_space<semaphore_mem>>)
      %run_scoped3A_190 = arith.constant 10 : i32
      "tpu.region"() ({
        %run_scoped3A_259 = tpu.sem_alloc : memref<!tpu.dma_semaphore, #tpu.memory_space<semaphore_mem>>
        %dma_start3A_260 = arith.constant 0 : i32
        %dma_start3A_261 = tpu.memref_slice %arg8[%run_scoped3A_190, %dma_start3A_260] : memref<16x128xi32, #tpu.memory_space<vmem>> -> memref<1x128xi32, #tpu.memory_space<vmem>>
        %dma_start3A_262 = tpu.memref_squeeze %dma_start3A_261 : memref<1x128xi32, #tpu.memory_space<vmem>> -> memref<128xi32, #tpu.memory_space<vmem>>
        %dma_start3A_263 = arith.constant 0 : i32
        %dma_start3A_264 = arith.constant 0 : i32
        %dma_start3A_265 = tpu.memref_slice %arg13[%dma_start3A_263, %dma_start3A_264] : memref<10240x128xf32, #tpu.memory_space<vmem_shared>> -> memref<10240x128xf32, #tpu.memory_space<vmem_shared>>
        tpu.enqueue_indirect_dma source(%arg9 : memref<128x128xf32, #tpu.memory_space<vmem>>) target(%dma_start3A_265 : memref<10240x128xf32, #tpu.memory_space<vmem_shared>>) offsets(%dma_start3A_262 : memref<128xi32, #tpu.memory_space<vmem>>) semaphore(%run_scoped3A_259 : memref<!tpu.dma_semaphore, #tpu.memory_space<semaphore_mem>>) {add = true}
        %dma_wait3A_266 = arith.constant 0 : i32
        %dma_wait3A_267 = tpu.memref_slice %arg8[%run_scoped3A_190, %dma_wait3A_266] : memref<16x128xi32, #tpu.memory_space<vmem>> -> memref<1x128xi32, #tpu.memory_space<vmem>>
        %dma_wait3A_268 = tpu.memref_squeeze %dma_wait3A_267 : memref<1x128xi32, #tpu.memory_space<vmem>> -> memref<128xi32, #tpu.memory_space<vmem>>
        %dma_wait3A_269 = arith.constant 0 : i32
        %dma_wait3A_270 = arith.constant 0 : i32
        %dma_wait3A_271 = tpu.memref_slice %arg13[%dma_wait3A_269, %dma_wait3A_270] : memref<10240x128xf32, #tpu.memory_space<vmem_shared>> -> memref<10240x128xf32, #tpu.memory_space<vmem_shared>>
        tpu.wait_indirect_dma semaphore(%run_scoped3A_259 : memref<!tpu.dma_semaphore, #tpu.memory_space<semaphore_mem>>) src(%arg9 : memref<128x128xf32, #tpu.memory_space<vmem>>) dst(%dma_wait3A_271 : memref<10240x128xf32, #tpu.memory_space<vmem_shared>>)
        tpu.yield
      }) : () -> ()
      %dma_wait3A_191 = arith.constant 11 : i32
      %dma_wait3A_192 = arith.constant 0 : i32
      %dma_wait3A_193 = tpu.memref_slice %arg7[%dma_wait3A_191, %dma_wait3A_192] : memref<16x128xi32, #tpu.memory_space<vmem>> -> memref<1x128xi32, #tpu.memory_space<vmem>>
      %dma_wait3A_194 = tpu.memref_squeeze %dma_wait3A_193 : memref<1x128xi32, #tpu.memory_space<vmem>> -> memref<128xi32, #tpu.memory_space<vmem>>
      %dma_wait3A_195 = arith.constant 0 : i32
      %dma_wait3A_196 = arith.constant 0 : i32
      %dma_wait3A_197 = tpu.memref_slice %arg2[%dma_wait3A_195, %dma_wait3A_196] : memref<10240x128xf32, #tpu.memory_space<hbm>> -> memref<10240x128xf32, #tpu.memory_space<hbm>>
      tpu.wait_indirect_dma semaphore(%arg12 : memref<!tpu.dma_semaphore, #tpu.memory_space<semaphore_mem>>) src(%dma_wait3A_197 : memref<10240x128xf32, #tpu.memory_space<hbm>>) dst(%arg10 : memref<128x128xf32, #tpu.memory_space<vmem>>)
      %dma_start3A_198 = arith.constant 12 : i32
      %dma_start3A_199 = arith.constant 0 : i32
      %dma_start3A_200 = tpu.memref_slice %arg7[%dma_start3A_198, %dma_start3A_199] : memref<16x128xi32, #tpu.memory_space<vmem>> -> memref<1x128xi32, #tpu.memory_space<vmem>>
      %dma_start3A_201 = tpu.memref_squeeze %dma_start3A_200 : memref<1x128xi32, #tpu.memory_space<vmem>> -> memref<128xi32, #tpu.memory_space<vmem>>
      %dma_start3A_202 = arith.constant 0 : i32
      %dma_start3A_203 = arith.constant 0 : i32
      %dma_start3A_204 = tpu.memref_slice %arg2[%dma_start3A_202, %dma_start3A_203] : memref<10240x128xf32, #tpu.memory_space<hbm>> -> memref<10240x128xf32, #tpu.memory_space<hbm>>
      tpu.enqueue_indirect_dma source(%dma_start3A_204 : memref<10240x128xf32, #tpu.memory_space<hbm>>) target(%arg9 : memref<128x128xf32, #tpu.memory_space<vmem>>) offsets(%dma_start3A_201 : memref<128xi32, #tpu.memory_space<vmem>>) semaphore(%arg11 : memref<!tpu.dma_semaphore, #tpu.memory_space<semaphore_mem>>)
      %run_scoped3A_205 = arith.constant 11 : i32
      "tpu.region"() ({
        %run_scoped3A_259 = tpu.sem_alloc : memref<!tpu.dma_semaphore, #tpu.memory_space<semaphore_mem>>
        %dma_start3A_260 = arith.constant 0 : i32
        %dma_start3A_261 = tpu.memref_slice %arg8[%run_scoped3A_205, %dma_start3A_260] : memref<16x128xi32, #tpu.memory_space<vmem>> -> memref<1x128xi32, #tpu.memory_space<vmem>>
        %dma_start3A_262 = tpu.memref_squeeze %dma_start3A_261 : memref<1x128xi32, #tpu.memory_space<vmem>> -> memref<128xi32, #tpu.memory_space<vmem>>
        %dma_start3A_263 = arith.constant 0 : i32
        %dma_start3A_264 = arith.constant 0 : i32
        %dma_start3A_265 = tpu.memref_slice %arg13[%dma_start3A_263, %dma_start3A_264] : memref<10240x128xf32, #tpu.memory_space<vmem_shared>> -> memref<10240x128xf32, #tpu.memory_space<vmem_shared>>
        tpu.enqueue_indirect_dma source(%arg10 : memref<128x128xf32, #tpu.memory_space<vmem>>) target(%dma_start3A_265 : memref<10240x128xf32, #tpu.memory_space<vmem_shared>>) offsets(%dma_start3A_262 : memref<128xi32, #tpu.memory_space<vmem>>) semaphore(%run_scoped3A_259 : memref<!tpu.dma_semaphore, #tpu.memory_space<semaphore_mem>>) {add = true}
        %dma_wait3A_266 = arith.constant 0 : i32
        %dma_wait3A_267 = tpu.memref_slice %arg8[%run_scoped3A_205, %dma_wait3A_266] : memref<16x128xi32, #tpu.memory_space<vmem>> -> memref<1x128xi32, #tpu.memory_space<vmem>>
        %dma_wait3A_268 = tpu.memref_squeeze %dma_wait3A_267 : memref<1x128xi32, #tpu.memory_space<vmem>> -> memref<128xi32, #tpu.memory_space<vmem>>
        %dma_wait3A_269 = arith.constant 0 : i32
        %dma_wait3A_270 = arith.constant 0 : i32
        %dma_wait3A_271 = tpu.memref_slice %arg13[%dma_wait3A_269, %dma_wait3A_270] : memref<10240x128xf32, #tpu.memory_space<vmem_shared>> -> memref<10240x128xf32, #tpu.memory_space<vmem_shared>>
        tpu.wait_indirect_dma semaphore(%run_scoped3A_259 : memref<!tpu.dma_semaphore, #tpu.memory_space<semaphore_mem>>) src(%arg10 : memref<128x128xf32, #tpu.memory_space<vmem>>) dst(%dma_wait3A_271 : memref<10240x128xf32, #tpu.memory_space<vmem_shared>>)
        tpu.yield
      }) : () -> ()
      %dma_wait3A_206 = arith.constant 12 : i32
      %dma_wait3A_207 = arith.constant 0 : i32
      %dma_wait3A_208 = tpu.memref_slice %arg7[%dma_wait3A_206, %dma_wait3A_207] : memref<16x128xi32, #tpu.memory_space<vmem>> -> memref<1x128xi32, #tpu.memory_space<vmem>>
      %dma_wait3A_209 = tpu.memref_squeeze %dma_wait3A_208 : memref<1x128xi32, #tpu.memory_space<vmem>> -> memref<128xi32, #tpu.memory_space<vmem>>
      %dma_wait3A_210 = arith.constant 0 : i32
      %dma_wait3A_211 = arith.constant 0 : i32
      %dma_wait3A_212 = tpu.memref_slice %arg2[%dma_wait3A_210, %dma_wait3A_211] : memref<10240x128xf32, #tpu.memory_space<hbm>> -> memref<10240x128xf32, #tpu.memory_space<hbm>>
      tpu.wait_indirect_dma semaphore(%arg11 : memref<!tpu.dma_semaphore, #tpu.memory_space<semaphore_mem>>) src(%dma_wait3A_212 : memref<10240x128xf32, #tpu.memory_space<hbm>>) dst(%arg9 : memref<128x128xf32, #tpu.memory_space<vmem>>)
      %dma_start3A_213 = arith.constant 13 : i32
      %dma_start3A_214 = arith.constant 0 : i32
      %dma_start3A_215 = tpu.memref_slice %arg7[%dma_start3A_213, %dma_start3A_214] : memref<16x128xi32, #tpu.memory_space<vmem>> -> memref<1x128xi32, #tpu.memory_space<vmem>>
      %dma_start3A_216 = tpu.memref_squeeze %dma_start3A_215 : memref<1x128xi32, #tpu.memory_space<vmem>> -> memref<128xi32, #tpu.memory_space<vmem>>
      %dma_start3A_217 = arith.constant 0 : i32
      %dma_start3A_218 = arith.constant 0 : i32
      %dma_start3A_219 = tpu.memref_slice %arg2[%dma_start3A_217, %dma_start3A_218] : memref<10240x128xf32, #tpu.memory_space<hbm>> -> memref<10240x128xf32, #tpu.memory_space<hbm>>
      tpu.enqueue_indirect_dma source(%dma_start3A_219 : memref<10240x128xf32, #tpu.memory_space<hbm>>) target(%arg10 : memref<128x128xf32, #tpu.memory_space<vmem>>) offsets(%dma_start3A_216 : memref<128xi32, #tpu.memory_space<vmem>>) semaphore(%arg12 : memref<!tpu.dma_semaphore, #tpu.memory_space<semaphore_mem>>)
      %run_scoped3A_220 = arith.constant 12 : i32
      "tpu.region"() ({
        %run_scoped3A_259 = tpu.sem_alloc : memref<!tpu.dma_semaphore, #tpu.memory_space<semaphore_mem>>
        %dma_start3A_260 = arith.constant 0 : i32
        %dma_start3A_261 = tpu.memref_slice %arg8[%run_scoped3A_220, %dma_start3A_260] : memref<16x128xi32, #tpu.memory_space<vmem>> -> memref<1x128xi32, #tpu.memory_space<vmem>>
        %dma_start3A_262 = tpu.memref_squeeze %dma_start3A_261 : memref<1x128xi32, #tpu.memory_space<vmem>> -> memref<128xi32, #tpu.memory_space<vmem>>
        %dma_start3A_263 = arith.constant 0 : i32
        %dma_start3A_264 = arith.constant 0 : i32
        %dma_start3A_265 = tpu.memref_slice %arg13[%dma_start3A_263, %dma_start3A_264] : memref<10240x128xf32, #tpu.memory_space<vmem_shared>> -> memref<10240x128xf32, #tpu.memory_space<vmem_shared>>
        tpu.enqueue_indirect_dma source(%arg9 : memref<128x128xf32, #tpu.memory_space<vmem>>) target(%dma_start3A_265 : memref<10240x128xf32, #tpu.memory_space<vmem_shared>>) offsets(%dma_start3A_262 : memref<128xi32, #tpu.memory_space<vmem>>) semaphore(%run_scoped3A_259 : memref<!tpu.dma_semaphore, #tpu.memory_space<semaphore_mem>>) {add = true}
        %dma_wait3A_266 = arith.constant 0 : i32
        %dma_wait3A_267 = tpu.memref_slice %arg8[%run_scoped3A_220, %dma_wait3A_266] : memref<16x128xi32, #tpu.memory_space<vmem>> -> memref<1x128xi32, #tpu.memory_space<vmem>>
        %dma_wait3A_268 = tpu.memref_squeeze %dma_wait3A_267 : memref<1x128xi32, #tpu.memory_space<vmem>> -> memref<128xi32, #tpu.memory_space<vmem>>
        %dma_wait3A_269 = arith.constant 0 : i32
        %dma_wait3A_270 = arith.constant 0 : i32
        %dma_wait3A_271 = tpu.memref_slice %arg13[%dma_wait3A_269, %dma_wait3A_270] : memref<10240x128xf32, #tpu.memory_space<vmem_shared>> -> memref<10240x128xf32, #tpu.memory_space<vmem_shared>>
        tpu.wait_indirect_dma semaphore(%run_scoped3A_259 : memref<!tpu.dma_semaphore, #tpu.memory_space<semaphore_mem>>) src(%arg9 : memref<128x128xf32, #tpu.memory_space<vmem>>) dst(%dma_wait3A_271 : memref<10240x128xf32, #tpu.memory_space<vmem_shared>>)
        tpu.yield
      }) : () -> ()
      %dma_wait3A_221 = arith.constant 13 : i32
      %dma_wait3A_222 = arith.constant 0 : i32
      %dma_wait3A_223 = tpu.memref_slice %arg7[%dma_wait3A_221, %dma_wait3A_222] : memref<16x128xi32, #tpu.memory_space<vmem>> -> memref<1x128xi32, #tpu.memory_space<vmem>>
      %dma_wait3A_224 = tpu.memref_squeeze %dma_wait3A_223 : memref<1x128xi32, #tpu.memory_space<vmem>> -> memref<128xi32, #tpu.memory_space<vmem>>
      %dma_wait3A_225 = arith.constant 0 : i32
      %dma_wait3A_226 = arith.constant 0 : i32
      %dma_wait3A_227 = tpu.memref_slice %arg2[%dma_wait3A_225, %dma_wait3A_226] : memref<10240x128xf32, #tpu.memory_space<hbm>> -> memref<10240x128xf32, #tpu.memory_space<hbm>>
      tpu.wait_indirect_dma semaphore(%arg12 : memref<!tpu.dma_semaphore, #tpu.memory_space<semaphore_mem>>) src(%dma_wait3A_227 : memref<10240x128xf32, #tpu.memory_space<hbm>>) dst(%arg10 : memref<128x128xf32, #tpu.memory_space<vmem>>)
      %dma_start3A_228 = arith.constant 14 : i32
      %dma_start3A_229 = arith.constant 0 : i32
      %dma_start3A_230 = tpu.memref_slice %arg7[%dma_start3A_228, %dma_start3A_229] : memref<16x128xi32, #tpu.memory_space<vmem>> -> memref<1x128xi32, #tpu.memory_space<vmem>>
      %dma_start3A_231 = tpu.memref_squeeze %dma_start3A_230 : memref<1x128xi32, #tpu.memory_space<vmem>> -> memref<128xi32, #tpu.memory_space<vmem>>
      %dma_start3A_232 = arith.constant 0 : i32
      %dma_start3A_233 = arith.constant 0 : i32
      %dma_start3A_234 = tpu.memref_slice %arg2[%dma_start3A_232, %dma_start3A_233] : memref<10240x128xf32, #tpu.memory_space<hbm>> -> memref<10240x128xf32, #tpu.memory_space<hbm>>
      tpu.enqueue_indirect_dma source(%dma_start3A_234 : memref<10240x128xf32, #tpu.memory_space<hbm>>) target(%arg9 : memref<128x128xf32, #tpu.memory_space<vmem>>) offsets(%dma_start3A_231 : memref<128xi32, #tpu.memory_space<vmem>>) semaphore(%arg11 : memref<!tpu.dma_semaphore, #tpu.memory_space<semaphore_mem>>)
      %run_scoped3A_235 = arith.constant 13 : i32
      "tpu.region"() ({
        %run_scoped3A_259 = tpu.sem_alloc : memref<!tpu.dma_semaphore, #tpu.memory_space<semaphore_mem>>
        %dma_start3A_260 = arith.constant 0 : i32
        %dma_start3A_261 = tpu.memref_slice %arg8[%run_scoped3A_235, %dma_start3A_260] : memref<16x128xi32, #tpu.memory_space<vmem>> -> memref<1x128xi32, #tpu.memory_space<vmem>>
        %dma_start3A_262 = tpu.memref_squeeze %dma_start3A_261 : memref<1x128xi32, #tpu.memory_space<vmem>> -> memref<128xi32, #tpu.memory_space<vmem>>
        %dma_start3A_263 = arith.constant 0 : i32
        %dma_start3A_264 = arith.constant 0 : i32
        %dma_start3A_265 = tpu.memref_slice %arg13[%dma_start3A_263, %dma_start3A_264] : memref<10240x128xf32, #tpu.memory_space<vmem_shared>> -> memref<10240x128xf32, #tpu.memory_space<vmem_shared>>
        tpu.enqueue_indirect_dma source(%arg10 : memref<128x128xf32, #tpu.memory_space<vmem>>) target(%dma_start3A_265 : memref<10240x128xf32, #tpu.memory_space<vmem_shared>>) offsets(%dma_start3A_262 : memref<128xi32, #tpu.memory_space<vmem>>) semaphore(%run_scoped3A_259 : memref<!tpu.dma_semaphore, #tpu.memory_space<semaphore_mem>>) {add = true}
        %dma_wait3A_266 = arith.constant 0 : i32
        %dma_wait3A_267 = tpu.memref_slice %arg8[%run_scoped3A_235, %dma_wait3A_266] : memref<16x128xi32, #tpu.memory_space<vmem>> -> memref<1x128xi32, #tpu.memory_space<vmem>>
        %dma_wait3A_268 = tpu.memref_squeeze %dma_wait3A_267 : memref<1x128xi32, #tpu.memory_space<vmem>> -> memref<128xi32, #tpu.memory_space<vmem>>
        %dma_wait3A_269 = arith.constant 0 : i32
        %dma_wait3A_270 = arith.constant 0 : i32
        %dma_wait3A_271 = tpu.memref_slice %arg13[%dma_wait3A_269, %dma_wait3A_270] : memref<10240x128xf32, #tpu.memory_space<vmem_shared>> -> memref<10240x128xf32, #tpu.memory_space<vmem_shared>>
        tpu.wait_indirect_dma semaphore(%run_scoped3A_259 : memref<!tpu.dma_semaphore, #tpu.memory_space<semaphore_mem>>) src(%arg10 : memref<128x128xf32, #tpu.memory_space<vmem>>) dst(%dma_wait3A_271 : memref<10240x128xf32, #tpu.memory_space<vmem_shared>>)
        tpu.yield
      }) : () -> ()
      %dma_wait3A_236 = arith.constant 14 : i32
      %dma_wait3A_237 = arith.constant 0 : i32
      %dma_wait3A_238 = tpu.memref_slice %arg7[%dma_wait3A_236, %dma_wait3A_237] : memref<16x128xi32, #tpu.memory_space<vmem>> -> memref<1x128xi32, #tpu.memory_space<vmem>>
      %dma_wait3A_239 = tpu.memref_squeeze %dma_wait3A_238 : memref<1x128xi32, #tpu.memory_space<vmem>> -> memref<128xi32, #tpu.memory_space<vmem>>
      %dma_wait3A_240 = arith.constant 0 : i32
      %dma_wait3A_241 = arith.constant 0 : i32
      %dma_wait3A_242 = tpu.memref_slice %arg2[%dma_wait3A_240, %dma_wait3A_241] : memref<10240x128xf32, #tpu.memory_space<hbm>> -> memref<10240x128xf32, #tpu.memory_space<hbm>>
      tpu.wait_indirect_dma semaphore(%arg11 : memref<!tpu.dma_semaphore, #tpu.memory_space<semaphore_mem>>) src(%dma_wait3A_242 : memref<10240x128xf32, #tpu.memory_space<hbm>>) dst(%arg9 : memref<128x128xf32, #tpu.memory_space<vmem>>)
      %dma_start3A_243 = arith.constant 15 : i32
      %dma_start3A_244 = arith.constant 0 : i32
      %dma_start3A_245 = tpu.memref_slice %arg7[%dma_start3A_243, %dma_start3A_244] : memref<16x128xi32, #tpu.memory_space<vmem>> -> memref<1x128xi32, #tpu.memory_space<vmem>>
      %dma_start3A_246 = tpu.memref_squeeze %dma_start3A_245 : memref<1x128xi32, #tpu.memory_space<vmem>> -> memref<128xi32, #tpu.memory_space<vmem>>
      %dma_start3A_247 = arith.constant 0 : i32
      %dma_start3A_248 = arith.constant 0 : i32
      %dma_start3A_249 = tpu.memref_slice %arg2[%dma_start3A_247, %dma_start3A_248] : memref<10240x128xf32, #tpu.memory_space<hbm>> -> memref<10240x128xf32, #tpu.memory_space<hbm>>
      tpu.enqueue_indirect_dma source(%dma_start3A_249 : memref<10240x128xf32, #tpu.memory_space<hbm>>) target(%arg10 : memref<128x128xf32, #tpu.memory_space<vmem>>) offsets(%dma_start3A_246 : memref<128xi32, #tpu.memory_space<vmem>>) semaphore(%arg12 : memref<!tpu.dma_semaphore, #tpu.memory_space<semaphore_mem>>)
      %run_scoped3A_250 = arith.constant 14 : i32
      "tpu.region"() ({
        %run_scoped3A_259 = tpu.sem_alloc : memref<!tpu.dma_semaphore, #tpu.memory_space<semaphore_mem>>
        %dma_start3A_260 = arith.constant 0 : i32
        %dma_start3A_261 = tpu.memref_slice %arg8[%run_scoped3A_250, %dma_start3A_260] : memref<16x128xi32, #tpu.memory_space<vmem>> -> memref<1x128xi32, #tpu.memory_space<vmem>>
        %dma_start3A_262 = tpu.memref_squeeze %dma_start3A_261 : memref<1x128xi32, #tpu.memory_space<vmem>> -> memref<128xi32, #tpu.memory_space<vmem>>
        %dma_start3A_263 = arith.constant 0 : i32
        %dma_start3A_264 = arith.constant 0 : i32
        %dma_start3A_265 = tpu.memref_slice %arg13[%dma_start3A_263, %dma_start3A_264] : memref<10240x128xf32, #tpu.memory_space<vmem_shared>> -> memref<10240x128xf32, #tpu.memory_space<vmem_shared>>
        tpu.enqueue_indirect_dma source(%arg9 : memref<128x128xf32, #tpu.memory_space<vmem>>) target(%dma_start3A_265 : memref<10240x128xf32, #tpu.memory_space<vmem_shared>>) offsets(%dma_start3A_262 : memref<128xi32, #tpu.memory_space<vmem>>) semaphore(%run_scoped3A_259 : memref<!tpu.dma_semaphore, #tpu.memory_space<semaphore_mem>>) {add = true}
        %dma_wait3A_266 = arith.constant 0 : i32
        %dma_wait3A_267 = tpu.memref_slice %arg8[%run_scoped3A_250, %dma_wait3A_266] : memref<16x128xi32, #tpu.memory_space<vmem>> -> memref<1x128xi32, #tpu.memory_space<vmem>>
        %dma_wait3A_268 = tpu.memref_squeeze %dma_wait3A_267 : memref<1x128xi32, #tpu.memory_space<vmem>> -> memref<128xi32, #tpu.memory_space<vmem>>
        %dma_wait3A_269 = arith.constant 0 : i32
        %dma_wait3A_270 = arith.constant 0 : i32
        %dma_wait3A_271 = tpu.memref_slice %arg13[%dma_wait3A_269, %dma_wait3A_270] : memref<10240x128xf32, #tpu.memory_space<vmem_shared>> -> memref<10240x128xf32, #tpu.memory_space<vmem_shared>>
        tpu.wait_indirect_dma semaphore(%run_scoped3A_259 : memref<!tpu.dma_semaphore, #tpu.memory_space<semaphore_mem>>) src(%arg9 : memref<128x128xf32, #tpu.memory_space<vmem>>) dst(%dma_wait3A_271 : memref<10240x128xf32, #tpu.memory_space<vmem_shared>>)
        tpu.yield
      }) : () -> ()
      %dma_wait3A_251 = arith.constant 15 : i32
      %dma_wait3A_252 = arith.constant 0 : i32
      %dma_wait3A_253 = tpu.memref_slice %arg7[%dma_wait3A_251, %dma_wait3A_252] : memref<16x128xi32, #tpu.memory_space<vmem>> -> memref<1x128xi32, #tpu.memory_space<vmem>>
      %dma_wait3A_254 = tpu.memref_squeeze %dma_wait3A_253 : memref<1x128xi32, #tpu.memory_space<vmem>> -> memref<128xi32, #tpu.memory_space<vmem>>
      %dma_wait3A_255 = arith.constant 0 : i32
      %dma_wait3A_256 = arith.constant 0 : i32
      %dma_wait3A_257 = tpu.memref_slice %arg2[%dma_wait3A_255, %dma_wait3A_256] : memref<10240x128xf32, #tpu.memory_space<hbm>> -> memref<10240x128xf32, #tpu.memory_space<hbm>>
      tpu.wait_indirect_dma semaphore(%arg12 : memref<!tpu.dma_semaphore, #tpu.memory_space<semaphore_mem>>) src(%dma_wait3A_257 : memref<10240x128xf32, #tpu.memory_space<hbm>>) dst(%arg10 : memref<128x128xf32, #tpu.memory_space<vmem>>)
      %run_scoped3A_258 = arith.constant 15 : i32
      "tpu.region"() ({
        %run_scoped3A_259 = tpu.sem_alloc : memref<!tpu.dma_semaphore, #tpu.memory_space<semaphore_mem>>
        %dma_start3A_260 = arith.constant 0 : i32
        %dma_start3A_261 = tpu.memref_slice %arg8[%run_scoped3A_258, %dma_start3A_260] : memref<16x128xi32, #tpu.memory_space<vmem>> -> memref<1x128xi32, #tpu.memory_space<vmem>>
        %dma_start3A_262 = tpu.memref_squeeze %dma_start3A_261 : memref<1x128xi32, #tpu.memory_space<vmem>> -> memref<128xi32, #tpu.memory_space<vmem>>
        %dma_start3A_263 = arith.constant 0 : i32
        %dma_start3A_264 = arith.constant 0 : i32
        %dma_start3A_265 = tpu.memref_slice %arg13[%dma_start3A_263, %dma_start3A_264] : memref<10240x128xf32, #tpu.memory_space<vmem_shared>> -> memref<10240x128xf32, #tpu.memory_space<vmem_shared>>
        tpu.enqueue_indirect_dma source(%arg10 : memref<128x128xf32, #tpu.memory_space<vmem>>) target(%dma_start3A_265 : memref<10240x128xf32, #tpu.memory_space<vmem_shared>>) offsets(%dma_start3A_262 : memref<128xi32, #tpu.memory_space<vmem>>) semaphore(%run_scoped3A_259 : memref<!tpu.dma_semaphore, #tpu.memory_space<semaphore_mem>>) {add = true}
        %dma_wait3A_266 = arith.constant 0 : i32
        %dma_wait3A_267 = tpu.memref_slice %arg8[%run_scoped3A_258, %dma_wait3A_266] : memref<16x128xi32, #tpu.memory_space<vmem>> -> memref<1x128xi32, #tpu.memory_space<vmem>>
        %dma_wait3A_268 = tpu.memref_squeeze %dma_wait3A_267 : memref<1x128xi32, #tpu.memory_space<vmem>> -> memref<128xi32, #tpu.memory_space<vmem>>
        %dma_wait3A_269 = arith.constant 0 : i32
        %dma_wait3A_270 = arith.constant 0 : i32
        %dma_wait3A_271 = tpu.memref_slice %arg13[%dma_wait3A_269, %dma_wait3A_270] : memref<10240x128xf32, #tpu.memory_space<vmem_shared>> -> memref<10240x128xf32, #tpu.memory_space<vmem_shared>>
        tpu.wait_indirect_dma semaphore(%run_scoped3A_259 : memref<!tpu.dma_semaphore, #tpu.memory_space<semaphore_mem>>) src(%arg10 : memref<128x128xf32, #tpu.memory_space<vmem>>) dst(%dma_wait3A_271 : memref<10240x128xf32, #tpu.memory_space<vmem_shared>>)
        tpu.yield
      }) : () -> ()
    }
    %scan3A_7 = arith.constant 5 : i32
    %barrier3A_8 = arith.constant 0 : index
    tpu.barrier barrier_id(%barrier3A_8)
    %mul3A_9 = arith.constant 640 : i32
    %mul3A_10 = arith.muli %arg1, %mul3A_9 : i32
    %mul3A_11 = arith.constant 10240 : i32
    %mul3A_12 = arith.muli %arg0, %mul3A_11 : i32
    %mul3A_13 = arith.constant 640 : i32
    %mul3A_14 = arith.muli %arg1, %mul3A_13 : i32
    %add3A_15 = arith.addi %mul3A_12, %mul3A_14 : i32
    "tpu.region"() ({
      %run_scoped3A = tpu.sem_alloc : memref<!tpu.dma_semaphore, #tpu.memory_space<semaphore_mem>>
      %dma_start3A = arith.constant 0 : i32
      %dma_start3A_16 = tpu.memref_slice %arg6[%add3A_15, %dma_start3A] : memref<20480x128xf32, #tpu.memory_space<hbm>> -> memref<640x128xf32, #tpu.memory_space<hbm>>
      %dma_start3A_17 = arith.constant 0 : i32
      %dma_start3A_18 = tpu.memref_slice %arg13[%mul3A_10, %dma_start3A_17] : memref<10240x128xf32, #tpu.memory_space<vmem_shared>> -> memref<640x128xf32, #tpu.memory_space<vmem_shared>>
      tpu.enqueue_dma source(%dma_start3A_18 : memref<640x128xf32, #tpu.memory_space<vmem_shared>>) target(%dma_start3A_16 : memref<640x128xf32, #tpu.memory_space<hbm>>) target_semaphore(%run_scoped3A : memref<!tpu.dma_semaphore, #tpu.memory_space<semaphore_mem>>)
      %dma_wait3A = arith.constant 0 : i32
      %dma_wait3A_19 = tpu.memref_slice %arg6[%add3A_15, %dma_wait3A] : memref<20480x128xf32, #tpu.memory_space<hbm>> -> memref<640x128xf32, #tpu.memory_space<hbm>>
      %dma_wait3A_20 = arith.constant 0 : i32
      %dma_wait3A_21 = tpu.memref_slice %arg13[%mul3A_10, %dma_wait3A_20] : memref<10240x128xf32, #tpu.memory_space<vmem_shared>> -> memref<640x128xf32, #tpu.memory_space<vmem_shared>>
      tpu.wait_dma2 semaphore(%run_scoped3A : memref<!tpu.dma_semaphore, #tpu.memory_space<semaphore_mem>>) src(%dma_wait3A_21 : memref<640x128xf32, #tpu.memory_space<vmem_shared>>) dst(%dma_wait3A_19 : memref<640x128xf32, #tpu.memory_space<hbm>>)
      tpu.yield
    }) : () -> ()
    return
  }
}

#map = affine_map<(d0, d1) -> (0, 0)>
module attributes {stable_mosaic.version = 14 : i64} {
  func.func @_sc_agg(%arg0: i32, %arg1: i32, %arg2: memref<10240x128xf32, #tpu.memory_space<hbm>>, %arg3: memref<2560x128xi32, #tpu.memory_space<hbm>>, %arg4: memref<2560x128xi32, #tpu.memory_space<hbm>>, %arg5: memref<640x128xf32, #tpu.memory_space<hbm>>, %arg6: memref<20480x128xf32, #tpu.memory_space<hbm>>, %arg7: memref<16x128xi32, #tpu.memory_space<vmem>>, %arg8: memref<16x128xi32, #tpu.memory_space<vmem>>, %arg9: memref<128x128xf32, #tpu.memory_space<vmem>>, %arg10: memref<128x128xf32, #tpu.memory_space<vmem>>, %arg11: memref<!tpu.dma_semaphore, #tpu.memory_space<semaphore_mem>>, %arg12: memref<!tpu.dma_semaphore, #tpu.memory_space<semaphore_mem>>, %arg13: memref<10240x128xf32, #tpu.memory_space<vmem_shared>>) attributes {dimension_semantics = [#tpu.dimension_semantics<core_parallel>, #tpu.dimension_semantics<subcore_parallel>], iteration_bounds = array<i64: 2, 16>, scalar_prefetch = 0 : i64, scratch_operands = 7 : i64, tpu.core_type = #tpu.core_type<sc_vector_subcore>, window_params = [{transform_indices = #map}, {transform_indices = #map}, {transform_indices = #map}, {transform_indices = #map}, {transform_indices = #map}]} {
    %mul3A = arith.constant 16 : i32
    %mul3A_0 = arith.muli %arg0, %mul3A : i32
    %add3A = arith.addi %mul3A_0, %arg1 : i32
    %mul3A_1 = arith.constant 640 : i32
    %mul3A_2 = arith.muli %arg1, %mul3A_1 : i32
    "tpu.region"() ({
      %run_scoped3A = tpu.sem_alloc : memref<!tpu.dma_semaphore, #tpu.memory_space<semaphore_mem>>
      %dma_start3A = arith.constant 0 : i32
      %dma_start3A_16 = tpu.memref_slice %arg13[%mul3A_2, %dma_start3A] : memref<10240x128xf32, #tpu.memory_space<vmem_shared>> -> memref<640x128xf32, #tpu.memory_space<vmem_shared>>
      tpu.enqueue_dma source(%arg5 : memref<640x128xf32, #tpu.memory_space<hbm>>) target(%dma_start3A_16 : memref<640x128xf32, #tpu.memory_space<vmem_shared>>) target_semaphore(%run_scoped3A : memref<!tpu.dma_semaphore, #tpu.memory_space<semaphore_mem>>)
      %dma_wait3A = arith.constant 0 : i32
      %dma_wait3A_17 = tpu.memref_slice %arg13[%mul3A_2, %dma_wait3A] : memref<10240x128xf32, #tpu.memory_space<vmem_shared>> -> memref<640x128xf32, #tpu.memory_space<vmem_shared>>
      tpu.wait_dma2 semaphore(%run_scoped3A : memref<!tpu.dma_semaphore, #tpu.memory_space<semaphore_mem>>) src(%arg5 : memref<640x128xf32, #tpu.memory_space<hbm>>) dst(%dma_wait3A_17 : memref<640x128xf32, #tpu.memory_space<vmem_shared>>)
      tpu.yield
    }) : () -> ()
    %barrier3A = arith.constant 0 : index
    tpu.barrier barrier_id(%barrier3A)
    %scan3A = arith.constant 0 : i32
    %scan3A_3 = arith.constant 0 : i32
    %scan3A_4 = arith.constant 5 : i32
    %scan3A_5 = arith.addi %scan3A_3, %scan3A_4 : i32
    %scan3A_6 = arith.constant 1 : i32
    scf.for %scan3A_16 = %scan3A_3 to %scan3A_5 step %scan3A_6  : i32 {
      %mul3A_17 = arith.constant 80 : i32
      %mul3A_18 = arith.muli %add3A, %mul3A_17 : i32
      %mul3A_19 = arith.constant 16 : i32
      %mul3A_20 = arith.muli %scan3A_16, %mul3A_19 : i32
      %add3A_21 = arith.addi %mul3A_18, %mul3A_20 : i32
      "tpu.region"() ({
        %run_scoped3A_259 = tpu.sem_alloc : memref<!tpu.dma_semaphore, #tpu.memory_space<semaphore_mem>>
        %dma_start3A_260 = arith.constant 0 : i32
        %dma_start3A_261 = tpu.memref_slice %arg3[%add3A_21, %dma_start3A_260] : memref<2560x128xi32, #tpu.memory_space<hbm>> -> memref<16x128xi32, #tpu.memory_space<hbm>>
        %dma_start3A_262 = arith.constant 0 : i32
        %dma_start3A_263 = tpu.memref_slice %arg3[%add3A_21, %dma_start3A_262] : memref<2560x128xi32, #tpu.memory_space<hbm>> -> memref<16x128xi32, #tpu.memory_space<hbm>>
        tpu.enqueue_dma source(%dma_start3A_263 : memref<16x128xi32, #tpu.memory_space<hbm>>) target(%arg7 : memref<16x128xi32, #tpu.memory_space<vmem>>) target_semaphore(%run_scoped3A_259 : memref<!tpu.dma_semaphore, #tpu.memory_space<semaphore_mem>>)
        %dma_wait3A_264 = arith.constant 0 : i32
        %dma_wait3A_265 = tpu.memref_slice %arg3[%add3A_21, %dma_wait3A_264] : memref<2560x128xi32, #tpu.memory_space<hbm>> -> memref<16x128xi32, #tpu.memory_space<hbm>>
        %dma_wait3A_266 = arith.constant 0 : i32
        %dma_wait3A_267 = tpu.memref_slice %arg3[%add3A_21, %dma_wait3A_266] : memref<2560x128xi32, #tpu.memory_space<hbm>> -> memref<16x128xi32, #tpu.memory_space<hbm>>
        tpu.wait_dma2 semaphore(%run_scoped3A_259 : memref<!tpu.dma_semaphore, #tpu.memory_space<semaphore_mem>>) src(%dma_wait3A_267 : memref<16x128xi32, #tpu.memory_space<hbm>>) dst(%arg7 : memref<16x128xi32, #tpu.memory_space<vmem>>)
        tpu.yield
      }) : () -> ()
      "tpu.region"() ({
        %run_scoped3A_259 = tpu.sem_alloc : memref<!tpu.dma_semaphore, #tpu.memory_space<semaphore_mem>>
        %dma_start3A_260 = arith.constant 0 : i32
        %dma_start3A_261 = tpu.memref_slice %arg4[%add3A_21, %dma_start3A_260] : memref<2560x128xi32, #tpu.memory_space<hbm>> -> memref<16x128xi32, #tpu.memory_space<hbm>>
        %dma_start3A_262 = arith.constant 0 : i32
        %dma_start3A_263 = tpu.memref_slice %arg4[%add3A_21, %dma_start3A_262] : memref<2560x128xi32, #tpu.memory_space<hbm>> -> memref<16x128xi32, #tpu.memory_space<hbm>>
        tpu.enqueue_dma source(%dma_start3A_263 : memref<16x128xi32, #tpu.memory_space<hbm>>) target(%arg8 : memref<16x128xi32, #tpu.memory_space<vmem>>) target_semaphore(%run_scoped3A_259 : memref<!tpu.dma_semaphore, #tpu.memory_space<semaphore_mem>>)
        %dma_wait3A_264 = arith.constant 0 : i32
        %dma_wait3A_265 = tpu.memref_slice %arg4[%add3A_21, %dma_wait3A_264] : memref<2560x128xi32, #tpu.memory_space<hbm>> -> memref<16x128xi32, #tpu.memory_space<hbm>>
        %dma_wait3A_266 = arith.constant 0 : i32
        %dma_wait3A_267 = tpu.memref_slice %arg4[%add3A_21, %dma_wait3A_266] : memref<2560x128xi32, #tpu.memory_space<hbm>> -> memref<16x128xi32, #tpu.memory_space<hbm>>
        tpu.wait_dma2 semaphore(%run_scoped3A_259 : memref<!tpu.dma_semaphore, #tpu.memory_space<semaphore_mem>>) src(%dma_wait3A_267 : memref<16x128xi32, #tpu.memory_space<hbm>>) dst(%arg8 : memref<16x128xi32, #tpu.memory_space<vmem>>)
        tpu.yield
      }) : () -> ()
      %dma_start3A = arith.constant 0 : i32
      %dma_start3A_22 = arith.constant 0 : i32
      %dma_start3A_23 = tpu.memref_slice %arg7[%dma_start3A, %dma_start3A_22] : memref<16x128xi32, #tpu.memory_space<vmem>> -> memref<1x128xi32, #tpu.memory_space<vmem>>
      %dma_start3A_24 = tpu.memref_squeeze %dma_start3A_23 : memref<1x128xi32, #tpu.memory_space<vmem>> -> memref<128xi32, #tpu.memory_space<vmem>>
      %dma_start3A_25 = arith.constant 0 : i32
      %dma_start3A_26 = arith.constant 0 : i32
      %dma_start3A_27 = tpu.memref_slice %arg2[%dma_start3A_25, %dma_start3A_26] : memref<10240x128xf32, #tpu.memory_space<hbm>> -> memref<10240x128xf32, #tpu.memory_space<hbm>>
      tpu.enqueue_indirect_dma source(%dma_start3A_27 : memref<10240x128xf32, #tpu.memory_space<hbm>>) target(%arg9 : memref<128x128xf32, #tpu.memory_space<vmem>>) offsets(%dma_start3A_24 : memref<128xi32, #tpu.memory_space<vmem>>) semaphore(%arg11 : memref<!tpu.dma_semaphore, #tpu.memory_space<semaphore_mem>>)
      %dma_wait3A = arith.constant 0 : i32
      %dma_wait3A_28 = arith.constant 0 : i32
      %dma_wait3A_29 = tpu.memref_slice %arg7[%dma_wait3A, %dma_wait3A_28] : memref<16x128xi32, #tpu.memory_space<vmem>> -> memref<1x128xi32, #tpu.memory_space<vmem>>
      %dma_wait3A_30 = tpu.memref_squeeze %dma_wait3A_29 : memref<1x128xi32, #tpu.memory_space<vmem>> -> memref<128xi32, #tpu.memory_space<vmem>>
      %dma_wait3A_31 = arith.constant 0 : i32
      %dma_wait3A_32 = arith.constant 0 : i32
      %dma_wait3A_33 = tpu.memref_slice %arg2[%dma_wait3A_31, %dma_wait3A_32] : memref<10240x128xf32, #tpu.memory_space<hbm>> -> memref<10240x128xf32, #tpu.memory_space<hbm>>
      tpu.wait_indirect_dma semaphore(%arg11 : memref<!tpu.dma_semaphore, #tpu.memory_space<semaphore_mem>>) src(%dma_wait3A_33 : memref<10240x128xf32, #tpu.memory_space<hbm>>) dst(%arg9 : memref<128x128xf32, #tpu.memory_space<vmem>>)
      %dma_start3A_34 = arith.constant 1 : i32
      %dma_start3A_35 = arith.constant 0 : i32
      %dma_start3A_36 = tpu.memref_slice %arg7[%dma_start3A_34, %dma_start3A_35] : memref<16x128xi32, #tpu.memory_space<vmem>> -> memref<1x128xi32, #tpu.memory_space<vmem>>
      %dma_start3A_37 = tpu.memref_squeeze %dma_start3A_36 : memref<1x128xi32, #tpu.memory_space<vmem>> -> memref<128xi32, #tpu.memory_space<vmem>>
      %dma_start3A_38 = arith.constant 0 : i32
      %dma_start3A_39 = arith.constant 0 : i32
      %dma_start3A_40 = tpu.memref_slice %arg2[%dma_start3A_38, %dma_start3A_39] : memref<10240x128xf32, #tpu.memory_space<hbm>> -> memref<10240x128xf32, #tpu.memory_space<hbm>>
      tpu.enqueue_indirect_dma source(%dma_start3A_40 : memref<10240x128xf32, #tpu.memory_space<hbm>>) target(%arg10 : memref<128x128xf32, #tpu.memory_space<vmem>>) offsets(%dma_start3A_37 : memref<128xi32, #tpu.memory_space<vmem>>) semaphore(%arg12 : memref<!tpu.dma_semaphore, #tpu.memory_space<semaphore_mem>>)
      %run_scoped3A = arith.constant 0 : i32
      "tpu.region"() ({
        %run_scoped3A_259 = tpu.sem_alloc : memref<!tpu.dma_semaphore, #tpu.memory_space<semaphore_mem>>
        %dma_start3A_260 = arith.constant 0 : i32
        %dma_start3A_261 = tpu.memref_slice %arg8[%run_scoped3A, %dma_start3A_260] : memref<16x128xi32, #tpu.memory_space<vmem>> -> memref<1x128xi32, #tpu.memory_space<vmem>>
        %dma_start3A_262 = tpu.memref_squeeze %dma_start3A_261 : memref<1x128xi32, #tpu.memory_space<vmem>> -> memref<128xi32, #tpu.memory_space<vmem>>
        %dma_start3A_263 = arith.constant 0 : i32
        %dma_start3A_264 = arith.constant 0 : i32
        %dma_start3A_265 = tpu.memref_slice %arg13[%dma_start3A_263, %dma_start3A_264] : memref<10240x128xf32, #tpu.memory_space<vmem_shared>> -> memref<10240x128xf32, #tpu.memory_space<vmem_shared>>
        tpu.enqueue_indirect_dma source(%arg9 : memref<128x128xf32, #tpu.memory_space<vmem>>) target(%dma_start3A_265 : memref<10240x128xf32, #tpu.memory_space<vmem_shared>>) offsets(%dma_start3A_262 : memref<128xi32, #tpu.memory_space<vmem>>) semaphore(%run_scoped3A_259 : memref<!tpu.dma_semaphore, #tpu.memory_space<semaphore_mem>>) {add = true}
        %dma_wait3A_266 = arith.constant 0 : i32
        %dma_wait3A_267 = tpu.memref_slice %arg8[%run_scoped3A, %dma_wait3A_266] : memref<16x128xi32, #tpu.memory_space<vmem>> -> memref<1x128xi32, #tpu.memory_space<vmem>>
        %dma_wait3A_268 = tpu.memref_squeeze %dma_wait3A_267 : memref<1x128xi32, #tpu.memory_space<vmem>> -> memref<128xi32, #tpu.memory_space<vmem>>
        %dma_wait3A_269 = arith.constant 0 : i32
        %dma_wait3A_270 = arith.constant 0 : i32
        %dma_wait3A_271 = tpu.memref_slice %arg13[%dma_wait3A_269, %dma_wait3A_270] : memref<10240x128xf32, #tpu.memory_space<vmem_shared>> -> memref<10240x128xf32, #tpu.memory_space<vmem_shared>>
        tpu.wait_indirect_dma semaphore(%run_scoped3A_259 : memref<!tpu.dma_semaphore, #tpu.memory_space<semaphore_mem>>) src(%arg9 : memref<128x128xf32, #tpu.memory_space<vmem>>) dst(%dma_wait3A_271 : memref<10240x128xf32, #tpu.memory_space<vmem_shared>>)
        tpu.yield
      }) : () -> ()
      %dma_wait3A_41 = arith.constant 1 : i32
      %dma_wait3A_42 = arith.constant 0 : i32
      %dma_wait3A_43 = tpu.memref_slice %arg7[%dma_wait3A_41, %dma_wait3A_42] : memref<16x128xi32, #tpu.memory_space<vmem>> -> memref<1x128xi32, #tpu.memory_space<vmem>>
      %dma_wait3A_44 = tpu.memref_squeeze %dma_wait3A_43 : memref<1x128xi32, #tpu.memory_space<vmem>> -> memref<128xi32, #tpu.memory_space<vmem>>
      %dma_wait3A_45 = arith.constant 0 : i32
      %dma_wait3A_46 = arith.constant 0 : i32
      %dma_wait3A_47 = tpu.memref_slice %arg2[%dma_wait3A_45, %dma_wait3A_46] : memref<10240x128xf32, #tpu.memory_space<hbm>> -> memref<10240x128xf32, #tpu.memory_space<hbm>>
      tpu.wait_indirect_dma semaphore(%arg12 : memref<!tpu.dma_semaphore, #tpu.memory_space<semaphore_mem>>) src(%dma_wait3A_47 : memref<10240x128xf32, #tpu.memory_space<hbm>>) dst(%arg10 : memref<128x128xf32, #tpu.memory_space<vmem>>)
      %dma_start3A_48 = arith.constant 2 : i32
      %dma_start3A_49 = arith.constant 0 : i32
      %dma_start3A_50 = tpu.memref_slice %arg7[%dma_start3A_48, %dma_start3A_49] : memref<16x128xi32, #tpu.memory_space<vmem>> -> memref<1x128xi32, #tpu.memory_space<vmem>>
      %dma_start3A_51 = tpu.memref_squeeze %dma_start3A_50 : memref<1x128xi32, #tpu.memory_space<vmem>> -> memref<128xi32, #tpu.memory_space<vmem>>
      %dma_start3A_52 = arith.constant 0 : i32
      %dma_start3A_53 = arith.constant 0 : i32
      %dma_start3A_54 = tpu.memref_slice %arg2[%dma_start3A_52, %dma_start3A_53] : memref<10240x128xf32, #tpu.memory_space<hbm>> -> memref<10240x128xf32, #tpu.memory_space<hbm>>
      tpu.enqueue_indirect_dma source(%dma_start3A_54 : memref<10240x128xf32, #tpu.memory_space<hbm>>) target(%arg9 : memref<128x128xf32, #tpu.memory_space<vmem>>) offsets(%dma_start3A_51 : memref<128xi32, #tpu.memory_space<vmem>>) semaphore(%arg11 : memref<!tpu.dma_semaphore, #tpu.memory_space<semaphore_mem>>)
      %run_scoped3A_55 = arith.constant 1 : i32
      "tpu.region"() ({
        %run_scoped3A_259 = tpu.sem_alloc : memref<!tpu.dma_semaphore, #tpu.memory_space<semaphore_mem>>
        %dma_start3A_260 = arith.constant 0 : i32
        %dma_start3A_261 = tpu.memref_slice %arg8[%run_scoped3A_55, %dma_start3A_260] : memref<16x128xi32, #tpu.memory_space<vmem>> -> memref<1x128xi32, #tpu.memory_space<vmem>>
        %dma_start3A_262 = tpu.memref_squeeze %dma_start3A_261 : memref<1x128xi32, #tpu.memory_space<vmem>> -> memref<128xi32, #tpu.memory_space<vmem>>
        %dma_start3A_263 = arith.constant 0 : i32
        %dma_start3A_264 = arith.constant 0 : i32
        %dma_start3A_265 = tpu.memref_slice %arg13[%dma_start3A_263, %dma_start3A_264] : memref<10240x128xf32, #tpu.memory_space<vmem_shared>> -> memref<10240x128xf32, #tpu.memory_space<vmem_shared>>
        tpu.enqueue_indirect_dma source(%arg10 : memref<128x128xf32, #tpu.memory_space<vmem>>) target(%dma_start3A_265 : memref<10240x128xf32, #tpu.memory_space<vmem_shared>>) offsets(%dma_start3A_262 : memref<128xi32, #tpu.memory_space<vmem>>) semaphore(%run_scoped3A_259 : memref<!tpu.dma_semaphore, #tpu.memory_space<semaphore_mem>>) {add = true}
        %dma_wait3A_266 = arith.constant 0 : i32
        %dma_wait3A_267 = tpu.memref_slice %arg8[%run_scoped3A_55, %dma_wait3A_266] : memref<16x128xi32, #tpu.memory_space<vmem>> -> memref<1x128xi32, #tpu.memory_space<vmem>>
        %dma_wait3A_268 = tpu.memref_squeeze %dma_wait3A_267 : memref<1x128xi32, #tpu.memory_space<vmem>> -> memref<128xi32, #tpu.memory_space<vmem>>
        %dma_wait3A_269 = arith.constant 0 : i32
        %dma_wait3A_270 = arith.constant 0 : i32
        %dma_wait3A_271 = tpu.memref_slice %arg13[%dma_wait3A_269, %dma_wait3A_270] : memref<10240x128xf32, #tpu.memory_space<vmem_shared>> -> memref<10240x128xf32, #tpu.memory_space<vmem_shared>>
        tpu.wait_indirect_dma semaphore(%run_scoped3A_259 : memref<!tpu.dma_semaphore, #tpu.memory_space<semaphore_mem>>) src(%arg10 : memref<128x128xf32, #tpu.memory_space<vmem>>) dst(%dma_wait3A_271 : memref<10240x128xf32, #tpu.memory_space<vmem_shared>>)
        tpu.yield
      }) : () -> ()
      %dma_wait3A_56 = arith.constant 2 : i32
      %dma_wait3A_57 = arith.constant 0 : i32
      %dma_wait3A_58 = tpu.memref_slice %arg7[%dma_wait3A_56, %dma_wait3A_57] : memref<16x128xi32, #tpu.memory_space<vmem>> -> memref<1x128xi32, #tpu.memory_space<vmem>>
      %dma_wait3A_59 = tpu.memref_squeeze %dma_wait3A_58 : memref<1x128xi32, #tpu.memory_space<vmem>> -> memref<128xi32, #tpu.memory_space<vmem>>
      %dma_wait3A_60 = arith.constant 0 : i32
      %dma_wait3A_61 = arith.constant 0 : i32
      %dma_wait3A_62 = tpu.memref_slice %arg2[%dma_wait3A_60, %dma_wait3A_61] : memref<10240x128xf32, #tpu.memory_space<hbm>> -> memref<10240x128xf32, #tpu.memory_space<hbm>>
      tpu.wait_indirect_dma semaphore(%arg11 : memref<!tpu.dma_semaphore, #tpu.memory_space<semaphore_mem>>) src(%dma_wait3A_62 : memref<10240x128xf32, #tpu.memory_space<hbm>>) dst(%arg9 : memref<128x128xf32, #tpu.memory_space<vmem>>)
      %dma_start3A_63 = arith.constant 3 : i32
      %dma_start3A_64 = arith.constant 0 : i32
      %dma_start3A_65 = tpu.memref_slice %arg7[%dma_start3A_63, %dma_start3A_64] : memref<16x128xi32, #tpu.memory_space<vmem>> -> memref<1x128xi32, #tpu.memory_space<vmem>>
      %dma_start3A_66 = tpu.memref_squeeze %dma_start3A_65 : memref<1x128xi32, #tpu.memory_space<vmem>> -> memref<128xi32, #tpu.memory_space<vmem>>
      %dma_start3A_67 = arith.constant 0 : i32
      %dma_start3A_68 = arith.constant 0 : i32
      %dma_start3A_69 = tpu.memref_slice %arg2[%dma_start3A_67, %dma_start3A_68] : memref<10240x128xf32, #tpu.memory_space<hbm>> -> memref<10240x128xf32, #tpu.memory_space<hbm>>
      tpu.enqueue_indirect_dma source(%dma_start3A_69 : memref<10240x128xf32, #tpu.memory_space<hbm>>) target(%arg10 : memref<128x128xf32, #tpu.memory_space<vmem>>) offsets(%dma_start3A_66 : memref<128xi32, #tpu.memory_space<vmem>>) semaphore(%arg12 : memref<!tpu.dma_semaphore, #tpu.memory_space<semaphore_mem>>)
      %run_scoped3A_70 = arith.constant 2 : i32
      "tpu.region"() ({
        %run_scoped3A_259 = tpu.sem_alloc : memref<!tpu.dma_semaphore, #tpu.memory_space<semaphore_mem>>
        %dma_start3A_260 = arith.constant 0 : i32
        %dma_start3A_261 = tpu.memref_slice %arg8[%run_scoped3A_70, %dma_start3A_260] : memref<16x128xi32, #tpu.memory_space<vmem>> -> memref<1x128xi32, #tpu.memory_space<vmem>>
        %dma_start3A_262 = tpu.memref_squeeze %dma_start3A_261 : memref<1x128xi32, #tpu.memory_space<vmem>> -> memref<128xi32, #tpu.memory_space<vmem>>
        %dma_start3A_263 = arith.constant 0 : i32
        %dma_start3A_264 = arith.constant 0 : i32
        %dma_start3A_265 = tpu.memref_slice %arg13[%dma_start3A_263, %dma_start3A_264] : memref<10240x128xf32, #tpu.memory_space<vmem_shared>> -> memref<10240x128xf32, #tpu.memory_space<vmem_shared>>
        tpu.enqueue_indirect_dma source(%arg9 : memref<128x128xf32, #tpu.memory_space<vmem>>) target(%dma_start3A_265 : memref<10240x128xf32, #tpu.memory_space<vmem_shared>>) offsets(%dma_start3A_262 : memref<128xi32, #tpu.memory_space<vmem>>) semaphore(%run_scoped3A_259 : memref<!tpu.dma_semaphore, #tpu.memory_space<semaphore_mem>>) {add = true}
        %dma_wait3A_266 = arith.constant 0 : i32
        %dma_wait3A_267 = tpu.memref_slice %arg8[%run_scoped3A_70, %dma_wait3A_266] : memref<16x128xi32, #tpu.memory_space<vmem>> -> memref<1x128xi32, #tpu.memory_space<vmem>>
        %dma_wait3A_268 = tpu.memref_squeeze %dma_wait3A_267 : memref<1x128xi32, #tpu.memory_space<vmem>> -> memref<128xi32, #tpu.memory_space<vmem>>
        %dma_wait3A_269 = arith.constant 0 : i32
        %dma_wait3A_270 = arith.constant 0 : i32
        %dma_wait3A_271 = tpu.memref_slice %arg13[%dma_wait3A_269, %dma_wait3A_270] : memref<10240x128xf32, #tpu.memory_space<vmem_shared>> -> memref<10240x128xf32, #tpu.memory_space<vmem_shared>>
        tpu.wait_indirect_dma semaphore(%run_scoped3A_259 : memref<!tpu.dma_semaphore, #tpu.memory_space<semaphore_mem>>) src(%arg9 : memref<128x128xf32, #tpu.memory_space<vmem>>) dst(%dma_wait3A_271 : memref<10240x128xf32, #tpu.memory_space<vmem_shared>>)
        tpu.yield
      }) : () -> ()
      %dma_wait3A_71 = arith.constant 3 : i32
      %dma_wait3A_72 = arith.constant 0 : i32
      %dma_wait3A_73 = tpu.memref_slice %arg7[%dma_wait3A_71, %dma_wait3A_72] : memref<16x128xi32, #tpu.memory_space<vmem>> -> memref<1x128xi32, #tpu.memory_space<vmem>>
      %dma_wait3A_74 = tpu.memref_squeeze %dma_wait3A_73 : memref<1x128xi32, #tpu.memory_space<vmem>> -> memref<128xi32, #tpu.memory_space<vmem>>
      %dma_wait3A_75 = arith.constant 0 : i32
      %dma_wait3A_76 = arith.constant 0 : i32
      %dma_wait3A_77 = tpu.memref_slice %arg2[%dma_wait3A_75, %dma_wait3A_76] : memref<10240x128xf32, #tpu.memory_space<hbm>> -> memref<10240x128xf32, #tpu.memory_space<hbm>>
      tpu.wait_indirect_dma semaphore(%arg12 : memref<!tpu.dma_semaphore, #tpu.memory_space<semaphore_mem>>) src(%dma_wait3A_77 : memref<10240x128xf32, #tpu.memory_space<hbm>>) dst(%arg10 : memref<128x128xf32, #tpu.memory_space<vmem>>)
      %dma_start3A_78 = arith.constant 4 : i32
      %dma_start3A_79 = arith.constant 0 : i32
      %dma_start3A_80 = tpu.memref_slice %arg7[%dma_start3A_78, %dma_start3A_79] : memref<16x128xi32, #tpu.memory_space<vmem>> -> memref<1x128xi32, #tpu.memory_space<vmem>>
      %dma_start3A_81 = tpu.memref_squeeze %dma_start3A_80 : memref<1x128xi32, #tpu.memory_space<vmem>> -> memref<128xi32, #tpu.memory_space<vmem>>
      %dma_start3A_82 = arith.constant 0 : i32
      %dma_start3A_83 = arith.constant 0 : i32
      %dma_start3A_84 = tpu.memref_slice %arg2[%dma_start3A_82, %dma_start3A_83] : memref<10240x128xf32, #tpu.memory_space<hbm>> -> memref<10240x128xf32, #tpu.memory_space<hbm>>
      tpu.enqueue_indirect_dma source(%dma_start3A_84 : memref<10240x128xf32, #tpu.memory_space<hbm>>) target(%arg9 : memref<128x128xf32, #tpu.memory_space<vmem>>) offsets(%dma_start3A_81 : memref<128xi32, #tpu.memory_space<vmem>>) semaphore(%arg11 : memref<!tpu.dma_semaphore, #tpu.memory_space<semaphore_mem>>)
      %run_scoped3A_85 = arith.constant 3 : i32
      "tpu.region"() ({
        %run_scoped3A_259 = tpu.sem_alloc : memref<!tpu.dma_semaphore, #tpu.memory_space<semaphore_mem>>
        %dma_start3A_260 = arith.constant 0 : i32
        %dma_start3A_261 = tpu.memref_slice %arg8[%run_scoped3A_85, %dma_start3A_260] : memref<16x128xi32, #tpu.memory_space<vmem>> -> memref<1x128xi32, #tpu.memory_space<vmem>>
        %dma_start3A_262 = tpu.memref_squeeze %dma_start3A_261 : memref<1x128xi32, #tpu.memory_space<vmem>> -> memref<128xi32, #tpu.memory_space<vmem>>
        %dma_start3A_263 = arith.constant 0 : i32
        %dma_start3A_264 = arith.constant 0 : i32
        %dma_start3A_265 = tpu.memref_slice %arg13[%dma_start3A_263, %dma_start3A_264] : memref<10240x128xf32, #tpu.memory_space<vmem_shared>> -> memref<10240x128xf32, #tpu.memory_space<vmem_shared>>
        tpu.enqueue_indirect_dma source(%arg10 : memref<128x128xf32, #tpu.memory_space<vmem>>) target(%dma_start3A_265 : memref<10240x128xf32, #tpu.memory_space<vmem_shared>>) offsets(%dma_start3A_262 : memref<128xi32, #tpu.memory_space<vmem>>) semaphore(%run_scoped3A_259 : memref<!tpu.dma_semaphore, #tpu.memory_space<semaphore_mem>>) {add = true}
        %dma_wait3A_266 = arith.constant 0 : i32
        %dma_wait3A_267 = tpu.memref_slice %arg8[%run_scoped3A_85, %dma_wait3A_266] : memref<16x128xi32, #tpu.memory_space<vmem>> -> memref<1x128xi32, #tpu.memory_space<vmem>>
        %dma_wait3A_268 = tpu.memref_squeeze %dma_wait3A_267 : memref<1x128xi32, #tpu.memory_space<vmem>> -> memref<128xi32, #tpu.memory_space<vmem>>
        %dma_wait3A_269 = arith.constant 0 : i32
        %dma_wait3A_270 = arith.constant 0 : i32
        %dma_wait3A_271 = tpu.memref_slice %arg13[%dma_wait3A_269, %dma_wait3A_270] : memref<10240x128xf32, #tpu.memory_space<vmem_shared>> -> memref<10240x128xf32, #tpu.memory_space<vmem_shared>>
        tpu.wait_indirect_dma semaphore(%run_scoped3A_259 : memref<!tpu.dma_semaphore, #tpu.memory_space<semaphore_mem>>) src(%arg10 : memref<128x128xf32, #tpu.memory_space<vmem>>) dst(%dma_wait3A_271 : memref<10240x128xf32, #tpu.memory_space<vmem_shared>>)
        tpu.yield
      }) : () -> ()
      %dma_wait3A_86 = arith.constant 4 : i32
      %dma_wait3A_87 = arith.constant 0 : i32
      %dma_wait3A_88 = tpu.memref_slice %arg7[%dma_wait3A_86, %dma_wait3A_87] : memref<16x128xi32, #tpu.memory_space<vmem>> -> memref<1x128xi32, #tpu.memory_space<vmem>>
      %dma_wait3A_89 = tpu.memref_squeeze %dma_wait3A_88 : memref<1x128xi32, #tpu.memory_space<vmem>> -> memref<128xi32, #tpu.memory_space<vmem>>
      %dma_wait3A_90 = arith.constant 0 : i32
      %dma_wait3A_91 = arith.constant 0 : i32
      %dma_wait3A_92 = tpu.memref_slice %arg2[%dma_wait3A_90, %dma_wait3A_91] : memref<10240x128xf32, #tpu.memory_space<hbm>> -> memref<10240x128xf32, #tpu.memory_space<hbm>>
      tpu.wait_indirect_dma semaphore(%arg11 : memref<!tpu.dma_semaphore, #tpu.memory_space<semaphore_mem>>) src(%dma_wait3A_92 : memref<10240x128xf32, #tpu.memory_space<hbm>>) dst(%arg9 : memref<128x128xf32, #tpu.memory_space<vmem>>)
      %dma_start3A_93 = arith.constant 5 : i32
      %dma_start3A_94 = arith.constant 0 : i32
      %dma_start3A_95 = tpu.memref_slice %arg7[%dma_start3A_93, %dma_start3A_94] : memref<16x128xi32, #tpu.memory_space<vmem>> -> memref<1x128xi32, #tpu.memory_space<vmem>>
      %dma_start3A_96 = tpu.memref_squeeze %dma_start3A_95 : memref<1x128xi32, #tpu.memory_space<vmem>> -> memref<128xi32, #tpu.memory_space<vmem>>
      %dma_start3A_97 = arith.constant 0 : i32
      %dma_start3A_98 = arith.constant 0 : i32
      %dma_start3A_99 = tpu.memref_slice %arg2[%dma_start3A_97, %dma_start3A_98] : memref<10240x128xf32, #tpu.memory_space<hbm>> -> memref<10240x128xf32, #tpu.memory_space<hbm>>
      tpu.enqueue_indirect_dma source(%dma_start3A_99 : memref<10240x128xf32, #tpu.memory_space<hbm>>) target(%arg10 : memref<128x128xf32, #tpu.memory_space<vmem>>) offsets(%dma_start3A_96 : memref<128xi32, #tpu.memory_space<vmem>>) semaphore(%arg12 : memref<!tpu.dma_semaphore, #tpu.memory_space<semaphore_mem>>)
      %run_scoped3A_100 = arith.constant 4 : i32
      "tpu.region"() ({
        %run_scoped3A_259 = tpu.sem_alloc : memref<!tpu.dma_semaphore, #tpu.memory_space<semaphore_mem>>
        %dma_start3A_260 = arith.constant 0 : i32
        %dma_start3A_261 = tpu.memref_slice %arg8[%run_scoped3A_100, %dma_start3A_260] : memref<16x128xi32, #tpu.memory_space<vmem>> -> memref<1x128xi32, #tpu.memory_space<vmem>>
        %dma_start3A_262 = tpu.memref_squeeze %dma_start3A_261 : memref<1x128xi32, #tpu.memory_space<vmem>> -> memref<128xi32, #tpu.memory_space<vmem>>
        %dma_start3A_263 = arith.constant 0 : i32
        %dma_start3A_264 = arith.constant 0 : i32
        %dma_start3A_265 = tpu.memref_slice %arg13[%dma_start3A_263, %dma_start3A_264] : memref<10240x128xf32, #tpu.memory_space<vmem_shared>> -> memref<10240x128xf32, #tpu.memory_space<vmem_shared>>
        tpu.enqueue_indirect_dma source(%arg9 : memref<128x128xf32, #tpu.memory_space<vmem>>) target(%dma_start3A_265 : memref<10240x128xf32, #tpu.memory_space<vmem_shared>>) offsets(%dma_start3A_262 : memref<128xi32, #tpu.memory_space<vmem>>) semaphore(%run_scoped3A_259 : memref<!tpu.dma_semaphore, #tpu.memory_space<semaphore_mem>>) {add = true}
        %dma_wait3A_266 = arith.constant 0 : i32
        %dma_wait3A_267 = tpu.memref_slice %arg8[%run_scoped3A_100, %dma_wait3A_266] : memref<16x128xi32, #tpu.memory_space<vmem>> -> memref<1x128xi32, #tpu.memory_space<vmem>>
        %dma_wait3A_268 = tpu.memref_squeeze %dma_wait3A_267 : memref<1x128xi32, #tpu.memory_space<vmem>> -> memref<128xi32, #tpu.memory_space<vmem>>
        %dma_wait3A_269 = arith.constant 0 : i32
        %dma_wait3A_270 = arith.constant 0 : i32
        %dma_wait3A_271 = tpu.memref_slice %arg13[%dma_wait3A_269, %dma_wait3A_270] : memref<10240x128xf32, #tpu.memory_space<vmem_shared>> -> memref<10240x128xf32, #tpu.memory_space<vmem_shared>>
        tpu.wait_indirect_dma semaphore(%run_scoped3A_259 : memref<!tpu.dma_semaphore, #tpu.memory_space<semaphore_mem>>) src(%arg9 : memref<128x128xf32, #tpu.memory_space<vmem>>) dst(%dma_wait3A_271 : memref<10240x128xf32, #tpu.memory_space<vmem_shared>>)
        tpu.yield
      }) : () -> ()
      %dma_wait3A_101 = arith.constant 5 : i32
      %dma_wait3A_102 = arith.constant 0 : i32
      %dma_wait3A_103 = tpu.memref_slice %arg7[%dma_wait3A_101, %dma_wait3A_102] : memref<16x128xi32, #tpu.memory_space<vmem>> -> memref<1x128xi32, #tpu.memory_space<vmem>>
      %dma_wait3A_104 = tpu.memref_squeeze %dma_wait3A_103 : memref<1x128xi32, #tpu.memory_space<vmem>> -> memref<128xi32, #tpu.memory_space<vmem>>
      %dma_wait3A_105 = arith.constant 0 : i32
      %dma_wait3A_106 = arith.constant 0 : i32
      %dma_wait3A_107 = tpu.memref_slice %arg2[%dma_wait3A_105, %dma_wait3A_106] : memref<10240x128xf32, #tpu.memory_space<hbm>> -> memref<10240x128xf32, #tpu.memory_space<hbm>>
      tpu.wait_indirect_dma semaphore(%arg12 : memref<!tpu.dma_semaphore, #tpu.memory_space<semaphore_mem>>) src(%dma_wait3A_107 : memref<10240x128xf32, #tpu.memory_space<hbm>>) dst(%arg10 : memref<128x128xf32, #tpu.memory_space<vmem>>)
      %dma_start3A_108 = arith.constant 6 : i32
      %dma_start3A_109 = arith.constant 0 : i32
      %dma_start3A_110 = tpu.memref_slice %arg7[%dma_start3A_108, %dma_start3A_109] : memref<16x128xi32, #tpu.memory_space<vmem>> -> memref<1x128xi32, #tpu.memory_space<vmem>>
      %dma_start3A_111 = tpu.memref_squeeze %dma_start3A_110 : memref<1x128xi32, #tpu.memory_space<vmem>> -> memref<128xi32, #tpu.memory_space<vmem>>
      %dma_start3A_112 = arith.constant 0 : i32
      %dma_start3A_113 = arith.constant 0 : i32
      %dma_start3A_114 = tpu.memref_slice %arg2[%dma_start3A_112, %dma_start3A_113] : memref<10240x128xf32, #tpu.memory_space<hbm>> -> memref<10240x128xf32, #tpu.memory_space<hbm>>
      tpu.enqueue_indirect_dma source(%dma_start3A_114 : memref<10240x128xf32, #tpu.memory_space<hbm>>) target(%arg9 : memref<128x128xf32, #tpu.memory_space<vmem>>) offsets(%dma_start3A_111 : memref<128xi32, #tpu.memory_space<vmem>>) semaphore(%arg11 : memref<!tpu.dma_semaphore, #tpu.memory_space<semaphore_mem>>)
      %run_scoped3A_115 = arith.constant 5 : i32
      "tpu.region"() ({
        %run_scoped3A_259 = tpu.sem_alloc : memref<!tpu.dma_semaphore, #tpu.memory_space<semaphore_mem>>
        %dma_start3A_260 = arith.constant 0 : i32
        %dma_start3A_261 = tpu.memref_slice %arg8[%run_scoped3A_115, %dma_start3A_260] : memref<16x128xi32, #tpu.memory_space<vmem>> -> memref<1x128xi32, #tpu.memory_space<vmem>>
        %dma_start3A_262 = tpu.memref_squeeze %dma_start3A_261 : memref<1x128xi32, #tpu.memory_space<vmem>> -> memref<128xi32, #tpu.memory_space<vmem>>
        %dma_start3A_263 = arith.constant 0 : i32
        %dma_start3A_264 = arith.constant 0 : i32
        %dma_start3A_265 = tpu.memref_slice %arg13[%dma_start3A_263, %dma_start3A_264] : memref<10240x128xf32, #tpu.memory_space<vmem_shared>> -> memref<10240x128xf32, #tpu.memory_space<vmem_shared>>
        tpu.enqueue_indirect_dma source(%arg10 : memref<128x128xf32, #tpu.memory_space<vmem>>) target(%dma_start3A_265 : memref<10240x128xf32, #tpu.memory_space<vmem_shared>>) offsets(%dma_start3A_262 : memref<128xi32, #tpu.memory_space<vmem>>) semaphore(%run_scoped3A_259 : memref<!tpu.dma_semaphore, #tpu.memory_space<semaphore_mem>>) {add = true}
        %dma_wait3A_266 = arith.constant 0 : i32
        %dma_wait3A_267 = tpu.memref_slice %arg8[%run_scoped3A_115, %dma_wait3A_266] : memref<16x128xi32, #tpu.memory_space<vmem>> -> memref<1x128xi32, #tpu.memory_space<vmem>>
        %dma_wait3A_268 = tpu.memref_squeeze %dma_wait3A_267 : memref<1x128xi32, #tpu.memory_space<vmem>> -> memref<128xi32, #tpu.memory_space<vmem>>
        %dma_wait3A_269 = arith.constant 0 : i32
        %dma_wait3A_270 = arith.constant 0 : i32
        %dma_wait3A_271 = tpu.memref_slice %arg13[%dma_wait3A_269, %dma_wait3A_270] : memref<10240x128xf32, #tpu.memory_space<vmem_shared>> -> memref<10240x128xf32, #tpu.memory_space<vmem_shared>>
        tpu.wait_indirect_dma semaphore(%run_scoped3A_259 : memref<!tpu.dma_semaphore, #tpu.memory_space<semaphore_mem>>) src(%arg10 : memref<128x128xf32, #tpu.memory_space<vmem>>) dst(%dma_wait3A_271 : memref<10240x128xf32, #tpu.memory_space<vmem_shared>>)
        tpu.yield
      }) : () -> ()
      %dma_wait3A_116 = arith.constant 6 : i32
      %dma_wait3A_117 = arith.constant 0 : i32
      %dma_wait3A_118 = tpu.memref_slice %arg7[%dma_wait3A_116, %dma_wait3A_117] : memref<16x128xi32, #tpu.memory_space<vmem>> -> memref<1x128xi32, #tpu.memory_space<vmem>>
      %dma_wait3A_119 = tpu.memref_squeeze %dma_wait3A_118 : memref<1x128xi32, #tpu.memory_space<vmem>> -> memref<128xi32, #tpu.memory_space<vmem>>
      %dma_wait3A_120 = arith.constant 0 : i32
      %dma_wait3A_121 = arith.constant 0 : i32
      %dma_wait3A_122 = tpu.memref_slice %arg2[%dma_wait3A_120, %dma_wait3A_121] : memref<10240x128xf32, #tpu.memory_space<hbm>> -> memref<10240x128xf32, #tpu.memory_space<hbm>>
      tpu.wait_indirect_dma semaphore(%arg11 : memref<!tpu.dma_semaphore, #tpu.memory_space<semaphore_mem>>) src(%dma_wait3A_122 : memref<10240x128xf32, #tpu.memory_space<hbm>>) dst(%arg9 : memref<128x128xf32, #tpu.memory_space<vmem>>)
      %dma_start3A_123 = arith.constant 7 : i32
      %dma_start3A_124 = arith.constant 0 : i32
      %dma_start3A_125 = tpu.memref_slice %arg7[%dma_start3A_123, %dma_start3A_124] : memref<16x128xi32, #tpu.memory_space<vmem>> -> memref<1x128xi32, #tpu.memory_space<vmem>>
      %dma_start3A_126 = tpu.memref_squeeze %dma_start3A_125 : memref<1x128xi32, #tpu.memory_space<vmem>> -> memref<128xi32, #tpu.memory_space<vmem>>
      %dma_start3A_127 = arith.constant 0 : i32
      %dma_start3A_128 = arith.constant 0 : i32
      %dma_start3A_129 = tpu.memref_slice %arg2[%dma_start3A_127, %dma_start3A_128] : memref<10240x128xf32, #tpu.memory_space<hbm>> -> memref<10240x128xf32, #tpu.memory_space<hbm>>
      tpu.enqueue_indirect_dma source(%dma_start3A_129 : memref<10240x128xf32, #tpu.memory_space<hbm>>) target(%arg10 : memref<128x128xf32, #tpu.memory_space<vmem>>) offsets(%dma_start3A_126 : memref<128xi32, #tpu.memory_space<vmem>>) semaphore(%arg12 : memref<!tpu.dma_semaphore, #tpu.memory_space<semaphore_mem>>)
      %run_scoped3A_130 = arith.constant 6 : i32
      "tpu.region"() ({
        %run_scoped3A_259 = tpu.sem_alloc : memref<!tpu.dma_semaphore, #tpu.memory_space<semaphore_mem>>
        %dma_start3A_260 = arith.constant 0 : i32
        %dma_start3A_261 = tpu.memref_slice %arg8[%run_scoped3A_130, %dma_start3A_260] : memref<16x128xi32, #tpu.memory_space<vmem>> -> memref<1x128xi32, #tpu.memory_space<vmem>>
        %dma_start3A_262 = tpu.memref_squeeze %dma_start3A_261 : memref<1x128xi32, #tpu.memory_space<vmem>> -> memref<128xi32, #tpu.memory_space<vmem>>
        %dma_start3A_263 = arith.constant 0 : i32
        %dma_start3A_264 = arith.constant 0 : i32
        %dma_start3A_265 = tpu.memref_slice %arg13[%dma_start3A_263, %dma_start3A_264] : memref<10240x128xf32, #tpu.memory_space<vmem_shared>> -> memref<10240x128xf32, #tpu.memory_space<vmem_shared>>
        tpu.enqueue_indirect_dma source(%arg9 : memref<128x128xf32, #tpu.memory_space<vmem>>) target(%dma_start3A_265 : memref<10240x128xf32, #tpu.memory_space<vmem_shared>>) offsets(%dma_start3A_262 : memref<128xi32, #tpu.memory_space<vmem>>) semaphore(%run_scoped3A_259 : memref<!tpu.dma_semaphore, #tpu.memory_space<semaphore_mem>>) {add = true}
        %dma_wait3A_266 = arith.constant 0 : i32
        %dma_wait3A_267 = tpu.memref_slice %arg8[%run_scoped3A_130, %dma_wait3A_266] : memref<16x128xi32, #tpu.memory_space<vmem>> -> memref<1x128xi32, #tpu.memory_space<vmem>>
        %dma_wait3A_268 = tpu.memref_squeeze %dma_wait3A_267 : memref<1x128xi32, #tpu.memory_space<vmem>> -> memref<128xi32, #tpu.memory_space<vmem>>
        %dma_wait3A_269 = arith.constant 0 : i32
        %dma_wait3A_270 = arith.constant 0 : i32
        %dma_wait3A_271 = tpu.memref_slice %arg13[%dma_wait3A_269, %dma_wait3A_270] : memref<10240x128xf32, #tpu.memory_space<vmem_shared>> -> memref<10240x128xf32, #tpu.memory_space<vmem_shared>>
        tpu.wait_indirect_dma semaphore(%run_scoped3A_259 : memref<!tpu.dma_semaphore, #tpu.memory_space<semaphore_mem>>) src(%arg9 : memref<128x128xf32, #tpu.memory_space<vmem>>) dst(%dma_wait3A_271 : memref<10240x128xf32, #tpu.memory_space<vmem_shared>>)
        tpu.yield
      }) : () -> ()
      %dma_wait3A_131 = arith.constant 7 : i32
      %dma_wait3A_132 = arith.constant 0 : i32
      %dma_wait3A_133 = tpu.memref_slice %arg7[%dma_wait3A_131, %dma_wait3A_132] : memref<16x128xi32, #tpu.memory_space<vmem>> -> memref<1x128xi32, #tpu.memory_space<vmem>>
      %dma_wait3A_134 = tpu.memref_squeeze %dma_wait3A_133 : memref<1x128xi32, #tpu.memory_space<vmem>> -> memref<128xi32, #tpu.memory_space<vmem>>
      %dma_wait3A_135 = arith.constant 0 : i32
      %dma_wait3A_136 = arith.constant 0 : i32
      %dma_wait3A_137 = tpu.memref_slice %arg2[%dma_wait3A_135, %dma_wait3A_136] : memref<10240x128xf32, #tpu.memory_space<hbm>> -> memref<10240x128xf32, #tpu.memory_space<hbm>>
      tpu.wait_indirect_dma semaphore(%arg12 : memref<!tpu.dma_semaphore, #tpu.memory_space<semaphore_mem>>) src(%dma_wait3A_137 : memref<10240x128xf32, #tpu.memory_space<hbm>>) dst(%arg10 : memref<128x128xf32, #tpu.memory_space<vmem>>)
      %dma_start3A_138 = arith.constant 8 : i32
      %dma_start3A_139 = arith.constant 0 : i32
      %dma_start3A_140 = tpu.memref_slice %arg7[%dma_start3A_138, %dma_start3A_139] : memref<16x128xi32, #tpu.memory_space<vmem>> -> memref<1x128xi32, #tpu.memory_space<vmem>>
      %dma_start3A_141 = tpu.memref_squeeze %dma_start3A_140 : memref<1x128xi32, #tpu.memory_space<vmem>> -> memref<128xi32, #tpu.memory_space<vmem>>
      %dma_start3A_142 = arith.constant 0 : i32
      %dma_start3A_143 = arith.constant 0 : i32
      %dma_start3A_144 = tpu.memref_slice %arg2[%dma_start3A_142, %dma_start3A_143] : memref<10240x128xf32, #tpu.memory_space<hbm>> -> memref<10240x128xf32, #tpu.memory_space<hbm>>
      tpu.enqueue_indirect_dma source(%dma_start3A_144 : memref<10240x128xf32, #tpu.memory_space<hbm>>) target(%arg9 : memref<128x128xf32, #tpu.memory_space<vmem>>) offsets(%dma_start3A_141 : memref<128xi32, #tpu.memory_space<vmem>>) semaphore(%arg11 : memref<!tpu.dma_semaphore, #tpu.memory_space<semaphore_mem>>)
      %run_scoped3A_145 = arith.constant 7 : i32
      "tpu.region"() ({
        %run_scoped3A_259 = tpu.sem_alloc : memref<!tpu.dma_semaphore, #tpu.memory_space<semaphore_mem>>
        %dma_start3A_260 = arith.constant 0 : i32
        %dma_start3A_261 = tpu.memref_slice %arg8[%run_scoped3A_145, %dma_start3A_260] : memref<16x128xi32, #tpu.memory_space<vmem>> -> memref<1x128xi32, #tpu.memory_space<vmem>>
        %dma_start3A_262 = tpu.memref_squeeze %dma_start3A_261 : memref<1x128xi32, #tpu.memory_space<vmem>> -> memref<128xi32, #tpu.memory_space<vmem>>
        %dma_start3A_263 = arith.constant 0 : i32
        %dma_start3A_264 = arith.constant 0 : i32
        %dma_start3A_265 = tpu.memref_slice %arg13[%dma_start3A_263, %dma_start3A_264] : memref<10240x128xf32, #tpu.memory_space<vmem_shared>> -> memref<10240x128xf32, #tpu.memory_space<vmem_shared>>
        tpu.enqueue_indirect_dma source(%arg10 : memref<128x128xf32, #tpu.memory_space<vmem>>) target(%dma_start3A_265 : memref<10240x128xf32, #tpu.memory_space<vmem_shared>>) offsets(%dma_start3A_262 : memref<128xi32, #tpu.memory_space<vmem>>) semaphore(%run_scoped3A_259 : memref<!tpu.dma_semaphore, #tpu.memory_space<semaphore_mem>>) {add = true}
        %dma_wait3A_266 = arith.constant 0 : i32
        %dma_wait3A_267 = tpu.memref_slice %arg8[%run_scoped3A_145, %dma_wait3A_266] : memref<16x128xi32, #tpu.memory_space<vmem>> -> memref<1x128xi32, #tpu.memory_space<vmem>>
        %dma_wait3A_268 = tpu.memref_squeeze %dma_wait3A_267 : memref<1x128xi32, #tpu.memory_space<vmem>> -> memref<128xi32, #tpu.memory_space<vmem>>
        %dma_wait3A_269 = arith.constant 0 : i32
        %dma_wait3A_270 = arith.constant 0 : i32
        %dma_wait3A_271 = tpu.memref_slice %arg13[%dma_wait3A_269, %dma_wait3A_270] : memref<10240x128xf32, #tpu.memory_space<vmem_shared>> -> memref<10240x128xf32, #tpu.memory_space<vmem_shared>>
        tpu.wait_indirect_dma semaphore(%run_scoped3A_259 : memref<!tpu.dma_semaphore, #tpu.memory_space<semaphore_mem>>) src(%arg10 : memref<128x128xf32, #tpu.memory_space<vmem>>) dst(%dma_wait3A_271 : memref<10240x128xf32, #tpu.memory_space<vmem_shared>>)
        tpu.yield
      }) : () -> ()
      %dma_wait3A_146 = arith.constant 8 : i32
      %dma_wait3A_147 = arith.constant 0 : i32
      %dma_wait3A_148 = tpu.memref_slice %arg7[%dma_wait3A_146, %dma_wait3A_147] : memref<16x128xi32, #tpu.memory_space<vmem>> -> memref<1x128xi32, #tpu.memory_space<vmem>>
      %dma_wait3A_149 = tpu.memref_squeeze %dma_wait3A_148 : memref<1x128xi32, #tpu.memory_space<vmem>> -> memref<128xi32, #tpu.memory_space<vmem>>
      %dma_wait3A_150 = arith.constant 0 : i32
      %dma_wait3A_151 = arith.constant 0 : i32
      %dma_wait3A_152 = tpu.memref_slice %arg2[%dma_wait3A_150, %dma_wait3A_151] : memref<10240x128xf32, #tpu.memory_space<hbm>> -> memref<10240x128xf32, #tpu.memory_space<hbm>>
      tpu.wait_indirect_dma semaphore(%arg11 : memref<!tpu.dma_semaphore, #tpu.memory_space<semaphore_mem>>) src(%dma_wait3A_152 : memref<10240x128xf32, #tpu.memory_space<hbm>>) dst(%arg9 : memref<128x128xf32, #tpu.memory_space<vmem>>)
      %dma_start3A_153 = arith.constant 9 : i32
      %dma_start3A_154 = arith.constant 0 : i32
      %dma_start3A_155 = tpu.memref_slice %arg7[%dma_start3A_153, %dma_start3A_154] : memref<16x128xi32, #tpu.memory_space<vmem>> -> memref<1x128xi32, #tpu.memory_space<vmem>>
      %dma_start3A_156 = tpu.memref_squeeze %dma_start3A_155 : memref<1x128xi32, #tpu.memory_space<vmem>> -> memref<128xi32, #tpu.memory_space<vmem>>
      %dma_start3A_157 = arith.constant 0 : i32
      %dma_start3A_158 = arith.constant 0 : i32
      %dma_start3A_159 = tpu.memref_slice %arg2[%dma_start3A_157, %dma_start3A_158] : memref<10240x128xf32, #tpu.memory_space<hbm>> -> memref<10240x128xf32, #tpu.memory_space<hbm>>
      tpu.enqueue_indirect_dma source(%dma_start3A_159 : memref<10240x128xf32, #tpu.memory_space<hbm>>) target(%arg10 : memref<128x128xf32, #tpu.memory_space<vmem>>) offsets(%dma_start3A_156 : memref<128xi32, #tpu.memory_space<vmem>>) semaphore(%arg12 : memref<!tpu.dma_semaphore, #tpu.memory_space<semaphore_mem>>)
      %run_scoped3A_160 = arith.constant 8 : i32
      "tpu.region"() ({
        %run_scoped3A_259 = tpu.sem_alloc : memref<!tpu.dma_semaphore, #tpu.memory_space<semaphore_mem>>
        %dma_start3A_260 = arith.constant 0 : i32
        %dma_start3A_261 = tpu.memref_slice %arg8[%run_scoped3A_160, %dma_start3A_260] : memref<16x128xi32, #tpu.memory_space<vmem>> -> memref<1x128xi32, #tpu.memory_space<vmem>>
        %dma_start3A_262 = tpu.memref_squeeze %dma_start3A_261 : memref<1x128xi32, #tpu.memory_space<vmem>> -> memref<128xi32, #tpu.memory_space<vmem>>
        %dma_start3A_263 = arith.constant 0 : i32
        %dma_start3A_264 = arith.constant 0 : i32
        %dma_start3A_265 = tpu.memref_slice %arg13[%dma_start3A_263, %dma_start3A_264] : memref<10240x128xf32, #tpu.memory_space<vmem_shared>> -> memref<10240x128xf32, #tpu.memory_space<vmem_shared>>
        tpu.enqueue_indirect_dma source(%arg9 : memref<128x128xf32, #tpu.memory_space<vmem>>) target(%dma_start3A_265 : memref<10240x128xf32, #tpu.memory_space<vmem_shared>>) offsets(%dma_start3A_262 : memref<128xi32, #tpu.memory_space<vmem>>) semaphore(%run_scoped3A_259 : memref<!tpu.dma_semaphore, #tpu.memory_space<semaphore_mem>>) {add = true}
        %dma_wait3A_266 = arith.constant 0 : i32
        %dma_wait3A_267 = tpu.memref_slice %arg8[%run_scoped3A_160, %dma_wait3A_266] : memref<16x128xi32, #tpu.memory_space<vmem>> -> memref<1x128xi32, #tpu.memory_space<vmem>>
        %dma_wait3A_268 = tpu.memref_squeeze %dma_wait3A_267 : memref<1x128xi32, #tpu.memory_space<vmem>> -> memref<128xi32, #tpu.memory_space<vmem>>
        %dma_wait3A_269 = arith.constant 0 : i32
        %dma_wait3A_270 = arith.constant 0 : i32
        %dma_wait3A_271 = tpu.memref_slice %arg13[%dma_wait3A_269, %dma_wait3A_270] : memref<10240x128xf32, #tpu.memory_space<vmem_shared>> -> memref<10240x128xf32, #tpu.memory_space<vmem_shared>>
        tpu.wait_indirect_dma semaphore(%run_scoped3A_259 : memref<!tpu.dma_semaphore, #tpu.memory_space<semaphore_mem>>) src(%arg9 : memref<128x128xf32, #tpu.memory_space<vmem>>) dst(%dma_wait3A_271 : memref<10240x128xf32, #tpu.memory_space<vmem_shared>>)
        tpu.yield
      }) : () -> ()
      %dma_wait3A_161 = arith.constant 9 : i32
      %dma_wait3A_162 = arith.constant 0 : i32
      %dma_wait3A_163 = tpu.memref_slice %arg7[%dma_wait3A_161, %dma_wait3A_162] : memref<16x128xi32, #tpu.memory_space<vmem>> -> memref<1x128xi32, #tpu.memory_space<vmem>>
      %dma_wait3A_164 = tpu.memref_squeeze %dma_wait3A_163 : memref<1x128xi32, #tpu.memory_space<vmem>> -> memref<128xi32, #tpu.memory_space<vmem>>
      %dma_wait3A_165 = arith.constant 0 : i32
      %dma_wait3A_166 = arith.constant 0 : i32
      %dma_wait3A_167 = tpu.memref_slice %arg2[%dma_wait3A_165, %dma_wait3A_166] : memref<10240x128xf32, #tpu.memory_space<hbm>> -> memref<10240x128xf32, #tpu.memory_space<hbm>>
      tpu.wait_indirect_dma semaphore(%arg12 : memref<!tpu.dma_semaphore, #tpu.memory_space<semaphore_mem>>) src(%dma_wait3A_167 : memref<10240x128xf32, #tpu.memory_space<hbm>>) dst(%arg10 : memref<128x128xf32, #tpu.memory_space<vmem>>)
      %dma_start3A_168 = arith.constant 10 : i32
      %dma_start3A_169 = arith.constant 0 : i32
      %dma_start3A_170 = tpu.memref_slice %arg7[%dma_start3A_168, %dma_start3A_169] : memref<16x128xi32, #tpu.memory_space<vmem>> -> memref<1x128xi32, #tpu.memory_space<vmem>>
      %dma_start3A_171 = tpu.memref_squeeze %dma_start3A_170 : memref<1x128xi32, #tpu.memory_space<vmem>> -> memref<128xi32, #tpu.memory_space<vmem>>
      %dma_start3A_172 = arith.constant 0 : i32
      %dma_start3A_173 = arith.constant 0 : i32
      %dma_start3A_174 = tpu.memref_slice %arg2[%dma_start3A_172, %dma_start3A_173] : memref<10240x128xf32, #tpu.memory_space<hbm>> -> memref<10240x128xf32, #tpu.memory_space<hbm>>
      tpu.enqueue_indirect_dma source(%dma_start3A_174 : memref<10240x128xf32, #tpu.memory_space<hbm>>) target(%arg9 : memref<128x128xf32, #tpu.memory_space<vmem>>) offsets(%dma_start3A_171 : memref<128xi32, #tpu.memory_space<vmem>>) semaphore(%arg11 : memref<!tpu.dma_semaphore, #tpu.memory_space<semaphore_mem>>)
      %run_scoped3A_175 = arith.constant 9 : i32
      "tpu.region"() ({
        %run_scoped3A_259 = tpu.sem_alloc : memref<!tpu.dma_semaphore, #tpu.memory_space<semaphore_mem>>
        %dma_start3A_260 = arith.constant 0 : i32
        %dma_start3A_261 = tpu.memref_slice %arg8[%run_scoped3A_175, %dma_start3A_260] : memref<16x128xi32, #tpu.memory_space<vmem>> -> memref<1x128xi32, #tpu.memory_space<vmem>>
        %dma_start3A_262 = tpu.memref_squeeze %dma_start3A_261 : memref<1x128xi32, #tpu.memory_space<vmem>> -> memref<128xi32, #tpu.memory_space<vmem>>
        %dma_start3A_263 = arith.constant 0 : i32
        %dma_start3A_264 = arith.constant 0 : i32
        %dma_start3A_265 = tpu.memref_slice %arg13[%dma_start3A_263, %dma_start3A_264] : memref<10240x128xf32, #tpu.memory_space<vmem_shared>> -> memref<10240x128xf32, #tpu.memory_space<vmem_shared>>
        tpu.enqueue_indirect_dma source(%arg10 : memref<128x128xf32, #tpu.memory_space<vmem>>) target(%dma_start3A_265 : memref<10240x128xf32, #tpu.memory_space<vmem_shared>>) offsets(%dma_start3A_262 : memref<128xi32, #tpu.memory_space<vmem>>) semaphore(%run_scoped3A_259 : memref<!tpu.dma_semaphore, #tpu.memory_space<semaphore_mem>>) {add = true}
        %dma_wait3A_266 = arith.constant 0 : i32
        %dma_wait3A_267 = tpu.memref_slice %arg8[%run_scoped3A_175, %dma_wait3A_266] : memref<16x128xi32, #tpu.memory_space<vmem>> -> memref<1x128xi32, #tpu.memory_space<vmem>>
        %dma_wait3A_268 = tpu.memref_squeeze %dma_wait3A_267 : memref<1x128xi32, #tpu.memory_space<vmem>> -> memref<128xi32, #tpu.memory_space<vmem>>
        %dma_wait3A_269 = arith.constant 0 : i32
        %dma_wait3A_270 = arith.constant 0 : i32
        %dma_wait3A_271 = tpu.memref_slice %arg13[%dma_wait3A_269, %dma_wait3A_270] : memref<10240x128xf32, #tpu.memory_space<vmem_shared>> -> memref<10240x128xf32, #tpu.memory_space<vmem_shared>>
        tpu.wait_indirect_dma semaphore(%run_scoped3A_259 : memref<!tpu.dma_semaphore, #tpu.memory_space<semaphore_mem>>) src(%arg10 : memref<128x128xf32, #tpu.memory_space<vmem>>) dst(%dma_wait3A_271 : memref<10240x128xf32, #tpu.memory_space<vmem_shared>>)
        tpu.yield
      }) : () -> ()
      %dma_wait3A_176 = arith.constant 10 : i32
      %dma_wait3A_177 = arith.constant 0 : i32
      %dma_wait3A_178 = tpu.memref_slice %arg7[%dma_wait3A_176, %dma_wait3A_177] : memref<16x128xi32, #tpu.memory_space<vmem>> -> memref<1x128xi32, #tpu.memory_space<vmem>>
      %dma_wait3A_179 = tpu.memref_squeeze %dma_wait3A_178 : memref<1x128xi32, #tpu.memory_space<vmem>> -> memref<128xi32, #tpu.memory_space<vmem>>
      %dma_wait3A_180 = arith.constant 0 : i32
      %dma_wait3A_181 = arith.constant 0 : i32
      %dma_wait3A_182 = tpu.memref_slice %arg2[%dma_wait3A_180, %dma_wait3A_181] : memref<10240x128xf32, #tpu.memory_space<hbm>> -> memref<10240x128xf32, #tpu.memory_space<hbm>>
      tpu.wait_indirect_dma semaphore(%arg11 : memref<!tpu.dma_semaphore, #tpu.memory_space<semaphore_mem>>) src(%dma_wait3A_182 : memref<10240x128xf32, #tpu.memory_space<hbm>>) dst(%arg9 : memref<128x128xf32, #tpu.memory_space<vmem>>)
      %dma_start3A_183 = arith.constant 11 : i32
      %dma_start3A_184 = arith.constant 0 : i32
      %dma_start3A_185 = tpu.memref_slice %arg7[%dma_start3A_183, %dma_start3A_184] : memref<16x128xi32, #tpu.memory_space<vmem>> -> memref<1x128xi32, #tpu.memory_space<vmem>>
      %dma_start3A_186 = tpu.memref_squeeze %dma_start3A_185 : memref<1x128xi32, #tpu.memory_space<vmem>> -> memref<128xi32, #tpu.memory_space<vmem>>
      %dma_start3A_187 = arith.constant 0 : i32
      %dma_start3A_188 = arith.constant 0 : i32
      %dma_start3A_189 = tpu.memref_slice %arg2[%dma_start3A_187, %dma_start3A_188] : memref<10240x128xf32, #tpu.memory_space<hbm>> -> memref<10240x128xf32, #tpu.memory_space<hbm>>
      tpu.enqueue_indirect_dma source(%dma_start3A_189 : memref<10240x128xf32, #tpu.memory_space<hbm>>) target(%arg10 : memref<128x128xf32, #tpu.memory_space<vmem>>) offsets(%dma_start3A_186 : memref<128xi32, #tpu.memory_space<vmem>>) semaphore(%arg12 : memref<!tpu.dma_semaphore, #tpu.memory_space<semaphore_mem>>)
      %run_scoped3A_190 = arith.constant 10 : i32
      "tpu.region"() ({
        %run_scoped3A_259 = tpu.sem_alloc : memref<!tpu.dma_semaphore, #tpu.memory_space<semaphore_mem>>
        %dma_start3A_260 = arith.constant 0 : i32
        %dma_start3A_261 = tpu.memref_slice %arg8[%run_scoped3A_190, %dma_start3A_260] : memref<16x128xi32, #tpu.memory_space<vmem>> -> memref<1x128xi32, #tpu.memory_space<vmem>>
        %dma_start3A_262 = tpu.memref_squeeze %dma_start3A_261 : memref<1x128xi32, #tpu.memory_space<vmem>> -> memref<128xi32, #tpu.memory_space<vmem>>
        %dma_start3A_263 = arith.constant 0 : i32
        %dma_start3A_264 = arith.constant 0 : i32
        %dma_start3A_265 = tpu.memref_slice %arg13[%dma_start3A_263, %dma_start3A_264] : memref<10240x128xf32, #tpu.memory_space<vmem_shared>> -> memref<10240x128xf32, #tpu.memory_space<vmem_shared>>
        tpu.enqueue_indirect_dma source(%arg9 : memref<128x128xf32, #tpu.memory_space<vmem>>) target(%dma_start3A_265 : memref<10240x128xf32, #tpu.memory_space<vmem_shared>>) offsets(%dma_start3A_262 : memref<128xi32, #tpu.memory_space<vmem>>) semaphore(%run_scoped3A_259 : memref<!tpu.dma_semaphore, #tpu.memory_space<semaphore_mem>>) {add = true}
        %dma_wait3A_266 = arith.constant 0 : i32
        %dma_wait3A_267 = tpu.memref_slice %arg8[%run_scoped3A_190, %dma_wait3A_266] : memref<16x128xi32, #tpu.memory_space<vmem>> -> memref<1x128xi32, #tpu.memory_space<vmem>>
        %dma_wait3A_268 = tpu.memref_squeeze %dma_wait3A_267 : memref<1x128xi32, #tpu.memory_space<vmem>> -> memref<128xi32, #tpu.memory_space<vmem>>
        %dma_wait3A_269 = arith.constant 0 : i32
        %dma_wait3A_270 = arith.constant 0 : i32
        %dma_wait3A_271 = tpu.memref_slice %arg13[%dma_wait3A_269, %dma_wait3A_270] : memref<10240x128xf32, #tpu.memory_space<vmem_shared>> -> memref<10240x128xf32, #tpu.memory_space<vmem_shared>>
        tpu.wait_indirect_dma semaphore(%run_scoped3A_259 : memref<!tpu.dma_semaphore, #tpu.memory_space<semaphore_mem>>) src(%arg9 : memref<128x128xf32, #tpu.memory_space<vmem>>) dst(%dma_wait3A_271 : memref<10240x128xf32, #tpu.memory_space<vmem_shared>>)
        tpu.yield
      }) : () -> ()
      %dma_wait3A_191 = arith.constant 11 : i32
      %dma_wait3A_192 = arith.constant 0 : i32
      %dma_wait3A_193 = tpu.memref_slice %arg7[%dma_wait3A_191, %dma_wait3A_192] : memref<16x128xi32, #tpu.memory_space<vmem>> -> memref<1x128xi32, #tpu.memory_space<vmem>>
      %dma_wait3A_194 = tpu.memref_squeeze %dma_wait3A_193 : memref<1x128xi32, #tpu.memory_space<vmem>> -> memref<128xi32, #tpu.memory_space<vmem>>
      %dma_wait3A_195 = arith.constant 0 : i32
      %dma_wait3A_196 = arith.constant 0 : i32
      %dma_wait3A_197 = tpu.memref_slice %arg2[%dma_wait3A_195, %dma_wait3A_196] : memref<10240x128xf32, #tpu.memory_space<hbm>> -> memref<10240x128xf32, #tpu.memory_space<hbm>>
      tpu.wait_indirect_dma semaphore(%arg12 : memref<!tpu.dma_semaphore, #tpu.memory_space<semaphore_mem>>) src(%dma_wait3A_197 : memref<10240x128xf32, #tpu.memory_space<hbm>>) dst(%arg10 : memref<128x128xf32, #tpu.memory_space<vmem>>)
      %dma_start3A_198 = arith.constant 12 : i32
      %dma_start3A_199 = arith.constant 0 : i32
      %dma_start3A_200 = tpu.memref_slice %arg7[%dma_start3A_198, %dma_start3A_199] : memref<16x128xi32, #tpu.memory_space<vmem>> -> memref<1x128xi32, #tpu.memory_space<vmem>>
      %dma_start3A_201 = tpu.memref_squeeze %dma_start3A_200 : memref<1x128xi32, #tpu.memory_space<vmem>> -> memref<128xi32, #tpu.memory_space<vmem>>
      %dma_start3A_202 = arith.constant 0 : i32
      %dma_start3A_203 = arith.constant 0 : i32
      %dma_start3A_204 = tpu.memref_slice %arg2[%dma_start3A_202, %dma_start3A_203] : memref<10240x128xf32, #tpu.memory_space<hbm>> -> memref<10240x128xf32, #tpu.memory_space<hbm>>
      tpu.enqueue_indirect_dma source(%dma_start3A_204 : memref<10240x128xf32, #tpu.memory_space<hbm>>) target(%arg9 : memref<128x128xf32, #tpu.memory_space<vmem>>) offsets(%dma_start3A_201 : memref<128xi32, #tpu.memory_space<vmem>>) semaphore(%arg11 : memref<!tpu.dma_semaphore, #tpu.memory_space<semaphore_mem>>)
      %run_scoped3A_205 = arith.constant 11 : i32
      "tpu.region"() ({
        %run_scoped3A_259 = tpu.sem_alloc : memref<!tpu.dma_semaphore, #tpu.memory_space<semaphore_mem>>
        %dma_start3A_260 = arith.constant 0 : i32
        %dma_start3A_261 = tpu.memref_slice %arg8[%run_scoped3A_205, %dma_start3A_260] : memref<16x128xi32, #tpu.memory_space<vmem>> -> memref<1x128xi32, #tpu.memory_space<vmem>>
        %dma_start3A_262 = tpu.memref_squeeze %dma_start3A_261 : memref<1x128xi32, #tpu.memory_space<vmem>> -> memref<128xi32, #tpu.memory_space<vmem>>
        %dma_start3A_263 = arith.constant 0 : i32
        %dma_start3A_264 = arith.constant 0 : i32
        %dma_start3A_265 = tpu.memref_slice %arg13[%dma_start3A_263, %dma_start3A_264] : memref<10240x128xf32, #tpu.memory_space<vmem_shared>> -> memref<10240x128xf32, #tpu.memory_space<vmem_shared>>
        tpu.enqueue_indirect_dma source(%arg10 : memref<128x128xf32, #tpu.memory_space<vmem>>) target(%dma_start3A_265 : memref<10240x128xf32, #tpu.memory_space<vmem_shared>>) offsets(%dma_start3A_262 : memref<128xi32, #tpu.memory_space<vmem>>) semaphore(%run_scoped3A_259 : memref<!tpu.dma_semaphore, #tpu.memory_space<semaphore_mem>>) {add = true}
        %dma_wait3A_266 = arith.constant 0 : i32
        %dma_wait3A_267 = tpu.memref_slice %arg8[%run_scoped3A_205, %dma_wait3A_266] : memref<16x128xi32, #tpu.memory_space<vmem>> -> memref<1x128xi32, #tpu.memory_space<vmem>>
        %dma_wait3A_268 = tpu.memref_squeeze %dma_wait3A_267 : memref<1x128xi32, #tpu.memory_space<vmem>> -> memref<128xi32, #tpu.memory_space<vmem>>
        %dma_wait3A_269 = arith.constant 0 : i32
        %dma_wait3A_270 = arith.constant 0 : i32
        %dma_wait3A_271 = tpu.memref_slice %arg13[%dma_wait3A_269, %dma_wait3A_270] : memref<10240x128xf32, #tpu.memory_space<vmem_shared>> -> memref<10240x128xf32, #tpu.memory_space<vmem_shared>>
        tpu.wait_indirect_dma semaphore(%run_scoped3A_259 : memref<!tpu.dma_semaphore, #tpu.memory_space<semaphore_mem>>) src(%arg10 : memref<128x128xf32, #tpu.memory_space<vmem>>) dst(%dma_wait3A_271 : memref<10240x128xf32, #tpu.memory_space<vmem_shared>>)
        tpu.yield
      }) : () -> ()
      %dma_wait3A_206 = arith.constant 12 : i32
      %dma_wait3A_207 = arith.constant 0 : i32
      %dma_wait3A_208 = tpu.memref_slice %arg7[%dma_wait3A_206, %dma_wait3A_207] : memref<16x128xi32, #tpu.memory_space<vmem>> -> memref<1x128xi32, #tpu.memory_space<vmem>>
      %dma_wait3A_209 = tpu.memref_squeeze %dma_wait3A_208 : memref<1x128xi32, #tpu.memory_space<vmem>> -> memref<128xi32, #tpu.memory_space<vmem>>
      %dma_wait3A_210 = arith.constant 0 : i32
      %dma_wait3A_211 = arith.constant 0 : i32
      %dma_wait3A_212 = tpu.memref_slice %arg2[%dma_wait3A_210, %dma_wait3A_211] : memref<10240x128xf32, #tpu.memory_space<hbm>> -> memref<10240x128xf32, #tpu.memory_space<hbm>>
      tpu.wait_indirect_dma semaphore(%arg11 : memref<!tpu.dma_semaphore, #tpu.memory_space<semaphore_mem>>) src(%dma_wait3A_212 : memref<10240x128xf32, #tpu.memory_space<hbm>>) dst(%arg9 : memref<128x128xf32, #tpu.memory_space<vmem>>)
      %dma_start3A_213 = arith.constant 13 : i32
      %dma_start3A_214 = arith.constant 0 : i32
      %dma_start3A_215 = tpu.memref_slice %arg7[%dma_start3A_213, %dma_start3A_214] : memref<16x128xi32, #tpu.memory_space<vmem>> -> memref<1x128xi32, #tpu.memory_space<vmem>>
      %dma_start3A_216 = tpu.memref_squeeze %dma_start3A_215 : memref<1x128xi32, #tpu.memory_space<vmem>> -> memref<128xi32, #tpu.memory_space<vmem>>
      %dma_start3A_217 = arith.constant 0 : i32
      %dma_start3A_218 = arith.constant 0 : i32
      %dma_start3A_219 = tpu.memref_slice %arg2[%dma_start3A_217, %dma_start3A_218] : memref<10240x128xf32, #tpu.memory_space<hbm>> -> memref<10240x128xf32, #tpu.memory_space<hbm>>
      tpu.enqueue_indirect_dma source(%dma_start3A_219 : memref<10240x128xf32, #tpu.memory_space<hbm>>) target(%arg10 : memref<128x128xf32, #tpu.memory_space<vmem>>) offsets(%dma_start3A_216 : memref<128xi32, #tpu.memory_space<vmem>>) semaphore(%arg12 : memref<!tpu.dma_semaphore, #tpu.memory_space<semaphore_mem>>)
      %run_scoped3A_220 = arith.constant 12 : i32
      "tpu.region"() ({
        %run_scoped3A_259 = tpu.sem_alloc : memref<!tpu.dma_semaphore, #tpu.memory_space<semaphore_mem>>
        %dma_start3A_260 = arith.constant 0 : i32
        %dma_start3A_261 = tpu.memref_slice %arg8[%run_scoped3A_220, %dma_start3A_260] : memref<16x128xi32, #tpu.memory_space<vmem>> -> memref<1x128xi32, #tpu.memory_space<vmem>>
        %dma_start3A_262 = tpu.memref_squeeze %dma_start3A_261 : memref<1x128xi32, #tpu.memory_space<vmem>> -> memref<128xi32, #tpu.memory_space<vmem>>
        %dma_start3A_263 = arith.constant 0 : i32
        %dma_start3A_264 = arith.constant 0 : i32
        %dma_start3A_265 = tpu.memref_slice %arg13[%dma_start3A_263, %dma_start3A_264] : memref<10240x128xf32, #tpu.memory_space<vmem_shared>> -> memref<10240x128xf32, #tpu.memory_space<vmem_shared>>
        tpu.enqueue_indirect_dma source(%arg9 : memref<128x128xf32, #tpu.memory_space<vmem>>) target(%dma_start3A_265 : memref<10240x128xf32, #tpu.memory_space<vmem_shared>>) offsets(%dma_start3A_262 : memref<128xi32, #tpu.memory_space<vmem>>) semaphore(%run_scoped3A_259 : memref<!tpu.dma_semaphore, #tpu.memory_space<semaphore_mem>>) {add = true}
        %dma_wait3A_266 = arith.constant 0 : i32
        %dma_wait3A_267 = tpu.memref_slice %arg8[%run_scoped3A_220, %dma_wait3A_266] : memref<16x128xi32, #tpu.memory_space<vmem>> -> memref<1x128xi32, #tpu.memory_space<vmem>>
        %dma_wait3A_268 = tpu.memref_squeeze %dma_wait3A_267 : memref<1x128xi32, #tpu.memory_space<vmem>> -> memref<128xi32, #tpu.memory_space<vmem>>
        %dma_wait3A_269 = arith.constant 0 : i32
        %dma_wait3A_270 = arith.constant 0 : i32
        %dma_wait3A_271 = tpu.memref_slice %arg13[%dma_wait3A_269, %dma_wait3A_270] : memref<10240x128xf32, #tpu.memory_space<vmem_shared>> -> memref<10240x128xf32, #tpu.memory_space<vmem_shared>>
        tpu.wait_indirect_dma semaphore(%run_scoped3A_259 : memref<!tpu.dma_semaphore, #tpu.memory_space<semaphore_mem>>) src(%arg9 : memref<128x128xf32, #tpu.memory_space<vmem>>) dst(%dma_wait3A_271 : memref<10240x128xf32, #tpu.memory_space<vmem_shared>>)
        tpu.yield
      }) : () -> ()
      %dma_wait3A_221 = arith.constant 13 : i32
      %dma_wait3A_222 = arith.constant 0 : i32
      %dma_wait3A_223 = tpu.memref_slice %arg7[%dma_wait3A_221, %dma_wait3A_222] : memref<16x128xi32, #tpu.memory_space<vmem>> -> memref<1x128xi32, #tpu.memory_space<vmem>>
      %dma_wait3A_224 = tpu.memref_squeeze %dma_wait3A_223 : memref<1x128xi32, #tpu.memory_space<vmem>> -> memref<128xi32, #tpu.memory_space<vmem>>
      %dma_wait3A_225 = arith.constant 0 : i32
      %dma_wait3A_226 = arith.constant 0 : i32
      %dma_wait3A_227 = tpu.memref_slice %arg2[%dma_wait3A_225, %dma_wait3A_226] : memref<10240x128xf32, #tpu.memory_space<hbm>> -> memref<10240x128xf32, #tpu.memory_space<hbm>>
      tpu.wait_indirect_dma semaphore(%arg12 : memref<!tpu.dma_semaphore, #tpu.memory_space<semaphore_mem>>) src(%dma_wait3A_227 : memref<10240x128xf32, #tpu.memory_space<hbm>>) dst(%arg10 : memref<128x128xf32, #tpu.memory_space<vmem>>)
      %dma_start3A_228 = arith.constant 14 : i32
      %dma_start3A_229 = arith.constant 0 : i32
      %dma_start3A_230 = tpu.memref_slice %arg7[%dma_start3A_228, %dma_start3A_229] : memref<16x128xi32, #tpu.memory_space<vmem>> -> memref<1x128xi32, #tpu.memory_space<vmem>>
      %dma_start3A_231 = tpu.memref_squeeze %dma_start3A_230 : memref<1x128xi32, #tpu.memory_space<vmem>> -> memref<128xi32, #tpu.memory_space<vmem>>
      %dma_start3A_232 = arith.constant 0 : i32
      %dma_start3A_233 = arith.constant 0 : i32
      %dma_start3A_234 = tpu.memref_slice %arg2[%dma_start3A_232, %dma_start3A_233] : memref<10240x128xf32, #tpu.memory_space<hbm>> -> memref<10240x128xf32, #tpu.memory_space<hbm>>
      tpu.enqueue_indirect_dma source(%dma_start3A_234 : memref<10240x128xf32, #tpu.memory_space<hbm>>) target(%arg9 : memref<128x128xf32, #tpu.memory_space<vmem>>) offsets(%dma_start3A_231 : memref<128xi32, #tpu.memory_space<vmem>>) semaphore(%arg11 : memref<!tpu.dma_semaphore, #tpu.memory_space<semaphore_mem>>)
      %run_scoped3A_235 = arith.constant 13 : i32
      "tpu.region"() ({
        %run_scoped3A_259 = tpu.sem_alloc : memref<!tpu.dma_semaphore, #tpu.memory_space<semaphore_mem>>
        %dma_start3A_260 = arith.constant 0 : i32
        %dma_start3A_261 = tpu.memref_slice %arg8[%run_scoped3A_235, %dma_start3A_260] : memref<16x128xi32, #tpu.memory_space<vmem>> -> memref<1x128xi32, #tpu.memory_space<vmem>>
        %dma_start3A_262 = tpu.memref_squeeze %dma_start3A_261 : memref<1x128xi32, #tpu.memory_space<vmem>> -> memref<128xi32, #tpu.memory_space<vmem>>
        %dma_start3A_263 = arith.constant 0 : i32
        %dma_start3A_264 = arith.constant 0 : i32
        %dma_start3A_265 = tpu.memref_slice %arg13[%dma_start3A_263, %dma_start3A_264] : memref<10240x128xf32, #tpu.memory_space<vmem_shared>> -> memref<10240x128xf32, #tpu.memory_space<vmem_shared>>
        tpu.enqueue_indirect_dma source(%arg10 : memref<128x128xf32, #tpu.memory_space<vmem>>) target(%dma_start3A_265 : memref<10240x128xf32, #tpu.memory_space<vmem_shared>>) offsets(%dma_start3A_262 : memref<128xi32, #tpu.memory_space<vmem>>) semaphore(%run_scoped3A_259 : memref<!tpu.dma_semaphore, #tpu.memory_space<semaphore_mem>>) {add = true}
        %dma_wait3A_266 = arith.constant 0 : i32
        %dma_wait3A_267 = tpu.memref_slice %arg8[%run_scoped3A_235, %dma_wait3A_266] : memref<16x128xi32, #tpu.memory_space<vmem>> -> memref<1x128xi32, #tpu.memory_space<vmem>>
        %dma_wait3A_268 = tpu.memref_squeeze %dma_wait3A_267 : memref<1x128xi32, #tpu.memory_space<vmem>> -> memref<128xi32, #tpu.memory_space<vmem>>
        %dma_wait3A_269 = arith.constant 0 : i32
        %dma_wait3A_270 = arith.constant 0 : i32
        %dma_wait3A_271 = tpu.memref_slice %arg13[%dma_wait3A_269, %dma_wait3A_270] : memref<10240x128xf32, #tpu.memory_space<vmem_shared>> -> memref<10240x128xf32, #tpu.memory_space<vmem_shared>>
        tpu.wait_indirect_dma semaphore(%run_scoped3A_259 : memref<!tpu.dma_semaphore, #tpu.memory_space<semaphore_mem>>) src(%arg10 : memref<128x128xf32, #tpu.memory_space<vmem>>) dst(%dma_wait3A_271 : memref<10240x128xf32, #tpu.memory_space<vmem_shared>>)
        tpu.yield
      }) : () -> ()
      %dma_wait3A_236 = arith.constant 14 : i32
      %dma_wait3A_237 = arith.constant 0 : i32
      %dma_wait3A_238 = tpu.memref_slice %arg7[%dma_wait3A_236, %dma_wait3A_237] : memref<16x128xi32, #tpu.memory_space<vmem>> -> memref<1x128xi32, #tpu.memory_space<vmem>>
      %dma_wait3A_239 = tpu.memref_squeeze %dma_wait3A_238 : memref<1x128xi32, #tpu.memory_space<vmem>> -> memref<128xi32, #tpu.memory_space<vmem>>
      %dma_wait3A_240 = arith.constant 0 : i32
      %dma_wait3A_241 = arith.constant 0 : i32
      %dma_wait3A_242 = tpu.memref_slice %arg2[%dma_wait3A_240, %dma_wait3A_241] : memref<10240x128xf32, #tpu.memory_space<hbm>> -> memref<10240x128xf32, #tpu.memory_space<hbm>>
      tpu.wait_indirect_dma semaphore(%arg11 : memref<!tpu.dma_semaphore, #tpu.memory_space<semaphore_mem>>) src(%dma_wait3A_242 : memref<10240x128xf32, #tpu.memory_space<hbm>>) dst(%arg9 : memref<128x128xf32, #tpu.memory_space<vmem>>)
      %dma_start3A_243 = arith.constant 15 : i32
      %dma_start3A_244 = arith.constant 0 : i32
      %dma_start3A_245 = tpu.memref_slice %arg7[%dma_start3A_243, %dma_start3A_244] : memref<16x128xi32, #tpu.memory_space<vmem>> -> memref<1x128xi32, #tpu.memory_space<vmem>>
      %dma_start3A_246 = tpu.memref_squeeze %dma_start3A_245 : memref<1x128xi32, #tpu.memory_space<vmem>> -> memref<128xi32, #tpu.memory_space<vmem>>
      %dma_start3A_247 = arith.constant 0 : i32
      %dma_start3A_248 = arith.constant 0 : i32
      %dma_start3A_249 = tpu.memref_slice %arg2[%dma_start3A_247, %dma_start3A_248] : memref<10240x128xf32, #tpu.memory_space<hbm>> -> memref<10240x128xf32, #tpu.memory_space<hbm>>
      tpu.enqueue_indirect_dma source(%dma_start3A_249 : memref<10240x128xf32, #tpu.memory_space<hbm>>) target(%arg10 : memref<128x128xf32, #tpu.memory_space<vmem>>) offsets(%dma_start3A_246 : memref<128xi32, #tpu.memory_space<vmem>>) semaphore(%arg12 : memref<!tpu.dma_semaphore, #tpu.memory_space<semaphore_mem>>)
      %run_scoped3A_250 = arith.constant 14 : i32
      "tpu.region"() ({
        %run_scoped3A_259 = tpu.sem_alloc : memref<!tpu.dma_semaphore, #tpu.memory_space<semaphore_mem>>
        %dma_start3A_260 = arith.constant 0 : i32
        %dma_start3A_261 = tpu.memref_slice %arg8[%run_scoped3A_250, %dma_start3A_260] : memref<16x128xi32, #tpu.memory_space<vmem>> -> memref<1x128xi32, #tpu.memory_space<vmem>>
        %dma_start3A_262 = tpu.memref_squeeze %dma_start3A_261 : memref<1x128xi32, #tpu.memory_space<vmem>> -> memref<128xi32, #tpu.memory_space<vmem>>
        %dma_start3A_263 = arith.constant 0 : i32
        %dma_start3A_264 = arith.constant 0 : i32
        %dma_start3A_265 = tpu.memref_slice %arg13[%dma_start3A_263, %dma_start3A_264] : memref<10240x128xf32, #tpu.memory_space<vmem_shared>> -> memref<10240x128xf32, #tpu.memory_space<vmem_shared>>
        tpu.enqueue_indirect_dma source(%arg9 : memref<128x128xf32, #tpu.memory_space<vmem>>) target(%dma_start3A_265 : memref<10240x128xf32, #tpu.memory_space<vmem_shared>>) offsets(%dma_start3A_262 : memref<128xi32, #tpu.memory_space<vmem>>) semaphore(%run_scoped3A_259 : memref<!tpu.dma_semaphore, #tpu.memory_space<semaphore_mem>>) {add = true}
        %dma_wait3A_266 = arith.constant 0 : i32
        %dma_wait3A_267 = tpu.memref_slice %arg8[%run_scoped3A_250, %dma_wait3A_266] : memref<16x128xi32, #tpu.memory_space<vmem>> -> memref<1x128xi32, #tpu.memory_space<vmem>>
        %dma_wait3A_268 = tpu.memref_squeeze %dma_wait3A_267 : memref<1x128xi32, #tpu.memory_space<vmem>> -> memref<128xi32, #tpu.memory_space<vmem>>
        %dma_wait3A_269 = arith.constant 0 : i32
        %dma_wait3A_270 = arith.constant 0 : i32
        %dma_wait3A_271 = tpu.memref_slice %arg13[%dma_wait3A_269, %dma_wait3A_270] : memref<10240x128xf32, #tpu.memory_space<vmem_shared>> -> memref<10240x128xf32, #tpu.memory_space<vmem_shared>>
        tpu.wait_indirect_dma semaphore(%run_scoped3A_259 : memref<!tpu.dma_semaphore, #tpu.memory_space<semaphore_mem>>) src(%arg9 : memref<128x128xf32, #tpu.memory_space<vmem>>) dst(%dma_wait3A_271 : memref<10240x128xf32, #tpu.memory_space<vmem_shared>>)
        tpu.yield
      }) : () -> ()
      %dma_wait3A_251 = arith.constant 15 : i32
      %dma_wait3A_252 = arith.constant 0 : i32
      %dma_wait3A_253 = tpu.memref_slice %arg7[%dma_wait3A_251, %dma_wait3A_252] : memref<16x128xi32, #tpu.memory_space<vmem>> -> memref<1x128xi32, #tpu.memory_space<vmem>>
      %dma_wait3A_254 = tpu.memref_squeeze %dma_wait3A_253 : memref<1x128xi32, #tpu.memory_space<vmem>> -> memref<128xi32, #tpu.memory_space<vmem>>
      %dma_wait3A_255 = arith.constant 0 : i32
      %dma_wait3A_256 = arith.constant 0 : i32
      %dma_wait3A_257 = tpu.memref_slice %arg2[%dma_wait3A_255, %dma_wait3A_256] : memref<10240x128xf32, #tpu.memory_space<hbm>> -> memref<10240x128xf32, #tpu.memory_space<hbm>>
      tpu.wait_indirect_dma semaphore(%arg12 : memref<!tpu.dma_semaphore, #tpu.memory_space<semaphore_mem>>) src(%dma_wait3A_257 : memref<10240x128xf32, #tpu.memory_space<hbm>>) dst(%arg10 : memref<128x128xf32, #tpu.memory_space<vmem>>)
      %run_scoped3A_258 = arith.constant 15 : i32
      "tpu.region"() ({
        %run_scoped3A_259 = tpu.sem_alloc : memref<!tpu.dma_semaphore, #tpu.memory_space<semaphore_mem>>
        %dma_start3A_260 = arith.constant 0 : i32
        %dma_start3A_261 = tpu.memref_slice %arg8[%run_scoped3A_258, %dma_start3A_260] : memref<16x128xi32, #tpu.memory_space<vmem>> -> memref<1x128xi32, #tpu.memory_space<vmem>>
        %dma_start3A_262 = tpu.memref_squeeze %dma_start3A_261 : memref<1x128xi32, #tpu.memory_space<vmem>> -> memref<128xi32, #tpu.memory_space<vmem>>
        %dma_start3A_263 = arith.constant 0 : i32
        %dma_start3A_264 = arith.constant 0 : i32
        %dma_start3A_265 = tpu.memref_slice %arg13[%dma_start3A_263, %dma_start3A_264] : memref<10240x128xf32, #tpu.memory_space<vmem_shared>> -> memref<10240x128xf32, #tpu.memory_space<vmem_shared>>
        tpu.enqueue_indirect_dma source(%arg10 : memref<128x128xf32, #tpu.memory_space<vmem>>) target(%dma_start3A_265 : memref<10240x128xf32, #tpu.memory_space<vmem_shared>>) offsets(%dma_start3A_262 : memref<128xi32, #tpu.memory_space<vmem>>) semaphore(%run_scoped3A_259 : memref<!tpu.dma_semaphore, #tpu.memory_space<semaphore_mem>>) {add = true}
        %dma_wait3A_266 = arith.constant 0 : i32
        %dma_wait3A_267 = tpu.memref_slice %arg8[%run_scoped3A_258, %dma_wait3A_266] : memref<16x128xi32, #tpu.memory_space<vmem>> -> memref<1x128xi32, #tpu.memory_space<vmem>>
        %dma_wait3A_268 = tpu.memref_squeeze %dma_wait3A_267 : memref<1x128xi32, #tpu.memory_space<vmem>> -> memref<128xi32, #tpu.memory_space<vmem>>
        %dma_wait3A_269 = arith.constant 0 : i32
        %dma_wait3A_270 = arith.constant 0 : i32
        %dma_wait3A_271 = tpu.memref_slice %arg13[%dma_wait3A_269, %dma_wait3A_270] : memref<10240x128xf32, #tpu.memory_space<vmem_shared>> -> memref<10240x128xf32, #tpu.memory_space<vmem_shared>>
        tpu.wait_indirect_dma semaphore(%run_scoped3A_259 : memref<!tpu.dma_semaphore, #tpu.memory_space<semaphore_mem>>) src(%arg10 : memref<128x128xf32, #tpu.memory_space<vmem>>) dst(%dma_wait3A_271 : memref<10240x128xf32, #tpu.memory_space<vmem_shared>>)
        tpu.yield
      }) : () -> ()
    }
    %scan3A_7 = arith.constant 5 : i32
    %barrier3A_8 = arith.constant 0 : index
    tpu.barrier barrier_id(%barrier3A_8)
    %mul3A_9 = arith.constant 640 : i32
    %mul3A_10 = arith.muli %arg1, %mul3A_9 : i32
    %mul3A_11 = arith.constant 10240 : i32
    %mul3A_12 = arith.muli %arg0, %mul3A_11 : i32
    %mul3A_13 = arith.constant 640 : i32
    %mul3A_14 = arith.muli %arg1, %mul3A_13 : i32
    %add3A_15 = arith.addi %mul3A_12, %mul3A_14 : i32
    "tpu.region"() ({
      %run_scoped3A = tpu.sem_alloc : memref<!tpu.dma_semaphore, #tpu.memory_space<semaphore_mem>>
      %dma_start3A = arith.constant 0 : i32
      %dma_start3A_16 = tpu.memref_slice %arg6[%add3A_15, %dma_start3A] : memref<20480x128xf32, #tpu.memory_space<hbm>> -> memref<640x128xf32, #tpu.memory_space<hbm>>
      %dma_start3A_17 = arith.constant 0 : i32
      %dma_start3A_18 = tpu.memref_slice %arg13[%mul3A_10, %dma_start3A_17] : memref<10240x128xf32, #tpu.memory_space<vmem_shared>> -> memref<640x128xf32, #tpu.memory_space<vmem_shared>>
      tpu.enqueue_dma source(%dma_start3A_18 : memref<640x128xf32, #tpu.memory_space<vmem_shared>>) target(%dma_start3A_16 : memref<640x128xf32, #tpu.memory_space<hbm>>) target_semaphore(%run_scoped3A : memref<!tpu.dma_semaphore, #tpu.memory_space<semaphore_mem>>)
      %dma_wait3A = arith.constant 0 : i32
      %dma_wait3A_19 = tpu.memref_slice %arg6[%add3A_15, %dma_wait3A] : memref<20480x128xf32, #tpu.memory_space<hbm>> -> memref<640x128xf32, #tpu.memory_space<hbm>>
      %dma_wait3A_20 = arith.constant 0 : i32
      %dma_wait3A_21 = tpu.memref_slice %arg13[%mul3A_10, %dma_wait3A_20] : memref<10240x128xf32, #tpu.memory_space<vmem_shared>> -> memref<640x128xf32, #tpu.memory_space<vmem_shared>>
      tpu.wait_dma2 semaphore(%run_scoped3A : memref<!tpu.dma_semaphore, #tpu.memory_space<semaphore_mem>>) src(%dma_wait3A_21 : memref<640x128xf32, #tpu.memory_space<vmem_shared>>) dst(%dma_wait3A_19 : memref<640x128xf32, #tpu.memory_space<hbm>>)
      tpu.yield
    }) : () -> ()
    return
  }
}

#map = affine_map<(d0, d1) -> (0, 0)>
module attributes {stable_mosaic.version = 14 : i64} {
  func.func @_sc_deg(%arg0: i32, %arg1: i32, %arg2: memref<2560x128xi32, #tpu.memory_space<hbm>>, %arg3: memref<128x128xf32, #tpu.memory_space<hbm>>, %arg4: memref<640x128xf32, #tpu.memory_space<hbm>>, %arg5: memref<20480x128xf32, #tpu.memory_space<hbm>>, %arg6: memref<80x128xi32, #tpu.memory_space<vmem>>, %arg7: memref<128x128xf32, #tpu.memory_space<vmem>>, %arg8: memref<!tpu.dma_semaphore, #tpu.memory_space<semaphore_mem>>, %arg9: memref<10240x128xf32, #tpu.memory_space<vmem_shared>>) attributes {dimension_semantics = [#tpu.dimension_semantics<core_parallel>, #tpu.dimension_semantics<subcore_parallel>], iteration_bounds = array<i64: 2, 16>, scalar_prefetch = 0 : i64, scratch_operands = 4 : i64, tpu.core_type = #tpu.core_type<sc_vector_subcore>, window_params = [{transform_indices = #map}, {transform_indices = #map}, {transform_indices = #map}, {transform_indices = #map}]} {
    %mul3A = arith.constant 16 : i32
    %mul3A_0 = arith.muli %arg0, %mul3A : i32
    %add3A = arith.addi %mul3A_0, %arg1 : i32
    %mul3A_1 = arith.constant 80 : i32
    %mul3A_2 = arith.muli %add3A, %mul3A_1 : i32
    "tpu.region"() ({
      %run_scoped3A = tpu.sem_alloc : memref<!tpu.dma_semaphore, #tpu.memory_space<semaphore_mem>>
      %dma_start3A = arith.constant 0 : i32
      %dma_start3A_18 = tpu.memref_slice %arg2[%mul3A_2, %dma_start3A] : memref<2560x128xi32, #tpu.memory_space<hbm>> -> memref<80x128xi32, #tpu.memory_space<hbm>>
      %dma_start3A_19 = arith.constant 0 : i32
      %dma_start3A_20 = tpu.memref_slice %arg2[%mul3A_2, %dma_start3A_19] : memref<2560x128xi32, #tpu.memory_space<hbm>> -> memref<80x128xi32, #tpu.memory_space<hbm>>
      tpu.enqueue_dma source(%dma_start3A_20 : memref<80x128xi32, #tpu.memory_space<hbm>>) target(%arg6 : memref<80x128xi32, #tpu.memory_space<vmem>>) target_semaphore(%run_scoped3A : memref<!tpu.dma_semaphore, #tpu.memory_space<semaphore_mem>>)
      %dma_wait3A = arith.constant 0 : i32
      %dma_wait3A_21 = tpu.memref_slice %arg2[%mul3A_2, %dma_wait3A] : memref<2560x128xi32, #tpu.memory_space<hbm>> -> memref<80x128xi32, #tpu.memory_space<hbm>>
      %dma_wait3A_22 = arith.constant 0 : i32
      %dma_wait3A_23 = tpu.memref_slice %arg2[%mul3A_2, %dma_wait3A_22] : memref<2560x128xi32, #tpu.memory_space<hbm>> -> memref<80x128xi32, #tpu.memory_space<hbm>>
      tpu.wait_dma2 semaphore(%run_scoped3A : memref<!tpu.dma_semaphore, #tpu.memory_space<semaphore_mem>>) src(%dma_wait3A_23 : memref<80x128xi32, #tpu.memory_space<hbm>>) dst(%arg6 : memref<80x128xi32, #tpu.memory_space<vmem>>)
      tpu.yield
    }) : () -> ()
    "tpu.region"() ({
      %run_scoped3A = tpu.sem_alloc : memref<!tpu.dma_semaphore, #tpu.memory_space<semaphore_mem>>
      tpu.enqueue_dma source(%arg3 : memref<128x128xf32, #tpu.memory_space<hbm>>) target(%arg7 : memref<128x128xf32, #tpu.memory_space<vmem>>) target_semaphore(%run_scoped3A : memref<!tpu.dma_semaphore, #tpu.memory_space<semaphore_mem>>)
      tpu.wait_dma2 semaphore(%run_scoped3A : memref<!tpu.dma_semaphore, #tpu.memory_space<semaphore_mem>>) src(%arg3 : memref<128x128xf32, #tpu.memory_space<hbm>>) dst(%arg7 : memref<128x128xf32, #tpu.memory_space<vmem>>)
      tpu.yield
    }) : () -> ()
    %mul3A_3 = arith.constant 640 : i32
    %mul3A_4 = arith.muli %arg1, %mul3A_3 : i32
    "tpu.region"() ({
      %run_scoped3A = tpu.sem_alloc : memref<!tpu.dma_semaphore, #tpu.memory_space<semaphore_mem>>
      %dma_start3A = arith.constant 0 : i32
      %dma_start3A_18 = tpu.memref_slice %arg9[%mul3A_4, %dma_start3A] : memref<10240x128xf32, #tpu.memory_space<vmem_shared>> -> memref<640x128xf32, #tpu.memory_space<vmem_shared>>
      tpu.enqueue_dma source(%arg4 : memref<640x128xf32, #tpu.memory_space<hbm>>) target(%dma_start3A_18 : memref<640x128xf32, #tpu.memory_space<vmem_shared>>) target_semaphore(%run_scoped3A : memref<!tpu.dma_semaphore, #tpu.memory_space<semaphore_mem>>)
      %dma_wait3A = arith.constant 0 : i32
      %dma_wait3A_19 = tpu.memref_slice %arg9[%mul3A_4, %dma_wait3A] : memref<10240x128xf32, #tpu.memory_space<vmem_shared>> -> memref<640x128xf32, #tpu.memory_space<vmem_shared>>
      tpu.wait_dma2 semaphore(%run_scoped3A : memref<!tpu.dma_semaphore, #tpu.memory_space<semaphore_mem>>) src(%arg4 : memref<640x128xf32, #tpu.memory_space<hbm>>) dst(%dma_wait3A_19 : memref<640x128xf32, #tpu.memory_space<vmem_shared>>)
      tpu.yield
    }) : () -> ()
    %barrier3A = arith.constant 0 : index
    tpu.barrier barrier_id(%barrier3A)
    %scan3A = arith.constant 0 : i32
    %scan3A_5 = arith.constant 0 : i32
    %scan3A_6 = arith.constant 5 : i32
    %scan3A_7 = arith.addi %scan3A_5, %scan3A_6 : i32
    %scan3A_8 = arith.constant 1 : i32
    scf.for %scan3A_18 = %scan3A_5 to %scan3A_7 step %scan3A_8  : i32 {
      %mul3A_19 = arith.constant 16 : i32
      %mul3A_20 = arith.muli %scan3A_18, %mul3A_19 : i32
      %add3A_21 = arith.constant 0 : i32
      %add3A_22 = arith.addi %mul3A_20, %add3A_21 : i32
      %dma_start3A = arith.constant 0 : i32
      %dma_start3A_23 = tpu.memref_slice %arg6[%add3A_22, %dma_start3A] : memref<80x128xi32, #tpu.memory_space<vmem>> -> memref<1x128xi32, #tpu.memory_space<vmem>>
      %dma_start3A_24 = tpu.memref_squeeze %dma_start3A_23 : memref<1x128xi32, #tpu.memory_space<vmem>> -> memref<128xi32, #tpu.memory_space<vmem>>
      %dma_start3A_25 = arith.constant 0 : i32
      %dma_start3A_26 = arith.constant 0 : i32
      %dma_start3A_27 = tpu.memref_slice %arg9[%dma_start3A_25, %dma_start3A_26] : memref<10240x128xf32, #tpu.memory_space<vmem_shared>> -> memref<10240x128xf32, #tpu.memory_space<vmem_shared>>
      tpu.enqueue_indirect_dma source(%arg7 : memref<128x128xf32, #tpu.memory_space<vmem>>) target(%dma_start3A_27 : memref<10240x128xf32, #tpu.memory_space<vmem_shared>>) offsets(%dma_start3A_24 : memref<128xi32, #tpu.memory_space<vmem>>) semaphore(%arg8 : memref<!tpu.dma_semaphore, #tpu.memory_space<semaphore_mem>>) {add = true}
      %add3A_28 = arith.constant 1 : i32
      %add3A_29 = arith.addi %mul3A_20, %add3A_28 : i32
      %dma_start3A_30 = arith.constant 0 : i32
      %dma_start3A_31 = tpu.memref_slice %arg6[%add3A_29, %dma_start3A_30] : memref<80x128xi32, #tpu.memory_space<vmem>> -> memref<1x128xi32, #tpu.memory_space<vmem>>
      %dma_start3A_32 = tpu.memref_squeeze %dma_start3A_31 : memref<1x128xi32, #tpu.memory_space<vmem>> -> memref<128xi32, #tpu.memory_space<vmem>>
      %dma_start3A_33 = arith.constant 0 : i32
      %dma_start3A_34 = arith.constant 0 : i32
      %dma_start3A_35 = tpu.memref_slice %arg9[%dma_start3A_33, %dma_start3A_34] : memref<10240x128xf32, #tpu.memory_space<vmem_shared>> -> memref<10240x128xf32, #tpu.memory_space<vmem_shared>>
      tpu.enqueue_indirect_dma source(%arg7 : memref<128x128xf32, #tpu.memory_space<vmem>>) target(%dma_start3A_35 : memref<10240x128xf32, #tpu.memory_space<vmem_shared>>) offsets(%dma_start3A_32 : memref<128xi32, #tpu.memory_space<vmem>>) semaphore(%arg8 : memref<!tpu.dma_semaphore, #tpu.memory_space<semaphore_mem>>) {add = true}
      %add3A_36 = arith.constant 2 : i32
      %add3A_37 = arith.addi %mul3A_20, %add3A_36 : i32
      %dma_start3A_38 = arith.constant 0 : i32
      %dma_start3A_39 = tpu.memref_slice %arg6[%add3A_37, %dma_start3A_38] : memref<80x128xi32, #tpu.memory_space<vmem>> -> memref<1x128xi32, #tpu.memory_space<vmem>>
      %dma_start3A_40 = tpu.memref_squeeze %dma_start3A_39 : memref<1x128xi32, #tpu.memory_space<vmem>> -> memref<128xi32, #tpu.memory_space<vmem>>
      %dma_start3A_41 = arith.constant 0 : i32
      %dma_start3A_42 = arith.constant 0 : i32
      %dma_start3A_43 = tpu.memref_slice %arg9[%dma_start3A_41, %dma_start3A_42] : memref<10240x128xf32, #tpu.memory_space<vmem_shared>> -> memref<10240x128xf32, #tpu.memory_space<vmem_shared>>
      tpu.enqueue_indirect_dma source(%arg7 : memref<128x128xf32, #tpu.memory_space<vmem>>) target(%dma_start3A_43 : memref<10240x128xf32, #tpu.memory_space<vmem_shared>>) offsets(%dma_start3A_40 : memref<128xi32, #tpu.memory_space<vmem>>) semaphore(%arg8 : memref<!tpu.dma_semaphore, #tpu.memory_space<semaphore_mem>>) {add = true}
      %add3A_44 = arith.constant 3 : i32
      %add3A_45 = arith.addi %mul3A_20, %add3A_44 : i32
      %dma_start3A_46 = arith.constant 0 : i32
      %dma_start3A_47 = tpu.memref_slice %arg6[%add3A_45, %dma_start3A_46] : memref<80x128xi32, #tpu.memory_space<vmem>> -> memref<1x128xi32, #tpu.memory_space<vmem>>
      %dma_start3A_48 = tpu.memref_squeeze %dma_start3A_47 : memref<1x128xi32, #tpu.memory_space<vmem>> -> memref<128xi32, #tpu.memory_space<vmem>>
      %dma_start3A_49 = arith.constant 0 : i32
      %dma_start3A_50 = arith.constant 0 : i32
      %dma_start3A_51 = tpu.memref_slice %arg9[%dma_start3A_49, %dma_start3A_50] : memref<10240x128xf32, #tpu.memory_space<vmem_shared>> -> memref<10240x128xf32, #tpu.memory_space<vmem_shared>>
      tpu.enqueue_indirect_dma source(%arg7 : memref<128x128xf32, #tpu.memory_space<vmem>>) target(%dma_start3A_51 : memref<10240x128xf32, #tpu.memory_space<vmem_shared>>) offsets(%dma_start3A_48 : memref<128xi32, #tpu.memory_space<vmem>>) semaphore(%arg8 : memref<!tpu.dma_semaphore, #tpu.memory_space<semaphore_mem>>) {add = true}
      %add3A_52 = arith.constant 4 : i32
      %add3A_53 = arith.addi %mul3A_20, %add3A_52 : i32
      %dma_start3A_54 = arith.constant 0 : i32
      %dma_start3A_55 = tpu.memref_slice %arg6[%add3A_53, %dma_start3A_54] : memref<80x128xi32, #tpu.memory_space<vmem>> -> memref<1x128xi32, #tpu.memory_space<vmem>>
      %dma_start3A_56 = tpu.memref_squeeze %dma_start3A_55 : memref<1x128xi32, #tpu.memory_space<vmem>> -> memref<128xi32, #tpu.memory_space<vmem>>
      %dma_start3A_57 = arith.constant 0 : i32
      %dma_start3A_58 = arith.constant 0 : i32
      %dma_start3A_59 = tpu.memref_slice %arg9[%dma_start3A_57, %dma_start3A_58] : memref<10240x128xf32, #tpu.memory_space<vmem_shared>> -> memref<10240x128xf32, #tpu.memory_space<vmem_shared>>
      tpu.enqueue_indirect_dma source(%arg7 : memref<128x128xf32, #tpu.memory_space<vmem>>) target(%dma_start3A_59 : memref<10240x128xf32, #tpu.memory_space<vmem_shared>>) offsets(%dma_start3A_56 : memref<128xi32, #tpu.memory_space<vmem>>) semaphore(%arg8 : memref<!tpu.dma_semaphore, #tpu.memory_space<semaphore_mem>>) {add = true}
      %add3A_60 = arith.constant 5 : i32
      %add3A_61 = arith.addi %mul3A_20, %add3A_60 : i32
      %dma_start3A_62 = arith.constant 0 : i32
      %dma_start3A_63 = tpu.memref_slice %arg6[%add3A_61, %dma_start3A_62] : memref<80x128xi32, #tpu.memory_space<vmem>> -> memref<1x128xi32, #tpu.memory_space<vmem>>
      %dma_start3A_64 = tpu.memref_squeeze %dma_start3A_63 : memref<1x128xi32, #tpu.memory_space<vmem>> -> memref<128xi32, #tpu.memory_space<vmem>>
      %dma_start3A_65 = arith.constant 0 : i32
      %dma_start3A_66 = arith.constant 0 : i32
      %dma_start3A_67 = tpu.memref_slice %arg9[%dma_start3A_65, %dma_start3A_66] : memref<10240x128xf32, #tpu.memory_space<vmem_shared>> -> memref<10240x128xf32, #tpu.memory_space<vmem_shared>>
      tpu.enqueue_indirect_dma source(%arg7 : memref<128x128xf32, #tpu.memory_space<vmem>>) target(%dma_start3A_67 : memref<10240x128xf32, #tpu.memory_space<vmem_shared>>) offsets(%dma_start3A_64 : memref<128xi32, #tpu.memory_space<vmem>>) semaphore(%arg8 : memref<!tpu.dma_semaphore, #tpu.memory_space<semaphore_mem>>) {add = true}
      %add3A_68 = arith.constant 6 : i32
      %add3A_69 = arith.addi %mul3A_20, %add3A_68 : i32
      %dma_start3A_70 = arith.constant 0 : i32
      %dma_start3A_71 = tpu.memref_slice %arg6[%add3A_69, %dma_start3A_70] : memref<80x128xi32, #tpu.memory_space<vmem>> -> memref<1x128xi32, #tpu.memory_space<vmem>>
      %dma_start3A_72 = tpu.memref_squeeze %dma_start3A_71 : memref<1x128xi32, #tpu.memory_space<vmem>> -> memref<128xi32, #tpu.memory_space<vmem>>
      %dma_start3A_73 = arith.constant 0 : i32
      %dma_start3A_74 = arith.constant 0 : i32
      %dma_start3A_75 = tpu.memref_slice %arg9[%dma_start3A_73, %dma_start3A_74] : memref<10240x128xf32, #tpu.memory_space<vmem_shared>> -> memref<10240x128xf32, #tpu.memory_space<vmem_shared>>
      tpu.enqueue_indirect_dma source(%arg7 : memref<128x128xf32, #tpu.memory_space<vmem>>) target(%dma_start3A_75 : memref<10240x128xf32, #tpu.memory_space<vmem_shared>>) offsets(%dma_start3A_72 : memref<128xi32, #tpu.memory_space<vmem>>) semaphore(%arg8 : memref<!tpu.dma_semaphore, #tpu.memory_space<semaphore_mem>>) {add = true}
      %add3A_76 = arith.constant 7 : i32
      %add3A_77 = arith.addi %mul3A_20, %add3A_76 : i32
      %dma_start3A_78 = arith.constant 0 : i32
      %dma_start3A_79 = tpu.memref_slice %arg6[%add3A_77, %dma_start3A_78] : memref<80x128xi32, #tpu.memory_space<vmem>> -> memref<1x128xi32, #tpu.memory_space<vmem>>
      %dma_start3A_80 = tpu.memref_squeeze %dma_start3A_79 : memref<1x128xi32, #tpu.memory_space<vmem>> -> memref<128xi32, #tpu.memory_space<vmem>>
      %dma_start3A_81 = arith.constant 0 : i32
      %dma_start3A_82 = arith.constant 0 : i32
      %dma_start3A_83 = tpu.memref_slice %arg9[%dma_start3A_81, %dma_start3A_82] : memref<10240x128xf32, #tpu.memory_space<vmem_shared>> -> memref<10240x128xf32, #tpu.memory_space<vmem_shared>>
      tpu.enqueue_indirect_dma source(%arg7 : memref<128x128xf32, #tpu.memory_space<vmem>>) target(%dma_start3A_83 : memref<10240x128xf32, #tpu.memory_space<vmem_shared>>) offsets(%dma_start3A_80 : memref<128xi32, #tpu.memory_space<vmem>>) semaphore(%arg8 : memref<!tpu.dma_semaphore, #tpu.memory_space<semaphore_mem>>) {add = true}
      %add3A_84 = arith.constant 8 : i32
      %add3A_85 = arith.addi %mul3A_20, %add3A_84 : i32
      %dma_start3A_86 = arith.constant 0 : i32
      %dma_start3A_87 = tpu.memref_slice %arg6[%add3A_85, %dma_start3A_86] : memref<80x128xi32, #tpu.memory_space<vmem>> -> memref<1x128xi32, #tpu.memory_space<vmem>>
      %dma_start3A_88 = tpu.memref_squeeze %dma_start3A_87 : memref<1x128xi32, #tpu.memory_space<vmem>> -> memref<128xi32, #tpu.memory_space<vmem>>
      %dma_start3A_89 = arith.constant 0 : i32
      %dma_start3A_90 = arith.constant 0 : i32
      %dma_start3A_91 = tpu.memref_slice %arg9[%dma_start3A_89, %dma_start3A_90] : memref<10240x128xf32, #tpu.memory_space<vmem_shared>> -> memref<10240x128xf32, #tpu.memory_space<vmem_shared>>
      tpu.enqueue_indirect_dma source(%arg7 : memref<128x128xf32, #tpu.memory_space<vmem>>) target(%dma_start3A_91 : memref<10240x128xf32, #tpu.memory_space<vmem_shared>>) offsets(%dma_start3A_88 : memref<128xi32, #tpu.memory_space<vmem>>) semaphore(%arg8 : memref<!tpu.dma_semaphore, #tpu.memory_space<semaphore_mem>>) {add = true}
      %add3A_92 = arith.constant 9 : i32
      %add3A_93 = arith.addi %mul3A_20, %add3A_92 : i32
      %dma_start3A_94 = arith.constant 0 : i32
      %dma_start3A_95 = tpu.memref_slice %arg6[%add3A_93, %dma_start3A_94] : memref<80x128xi32, #tpu.memory_space<vmem>> -> memref<1x128xi32, #tpu.memory_space<vmem>>
      %dma_start3A_96 = tpu.memref_squeeze %dma_start3A_95 : memref<1x128xi32, #tpu.memory_space<vmem>> -> memref<128xi32, #tpu.memory_space<vmem>>
      %dma_start3A_97 = arith.constant 0 : i32
      %dma_start3A_98 = arith.constant 0 : i32
      %dma_start3A_99 = tpu.memref_slice %arg9[%dma_start3A_97, %dma_start3A_98] : memref<10240x128xf32, #tpu.memory_space<vmem_shared>> -> memref<10240x128xf32, #tpu.memory_space<vmem_shared>>
      tpu.enqueue_indirect_dma source(%arg7 : memref<128x128xf32, #tpu.memory_space<vmem>>) target(%dma_start3A_99 : memref<10240x128xf32, #tpu.memory_space<vmem_shared>>) offsets(%dma_start3A_96 : memref<128xi32, #tpu.memory_space<vmem>>) semaphore(%arg8 : memref<!tpu.dma_semaphore, #tpu.memory_space<semaphore_mem>>) {add = true}
      %add3A_100 = arith.constant 10 : i32
      %add3A_101 = arith.addi %mul3A_20, %add3A_100 : i32
      %dma_start3A_102 = arith.constant 0 : i32
      %dma_start3A_103 = tpu.memref_slice %arg6[%add3A_101, %dma_start3A_102] : memref<80x128xi32, #tpu.memory_space<vmem>> -> memref<1x128xi32, #tpu.memory_space<vmem>>
      %dma_start3A_104 = tpu.memref_squeeze %dma_start3A_103 : memref<1x128xi32, #tpu.memory_space<vmem>> -> memref<128xi32, #tpu.memory_space<vmem>>
      %dma_start3A_105 = arith.constant 0 : i32
      %dma_start3A_106 = arith.constant 0 : i32
      %dma_start3A_107 = tpu.memref_slice %arg9[%dma_start3A_105, %dma_start3A_106] : memref<10240x128xf32, #tpu.memory_space<vmem_shared>> -> memref<10240x128xf32, #tpu.memory_space<vmem_shared>>
      tpu.enqueue_indirect_dma source(%arg7 : memref<128x128xf32, #tpu.memory_space<vmem>>) target(%dma_start3A_107 : memref<10240x128xf32, #tpu.memory_space<vmem_shared>>) offsets(%dma_start3A_104 : memref<128xi32, #tpu.memory_space<vmem>>) semaphore(%arg8 : memref<!tpu.dma_semaphore, #tpu.memory_space<semaphore_mem>>) {add = true}
      %add3A_108 = arith.constant 11 : i32
      %add3A_109 = arith.addi %mul3A_20, %add3A_108 : i32
      %dma_start3A_110 = arith.constant 0 : i32
      %dma_start3A_111 = tpu.memref_slice %arg6[%add3A_109, %dma_start3A_110] : memref<80x128xi32, #tpu.memory_space<vmem>> -> memref<1x128xi32, #tpu.memory_space<vmem>>
      %dma_start3A_112 = tpu.memref_squeeze %dma_start3A_111 : memref<1x128xi32, #tpu.memory_space<vmem>> -> memref<128xi32, #tpu.memory_space<vmem>>
      %dma_start3A_113 = arith.constant 0 : i32
      %dma_start3A_114 = arith.constant 0 : i32
      %dma_start3A_115 = tpu.memref_slice %arg9[%dma_start3A_113, %dma_start3A_114] : memref<10240x128xf32, #tpu.memory_space<vmem_shared>> -> memref<10240x128xf32, #tpu.memory_space<vmem_shared>>
      tpu.enqueue_indirect_dma source(%arg7 : memref<128x128xf32, #tpu.memory_space<vmem>>) target(%dma_start3A_115 : memref<10240x128xf32, #tpu.memory_space<vmem_shared>>) offsets(%dma_start3A_112 : memref<128xi32, #tpu.memory_space<vmem>>) semaphore(%arg8 : memref<!tpu.dma_semaphore, #tpu.memory_space<semaphore_mem>>) {add = true}
      %add3A_116 = arith.constant 12 : i32
      %add3A_117 = arith.addi %mul3A_20, %add3A_116 : i32
      %dma_start3A_118 = arith.constant 0 : i32
      %dma_start3A_119 = tpu.memref_slice %arg6[%add3A_117, %dma_start3A_118] : memref<80x128xi32, #tpu.memory_space<vmem>> -> memref<1x128xi32, #tpu.memory_space<vmem>>
      %dma_start3A_120 = tpu.memref_squeeze %dma_start3A_119 : memref<1x128xi32, #tpu.memory_space<vmem>> -> memref<128xi32, #tpu.memory_space<vmem>>
      %dma_start3A_121 = arith.constant 0 : i32
      %dma_start3A_122 = arith.constant 0 : i32
      %dma_start3A_123 = tpu.memref_slice %arg9[%dma_start3A_121, %dma_start3A_122] : memref<10240x128xf32, #tpu.memory_space<vmem_shared>> -> memref<10240x128xf32, #tpu.memory_space<vmem_shared>>
      tpu.enqueue_indirect_dma source(%arg7 : memref<128x128xf32, #tpu.memory_space<vmem>>) target(%dma_start3A_123 : memref<10240x128xf32, #tpu.memory_space<vmem_shared>>) offsets(%dma_start3A_120 : memref<128xi32, #tpu.memory_space<vmem>>) semaphore(%arg8 : memref<!tpu.dma_semaphore, #tpu.memory_space<semaphore_mem>>) {add = true}
      %add3A_124 = arith.constant 13 : i32
      %add3A_125 = arith.addi %mul3A_20, %add3A_124 : i32
      %dma_start3A_126 = arith.constant 0 : i32
      %dma_start3A_127 = tpu.memref_slice %arg6[%add3A_125, %dma_start3A_126] : memref<80x128xi32, #tpu.memory_space<vmem>> -> memref<1x128xi32, #tpu.memory_space<vmem>>
      %dma_start3A_128 = tpu.memref_squeeze %dma_start3A_127 : memref<1x128xi32, #tpu.memory_space<vmem>> -> memref<128xi32, #tpu.memory_space<vmem>>
      %dma_start3A_129 = arith.constant 0 : i32
      %dma_start3A_130 = arith.constant 0 : i32
      %dma_start3A_131 = tpu.memref_slice %arg9[%dma_start3A_129, %dma_start3A_130] : memref<10240x128xf32, #tpu.memory_space<vmem_shared>> -> memref<10240x128xf32, #tpu.memory_space<vmem_shared>>
      tpu.enqueue_indirect_dma source(%arg7 : memref<128x128xf32, #tpu.memory_space<vmem>>) target(%dma_start3A_131 : memref<10240x128xf32, #tpu.memory_space<vmem_shared>>) offsets(%dma_start3A_128 : memref<128xi32, #tpu.memory_space<vmem>>) semaphore(%arg8 : memref<!tpu.dma_semaphore, #tpu.memory_space<semaphore_mem>>) {add = true}
      %add3A_132 = arith.constant 14 : i32
      %add3A_133 = arith.addi %mul3A_20, %add3A_132 : i32
      %dma_start3A_134 = arith.constant 0 : i32
      %dma_start3A_135 = tpu.memref_slice %arg6[%add3A_133, %dma_start3A_134] : memref<80x128xi32, #tpu.memory_space<vmem>> -> memref<1x128xi32, #tpu.memory_space<vmem>>
      %dma_start3A_136 = tpu.memref_squeeze %dma_start3A_135 : memref<1x128xi32, #tpu.memory_space<vmem>> -> memref<128xi32, #tpu.memory_space<vmem>>
      %dma_start3A_137 = arith.constant 0 : i32
      %dma_start3A_138 = arith.constant 0 : i32
      %dma_start3A_139 = tpu.memref_slice %arg9[%dma_start3A_137, %dma_start3A_138] : memref<10240x128xf32, #tpu.memory_space<vmem_shared>> -> memref<10240x128xf32, #tpu.memory_space<vmem_shared>>
      tpu.enqueue_indirect_dma source(%arg7 : memref<128x128xf32, #tpu.memory_space<vmem>>) target(%dma_start3A_139 : memref<10240x128xf32, #tpu.memory_space<vmem_shared>>) offsets(%dma_start3A_136 : memref<128xi32, #tpu.memory_space<vmem>>) semaphore(%arg8 : memref<!tpu.dma_semaphore, #tpu.memory_space<semaphore_mem>>) {add = true}
      %add3A_140 = arith.constant 15 : i32
      %add3A_141 = arith.addi %mul3A_20, %add3A_140 : i32
      %dma_start3A_142 = arith.constant 0 : i32
      %dma_start3A_143 = tpu.memref_slice %arg6[%add3A_141, %dma_start3A_142] : memref<80x128xi32, #tpu.memory_space<vmem>> -> memref<1x128xi32, #tpu.memory_space<vmem>>
      %dma_start3A_144 = tpu.memref_squeeze %dma_start3A_143 : memref<1x128xi32, #tpu.memory_space<vmem>> -> memref<128xi32, #tpu.memory_space<vmem>>
      %dma_start3A_145 = arith.constant 0 : i32
      %dma_start3A_146 = arith.constant 0 : i32
      %dma_start3A_147 = tpu.memref_slice %arg9[%dma_start3A_145, %dma_start3A_146] : memref<10240x128xf32, #tpu.memory_space<vmem_shared>> -> memref<10240x128xf32, #tpu.memory_space<vmem_shared>>
      tpu.enqueue_indirect_dma source(%arg7 : memref<128x128xf32, #tpu.memory_space<vmem>>) target(%dma_start3A_147 : memref<10240x128xf32, #tpu.memory_space<vmem_shared>>) offsets(%dma_start3A_144 : memref<128xi32, #tpu.memory_space<vmem>>) semaphore(%arg8 : memref<!tpu.dma_semaphore, #tpu.memory_space<semaphore_mem>>) {add = true}
      %add3A_148 = arith.constant 0 : i32
      %add3A_149 = arith.addi %mul3A_20, %add3A_148 : i32
      %dma_wait3A = arith.constant 0 : i32
      %dma_wait3A_150 = tpu.memref_slice %arg6[%add3A_149, %dma_wait3A] : memref<80x128xi32, #tpu.memory_space<vmem>> -> memref<1x128xi32, #tpu.memory_space<vmem>>
      %dma_wait3A_151 = tpu.memref_squeeze %dma_wait3A_150 : memref<1x128xi32, #tpu.memory_space<vmem>> -> memref<128xi32, #tpu.memory_space<vmem>>
      %dma_wait3A_152 = arith.constant 0 : i32
      %dma_wait3A_153 = arith.constant 0 : i32
      %dma_wait3A_154 = tpu.memref_slice %arg9[%dma_wait3A_152, %dma_wait3A_153] : memref<10240x128xf32, #tpu.memory_space<vmem_shared>> -> memref<10240x128xf32, #tpu.memory_space<vmem_shared>>
      tpu.wait_indirect_dma semaphore(%arg8 : memref<!tpu.dma_semaphore, #tpu.memory_space<semaphore_mem>>) src(%arg7 : memref<128x128xf32, #tpu.memory_space<vmem>>) dst(%dma_wait3A_154 : memref<10240x128xf32, #tpu.memory_space<vmem_shared>>)
      %add3A_155 = arith.constant 1 : i32
      %add3A_156 = arith.addi %mul3A_20, %add3A_155 : i32
      %dma_wait3A_157 = arith.constant 0 : i32
      %dma_wait3A_158 = tpu.memref_slice %arg6[%add3A_156, %dma_wait3A_157] : memref<80x128xi32, #tpu.memory_space<vmem>> -> memref<1x128xi32, #tpu.memory_space<vmem>>
      %dma_wait3A_159 = tpu.memref_squeeze %dma_wait3A_158 : memref<1x128xi32, #tpu.memory_space<vmem>> -> memref<128xi32, #tpu.memory_space<vmem>>
      %dma_wait3A_160 = arith.constant 0 : i32
      %dma_wait3A_161 = arith.constant 0 : i32
      %dma_wait3A_162 = tpu.memref_slice %arg9[%dma_wait3A_160, %dma_wait3A_161] : memref<10240x128xf32, #tpu.memory_space<vmem_shared>> -> memref<10240x128xf32, #tpu.memory_space<vmem_shared>>
      tpu.wait_indirect_dma semaphore(%arg8 : memref<!tpu.dma_semaphore, #tpu.memory_space<semaphore_mem>>) src(%arg7 : memref<128x128xf32, #tpu.memory_space<vmem>>) dst(%dma_wait3A_162 : memref<10240x128xf32, #tpu.memory_space<vmem_shared>>)
      %add3A_163 = arith.constant 2 : i32
      %add3A_164 = arith.addi %mul3A_20, %add3A_163 : i32
      %dma_wait3A_165 = arith.constant 0 : i32
      %dma_wait3A_166 = tpu.memref_slice %arg6[%add3A_164, %dma_wait3A_165] : memref<80x128xi32, #tpu.memory_space<vmem>> -> memref<1x128xi32, #tpu.memory_space<vmem>>
      %dma_wait3A_167 = tpu.memref_squeeze %dma_wait3A_166 : memref<1x128xi32, #tpu.memory_space<vmem>> -> memref<128xi32, #tpu.memory_space<vmem>>
      %dma_wait3A_168 = arith.constant 0 : i32
      %dma_wait3A_169 = arith.constant 0 : i32
      %dma_wait3A_170 = tpu.memref_slice %arg9[%dma_wait3A_168, %dma_wait3A_169] : memref<10240x128xf32, #tpu.memory_space<vmem_shared>> -> memref<10240x128xf32, #tpu.memory_space<vmem_shared>>
      tpu.wait_indirect_dma semaphore(%arg8 : memref<!tpu.dma_semaphore, #tpu.memory_space<semaphore_mem>>) src(%arg7 : memref<128x128xf32, #tpu.memory_space<vmem>>) dst(%dma_wait3A_170 : memref<10240x128xf32, #tpu.memory_space<vmem_shared>>)
      %add3A_171 = arith.constant 3 : i32
      %add3A_172 = arith.addi %mul3A_20, %add3A_171 : i32
      %dma_wait3A_173 = arith.constant 0 : i32
      %dma_wait3A_174 = tpu.memref_slice %arg6[%add3A_172, %dma_wait3A_173] : memref<80x128xi32, #tpu.memory_space<vmem>> -> memref<1x128xi32, #tpu.memory_space<vmem>>
      %dma_wait3A_175 = tpu.memref_squeeze %dma_wait3A_174 : memref<1x128xi32, #tpu.memory_space<vmem>> -> memref<128xi32, #tpu.memory_space<vmem>>
      %dma_wait3A_176 = arith.constant 0 : i32
      %dma_wait3A_177 = arith.constant 0 : i32
      %dma_wait3A_178 = tpu.memref_slice %arg9[%dma_wait3A_176, %dma_wait3A_177] : memref<10240x128xf32, #tpu.memory_space<vmem_shared>> -> memref<10240x128xf32, #tpu.memory_space<vmem_shared>>
      tpu.wait_indirect_dma semaphore(%arg8 : memref<!tpu.dma_semaphore, #tpu.memory_space<semaphore_mem>>) src(%arg7 : memref<128x128xf32, #tpu.memory_space<vmem>>) dst(%dma_wait3A_178 : memref<10240x128xf32, #tpu.memory_space<vmem_shared>>)
      %add3A_179 = arith.constant 4 : i32
      %add3A_180 = arith.addi %mul3A_20, %add3A_179 : i32
      %dma_wait3A_181 = arith.constant 0 : i32
      %dma_wait3A_182 = tpu.memref_slice %arg6[%add3A_180, %dma_wait3A_181] : memref<80x128xi32, #tpu.memory_space<vmem>> -> memref<1x128xi32, #tpu.memory_space<vmem>>
      %dma_wait3A_183 = tpu.memref_squeeze %dma_wait3A_182 : memref<1x128xi32, #tpu.memory_space<vmem>> -> memref<128xi32, #tpu.memory_space<vmem>>
      %dma_wait3A_184 = arith.constant 0 : i32
      %dma_wait3A_185 = arith.constant 0 : i32
      %dma_wait3A_186 = tpu.memref_slice %arg9[%dma_wait3A_184, %dma_wait3A_185] : memref<10240x128xf32, #tpu.memory_space<vmem_shared>> -> memref<10240x128xf32, #tpu.memory_space<vmem_shared>>
      tpu.wait_indirect_dma semaphore(%arg8 : memref<!tpu.dma_semaphore, #tpu.memory_space<semaphore_mem>>) src(%arg7 : memref<128x128xf32, #tpu.memory_space<vmem>>) dst(%dma_wait3A_186 : memref<10240x128xf32, #tpu.memory_space<vmem_shared>>)
      %add3A_187 = arith.constant 5 : i32
      %add3A_188 = arith.addi %mul3A_20, %add3A_187 : i32
      %dma_wait3A_189 = arith.constant 0 : i32
      %dma_wait3A_190 = tpu.memref_slice %arg6[%add3A_188, %dma_wait3A_189] : memref<80x128xi32, #tpu.memory_space<vmem>> -> memref<1x128xi32, #tpu.memory_space<vmem>>
      %dma_wait3A_191 = tpu.memref_squeeze %dma_wait3A_190 : memref<1x128xi32, #tpu.memory_space<vmem>> -> memref<128xi32, #tpu.memory_space<vmem>>
      %dma_wait3A_192 = arith.constant 0 : i32
      %dma_wait3A_193 = arith.constant 0 : i32
      %dma_wait3A_194 = tpu.memref_slice %arg9[%dma_wait3A_192, %dma_wait3A_193] : memref<10240x128xf32, #tpu.memory_space<vmem_shared>> -> memref<10240x128xf32, #tpu.memory_space<vmem_shared>>
      tpu.wait_indirect_dma semaphore(%arg8 : memref<!tpu.dma_semaphore, #tpu.memory_space<semaphore_mem>>) src(%arg7 : memref<128x128xf32, #tpu.memory_space<vmem>>) dst(%dma_wait3A_194 : memref<10240x128xf32, #tpu.memory_space<vmem_shared>>)
      %add3A_195 = arith.constant 6 : i32
      %add3A_196 = arith.addi %mul3A_20, %add3A_195 : i32
      %dma_wait3A_197 = arith.constant 0 : i32
      %dma_wait3A_198 = tpu.memref_slice %arg6[%add3A_196, %dma_wait3A_197] : memref<80x128xi32, #tpu.memory_space<vmem>> -> memref<1x128xi32, #tpu.memory_space<vmem>>
      %dma_wait3A_199 = tpu.memref_squeeze %dma_wait3A_198 : memref<1x128xi32, #tpu.memory_space<vmem>> -> memref<128xi32, #tpu.memory_space<vmem>>
      %dma_wait3A_200 = arith.constant 0 : i32
      %dma_wait3A_201 = arith.constant 0 : i32
      %dma_wait3A_202 = tpu.memref_slice %arg9[%dma_wait3A_200, %dma_wait3A_201] : memref<10240x128xf32, #tpu.memory_space<vmem_shared>> -> memref<10240x128xf32, #tpu.memory_space<vmem_shared>>
      tpu.wait_indirect_dma semaphore(%arg8 : memref<!tpu.dma_semaphore, #tpu.memory_space<semaphore_mem>>) src(%arg7 : memref<128x128xf32, #tpu.memory_space<vmem>>) dst(%dma_wait3A_202 : memref<10240x128xf32, #tpu.memory_space<vmem_shared>>)
      %add3A_203 = arith.constant 7 : i32
      %add3A_204 = arith.addi %mul3A_20, %add3A_203 : i32
      %dma_wait3A_205 = arith.constant 0 : i32
      %dma_wait3A_206 = tpu.memref_slice %arg6[%add3A_204, %dma_wait3A_205] : memref<80x128xi32, #tpu.memory_space<vmem>> -> memref<1x128xi32, #tpu.memory_space<vmem>>
      %dma_wait3A_207 = tpu.memref_squeeze %dma_wait3A_206 : memref<1x128xi32, #tpu.memory_space<vmem>> -> memref<128xi32, #tpu.memory_space<vmem>>
      %dma_wait3A_208 = arith.constant 0 : i32
      %dma_wait3A_209 = arith.constant 0 : i32
      %dma_wait3A_210 = tpu.memref_slice %arg9[%dma_wait3A_208, %dma_wait3A_209] : memref<10240x128xf32, #tpu.memory_space<vmem_shared>> -> memref<10240x128xf32, #tpu.memory_space<vmem_shared>>
      tpu.wait_indirect_dma semaphore(%arg8 : memref<!tpu.dma_semaphore, #tpu.memory_space<semaphore_mem>>) src(%arg7 : memref<128x128xf32, #tpu.memory_space<vmem>>) dst(%dma_wait3A_210 : memref<10240x128xf32, #tpu.memory_space<vmem_shared>>)
      %add3A_211 = arith.constant 8 : i32
      %add3A_212 = arith.addi %mul3A_20, %add3A_211 : i32
      %dma_wait3A_213 = arith.constant 0 : i32
      %dma_wait3A_214 = tpu.memref_slice %arg6[%add3A_212, %dma_wait3A_213] : memref<80x128xi32, #tpu.memory_space<vmem>> -> memref<1x128xi32, #tpu.memory_space<vmem>>
      %dma_wait3A_215 = tpu.memref_squeeze %dma_wait3A_214 : memref<1x128xi32, #tpu.memory_space<vmem>> -> memref<128xi32, #tpu.memory_space<vmem>>
      %dma_wait3A_216 = arith.constant 0 : i32
      %dma_wait3A_217 = arith.constant 0 : i32
      %dma_wait3A_218 = tpu.memref_slice %arg9[%dma_wait3A_216, %dma_wait3A_217] : memref<10240x128xf32, #tpu.memory_space<vmem_shared>> -> memref<10240x128xf32, #tpu.memory_space<vmem_shared>>
      tpu.wait_indirect_dma semaphore(%arg8 : memref<!tpu.dma_semaphore, #tpu.memory_space<semaphore_mem>>) src(%arg7 : memref<128x128xf32, #tpu.memory_space<vmem>>) dst(%dma_wait3A_218 : memref<10240x128xf32, #tpu.memory_space<vmem_shared>>)
      %add3A_219 = arith.constant 9 : i32
      %add3A_220 = arith.addi %mul3A_20, %add3A_219 : i32
      %dma_wait3A_221 = arith.constant 0 : i32
      %dma_wait3A_222 = tpu.memref_slice %arg6[%add3A_220, %dma_wait3A_221] : memref<80x128xi32, #tpu.memory_space<vmem>> -> memref<1x128xi32, #tpu.memory_space<vmem>>
      %dma_wait3A_223 = tpu.memref_squeeze %dma_wait3A_222 : memref<1x128xi32, #tpu.memory_space<vmem>> -> memref<128xi32, #tpu.memory_space<vmem>>
      %dma_wait3A_224 = arith.constant 0 : i32
      %dma_wait3A_225 = arith.constant 0 : i32
      %dma_wait3A_226 = tpu.memref_slice %arg9[%dma_wait3A_224, %dma_wait3A_225] : memref<10240x128xf32, #tpu.memory_space<vmem_shared>> -> memref<10240x128xf32, #tpu.memory_space<vmem_shared>>
      tpu.wait_indirect_dma semaphore(%arg8 : memref<!tpu.dma_semaphore, #tpu.memory_space<semaphore_mem>>) src(%arg7 : memref<128x128xf32, #tpu.memory_space<vmem>>) dst(%dma_wait3A_226 : memref<10240x128xf32, #tpu.memory_space<vmem_shared>>)
      %add3A_227 = arith.constant 10 : i32
      %add3A_228 = arith.addi %mul3A_20, %add3A_227 : i32
      %dma_wait3A_229 = arith.constant 0 : i32
      %dma_wait3A_230 = tpu.memref_slice %arg6[%add3A_228, %dma_wait3A_229] : memref<80x128xi32, #tpu.memory_space<vmem>> -> memref<1x128xi32, #tpu.memory_space<vmem>>
      %dma_wait3A_231 = tpu.memref_squeeze %dma_wait3A_230 : memref<1x128xi32, #tpu.memory_space<vmem>> -> memref<128xi32, #tpu.memory_space<vmem>>
      %dma_wait3A_232 = arith.constant 0 : i32
      %dma_wait3A_233 = arith.constant 0 : i32
      %dma_wait3A_234 = tpu.memref_slice %arg9[%dma_wait3A_232, %dma_wait3A_233] : memref<10240x128xf32, #tpu.memory_space<vmem_shared>> -> memref<10240x128xf32, #tpu.memory_space<vmem_shared>>
      tpu.wait_indirect_dma semaphore(%arg8 : memref<!tpu.dma_semaphore, #tpu.memory_space<semaphore_mem>>) src(%arg7 : memref<128x128xf32, #tpu.memory_space<vmem>>) dst(%dma_wait3A_234 : memref<10240x128xf32, #tpu.memory_space<vmem_shared>>)
      %add3A_235 = arith.constant 11 : i32
      %add3A_236 = arith.addi %mul3A_20, %add3A_235 : i32
      %dma_wait3A_237 = arith.constant 0 : i32
      %dma_wait3A_238 = tpu.memref_slice %arg6[%add3A_236, %dma_wait3A_237] : memref<80x128xi32, #tpu.memory_space<vmem>> -> memref<1x128xi32, #tpu.memory_space<vmem>>
      %dma_wait3A_239 = tpu.memref_squeeze %dma_wait3A_238 : memref<1x128xi32, #tpu.memory_space<vmem>> -> memref<128xi32, #tpu.memory_space<vmem>>
      %dma_wait3A_240 = arith.constant 0 : i32
      %dma_wait3A_241 = arith.constant 0 : i32
      %dma_wait3A_242 = tpu.memref_slice %arg9[%dma_wait3A_240, %dma_wait3A_241] : memref<10240x128xf32, #tpu.memory_space<vmem_shared>> -> memref<10240x128xf32, #tpu.memory_space<vmem_shared>>
      tpu.wait_indirect_dma semaphore(%arg8 : memref<!tpu.dma_semaphore, #tpu.memory_space<semaphore_mem>>) src(%arg7 : memref<128x128xf32, #tpu.memory_space<vmem>>) dst(%dma_wait3A_242 : memref<10240x128xf32, #tpu.memory_space<vmem_shared>>)
      %add3A_243 = arith.constant 12 : i32
      %add3A_244 = arith.addi %mul3A_20, %add3A_243 : i32
      %dma_wait3A_245 = arith.constant 0 : i32
      %dma_wait3A_246 = tpu.memref_slice %arg6[%add3A_244, %dma_wait3A_245] : memref<80x128xi32, #tpu.memory_space<vmem>> -> memref<1x128xi32, #tpu.memory_space<vmem>>
      %dma_wait3A_247 = tpu.memref_squeeze %dma_wait3A_246 : memref<1x128xi32, #tpu.memory_space<vmem>> -> memref<128xi32, #tpu.memory_space<vmem>>
      %dma_wait3A_248 = arith.constant 0 : i32
      %dma_wait3A_249 = arith.constant 0 : i32
      %dma_wait3A_250 = tpu.memref_slice %arg9[%dma_wait3A_248, %dma_wait3A_249] : memref<10240x128xf32, #tpu.memory_space<vmem_shared>> -> memref<10240x128xf32, #tpu.memory_space<vmem_shared>>
      tpu.wait_indirect_dma semaphore(%arg8 : memref<!tpu.dma_semaphore, #tpu.memory_space<semaphore_mem>>) src(%arg7 : memref<128x128xf32, #tpu.memory_space<vmem>>) dst(%dma_wait3A_250 : memref<10240x128xf32, #tpu.memory_space<vmem_shared>>)
      %add3A_251 = arith.constant 13 : i32
      %add3A_252 = arith.addi %mul3A_20, %add3A_251 : i32
      %dma_wait3A_253 = arith.constant 0 : i32
      %dma_wait3A_254 = tpu.memref_slice %arg6[%add3A_252, %dma_wait3A_253] : memref<80x128xi32, #tpu.memory_space<vmem>> -> memref<1x128xi32, #tpu.memory_space<vmem>>
      %dma_wait3A_255 = tpu.memref_squeeze %dma_wait3A_254 : memref<1x128xi32, #tpu.memory_space<vmem>> -> memref<128xi32, #tpu.memory_space<vmem>>
      %dma_wait3A_256 = arith.constant 0 : i32
      %dma_wait3A_257 = arith.constant 0 : i32
      %dma_wait3A_258 = tpu.memref_slice %arg9[%dma_wait3A_256, %dma_wait3A_257] : memref<10240x128xf32, #tpu.memory_space<vmem_shared>> -> memref<10240x128xf32, #tpu.memory_space<vmem_shared>>
      tpu.wait_indirect_dma semaphore(%arg8 : memref<!tpu.dma_semaphore, #tpu.memory_space<semaphore_mem>>) src(%arg7 : memref<128x128xf32, #tpu.memory_space<vmem>>) dst(%dma_wait3A_258 : memref<10240x128xf32, #tpu.memory_space<vmem_shared>>)
      %add3A_259 = arith.constant 14 : i32
      %add3A_260 = arith.addi %mul3A_20, %add3A_259 : i32
      %dma_wait3A_261 = arith.constant 0 : i32
      %dma_wait3A_262 = tpu.memref_slice %arg6[%add3A_260, %dma_wait3A_261] : memref<80x128xi32, #tpu.memory_space<vmem>> -> memref<1x128xi32, #tpu.memory_space<vmem>>
      %dma_wait3A_263 = tpu.memref_squeeze %dma_wait3A_262 : memref<1x128xi32, #tpu.memory_space<vmem>> -> memref<128xi32, #tpu.memory_space<vmem>>
      %dma_wait3A_264 = arith.constant 0 : i32
      %dma_wait3A_265 = arith.constant 0 : i32
      %dma_wait3A_266 = tpu.memref_slice %arg9[%dma_wait3A_264, %dma_wait3A_265] : memref<10240x128xf32, #tpu.memory_space<vmem_shared>> -> memref<10240x128xf32, #tpu.memory_space<vmem_shared>>
      tpu.wait_indirect_dma semaphore(%arg8 : memref<!tpu.dma_semaphore, #tpu.memory_space<semaphore_mem>>) src(%arg7 : memref<128x128xf32, #tpu.memory_space<vmem>>) dst(%dma_wait3A_266 : memref<10240x128xf32, #tpu.memory_space<vmem_shared>>)
      %add3A_267 = arith.constant 15 : i32
      %add3A_268 = arith.addi %mul3A_20, %add3A_267 : i32
      %dma_wait3A_269 = arith.constant 0 : i32
      %dma_wait3A_270 = tpu.memref_slice %arg6[%add3A_268, %dma_wait3A_269] : memref<80x128xi32, #tpu.memory_space<vmem>> -> memref<1x128xi32, #tpu.memory_space<vmem>>
      %dma_wait3A_271 = tpu.memref_squeeze %dma_wait3A_270 : memref<1x128xi32, #tpu.memory_space<vmem>> -> memref<128xi32, #tpu.memory_space<vmem>>
      %dma_wait3A_272 = arith.constant 0 : i32
      %dma_wait3A_273 = arith.constant 0 : i32
      %dma_wait3A_274 = tpu.memref_slice %arg9[%dma_wait3A_272, %dma_wait3A_273] : memref<10240x128xf32, #tpu.memory_space<vmem_shared>> -> memref<10240x128xf32, #tpu.memory_space<vmem_shared>>
      tpu.wait_indirect_dma semaphore(%arg8 : memref<!tpu.dma_semaphore, #tpu.memory_space<semaphore_mem>>) src(%arg7 : memref<128x128xf32, #tpu.memory_space<vmem>>) dst(%dma_wait3A_274 : memref<10240x128xf32, #tpu.memory_space<vmem_shared>>)
    }
    %scan3A_9 = arith.constant 5 : i32
    %barrier3A_10 = arith.constant 0 : index
    tpu.barrier barrier_id(%barrier3A_10)
    %mul3A_11 = arith.constant 640 : i32
    %mul3A_12 = arith.muli %arg1, %mul3A_11 : i32
    %mul3A_13 = arith.constant 10240 : i32
    %mul3A_14 = arith.muli %arg0, %mul3A_13 : i32
    %mul3A_15 = arith.constant 640 : i32
    %mul3A_16 = arith.muli %arg1, %mul3A_15 : i32
    %add3A_17 = arith.addi %mul3A_14, %mul3A_16 : i32
    "tpu.region"() ({
      %run_scoped3A = tpu.sem_alloc : memref<!tpu.dma_semaphore, #tpu.memory_space<semaphore_mem>>
      %dma_start3A = arith.constant 0 : i32
      %dma_start3A_18 = tpu.memref_slice %arg5[%add3A_17, %dma_start3A] : memref<20480x128xf32, #tpu.memory_space<hbm>> -> memref<640x128xf32, #tpu.memory_space<hbm>>
      %dma_start3A_19 = arith.constant 0 : i32
      %dma_start3A_20 = tpu.memref_slice %arg9[%mul3A_12, %dma_start3A_19] : memref<10240x128xf32, #tpu.memory_space<vmem_shared>> -> memref<640x128xf32, #tpu.memory_space<vmem_shared>>
      tpu.enqueue_dma source(%dma_start3A_20 : memref<640x128xf32, #tpu.memory_space<vmem_shared>>) target(%dma_start3A_18 : memref<640x128xf32, #tpu.memory_space<hbm>>) target_semaphore(%run_scoped3A : memref<!tpu.dma_semaphore, #tpu.memory_space<semaphore_mem>>)
      %dma_wait3A = arith.constant 0 : i32
      %dma_wait3A_21 = tpu.memref_slice %arg5[%add3A_17, %dma_wait3A] : memref<20480x128xf32, #tpu.memory_space<hbm>> -> memref<640x128xf32, #tpu.memory_space<hbm>>
      %dma_wait3A_22 = arith.constant 0 : i32
      %dma_wait3A_23 = tpu.memref_slice %arg9[%mul3A_12, %dma_wait3A_22] : memref<10240x128xf32, #tpu.memory_space<vmem_shared>> -> memref<640x128xf32, #tpu.memory_space<vmem_shared>>
      tpu.wait_dma2 semaphore(%run_scoped3A : memref<!tpu.dma_semaphore, #tpu.memory_space<semaphore_mem>>) src(%dma_wait3A_23 : memref<640x128xf32, #tpu.memory_space<vmem_shared>>) dst(%dma_wait3A_21 : memref<640x128xf32, #tpu.memory_space<hbm>>)
      tpu.yield
    }) : () -> ()
    return
  }
}

module attributes {stable_mosaic.version = 14 : i64} {
  func.func @_tc_hs1_body(%arg0: i32, %arg1: memref<512x128xf32, #tpu.memory_space<vmem>>, %arg2: memref<128x128xf32, #tpu.memory_space<vmem>>, %arg3: memref<2x512x128xf32, #tpu.memory_space<vmem>>, %arg4: memref<512x128xf32, #tpu.memory_space<vmem>>) attributes {dimension_semantics = [#tpu.dimension_semantics<arbitrary>], iteration_bounds = array<i64: 20>, scalar_prefetch = 0 : i64, scratch_operands = 0 : i64, tpu.core_type = #tpu.core_type<tc>, window_params = [{transform_indices = @transform_0, window_bounds = array<i64: 512, 128>}, {pipeline_mode = #tpu.pipeline_mode<synchronous>, transform_indices = @transform_1, window_bounds = array<i64: 128, 128>}, {transform_indices = @transform_2, window_bounds = array<i64: 2, 512, 128>}, {transform_indices = @transform_3, window_bounds = array<i64: 512, 128>}]} {
    %get3A = arith.constant 0 : index
    %get3A_0 = arith.constant 0 : index
    %get3A_1 = vector.load %arg1[%get3A, %get3A_0] : memref<512x128xf32, #tpu.memory_space<vmem>>, vector<512x128xf32>
    %get3A_2 = arith.constant 0 : index
    %get3A_3 = arith.constant 0 : index
    %get3A_4 = vector.load %arg2[%get3A_2, %get3A_3] : memref<128x128xf32, #tpu.memory_space<vmem>>, vector<128x128xf32>
    %dot_general3A = arith.constant dense<0.000000e+00> : vector<512x128xf32>
    %dot_general3A_5 = tpu.matmul %get3A_1, %get3A_4, %dot_general3A {dimension_numbers = #tpu.dot_dimension_numbers<[1], [0], [0], [1], [0, 0, 1, 1], [], []>, transpose_lhs_hint = false} : vector<512x128xf32>, vector<128x128xf32>, vector<512x128xf32> -> vector<512x128xf32>
    %get3A_6 = arith.constant 0 : index
    %get3A_7 = arith.constant 0 : index
    %get3A_8 = arith.constant 0 : index
    %get3A_9 = vector.load %arg3[%get3A_6, %get3A_7, %get3A_8] : memref<2x512x128xf32, #tpu.memory_space<vmem>>, vector<1x512x1xf32>
    %get3A_10 = vector.shape_cast %get3A_9 : vector<1x512x1xf32> to vector<512x1xf32>
    %get3A_11 = arith.constant 1 : index
    %get3A_12 = arith.constant 0 : index
    %get3A_13 = arith.constant 0 : index
    %get3A_14 = vector.load %arg3[%get3A_11, %get3A_12, %get3A_13] : memref<2x512x128xf32, #tpu.memory_space<vmem>>, vector<1x512x1xf32>
    %get3A_15 = vector.shape_cast %get3A_14 : vector<1x512x1xf32> to vector<512x1xf32>
    %add3A = arith.addf %get3A_10, %get3A_15 : vector<512x1xf32>
    %add3A_16 = arith.constant 1.000000e+00 : f32
    %add3A_17 = vector.broadcast %add3A_16 : f32 to vector<512x1xf32>
    %add3A_18 = arith.addf %add3A, %add3A_17 : vector<512x1xf32>
    %rsqrt3A = math.rsqrt %add3A_18 : vector<512x1xf32>
    %mul3A = vector.broadcast %rsqrt3A : vector<512x1xf32> to vector<512x128xf32>
    %mul3A_19 = arith.mulf %dot_general3A_5, %mul3A : vector<512x128xf32>
    %swap3A = arith.constant 0 : index
    %swap3A_20 = arith.constant 0 : index
    %swap3A_21 = vector.load %arg4[%swap3A, %swap3A_20] : memref<512x128xf32, #tpu.memory_space<vmem>>, vector<512x128xf32>
    tpu.vector_store %arg4[%swap3A, %swap3A_20], %mul3A_19 {strides = array<i32>} : memref<512x128xf32, #tpu.memory_space<vmem>>, vector<512x128xf32>,
    return
  }
  func.func @transform_0(%arg0: i32) -> (i32, i32) {
    %c0_i32 = arith.constant 0 : i32
    %c0_i32_0 = arith.constant 0 : i32
    return %arg0, %c0_i32 : i32, i32
  }
  func.func @transform_1(%arg0: i32) -> (i32, i32) {
    %c0_i32 = arith.constant 0 : i32
    %c0_i32_0 = arith.constant 0 : i32
    %c0_i32_1 = arith.constant 0 : i32
    return %c0_i32, %c0_i32_0 : i32, i32
  }
  func.func @transform_2(%arg0: i32) -> (i32, i32, i32) {
    %c0_i32 = arith.constant 0 : i32
    %c0_i32_0 = arith.constant 0 : i32
    %c0_i32_1 = arith.constant 0 : i32
    return %c0_i32, %arg0, %c0_i32_0 : i32, i32, i32
  }
  func.func @transform_3(%arg0: i32) -> (i32, i32) {
    %c0_i32 = arith.constant 0 : i32
    %c0_i32_0 = arith.constant 0 : i32
    return %arg0, %c0_i32 : i32, i32
  }
}

module attributes {stable_mosaic.version = 14 : i64} {
  func.func @_tc_mid_body(%arg0: i32, %arg1: memref<2x512x128xf32, #tpu.memory_space<vmem>>, %arg2: memref<2x512x128xf32, #tpu.memory_space<vmem>>, %arg3: memref<512x128xf32, #tpu.memory_space<vmem>>, %arg4: memref<1x128xf32, #tpu.memory_space<vmem>>, %arg5: memref<128x128xf32, #tpu.memory_space<vmem>>, %arg6: memref<512x128xf32, #tpu.memory_space<vmem>>) attributes {dimension_semantics = [#tpu.dimension_semantics<arbitrary>], iteration_bounds = array<i64: 20>, scalar_prefetch = 0 : i64, scratch_operands = 0 : i64, tpu.core_type = #tpu.core_type<tc>, window_params = [{transform_indices = @transform_0, window_bounds = array<i64: 2, 512, 128>}, {transform_indices = @transform_1, window_bounds = array<i64: 2, 512, 128>}, {transform_indices = @transform_2, window_bounds = array<i64: 512, 128>}, {pipeline_mode = #tpu.pipeline_mode<synchronous>, transform_indices = @transform_3, window_bounds = array<i64: 1, 128>}, {pipeline_mode = #tpu.pipeline_mode<synchronous>, transform_indices = @transform_4, window_bounds = array<i64: 128, 128>}, {transform_indices = @transform_5, window_bounds = array<i64: 512, 128>}]} {
    %get3A = arith.constant 0 : index
    %get3A_0 = arith.constant 0 : index
    %get3A_1 = arith.constant 0 : index
    %get3A_2 = vector.load %arg1[%get3A, %get3A_0, %get3A_1] : memref<2x512x128xf32, #tpu.memory_space<vmem>>, vector<1x512x1xf32>
    %get3A_3 = vector.shape_cast %get3A_2 : vector<1x512x1xf32> to vector<512x1xf32>
    %get3A_4 = arith.constant 1 : index
    %get3A_5 = arith.constant 0 : index
    %get3A_6 = arith.constant 0 : index
    %get3A_7 = vector.load %arg1[%get3A_4, %get3A_5, %get3A_6] : memref<2x512x128xf32, #tpu.memory_space<vmem>>, vector<1x512x1xf32>
    %get3A_8 = vector.shape_cast %get3A_7 : vector<1x512x1xf32> to vector<512x1xf32>
    %add3A = arith.addf %get3A_3, %get3A_8 : vector<512x1xf32>
    %add3A_9 = arith.constant 1.000000e+00 : f32
    %add3A_10 = vector.broadcast %add3A_9 : f32 to vector<512x1xf32>
    %add3A_11 = arith.addf %add3A, %add3A_10 : vector<512x1xf32>
    %rsqrt3A = math.rsqrt %add3A_11 : vector<512x1xf32>
    %get3A_12 = arith.constant 0 : index
    %get3A_13 = arith.constant 0 : index
    %get3A_14 = arith.constant 0 : index
    %get3A_15 = vector.load %arg2[%get3A_12, %get3A_13, %get3A_14] : memref<2x512x128xf32, #tpu.memory_space<vmem>>, vector<1x512x128xf32>
    %get3A_16 = vector.shape_cast %get3A_15 : vector<1x512x128xf32> to vector<512x128xf32>
    %get3A_17 = arith.constant 1 : index
    %get3A_18 = arith.constant 0 : index
    %get3A_19 = arith.constant 0 : index
    %get3A_20 = vector.load %arg2[%get3A_17, %get3A_18, %get3A_19] : memref<2x512x128xf32, #tpu.memory_space<vmem>>, vector<1x512x128xf32>
    %get3A_21 = vector.shape_cast %get3A_20 : vector<1x512x128xf32> to vector<512x128xf32>
    %add3A_22 = arith.addf %get3A_16, %get3A_21 : vector<512x128xf32>
    %get3A_23 = arith.constant 0 : index
    %get3A_24 = arith.constant 0 : index
    %get3A_25 = vector.load %arg3[%get3A_23, %get3A_24] : memref<512x128xf32, #tpu.memory_space<vmem>>, vector<512x128xf32>
    %add3A_26 = arith.addf %add3A_22, %get3A_25 : vector<512x128xf32>
    %mul3A = vector.broadcast %rsqrt3A : vector<512x1xf32> to vector<512x128xf32>
    %mul3A_27 = arith.mulf %add3A_26, %mul3A : vector<512x128xf32>
    %get3A_28 = arith.constant 0 : index
    %get3A_29 = arith.constant 0 : index
    %get3A_30 = vector.load %arg4[%get3A_28, %get3A_29] : memref<1x128xf32, #tpu.memory_space<vmem>>, vector<1x128xf32>
    %add3A_31 = vector.broadcast %get3A_30 : vector<1x128xf32> to vector<512x128xf32>
    %add3A_32 = arith.addf %mul3A_27, %add3A_31 : vector<512x128xf32>
    %max3A = arith.constant 0.000000e+00 : f32
    %max3A_33 = vector.broadcast %max3A : f32 to vector<512x128xf32>
    %max3A_34 = arith.maximumf %add3A_32, %max3A_33 : vector<512x128xf32>
    %get3A_35 = arith.constant 0 : index
    %get3A_36 = arith.constant 0 : index
    %get3A_37 = vector.load %arg5[%get3A_35, %get3A_36] : memref<128x128xf32, #tpu.memory_space<vmem>>, vector<128x128xf32>
    %dot_general3A = arith.constant dense<0.000000e+00> : vector<512x128xf32>
    %dot_general3A_38 = tpu.matmul %max3A_34, %get3A_37, %dot_general3A {dimension_numbers = #tpu.dot_dimension_numbers<[1], [0], [0], [1], [0, 0, 1, 1], [], []>, transpose_lhs_hint = false} : vector<512x128xf32>, vector<128x128xf32>, vector<512x128xf32> -> vector<512x128xf32>
    %mul3A_39 = vector.broadcast %rsqrt3A : vector<512x1xf32> to vector<512x128xf32>
    %mul3A_40 = arith.mulf %dot_general3A_38, %mul3A_39 : vector<512x128xf32>
    %swap3A = arith.constant 0 : index
    %swap3A_41 = arith.constant 0 : index
    %swap3A_42 = vector.load %arg6[%swap3A, %swap3A_41] : memref<512x128xf32, #tpu.memory_space<vmem>>, vector<512x128xf32>
    tpu.vector_store %arg6[%swap3A, %swap3A_41], %mul3A_40 {strides = array<i32>} : memref<512x128xf32, #tpu.memory_space<vmem>>, vector<512x128xf32>,
    return
  }
  func.func @transform_0(%arg0: i32) -> (i32, i32, i32) {
    %c0_i32 = arith.constant 0 : i32
    %c0_i32_0 = arith.constant 0 : i32
    %c0_i32_1 = arith.constant 0 : i32
    return %c0_i32, %arg0, %c0_i32_0 : i32, i32, i32
  }
  func.func @transform_1(%arg0: i32) -> (i32, i32, i32) {
    %c0_i32 = arith.constant 0 : i32
    %c0_i32_0 = arith.constant 0 : i32
    %c0_i32_1 = arith.constant 0 : i32
    return %c0_i32, %arg0, %c0_i32_0 : i32, i32, i32
  }
  func.func @transform_2(%arg0: i32) -> (i32, i32) {
    %c0_i32 = arith.constant 0 : i32
    %c0_i32_0 = arith.constant 0 : i32
    return %arg0, %c0_i32 : i32, i32
  }
  func.func @transform_3(%arg0: i32) -> (i32, i32) {
    %c0_i32 = arith.constant 0 : i32
    %c0_i32_0 = arith.constant 0 : i32
    %c0_i32_1 = arith.constant 0 : i32
    return %c0_i32, %c0_i32_0 : i32, i32
  }
  func.func @transform_4(%arg0: i32) -> (i32, i32) {
    %c0_i32 = arith.constant 0 : i32
    %c0_i32_0 = arith.constant 0 : i32
    %c0_i32_1 = arith.constant 0 : i32
    return %c0_i32, %c0_i32_0 : i32, i32
  }
  func.func @transform_5(%arg0: i32) -> (i32, i32) {
    %c0_i32 = arith.constant 0 : i32
    %c0_i32_0 = arith.constant 0 : i32
    return %arg0, %c0_i32 : i32, i32
  }
}

module attributes {stable_mosaic.version = 14 : i64} {
  func.func @_tc_final_body(%arg0: i32, %arg1: memref<2x512x128xf32, #tpu.memory_space<vmem>>, %arg2: memref<2x512x128xf32, #tpu.memory_space<vmem>>, %arg3: memref<512x128xf32, #tpu.memory_space<vmem>>, %arg4: memref<1x128xf32, #tpu.memory_space<vmem>>, %arg5: memref<1x1x512xi32, #tpu.memory_space<vmem>>, %arg6: memref<1x128xf32, #tpu.memory_space<vmem>>, %arg7: memref<1x1xf32, #tpu.memory_space<vmem>>, %arg8: memref<64x128xf32, #tpu.memory_space<vmem>>, %arg9: memref<64x128xf32, #tpu.memory_space<vmem>>, %arg10: memref<64x128xf32, #tpu.memory_space<vmem>>) attributes {dimension_semantics = [#tpu.dimension_semantics<arbitrary>], iteration_bounds = array<i64: 20>, scalar_prefetch = 0 : i64, scratch_operands = 2 : i64, tpu.core_type = #tpu.core_type<tc>, window_params = [{transform_indices = @transform_0, window_bounds = array<i64: 2, 512, 128>}, {transform_indices = @transform_1, window_bounds = array<i64: 2, 512, 128>}, {transform_indices = @transform_2, window_bounds = array<i64: 512, 128>}, {pipeline_mode = #tpu.pipeline_mode<synchronous>, transform_indices = @transform_3, window_bounds = array<i64: 1, 128>}, {transform_indices = @transform_4, window_bounds = array<i64: 1, 1, 512>}, {pipeline_mode = #tpu.pipeline_mode<synchronous>, transform_indices = @transform_5, window_bounds = array<i64: 1, 128>}, {pipeline_mode = #tpu.pipeline_mode<synchronous>, transform_indices = @transform_6, window_bounds = array<i64: 1, 1>}, {pipeline_mode = #tpu.pipeline_mode<synchronous>, transform_indices = @transform_7, window_bounds = array<i64: 64, 128>}]} {
    %eq3A = arith.constant 0 : i32
    %eq3A_0 = arith.cmpi eq, %arg0, %eq3A : i32
    %convert_element_type3A = arith.extui %eq3A_0 : i1 to i32
    %cond3A = arith.constant 0 : i32
    %cond3A_1 = arith.cmpi ne, %convert_element_type3A, %cond3A : i32
    scf.if %cond3A_1 {
      %broadcast_in_dim3A_66 = arith.constant 0.000000e+00 : f32
      %broadcast_in_dim3A_67 = vector.broadcast %broadcast_in_dim3A_66 : f32 to vector<64x128xf32>
      %swap3A_68 = arith.constant 0 : index
      %swap3A_69 = arith.constant 0 : index
      %swap3A_70 = vector.load %arg9[%swap3A_68, %swap3A_69] : memref<64x128xf32, #tpu.memory_space<vmem>>, vector<64x128xf32>
      tpu.vector_store %arg9[%swap3A_68, %swap3A_69], %broadcast_in_dim3A_67 {strides = array<i32>} : memref<64x128xf32, #tpu.memory_space<vmem>>, vector<64x128xf32>,
      %broadcast_in_dim3A_71 = arith.constant 0.000000e+00 : f32
      %broadcast_in_dim3A_72 = vector.broadcast %broadcast_in_dim3A_71 : f32 to vector<64x128xf32>
      %swap3A_73 = arith.constant 0 : index
      %swap3A_74 = arith.constant 0 : index
      %swap3A_75 = vector.load %arg10[%swap3A_73, %swap3A_74] : memref<64x128xf32, #tpu.memory_space<vmem>>, vector<64x128xf32>
      tpu.vector_store %arg10[%swap3A_73, %swap3A_74], %broadcast_in_dim3A_72 {strides = array<i32>} : memref<64x128xf32, #tpu.memory_space<vmem>>, vector<64x128xf32>,
    } else {
    }
    %get3A = arith.constant 0 : index
    %get3A_2 = arith.constant 0 : index
    %get3A_3 = arith.constant 0 : index
    %get3A_4 = vector.load %arg1[%get3A, %get3A_2, %get3A_3] : memref<2x512x128xf32, #tpu.memory_space<vmem>>, vector<1x512x1xf32>
    %get3A_5 = vector.shape_cast %get3A_4 : vector<1x512x1xf32> to vector<512x1xf32>
    %get3A_6 = arith.constant 1 : index
    %get3A_7 = arith.constant 0 : index
    %get3A_8 = arith.constant 0 : index
    %get3A_9 = vector.load %arg1[%get3A_6, %get3A_7, %get3A_8] : memref<2x512x128xf32, #tpu.memory_space<vmem>>, vector<1x512x1xf32>
    %get3A_10 = vector.shape_cast %get3A_9 : vector<1x512x1xf32> to vector<512x1xf32>
    %add3A = arith.addf %get3A_5, %get3A_10 : vector<512x1xf32>
    %add3A_11 = arith.constant 1.000000e+00 : f32
    %add3A_12 = vector.broadcast %add3A_11 : f32 to vector<512x1xf32>
    %add3A_13 = arith.addf %add3A, %add3A_12 : vector<512x1xf32>
    %rsqrt3A = math.rsqrt %add3A_13 : vector<512x1xf32>
    %get3A_14 = arith.constant 0 : index
    %get3A_15 = arith.constant 0 : index
    %get3A_16 = arith.constant 0 : index
    %get3A_17 = vector.load %arg2[%get3A_14, %get3A_15, %get3A_16] : memref<2x512x128xf32, #tpu.memory_space<vmem>>, vector<1x512x128xf32>
    %get3A_18 = vector.shape_cast %get3A_17 : vector<1x512x128xf32> to vector<512x128xf32>
    %get3A_19 = arith.constant 1 : index
    %get3A_20 = arith.constant 0 : index
    %get3A_21 = arith.constant 0 : index
    %get3A_22 = vector.load %arg2[%get3A_19, %get3A_20, %get3A_21] : memref<2x512x128xf32, #tpu.memory_space<vmem>>, vector<1x512x128xf32>
    %get3A_23 = vector.shape_cast %get3A_22 : vector<1x512x128xf32> to vector<512x128xf32>
    %add3A_24 = arith.addf %get3A_18, %get3A_23 : vector<512x128xf32>
    %get3A_25 = arith.constant 0 : index
    %get3A_26 = arith.constant 0 : index
    %get3A_27 = vector.load %arg3[%get3A_25, %get3A_26] : memref<512x128xf32, #tpu.memory_space<vmem>>, vector<512x128xf32>
    %add3A_28 = arith.addf %add3A_24, %get3A_27 : vector<512x128xf32>
    %mul3A = vector.broadcast %rsqrt3A : vector<512x1xf32> to vector<512x128xf32>
    %mul3A_29 = arith.mulf %add3A_28, %mul3A : vector<512x128xf32>
    %get3A_30 = arith.constant 0 : index
    %get3A_31 = arith.constant 0 : index
    %get3A_32 = vector.load %arg4[%get3A_30, %get3A_31] : memref<1x128xf32, #tpu.memory_space<vmem>>, vector<1x128xf32>
    %add3A_33 = vector.broadcast %get3A_32 : vector<1x128xf32> to vector<512x128xf32>
    %add3A_34 = arith.addf %mul3A_29, %add3A_33 : vector<512x128xf32>
    %get3A_35 = arith.constant 0 : index
    %get3A_36 = arith.constant 0 : index
    %get3A_37 = arith.constant 0 : index
    %get3A_38 = vector.load %arg5[%get3A_35, %get3A_36, %get3A_37] : memref<1x1x512xi32, #tpu.memory_space<vmem>>, vector<1x1x512xi32>
    %get3A_39 = vector.shape_cast %get3A_38 : vector<1x1x512xi32> to vector<1x512xi32>
    %iota3A = tpu.iota {dimensions = array<i32: 0>} : vector<64x512xi32>
    %eq3A_40 = vector.broadcast %get3A_39 : vector<1x512xi32> to vector<64x512xi32>
    %eq3A_41 = arith.cmpi eq, %eq3A_40, %iota3A : vector<64x512xi32>
    %convert_element_type3A_42 = arith.extui %eq3A_41 : vector<64x512xi1> to vector<64x512xi32>
    %convert_element_type3A_43 = arith.sitofp %convert_element_type3A_42 : vector<64x512xi32> to vector<64x512xf32>
    %get3A_44 = arith.constant 0 : index
    %get3A_45 = arith.constant 0 : index
    %get3A_46 = vector.load %arg9[%get3A_44, %get3A_45] : memref<64x128xf32, #tpu.memory_space<vmem>>, vector<64x128xf32>
    %dot_general3A = arith.constant dense<0.000000e+00> : vector<64x128xf32>
    %dot_general3A_47 = tpu.matmul %convert_element_type3A_43, %add3A_34, %dot_general3A {dimension_numbers = #tpu.dot_dimension_numbers<[1], [0], [0], [1], [0, 0, 1, 1], [], []>, precision = #tpu.contract_precision<fp32>, transpose_lhs_hint = false} : vector<64x512xf32>, vector<512x128xf32>, vector<64x128xf32> -> vector<64x128xf32>
    %add3A_48 = arith.addf %get3A_46, %dot_general3A_47 : vector<64x128xf32>
    %swap3A = arith.constant 0 : index
    %swap3A_49 = arith.constant 0 : index
    %swap3A_50 = vector.load %arg9[%swap3A, %swap3A_49] : memref<64x128xf32, #tpu.memory_space<vmem>>, vector<64x128xf32>
    tpu.vector_store %arg9[%swap3A, %swap3A_49], %add3A_48 {strides = array<i32>} : memref<64x128xf32, #tpu.memory_space<vmem>>, vector<64x128xf32>,
    %get3A_51 = arith.constant 0 : index
    %get3A_52 = arith.constant 0 : index
    %get3A_53 = vector.load %arg10[%get3A_51, %get3A_52] : memref<64x128xf32, #tpu.memory_space<vmem>>, vector<64x128xf32>
    %reduce_sum3A = arith.constant dense<0.000000e+00> : vector<64xf32>
    %reduce_sum3A_54 = vector.multi_reduction <add>, %convert_element_type3A_43, %reduce_sum3A [1] : vector<64x512xf32> to vector<64xf32>
    %broadcast_in_dim3A = vector.shape_cast %reduce_sum3A_54 : vector<64xf32> to vector<64x1xf32>
    %broadcast_in_dim3A_55 = vector.shape_cast %broadcast_in_dim3A : vector<64x1xf32> to vector<64x1xf32>
    %broadcast_in_dim3A_56 = vector.broadcast %broadcast_in_dim3A_55 : vector<64x1xf32> to vector<64x128xf32>
    %add3A_57 = arith.addf %get3A_53, %broadcast_in_dim3A_56 : vector<64x128xf32>
    %swap3A_58 = arith.constant 0 : index
    %swap3A_59 = arith.constant 0 : index
    %swap3A_60 = vector.load %arg10[%swap3A_58, %swap3A_59] : memref<64x128xf32, #tpu.memory_space<vmem>>, vector<64x128xf32>
    tpu.vector_store %arg10[%swap3A_58, %swap3A_59], %add3A_57 {strides = array<i32>} : memref<64x128xf32, #tpu.memory_space<vmem>>, vector<64x128xf32>,
    %eq3A_61 = arith.constant 19 : i32
    %eq3A_62 = arith.cmpi eq, %arg0, %eq3A_61 : i32
    %convert_element_type3A_63 = arith.extui %eq3A_62 : i1 to i32
    %cond3A_64 = arith.constant 0 : i32
    %cond3A_65 = arith.cmpi ne, %convert_element_type3A_63, %cond3A_64 : i32
    scf.if %cond3A_65 {
      %get3A_66 = arith.constant 0 : index
      %get3A_67 = arith.constant 0 : index
      %get3A_68 = vector.load %arg9[%get3A_66, %get3A_67] : memref<64x128xf32, #tpu.memory_space<vmem>>, vector<64x128xf32>
      %get3A_69 = arith.constant 0 : index
      %get3A_70 = arith.constant 0 : index
      %get3A_71 = vector.load %arg10[%get3A_69, %get3A_70] : memref<64x128xf32, #tpu.memory_space<vmem>>, vector<64x128xf32>
      %max3A = arith.constant 1.000000e+00 : f32
      %max3A_72 = vector.broadcast %max3A : f32 to vector<64x128xf32>
      %max3A_73 = arith.maximumf %get3A_71, %max3A_72 : vector<64x128xf32>
      %div3A = arith.divf %get3A_68, %max3A_73 : vector<64x128xf32>
      %get3A_74 = arith.constant 0 : index
      %get3A_75 = arith.constant 0 : index
      %get3A_76 = vector.load %arg6[%get3A_74, %get3A_75] : memref<1x128xf32, #tpu.memory_space<vmem>>, vector<1x128xf32>
      %mul3A_77 = vector.broadcast %get3A_76 : vector<1x128xf32> to vector<64x128xf32>
      %mul3A_78 = arith.mulf %div3A, %mul3A_77 : vector<64x128xf32>
      %reduce_sum3A_79 = arith.constant dense<0.000000e+00> : vector<64xf32>
      %reduce_sum3A_80 = vector.multi_reduction <add>, %mul3A_78, %reduce_sum3A_79 [1] : vector<64x128xf32> to vector<64xf32>
      %broadcast_in_dim3A_81 = vector.shape_cast %reduce_sum3A_80 : vector<64xf32> to vector<64x1xf32>
      %get3A_82 = arith.constant 0 : index
      %get3A_83 = arith.constant 0 : index
      %get3A_84 = vector.load %arg7[%get3A_82, %get3A_83] : memref<1x1xf32, #tpu.memory_space<vmem>>, vector<1x1xf32>
      %get3A_85 = vector.extract %get3A_84[0, 0] : f32 from vector<1x1xf32>
      %add3A_86 = vector.broadcast %get3A_85 : f32 to vector<64x1xf32>
      %add3A_87 = arith.addf %broadcast_in_dim3A_81, %add3A_86 : vector<64x1xf32>
      %broadcast_in_dim3A_88 = vector.shape_cast %add3A_87 : vector<64x1xf32> to vector<64x1xf32>
      %broadcast_in_dim3A_89 = vector.broadcast %broadcast_in_dim3A_88 : vector<64x1xf32> to vector<64x128xf32>
      %swap3A_90 = arith.constant 0 : index
      %swap3A_91 = arith.constant 0 : index
      %swap3A_92 = vector.load %arg8[%swap3A_90, %swap3A_91] : memref<64x128xf32, #tpu.memory_space<vmem>>, vector<64x128xf32>
      tpu.vector_store %arg8[%swap3A_90, %swap3A_91], %broadcast_in_dim3A_89 {strides = array<i32>} : memref<64x128xf32, #tpu.memory_space<vmem>>, vector<64x128xf32>,
    } else {
    }
    return
  }
  func.func @transform_0(%arg0: i32) -> (i32, i32, i32) {
    %c0_i32 = arith.constant 0 : i32
    %c0_i32_0 = arith.constant 0 : i32
    %c0_i32_1 = arith.constant 0 : i32
    return %c0_i32, %arg0, %c0_i32_0 : i32, i32, i32
  }
  func.func @transform_1(%arg0: i32) -> (i32, i32, i32) {
    %c0_i32 = arith.constant 0 : i32
    %c0_i32_0 = arith.constant 0 : i32
    %c0_i32_1 = arith.constant 0 : i32
    return %c0_i32, %arg0, %c0_i32_0 : i32, i32, i32
  }
  func.func @transform_2(%arg0: i32) -> (i32, i32) {
    %c0_i32 = arith.constant 0 : i32
    %c0_i32_0 = arith.constant 0 : i32
    return %arg0, %c0_i32 : i32, i32
  }
  func.func @transform_3(%arg0: i32) -> (i32, i32) {
    %c0_i32 = arith.constant 0 : i32
    %c0_i32_0 = arith.constant 0 : i32
    %c0_i32_1 = arith.constant 0 : i32
    return %c0_i32, %c0_i32_0 : i32, i32
  }
  func.func @transform_4(%arg0: i32) -> (i32, i32, i32) {
    %c0_i32 = arith.constant 0 : i32
    %c0_i32_0 = arith.constant 0 : i32
    %c0_i32_1 = arith.constant 0 : i32
    return %arg0, %c0_i32, %c0_i32_0 : i32, i32, i32
  }
  func.func @transform_5(%arg0: i32) -> (i32, i32) {
    %c0_i32 = arith.constant 0 : i32
    %c0_i32_0 = arith.constant 0 : i32
    %c0_i32_1 = arith.constant 0 : i32
    return %c0_i32, %c0_i32_0 : i32, i32
  }
  func.func @transform_6(%arg0: i32) -> (i32, i32) {
    %c0_i32 = arith.constant 0 : i32
    %c0_i32_0 = arith.constant 0 : i32
    %c0_i32_1 = arith.constant 0 : i32
    return %c0_i32, %c0_i32_0 : i32, i32
  }
  func.func @transform_7(%arg0: i32) -> (i32, i32) {
    %c0_i32 = arith.constant 0 : i32
    %c0_i32_0 = arith.constant 0 : i32
    %c0_i32_1 = arith.constant 0 : i32
    return %c0_i32, %c0_i32_0 : i32, i32
  }
}

</mosaic_0001>

<sc_bundles>
// kernel: kernel.11.cloned.1.call-start
scs
__scs_entry_jumppad:
0x0: {  	(pc) =	sbr.rel $0x88, $3  }
0x1: {  	(tag) =	ssettag $0x0;
	lr =	simm.s32 $0x1  }
0x2: {  	[smem:$0x3F98] =	sst lr;
	_ =	strace $0xD0000000  }
0x3: {  	_ = 	snop  }
0x4: {  	_ = 	snop  }
0x5: {  	_ = 	snop  }
0x6: {  	_ = 	snop  }
0x7: {  	_ = 	snop  }
__scs_overlays_trampoline_lowered:
0x8: {  	[smem:$0x3FA7] =	sst s0  }
0x9: {  	[smem:$0x3FA8] =	sst s1  }
0xa: {  	[smem:$0x3FA9] =	sst s2  }
0xb: {  	[smem:$0x3FAA] =	sst s3  }
0xc: {  	[smem:$0x3FAB] =	sst s4  }
0xd: {  	[smem:$0x3FAC] =	sst s5  }
0xe: {  	[smem:$0x3FAD] =	sst s6  }
0xf: {  	[smem:$0x3FAE] =	sst s7  }
0x10: {  	[smem:$0x3FAF] =	sst s8  }
0x11: {  	[smem:$0x3FB0] =	sst s9;
	s0 =	simm.s32 @!p0 $0x0  }
0x12: {  	s1 =	sld [smem:$0x3F96];
	s0 =	simm.s32 @p0 $0x1  }
0x13: {  	[smem:$0x3FB1] =	sst s0;
	s0 =	simm.s32 @!p1 $0x0  }
0x14: {  	s2 =	sld [smem:$0x3F95];
	s0 =	simm.s32 @p1 $0x1  }
0x15: {  	[smem:$0x3FB2] =	sst s0;
	s0 =	simm.s32 @!p2 $0x0  }
0x16: {  	s3 =	sld [smem:$0x3FDB];
	s0 =	simm.s32 @p2 $0x1  }
0x17: {  	s4 =	simm.s32 $0x1BF5;
	[smem:$0x3FB4] =	sst s0  }
0x18: {  	s0 =	sld [smem:$0x3F97];
	_ =	swait.ge [sflag:s4], $0x0  }
0x19: {  	s7 =	sld [smem:$0x3F98]  }
0x1a: {  	s8 =	sadd.s32 $0xFFFFE003, lr  }
0x1b: {  	s9 =	sadd.s32 $0xFFFFFEF7, lr;
	s5 =	simm.s32 $0xFFFFFFFF;
	p2 =	slt.u32 s8, $0xFFFFF086  }
0x1c: {  	p1 =	slt.u32 s9, $0xF7A;
	s5 =	simm.s32 @!p2 $0x0  }
0x1d: {  	s5 =	simm.s32 @p1 $0x1;
	p0 =	seq.s32 s7, s2  }
0x1e: {  	s7 =	smul.u32 @!p0 $0xF7A, s2;
	p2 =	seq.s32 @!p0 s5, $0x0  }
0x1f: {  	s9 =	smul.u32 $0xF7A, s1;
	s8 =	simm.s32 @!p0 $0x1BF5;
	p2 =	por !p2, p0  }
0x20: {  	[sflag:s8] =	ssyncset.s32 @!p0 $0xFFFFF086;
	s6 =	sadd.s32 @!p0 s3, s7;
	s7 =	simm.s32 @!p0 $0x108  }
0x21: {  	s3 =	sadd.s32 s3, s9;
	s6 =	sadd.s32 @!p0 $0x88, s6;
	s7 =	simm.s32 @p2 $0x1082  }
0x22: {  	[simem:s7], [sflag:s8] =	dma.local @!p0 [hbm:s6], $0xF7A  }
0x23: {  	s9 =	sor.u32 $0xD0000000, s2;
	s6 =	simm.s32 $0x108;
	_ =	swait.ge @!p0 [sflag:s8], $0x0  }
0x24: {  	s3 =	sadd.s32 $0x88, s3;
	s6 =	simm.s32 @!p1 $0x1082;
	[sflag:s4] =	ssyncset.s32 $0xFFFFF086  }
0x25: {  	[simem:s6], [sflag:s4] =	dma.local [hbm:s3], $0xF7A  }
0x26: {  	[smem:$0x3F98] =	sst s1;
	(tag) =	ssettag s2;
	_ =	strace s9  }
0x27: {  	s1 =	sld [smem:$0x3FA8]  }
0x28: {  	s2 =	sld [smem:$0x3FA9]  }
0x29: {  	s4 =	sld [smem:$0x3FAB]  }
0x2a: {  	p0 =	seq.s32 s5, $0x0;
	s5 =	sld [smem:$0x3FAC]  }
0x2b: {  	s6 =	sld [smem:$0x3FAD]  }
0x2c: {  	s7 =	sld [smem:$0x3FAE]  }
0x2d: {  	s3 =	simm.s32 $0x108;
	s8 =	sld [smem:$0x3FAF]  }
0x2e: {  	s3 =	simm.s32 @!p0 $0x1082;
	s9 =	sld [smem:$0x3FB0]  }
0x2f: {  	lr =	sadd.s32 s0, s3;
	s0 =	sld [smem:$0x3FA7]  }
0x30: {  	s3 =	sld [smem:$0x3FAA]  }
0x31: {  	[smem:$0x3FB3] =	sst s10  }
0x32: {  	s10 =	sld [smem:$0x3FB1];
	_ =	sdelay $0x3  }
0x33: {  	p0 =	seq.s32 s10, $0x1;
	s10 =	sld [smem:$0x3FB3];
	_ =	sdelay $0x3  }
0x34: {  	[smem:$0x3FB3] =	sst s10  }
0x35: {  	s10 =	sld [smem:$0x3FB2];
	_ =	sdelay $0x3  }
0x36: {  	p1 =	seq.s32 s10, $0x1;
	s10 =	sld [smem:$0x3FB3];
	_ =	sdelay $0x3  }
0x37: {  	[smem:$0x3FB3] =	sst s10  }
0x38: {  	s10 =	sld [smem:$0x3FB4]  }
0x39: {  	_ = 	snop;
	(pc) =	sbr.ind lr, $3  }
0x3a: {  	_ = 	snop  }
0x3b: {  	_ = 	snop  }
0x3c: {  	p2 =	seq.s32 s10, $0x1;
	s10 =	sld [smem:$0x3FB3]  }
0x3d: {  	_ =	shalt  }
0x3e: {  	_ =	shalt  }
0x3f: {  	_ =	shalt  }
0x40: {  	_ =	shalt  }
0x41: {  	_ =	shalt  }
0x42: {  	_ =	shalt  }
0x43: {  	_ =	shalt  }
0x44: {  	_ =	shalt  }
0x45: {  	_ =	shalt  }
0x46: {  	_ =	shalt  }
0x47: {  	_ =	shalt  }
0x48: {  	_ =	shalt  }
0x49: {  	_ =	shalt  }
0x4a: {  	_ =	shalt  }
0x4b: {  	_ =	shalt  }
0x4c: {  	_ =	shalt  }
0x4d: {  	_ =	shalt  }
0x4e: {  	_ =	shalt  }
0x4f: {  	_ =	shalt  }
0x50: {  	_ =	shalt  }
0x51: {  	_ =	shalt  }
0x52: {  	_ =	shalt  }
0x53: {  	_ =	shalt  }
0x54: {  	_ =	shalt  }
0x55: {  	_ =	shalt  }
0x56: {  	_ =	shalt  }
0x57: {  	_ =	shalt  }
0x58: {  	_ =	shalt  }
0x59: {  	_ =	shalt  }
0x5a: {  	_ =	shalt  }
0x5b: {  	_ =	shalt  }
0x5c: {  	_ =	shalt  }
0x5d: {  	_ =	shalt  }
0x5e: {  	_ =	shalt  }
0x5f: {  	_ =	shalt  }
0x60: {  	_ =	shalt  }
0x61: {  	_ =	shalt  }
0x62: {  	_ =	shalt  }
0x63: {  	_ =	shalt  }
0x64: {  	_ =	shalt  }
0x65: {  	_ =	shalt  }
0x66: {  	_ =	shalt  }
0x67: {  	_ =	shalt  }
0x68: {  	_ =	shalt  }
0x69: {  	_ =	shalt  }
0x6a: {  	_ =	shalt  }
0x6b: {  	_ =	shalt  }
0x6c: {  	_ =	shalt  }
0x6d: {  	_ =	shalt  }
0x6e: {  	_ =	shalt  }
0x6f: {  	_ =	shalt  }
0x70: {  	_ =	shalt  }
0x71: {  	_ =	shalt  }
0x72: {  	_ =	shalt  }
0x73: {  	_ =	shalt  }
0x74: {  	_ =	shalt  }
0x75: {  	_ =	shalt  }
0x76: {  	_ =	shalt  }
0x77: {  	_ =	shalt  }
0x78: {  	_ =	shalt  }
0x79: {  	_ =	shalt  }
0x7a: {  	_ =	shalt  }
0x7b: {  	_ =	shalt  }
0x7c: {  	_ =	shalt  }
0x7d: {  	_ =	shalt  }
0x7e: {  	_ =	shalt  }
0x7f: {  	_ =	shalt  }
0x80: {  	_ =	shalt  }
0x81: {  	_ =	shalt  }
0x82: {  	_ =	shalt  }
0x83: {  	_ =	shalt  }
0x84: {  	_ =	shalt  }
0x85: {  	_ =	shalt  }
0x86: {  	_ =	shalt  }
0x87: {  	_ =	shalt  }
.Lfunc_end0:
.L_simem_size_0:
called_computation.1_lowered:
.L_overlay_start_0:
0x88: {  	s2 =	sld [smem:$0x3FD9]  }
0x89: {  	s3 =	sld [smem:$0x3FFE];
	_ =	sdelay $0x1  }
0x8a: {  	s1 =	srdreg.scid  }
0x8b: {  	s0 =	sand.u32 $0x1, s1  }
0x8c: {  	s16 =	sshll.u32 s0, $0xA;
	s2 =	sadd.s32 s3, s2  }
0x8d: {  	s2 =	sadd.s32 s2, s16  }
0x8e: {  	[smem:$0x3FBF] =	sst s2  }
0x8f: {  	_ = 	snop  }
0x90: {  	(tm) =	ssettm $0x1  }
0x91: {  	s17 =	sld [smem:$0x3FFB];
	_ =	sdelay $0x3  }
0x92: {  	_ =	strace s17  }
0x93: {  	s2 =	sld [smem:$0x3FFC];
	_ =	sdelay $0x3  }
0x94: {  	_ =	strace s2  }
0x95: {  	s2 =	sld [smem:$0x3FFD];
	_ =	sdelay $0x3  }
0x96: {  	_ =	strace s2  }
0x97: {  	_ =	strace $0x8FFFFFFF  }
0x98: {  	s18 =	sld [smem:$0x3FDB];
	_ =	sdelay $0x1  }
0x99: {  	s19 =	simm.s32 $_scs_section_size  }
0x9a: {  	s4 =	simm.s32 $_size__tile_overlayer_lowered;
	s5 =	simm.s32 $_tile_overlayer_lowered  }
0x9b: {  	s22 =	simm.s32 $0x1BFF;
	s21 =	sshll.u32 s5, $0x1;
	s2 =	sadd.s32 s19, s18  }
0x9c: {  	s6 =	simm.s32 $0x0;
	s20 =	sshll.u32 s4, $0x1;
	s4 =	sadd.s32 s21, s2  }
0x9d: {  	[timem:s6], [sflag:s22] =	dma.local [hbm:s4], s20  }
0x9e: {  	_ =	swait.ge [sflag:s22], s20  }
0x9f: {  	s3 =	ssub.s32 $0x0, s20;
	[sflag:s22] =	ssyncset.done $0x0  }
0xa0: {  	[sflag:s22] =	ssyncadd.s32 s3;
	_ =	sdelay $0x1  }
0xa1: {  	s23 =	simm.s32 $0x1B8B  }
0xa2: {  	_ =	swait.ge [sflag:s23], $0x1  }
0xa3: {  	[sflag:s23] =	ssyncset.done $0x0  }
0xa4: {  	s25 =	simm.s32 $0x1B8E;
	s24 =	sld [smem:$0x3FFE];
	[sflag:s23] =	ssyncadd.s32 $0xFFFFFFFF  }
0xa5: {  	s26 =	simm.s32 $execute0_lowered;
	[smem:$0x3FD2] =	sst s25  }
0xa6: {  	s4 =	sshll.u32 s26, $0x1;
	_ =	strace $0x80000049;
	[dreg:$0x1] =	wrdreg $0xFFFFFFFF  }
0xa7: {  	s28 =	simm.s32 $_size_execute0_lowered;
	s2 =	sadd.s32 s2, s4;
	[dreg:$0x0] =	wrdreg $0x0  }
0xa8: {  	s4 =	sshll.u32 s28, $0x1;
	[dreg:$0x2] =	wrdreg s2  }
0xa9: {  	[dreg:$0x3] =	wrdreg s4  }
0xaa: {  	[dreg:$0x4] =	wrdreg $0xC0  }
0xab: {  	_ =	task [dreg:s6], $0x5FFFF  }
0xac: {  	[dreg:$0x1] =	wrdreg $0xFFFFFFFF  }
0xad: {  	[dreg:$0x0] =	wrdreg $0x60  }
0xae: {  	[dreg:$0x2] =	wrdreg s24  }
0xaf: {  	[dreg:$0x3] =	wrdreg $0x90000  }
0xb0: {  	[dreg:$0x4] =	wrdreg $0x9  }
0xb1: {  	_ =	task.clear_ibuf [dreg:s6], $0x5FFFF;
	_ =	strace $0x90000049  }
0xb2: {  	s29 =	simm.s32 $0x9;
	_ =	strace $0x8000004B  }
0xb3: {  	_ =	swait.ge [sflag:s29], $0x1  }
0xb4: {  	[sflag:s29] =	ssyncadd.s32 $0xFFFFFFFF  }
0xb5: {  	_ =	strace $0x9000004B  }
0xb6: {  	_ =	sfence  }
0xb7: {  	s30 =	sld [smem:$0x0];
	_ =	sdelay $0x2  }
0xb8: {  	s31 =	sshll.u32 s1, $0xD;
	s1 =	sshrl.u32 s1, $0x2  }
0xb9: {  	s3 =	sand.u32 $0x4000, s31;
	s1 =	sadd.s32 s1, s30  }
0xba: {  	s0 =	sor.u32 s3, s0;
	s1 =	sshll.u32 s1, $0x11  }
0xbb: {  	s0 =	sor.u32 s1, s0  }
0xbc: {  	s0 =	sadd.s32 $0x8F2B, s0  }
0xbd: {  	[sflag:s0] =	ssyncadd.remote.s32 $0x1  }
0xbe: {  	_ =	sfence.sel $0xFFFF  }
0xbf: {  	[dreg:$0x0] =	wrdreg $0xFFFFFFFF;
	(pc) =	sbr.abs _section_cstart, $3  }
0xc0: {  	[dreg:$0x1] =	wrdreg $0xFFFFFFFF  }
0xc1: {  	_ =	task.clear_ibuf [dreg:s6], $0x2FFFF;
	_ =	strace $0x9FFFFFFF  }
0xc2: {  	(tm) =	ssettm $0x7FFFFFFF  }
0xc3: {  	_ =	shalt  }
tec
execute0_lowered:
.L_overlay_start_1:
0x0: {  	(tag) =	ssettag $0x1  }
0x1: {  	s0 =	srdreg.scid;
	s5 =	rddreg [dreg:$0x0]  }
0x2: {  	s9 =	stileid.u32;
	s2 =	rddreg [dreg:$0x1]  }
0x3: {  	s3 =	simm.s32 $0x0;
	s14 =	simm.s32 $0x100;
	s15 =	simm.s32 $0x880  }
0x4: {  	s17 =	simm.s32 $0x180;
	[smem:$0x7FF] =	sst s3;
	s7 =	sadd.s32 $0x16A00, s5  }
0x5: {  	s18 =	simm.s32 $0x900;
	_ =	strace $0x8000004A;
	[dreg:$0x11] =	wrdreg s7  }
0x6: {  	s19 =	simm.s32 $0x200;
	s20 =	simm.s32 $0x980;
	[dreg:$0x5] =	wrdreg s14  }
0x7: {  	s21 =	simm.s32 $0x280;
	s22 =	simm.s32 $0xA00;
	[dreg:$0x6] =	wrdreg s15  }
0x8: {  	s23 =	simm.s32 $0x300;
	s24 =	simm.s32 $0xA80;
	[dreg:$0x7] =	wrdreg s17  }
0x9: {  	s25 =	simm.s32 $0x380;
	s26 =	simm.s32 $0xB00;
	[dreg:$0x8] =	wrdreg s18  }
0xa: {  	s28 =	simm.s32 $0x680;
	s29 =	simm.s32 $0xE00;
	[dreg:$0x9] =	wrdreg s19  }
0xb: {  	s30 =	simm.s32 $0x700;
	s31 =	simm.s32 $0xE80;
	[dreg:$0xa] =	wrdreg s20  }
0xc: {  	s0 =	sand.u32 $0x1, s0;
	s1 =	smul.u32 $0x2800, s9;
	[dreg:$0xb] =	wrdreg s21  }
0xd: {  	s11 =	smul.u32 $0x50000, s9;
	s16 =	sshll.u32 s9, $0x6;
	[dreg:$0xc] =	wrdreg s22  }
0xe: {  	s9 =	simm.s32 $0x0;
	s4 =	smul.u32 $0x28000, s0;
	[dreg:$0xd] =	wrdreg s23  }
0xf: {  	s0 =	ssub.s32 $0x2, s0;
	s7 =	sor.u32 $0x1C03, s16;
	[dreg:$0xe] =	wrdreg s24  }
0x10: {  	s14 =	simm.s32 $0x1;
	[dreg:$0xf] =	wrdreg s25;
	s15 =	simm.s32 $0x5000  }
0x11: {  	s16 =	simm.s32 $0x2;
	[dreg:$0x10] =	wrdreg s26;
	s17 =	simm.s32 $0x400  }
0x12: {  	s18 =	simm.s32 $0xB80;
	s19 =	simm.s32 $0x480;
	s20 =	simm.s32 $0xC00  }
0x13: {  	s21 =	simm.s32 $0x500;
	s22 =	simm.s32 $0xC80;
	s23 =	simm.s32 $0x580  }
0x14: {  	s24 =	simm.s32 $0xD00;
	s25 =	simm.s32 $0x600;
	s26 =	simm.s32 $0xD80  }
0x15: {  	s10 =	sshrl.u32 s0, $0x1;
	s13 =	sshrl.u32 s11, $0x2;
	s11 =	simm.s32 $0x800  }
0x16: {  	[dreg:$0x12] =	wrdreg s7;
	s1 =	sadd.s32 s1, s4;
	s4 =	sadd.s32 $0x19200, s5  }
0x17: {  	s0 =	ssub.s32 s0, s10;
	s10 =	simm.s32 $0x3;
	s6 =	sshrl.u32 s1, $0x3  }
0x18: {  	s1 =	sadd.s32 s1, s5;
	s0 =	smax.u32 s0, $0x1;
	s6 =	sadd.s32 s6, s5  }
0x19: {  	s1 =	sadd.s32 $0x41200, s1;
	[dreg:$0x14] =	wrdreg s0;
	s0 =	simm.s32 $0xF00  }
0x1a: {  	s5 =	simm.s32 $0xF80;
	s8 =	sadd.s32 $0xCA00, s6;
	[dreg:$0x13] =	wrdreg s1  }
0x1b: {  	s12 =	sadd.s32 $0x2A00, s6;
	s6 =	sadd.s32 s13, s2;
	[dreg:$0x3] =	wrdreg s8  }
0x1c: {  	s13 =	simm.s32 $0x1000;
	[dreg:$0x4] =	wrdreg s12;
	s8 =	sshrl.u32 s6, $0x3  }
0x1d: {  	s1 =	simm.s32 $0x780;
	s12 =	simm.s32 $0x80;
	[dreg:$0x15] =	wrdreg s8  }
.LBB2_1:
0x1e: {  	[dreg:$0x16] =	wrdreg s9  }
0x1f: {  	s6 =	rddreg [dreg:$0x11]  }
0x20: {  	[spmem:s8], [sflag:s7] =	dma.local [hbm:s6], $0x2800  }
0x21: {  	_ =	swait.ge [sflag:s10], $0x2800  }
0x22: {  	[sflag:s10] =	ssyncset.done $0x0  }
0x23: {  	[sflag:s10] =	ssyncadd.s32 $0xFFFFD800  }
0x24: {  	[bflag:$0x0] =	sbarrier.arrive $0xFFFF  }
0x25: {  	s7 =	rddreg [dreg:$0x4]  }
0x26: {  	s6 =	sadd.s32 $0x0, s7  }
0x27: {  	[tilespmem:s3], [sflag:$0x3] =	stream.linear.gather [hbm4b:s6+s3], $0x800, $0x38;
	[tilespmem:$0x1D000] =	vst v63  }
0x28: {  	_ =	swait.ge [sflag:s10], $0x800  }
0x29: {  	s8 =	rddreg [dreg:$0x3];
	[sflag:s10] =	ssyncset.done $0x0  }
0x2a: {  	[sflag:s10] =	ssyncadd.s32 $0xFFFFF800;
	s6 =	sadd.s32 $0x0, s8  }
0x2b: {  	[tilespmem:s11], [sflag:$0x3] =	stream.linear.gather [hbm4b:s6+s3], $0x800, $0x38;
	[tilespmem:$0x1D000] =	vst v63  }
0x2c: {  	_ =	swait.ge [sflag:s10], $0x800  }
0x2d: {  	[sflag:s10] =	ssyncset.done $0x0  }
0x2e: {  	[sflag:s10] =	ssyncadd.s32 $0xFFFFF800  }
0x2f: {  	[tilespmem:s13], [sflag:$0x1] =	stream.indirect.gather [hbm4b:s4+s12], $0x80, s3, s12, $0xb8;
	[tilespmem:$0x1D000] =	vst v63  }
0x30: {  	_ =	swait.ge [sflag:s14], $0x4000  }
0x31: {  	[sflag:s14] =	ssyncset.done $0x0  }
0x32: {  	[sflag:s14] =	ssyncadd.s32 $0xFFFFC000  }
0x33: {  	[tilespmem:s15], [sflag:$0x2] =	stream.indirect.gather [hbm4b:s4+s12], $0x80, s12, s12, $0xb8;
	[tilespmem:$0x1D000] =	vst v63  }
0x34: {  	_ = 	snop  }
0x35: {  	[spmem:s2] =	stream.indirect.scatter.add.f32 [tilespmem:s13], [sflag:$0x3], $0x80, s11, s12, $0xb8;
	[tilespmem:$0x1D000] =	vst v63  }
0x36: {  	_ =	swait.ge [sflag:s10], $0x4000  }
0x37: {  	[sflag:s10] =	ssyncset.done $0x0  }
0x38: {  	[sflag:s10] =	ssyncadd.s32 $0xFFFFC000  }
0x39: {  	_ =	swait.ge [sflag:s16], $0x4000  }
0x3a: {  	[sflag:s16] =	ssyncset.done $0x0  }
0x3b: {  	s9 =	rddreg [dreg:$0x5];
	[sflag:s16] =	ssyncadd.s32 $0xFFFFC000  }
0x3c: {  	[tilespmem:s13], [sflag:$0x1] =	stream.indirect.gather [hbm4b:s4+s12], $0x80, s9, s12, $0xb8;
	[tilespmem:$0x1D000] =	vst v63  }
0x3d: {  	s7 =	rddreg [dreg:$0x6]  }
0x3e: {  	[spmem:s2] =	stream.indirect.scatter.add.f32 [tilespmem:s15], [sflag:$0x3], $0x80, s7, s12, $0xb8;
	[tilespmem:$0x1D000] =	vst v63  }
0x3f: {  	_ =	swait.ge [sflag:s10], $0x4000  }
0x40: {  	[sflag:s10] =	ssyncset.done $0x0  }
0x41: {  	[sflag:s10] =	ssyncadd.s32 $0xFFFFC000  }
0x42: {  	_ =	swait.ge [sflag:s14], $0x4000  }
0x43: {  	[sflag:s14] =	ssyncset.done $0x0  }
0x44: {  	s9 =	rddreg [dreg:$0x7];
	[sflag:s14] =	ssyncadd.s32 $0xFFFFC000  }
0x45: {  	[tilespmem:s15], [sflag:$0x2] =	stream.indirect.gather [hbm4b:s4+s12], $0x80, s9, s12, $0xb8;
	[tilespmem:$0x1D000] =	vst v63  }
0x46: {  	s7 =	rddreg [dreg:$0x8]  }
0x47: {  	[spmem:s2] =	stream.indirect.scatter.add.f32 [tilespmem:s13], [sflag:$0x3], $0x80, s7, s12, $0xb8;
	[tilespmem:$0x1D000] =	vst v63  }
0x48: {  	_ =	swait.ge [sflag:s10], $0x4000  }
0x49: {  	[sflag:s10] =	ssyncset.done $0x0  }
0x4a: {  	[sflag:s10] =	ssyncadd.s32 $0xFFFFC000  }
0x4b: {  	_ =	swait.ge [sflag:s16], $0x4000  }
0x4c: {  	[sflag:s16] =	ssyncset.done $0x0  }
0x4d: {  	s9 =	rddreg [dreg:$0x9];
	[sflag:s16] =	ssyncadd.s32 $0xFFFFC000  }
0x4e: {  	[tilespmem:s13], [sflag:$0x1] =	stream.indirect.gather [hbm4b:s4+s12], $0x80, s9, s12, $0xb8;
	[tilespmem:$0x1D000] =	vst v63  }
0x4f: {  	s7 =	rddreg [dreg:$0xa]  }
0x50: {  	[spmem:s2] =	stream.indirect.scatter.add.f32 [tilespmem:s15], [sflag:$0x3], $0x80, s7, s12, $0xb8;
	[tilespmem:$0x1D000] =	vst v63  }
0x51: {  	_ =	swait.ge [sflag:s10], $0x4000  }
0x52: {  	[sflag:s10] =	ssyncset.done $0x0  }
0x53: {  	[sflag:s10] =	ssyncadd.s32 $0xFFFFC000  }
0x54: {  	_ =	swait.ge [sflag:s14], $0x4000  }
0x55: {  	[sflag:s14] =	ssyncset.done $0x0  }
0x56: {  	s9 =	rddreg [dreg:$0xb];
	[sflag:s14] =	ssyncadd.s32 $0xFFFFC000  }
0x57: {  	[tilespmem:s15], [sflag:$0x2] =	stream.indirect.gather [hbm4b:s4+s12], $0x80, s9, s12, $0xb8;
	[tilespmem:$0x1D000] =	vst v63  }
0x58: {  	s7 =	rddreg [dreg:$0xc]  }
0x59: {  	[spmem:s2] =	stream.indirect.scatter.add.f32 [tilespmem:s13], [sflag:$0x3], $0x80, s7, s12, $0xb8;
	[tilespmem:$0x1D000] =	vst v63  }
0x5a: {  	_ =	swait.ge [sflag:s10], $0x4000  }
0x5b: {  	[sflag:s10] =	ssyncset.done $0x0  }
0x5c: {  	[sflag:s10] =	ssyncadd.s32 $0xFFFFC000  }
0x5d: {  	_ =	swait.ge [sflag:s16], $0x4000  }
0x5e: {  	[sflag:s16] =	ssyncset.done $0x0  }
0x5f: {  	s9 =	rddreg [dreg:$0xd];
	[sflag:s16] =	ssyncadd.s32 $0xFFFFC000  }
0x60: {  	[tilespmem:s13], [sflag:$0x1] =	stream.indirect.gather [hbm4b:s4+s12], $0x80, s9, s12, $0xb8;
	[tilespmem:$0x1D000] =	vst v63  }
0x61: {  	s7 =	rddreg [dreg:$0xe]  }
0x62: {  	[spmem:s2] =	stream.indirect.scatter.add.f32 [tilespmem:s15], [sflag:$0x3], $0x80, s7, s12, $0xb8;
	[tilespmem:$0x1D000] =	vst v63  }
0x63: {  	_ =	swait.ge [sflag:s10], $0x4000  }
0x64: {  	[sflag:s10] =	ssyncset.done $0x0  }
0x65: {  	[sflag:s10] =	ssyncadd.s32 $0xFFFFC000  }
0x66: {  	_ =	swait.ge [sflag:s14], $0x4000  }
0x67: {  	[sflag:s14] =	ssyncset.done $0x0  }
0x68: {  	s8 =	rddreg [dreg:$0xf];
	[sflag:s14] =	ssyncadd.s32 $0xFFFFC000  }
0x69: {  	[tilespmem:s15], [sflag:$0x2] =	stream.indirect.gather [hbm4b:s4+s12], $0x80, s8, s12, $0xb8;
	[tilespmem:$0x1D000] =	vst v63  }
0x6a: {  	s9 =	rddreg [dreg:$0x10]  }
0x6b: {  	[spmem:s2] =	stream.indirect.scatter.add.f32 [tilespmem:s13], [sflag:$0x3], $0x80, s9, s12, $0xb8;
	[tilespmem:$0x1D000] =	vst v63  }
0x6c: {  	_ =	swait.ge [sflag:s10], $0x4000  }
0x6d: {  	[sflag:s10] =	ssyncset.done $0x0  }
0x6e: {  	[sflag:s10] =	ssyncadd.s32 $0xFFFFC000  }
0x6f: {  	_ =	swait.ge [sflag:s16], $0x4000  }
0x70: {  	[sflag:s16] =	ssyncset.done $0x0  }
0x71: {  	[sflag:s16] =	ssyncadd.s32 $0xFFFFC000  }
0x72: {  	[tilespmem:s13], [sflag:$0x1] =	stream.indirect.gather [hbm4b:s4+s12], $0x80, s17, s12, $0xb8;
	[tilespmem:$0x1D000] =	vst v63  }
0x73: {  	_ = 	snop  }
0x74: {  	[spmem:s2] =	stream.indirect.scatter.add.f32 [tilespmem:s15], [sflag:$0x3], $0x80, s18, s12, $0xb8;
	[tilespmem:$0x1D000] =	vst v63  }
0x75: {  	_ =	swait.ge [sflag:s10], $0x4000  }
0x76: {  	[sflag:s10] =	ssyncset.done $0x0  }
0x77: {  	[sflag:s10] =	ssyncadd.s32 $0xFFFFC000  }
0x78: {  	_ =	swait.ge [sflag:s14], $0x4000  }
0x79: {  	[sflag:s14] =	ssyncset.done $0x0  }
0x7a: {  	[sflag:s14] =	ssyncadd.s32 $0xFFFFC000  }
0x7b: {  	[tilespmem:s15], [sflag:$0x2] =	stream.indirect.gather [hbm4b:s4+s12], $0x80, s19, s12, $0xb8;
	[tilespmem:$0x1D000] =	vst v63  }
0x7c: {  	_ = 	snop  }
0x7d: {  	[spmem:s2] =	stream.indirect.scatter.add.f32 [tilespmem:s13], [sflag:$0x3], $0x80, s20, s12, $0xb8;
	[tilespmem:$0x1D000] =	vst v63  }
0x7e: {  	_ =	swait.ge [sflag:s10], $0x4000  }
0x7f: {  	[sflag:s10] =	ssyncset.done $0x0  }
0x80: {  	[sflag:s10] =	ssyncadd.s32 $0xFFFFC000  }
0x81: {  	_ =	swait.ge [sflag:s16], $0x4000  }
0x82: {  	[sflag:s16] =	ssyncset.done $0x0  }
0x83: {  	[sflag:s16] =	ssyncadd.s32 $0xFFFFC000  }
0x84: {  	[tilespmem:s13], [sflag:$0x1] =	stream.indirect.gather [hbm4b:s4+s12], $0x80, s21, s12, $0xb8;
	[tilespmem:$0x1D000] =	vst v63  }
0x85: {  	_ = 	snop  }
0x86: {  	[spmem:s2] =	stream.indirect.scatter.add.f32 [tilespmem:s15], [sflag:$0x3], $0x80, s22, s12, $0xb8;
	[tilespmem:$0x1D000] =	vst v63  }
0x87: {  	_ =	swait.ge [sflag:s10], $0x4000  }
0x88: {  	[sflag:s10] =	ssyncset.done $0x0  }
0x89: {  	[sflag:s10] =	ssyncadd.s32 $0xFFFFC000  }
0x8a: {  	_ =	swait.ge [sflag:s14], $0x4000  }
0x8b: {  	[sflag:s14] =	ssyncset.done $0x0  }
0x8c: {  	[sflag:s14] =	ssyncadd.s32 $0xFFFFC000  }
0x8d: {  	[tilespmem:s15], [sflag:$0x2] =	stream.indirect.gather [hbm4b:s4+s12], $0x80, s23, s12, $0xb8;
	[tilespmem:$0x1D000] =	vst v63  }
0x8e: {  	_ = 	snop  }
0x8f: {  	[spmem:s2] =	stream.indirect.scatter.add.f32 [tilespmem:s13], [sflag:$0x3], $0x80, s24, s12, $0xb8;
	[tilespmem:$0x1D000] =	vst v63  }
0x90: {  	_ =	swait.ge [sflag:s10], $0x4000  }
0x91: {  	[sflag:s10] =	ssyncset.done $0x0  }
0x92: {  	[sflag:s10] =	ssyncadd.s32 $0xFFFFC000  }
0x93: {  	_ =	swait.ge [sflag:s16], $0x4000  }
0x94: {  	[sflag:s16] =	ssyncset.done $0x0  }
0x95: {  	[sflag:s16] =	ssyncadd.s32 $0xFFFFC000  }
0x96: {  	[tilespmem:s13], [sflag:$0x1] =	stream.indirect.gather [hbm4b:s4+s12], $0x80, s25, s12, $0xb8;
	[tilespmem:$0x1D000] =	vst v63  }
0x97: {  	_ = 	snop  }
0x98: {  	[spmem:s2] =	stream.indirect.scatter.add.f32 [tilespmem:s15], [sflag:$0x3], $0x80, s26, s12, $0xb8;
	[tilespmem:$0x1D000] =	vst v63  }
0x99: {  	_ =	swait.ge [sflag:s10], $0x4000  }
0x9a: {  	[sflag:s10] =	ssyncset.done $0x0  }
0x9b: {  	[sflag:s10] =	ssyncadd.s32 $0xFFFFC000  }
0x9c: {  	_ =	swait.ge [sflag:s14], $0x4000  }
0x9d: {  	[sflag:s14] =	ssyncset.done $0x0  }
0x9e: {  	[sflag:s14] =	ssyncadd.s32 $0xFFFFC000  }
0x9f: {  	[tilespmem:s15], [sflag:$0x2] =	stream.indirect.gather [hbm4b:s4+s12], $0x80, s28, s12, $0xb8;
	[tilespmem:$0x1D000] =	vst v63  }
0xa0: {  	_ = 	snop  }
0xa1: {  	[spmem:s2] =	stream.indirect.scatter.add.f32 [tilespmem:s13], [sflag:$0x3], $0x80, s29, s12, $0xb8;
	[tilespmem:$0x1D000] =	vst v63  }
0xa2: {  	_ =	swait.ge [sflag:s10], $0x4000  }
0xa3: {  	[sflag:s10] =	ssyncset.done $0x0  }
0xa4: {  	[sflag:s10] =	ssyncadd.s32 $0xFFFFC000  }
0xa5: {  	_ =	swait.ge [sflag:s16], $0x4000  }
0xa6: {  	[sflag:s16] =	ssyncset.done $0x0  }
0xa7: {  	[sflag:s16] =	ssyncadd.s32 $0xFFFFC000  }
0xa8: {  	[tilespmem:s13], [sflag:$0x1] =	stream.indirect.gather [hbm4b:s4+s12], $0x80, s30, s12, $0xb8;
	[tilespmem:$0x1D000] =	vst v63  }
0xa9: {  	_ = 	snop  }
0xaa: {  	[spmem:s2] =	stream.indirect.scatter.add.f32 [tilespmem:s15], [sflag:$0x3], $0x80, s31, s12, $0xb8;
	[tilespmem:$0x1D000] =	vst v63  }
0xab: {  	_ =	swait.ge [sflag:s10], $0x4000  }
0xac: {  	[sflag:s10] =	ssyncset.done $0x0  }
0xad: {  	[sflag:s10] =	ssyncadd.s32 $0xFFFFC000  }
0xae: {  	_ =	swait.ge [sflag:s14], $0x4000  }
0xaf: {  	[sflag:s14] =	ssyncset.done $0x0  }
0xb0: {  	[sflag:s14] =	ssyncadd.s32 $0xFFFFC000  }
0xb1: {  	[tilespmem:s15], [sflag:$0x2] =	stream.indirect.gather [hbm4b:s4+s12], $0x80, s1, s12, $0xb8;
	[tilespmem:$0x1D000] =	vst v63  }
0xb2: {  	_ = 	snop  }
0xb3: {  	[spmem:s2] =	stream.indirect.scatter.add.f32 [tilespmem:s13], [sflag:$0x3], $0x80, s0, s12, $0xb8;
	[tilespmem:$0x1D000] =	vst v63  }
0xb4: {  	_ =	swait.ge [sflag:s10], $0x4000  }
0xb5: {  	[sflag:s10] =	ssyncset.done $0x0  }
0xb6: {  	[sflag:s10] =	ssyncadd.s32 $0xFFFFC000  }
0xb7: {  	_ =	swait.ge [sflag:s16], $0x4000  }
0xb8: {  	[sflag:s16] =	ssyncset.done $0x0  }
0xb9: {  	[sflag:s16] =	ssyncadd.s32 $0xFFFFC000  }
0xba: {  	[spmem:s2] =	stream.indirect.scatter.add.f32 [tilespmem:s15], [sflag:$0x3], $0x80, s5, s12, $0xb8;
	[tilespmem:$0x1D000] =	vst v63  }
0xbb: {  	s6 =	simm.s32 $0x200;
	_ =	swait.ge [sflag:s10], $0x4000  }
0xbc: {  	s8 =	simm.s32 $0x100;
	s9 =	rddreg [dreg:$0x4];
	[sflag:s10] =	ssyncset.done $0x0  }
.LBB2_2:
0xbd: {  	[sflag:s10] =	ssyncadd.s32 $0xFFFFC000;
	s9 =	sadd.s32 s8, s9  }
0xbe: {  	[tilespmem:s3], [sflag:$0x3] =	stream.linear.gather [hbm4b:s9+s3], $0x800, $0x38;
	[tilespmem:$0x1D000] =	vst v63  }
0xbf: {  	_ =	swait.ge [sflag:s10], $0x800  }
0xc0: {  	s9 =	rddreg [dreg:$0x3];
	[sflag:s10] =	ssyncset.done $0x0  }
0xc1: {  	[sflag:s10] =	ssyncadd.s32 $0xFFFFF800;
	s9 =	sadd.s32 s8, s9  }
0xc2: {  	[tilespmem:s11], [sflag:$0x3] =	stream.linear.gather [hbm4b:s9+s3], $0x800, $0x38;
	[tilespmem:$0x1D000] =	vst v63  }
0xc3: {  	_ =	swait.ge [sflag:s10], $0x800  }
0xc4: {  	[sflag:s10] =	ssyncset.done $0x0  }
0xc5: {  	[sflag:s10] =	ssyncadd.s32 $0xFFFFF800  }
0xc6: {  	[tilespmem:s13], [sflag:$0x1] =	stream.indirect.gather [hbm4b:s4+s12], $0x80, s3, s12, $0xb8;
	[tilespmem:$0x1D000] =	vst v63  }
0xc7: {  	_ =	swait.ge [sflag:s14], $0x4000  }
0xc8: {  	[sflag:s14] =	ssyncset.done $0x0  }
0xc9: {  	[sflag:s14] =	ssyncadd.s32 $0xFFFFC000  }
0xca: {  	[tilespmem:s15], [sflag:$0x2] =	stream.indirect.gather [hbm4b:s4+s12], $0x80, s12, s12, $0xb8;
	[tilespmem:$0x1D000] =	vst v63  }
0xcb: {  	_ = 	snop  }
0xcc: {  	[spmem:s2] =	stream.indirect.scatter.add.f32 [tilespmem:s13], [sflag:$0x3], $0x80, s11, s12, $0xb8;
	[tilespmem:$0x1D000] =	vst v63  }
0xcd: {  	_ =	swait.ge [sflag:s10], $0x4000  }
0xce: {  	[sflag:s10] =	ssyncset.done $0x0  }
0xcf: {  	[sflag:s10] =	ssyncadd.s32 $0xFFFFC000  }
0xd0: {  	_ =	swait.ge [sflag:s16], $0x4000  }
0xd1: {  	s7 =	smov.u32 s6;
	[sflag:s16] =	ssyncset.done $0x0  }
0xd2: {  	s8 =	smov.u32 s7;
	s7 =	rddreg [dreg:$0x5];
	[sflag:s16] =	ssyncadd.s32 $0xFFFFC000  }
0xd3: {  	[tilespmem:s13], [sflag:$0x1] =	stream.indirect.gather [hbm4b:s4+s12], $0x80, s7, s12, $0xb8;
	[tilespmem:$0x1D000] =	vst v63  }
0xd4: {  	s9 =	rddreg [dreg:$0x6]  }
0xd5: {  	[spmem:s2] =	stream.indirect.scatter.add.f32 [tilespmem:s15], [sflag:$0x3], $0x80, s9, s12, $0xb8;
	[tilespmem:$0x1D000] =	vst v63  }
0xd6: {  	_ =	swait.ge [sflag:s10], $0x4000  }
0xd7: {  	[sflag:s10] =	ssyncset.done $0x0  }
0xd8: {  	[sflag:s10] =	ssyncadd.s32 $0xFFFFC000  }
0xd9: {  	_ =	swait.ge [sflag:s14], $0x4000  }
0xda: {  	[sflag:s14] =	ssyncset.done $0x0  }
0xdb: {  	s7 =	rddreg [dreg:$0x7];
	[sflag:s14] =	ssyncadd.s32 $0xFFFFC000  }
0xdc: {  	[tilespmem:s15], [sflag:$0x2] =	stream.indirect.gather [hbm4b:s4+s12], $0x80, s7, s12, $0xb8;
	[tilespmem:$0x1D000] =	vst v63  }
0xdd: {  	s9 =	rddreg [dreg:$0x8]  }
0xde: {  	[spmem:s2] =	stream.indirect.scatter.add.f32 [tilespmem:s13], [sflag:$0x3], $0x80, s9, s12, $0xb8;
	[tilespmem:$0x1D000] =	vst v63  }
0xdf: {  	_ =	swait.ge [sflag:s10], $0x4000  }
0xe0: {  	[sflag:s10] =	ssyncset.done $0x0  }
0xe1: {  	[sflag:s10] =	ssyncadd.s32 $0xFFFFC000  }
0xe2: {  	_ =	swait.ge [sflag:s16], $0x4000  }
0xe3: {  	[sflag:s16] =	ssyncset.done $0x0  }
0xe4: {  	s7 =	rddreg [dreg:$0x9];
	[sflag:s16] =	ssyncadd.s32 $0xFFFFC000  }
0xe5: {  	[tilespmem:s13], [sflag:$0x1] =	stream.indirect.gather [hbm4b:s4+s12], $0x80, s7, s12, $0xb8;
	[tilespmem:$0x1D000] =	vst v63  }
0xe6: {  	s9 =	rddreg [dreg:$0xa]  }
0xe7: {  	[spmem:s2] =	stream.indirect.scatter.add.f32 [tilespmem:s15], [sflag:$0x3], $0x80, s9, s12, $0xb8;
	[tilespmem:$0x1D000] =	vst v63  }
0xe8: {  	_ =	swait.ge [sflag:s10], $0x4000  }
0xe9: {  	[sflag:s10] =	ssyncset.done $0x0  }
0xea: {  	[sflag:s10] =	ssyncadd.s32 $0xFFFFC000  }
0xeb: {  	_ =	swait.ge [sflag:s14], $0x4000  }
0xec: {  	[sflag:s14] =	ssyncset.done $0x0  }
0xed: {  	s7 =	rddreg [dreg:$0xb];
	[sflag:s14] =	ssyncadd.s32 $0xFFFFC000  }
0xee: {  	[tilespmem:s15], [sflag:$0x2] =	stream.indirect.gather [hbm4b:s4+s12], $0x80, s7, s12, $0xb8;
	[tilespmem:$0x1D000] =	vst v63  }
0xef: {  	s9 =	rddreg [dreg:$0xc]  }
0xf0: {  	[spmem:s2] =	stream.indirect.scatter.add.f32 [tilespmem:s13], [sflag:$0x3], $0x80, s9, s12, $0xb8;
	[tilespmem:$0x1D000] =	vst v63  }
0xf1: {  	_ =	swait.ge [sflag:s10], $0x4000  }
0xf2: {  	[sflag:s10] =	ssyncset.done $0x0  }
0xf3: {  	[sflag:s10] =	ssyncadd.s32 $0xFFFFC000  }
0xf4: {  	_ =	swait.ge [sflag:s16], $0x4000  }
0xf5: {  	[sflag:s16] =	ssyncset.done $0x0  }
0xf6: {  	s7 =	rddreg [dreg:$0xd];
	[sflag:s16] =	ssyncadd.s32 $0xFFFFC000  }
0xf7: {  	[tilespmem:s13], [sflag:$0x1] =	stream.indirect.gather [hbm4b:s4+s12], $0x80, s7, s12, $0xb8;
	[tilespmem:$0x1D000] =	vst v63  }
0xf8: {  	s9 =	rddreg [dreg:$0xe]  }
0xf9: {  	[spmem:s2] =	stream.indirect.scatter.add.f32 [tilespmem:s15], [sflag:$0x3], $0x80, s9, s12, $0xb8;
	[tilespmem:$0x1D000] =	vst v63  }
0xfa: {  	_ =	swait.ge [sflag:s10], $0x4000  }
0xfb: {  	[sflag:s10] =	ssyncset.done $0x0  }
0xfc: {  	[sflag:s10] =	ssyncadd.s32 $0xFFFFC000  }
0xfd: {  	_ =	swait.ge [sflag:s14], $0x4000  }
0xfe: {  	[sflag:s14] =	ssyncset.done $0x0  }
0xff: {  	s7 =	rddreg [dreg:$0xf];
	[sflag:s14] =	ssyncadd.s32 $0xFFFFC000  }
0x100: {  	[tilespmem:s15], [sflag:$0x2] =	stream.indirect.gather [hbm4b:s4+s12], $0x80, s7, s12, $0xb8;
	[tilespmem:$0x1D000] =	vst v63  }
0x101: {  	s9 =	rddreg [dreg:$0x10]  }
0x102: {  	[spmem:s2] =	stream.indirect.scatter.add.f32 [tilespmem:s13], [sflag:$0x3], $0x80, s9, s12, $0xb8;
	[tilespmem:$0x1D000] =	vst v63  }
0x103: {  	_ =	swait.ge [sflag:s10], $0x4000  }
0x104: {  	[sflag:s10] =	ssyncset.done $0x0  }
0x105: {  	[sflag:s10] =	ssyncadd.s32 $0xFFFFC000  }
0x106: {  	_ =	swait.ge [sflag:s16], $0x4000  }
0x107: {  	[sflag:s16] =	ssyncset.done $0x0  }
0x108: {  	[sflag:s16] =	ssyncadd.s32 $0xFFFFC000  }
0x109: {  	[tilespmem:s13], [sflag:$0x1] =	stream.indirect.gather [hbm4b:s4+s12], $0x80, s17, s12, $0xb8;
	[tilespmem:$0x1D000] =	vst v63  }
0x10a: {  	_ = 	snop  }
0x10b: {  	[spmem:s2] =	stream.indirect.scatter.add.f32 [tilespmem:s15], [sflag:$0x3], $0x80, s18, s12, $0xb8;
	[tilespmem:$0x1D000] =	vst v63  }
0x10c: {  	_ =	swait.ge [sflag:s10], $0x4000  }
0x10d: {  	[sflag:s10] =	ssyncset.done $0x0  }
0x10e: {  	[sflag:s10] =	ssyncadd.s32 $0xFFFFC000  }
0x10f: {  	_ =	swait.ge [sflag:s14], $0x4000  }
0x110: {  	[sflag:s14] =	ssyncset.done $0x0  }
0x111: {  	[sflag:s14] =	ssyncadd.s32 $0xFFFFC000  }
0x112: {  	[tilespmem:s15], [sflag:$0x2] =	stream.indirect.gather [hbm4b:s4+s12], $0x80, s19, s12, $0xb8;
	[tilespmem:$0x1D000] =	vst v63  }
0x113: {  	_ = 	snop  }
0x114: {  	[spmem:s2] =	stream.indirect.scatter.add.f32 [tilespmem:s13], [sflag:$0x3], $0x80, s20, s12, $0xb8;
	[tilespmem:$0x1D000] =	vst v63  }
0x115: {  	_ =	swait.ge [sflag:s10], $0x4000  }
0x116: {  	[sflag:s10] =	ssyncset.done $0x0  }
0x117: {  	[sflag:s10] =	ssyncadd.s32 $0xFFFFC000  }
0x118: {  	_ =	swait.ge [sflag:s16], $0x4000  }
0x119: {  	[sflag:s16] =	ssyncset.done $0x0  }
0x11a: {  	[sflag:s16] =	ssyncadd.s32 $0xFFFFC000  }
0x11b: {  	[tilespmem:s13], [sflag:$0x1] =	stream.indirect.gather [hbm4b:s4+s12], $0x80, s21, s12, $0xb8;
	[tilespmem:$0x1D000] =	vst v63  }
0x11c: {  	_ = 	snop  }
0x11d: {  	[spmem:s2] =	stream.indirect.scatter.add.f32 [tilespmem:s15], [sflag:$0x3], $0x80, s22, s12, $0xb8;
	[tilespmem:$0x1D000] =	vst v63  }
0x11e: {  	_ =	swait.ge [sflag:s10], $0x4000  }
0x11f: {  	[sflag:s10] =	ssyncset.done $0x0  }
0x120: {  	[sflag:s10] =	ssyncadd.s32 $0xFFFFC000  }
0x121: {  	_ =	swait.ge [sflag:s14], $0x4000  }
0x122: {  	[sflag:s14] =	ssyncset.done $0x0  }
0x123: {  	[sflag:s14] =	ssyncadd.s32 $0xFFFFC000  }
0x124: {  	[tilespmem:s15], [sflag:$0x2] =	stream.indirect.gather [hbm4b:s4+s12], $0x80, s23, s12, $0xb8;
	[tilespmem:$0x1D000] =	vst v63  }
0x125: {  	_ = 	snop  }
0x126: {  	[spmem:s2] =	stream.indirect.scatter.add.f32 [tilespmem:s13], [sflag:$0x3], $0x80, s24, s12, $0xb8;
	[tilespmem:$0x1D000] =	vst v63  }
0x127: {  	_ =	swait.ge [sflag:s10], $0x4000  }
0x128: {  	[sflag:s10] =	ssyncset.done $0x0  }
0x129: {  	[sflag:s10] =	ssyncadd.s32 $0xFFFFC000  }
0x12a: {  	_ =	swait.ge [sflag:s16], $0x4000  }
0x12b: {  	[sflag:s16] =	ssyncset.done $0x0  }
0x12c: {  	[sflag:s16] =	ssyncadd.s32 $0xFFFFC000  }
0x12d: {  	[tilespmem:s13], [sflag:$0x1] =	stream.indirect.gather [hbm4b:s4+s12], $0x80, s25, s12, $0xb8;
	[tilespmem:$0x1D000] =	vst v63  }
0x12e: {  	_ = 	snop  }
0x12f: {  	[spmem:s2] =	stream.indirect.scatter.add.f32 [tilespmem:s15], [sflag:$0x3], $0x80, s26, s12, $0xb8;
	[tilespmem:$0x1D000] =	vst v63  }
0x130: {  	_ =	swait.ge [sflag:s10], $0x4000  }
0x131: {  	[sflag:s10] =	ssyncset.done $0x0  }
0x132: {  	[sflag:s10] =	ssyncadd.s32 $0xFFFFC000  }
0x133: {  	_ =	swait.ge [sflag:s14], $0x4000  }
0x134: {  	[sflag:s14] =	ssyncset.done $0x0  }
0x135: {  	[sflag:s14] =	ssyncadd.s32 $0xFFFFC000  }
0x136: {  	[tilespmem:s15], [sflag:$0x2] =	stream.indirect.gather [hbm4b:s4+s12], $0x80, s28, s12, $0xb8;
	[tilespmem:$0x1D000] =	vst v63  }
0x137: {  	_ = 	snop  }
0x138: {  	[spmem:s2] =	stream.indirect.scatter.add.f32 [tilespmem:s13], [sflag:$0x3], $0x80, s29, s12, $0xb8;
	[tilespmem:$0x1D000] =	vst v63  }
0x139: {  	_ =	swait.ge [sflag:s10], $0x4000  }
0x13a: {  	[sflag:s10] =	ssyncset.done $0x0  }
0x13b: {  	[sflag:s10] =	ssyncadd.s32 $0xFFFFC000  }
0x13c: {  	_ =	swait.ge [sflag:s16], $0x4000  }
0x13d: {  	[sflag:s16] =	ssyncset.done $0x0  }
0x13e: {  	[sflag:s16] =	ssyncadd.s32 $0xFFFFC000  }
0x13f: {  	[tilespmem:s13], [sflag:$0x1] =	stream.indirect.gather [hbm4b:s4+s12], $0x80, s30, s12, $0xb8;
	[tilespmem:$0x1D000] =	vst v63  }
0x140: {  	_ = 	snop  }
0x141: {  	[spmem:s2] =	stream.indirect.scatter.add.f32 [tilespmem:s15], [sflag:$0x3], $0x80, s31, s12, $0xb8;
	[tilespmem:$0x1D000] =	vst v63  }
0x142: {  	_ =	swait.ge [sflag:s10], $0x4000  }
0x143: {  	[sflag:s10] =	ssyncset.done $0x0  }
0x144: {  	[sflag:s10] =	ssyncadd.s32 $0xFFFFC000  }
0x145: {  	_ =	swait.ge [sflag:s14], $0x4000  }
0x146: {  	[sflag:s14] =	ssyncset.done $0x0  }
0x147: {  	[sflag:s14] =	ssyncadd.s32 $0xFFFFC000  }
0x148: {  	[tilespmem:s15], [sflag:$0x2] =	stream.indirect.gather [hbm4b:s4+s12], $0x80, s1, s12, $0xb8;
	[tilespmem:$0x1D000] =	vst v63  }
0x149: {  	_ = 	snop  }
0x14a: {  	[spmem:s2] =	stream.indirect.scatter.add.f32 [tilespmem:s13], [sflag:$0x3], $0x80, s0, s12, $0xb8;
	[tilespmem:$0x1D000] =	vst v63  }
0x14b: {  	_ =	swait.ge [sflag:s10], $0x4000  }
0x14c: {  	[sflag:s10] =	ssyncset.done $0x0  }
0x14d: {  	[sflag:s10] =	ssyncadd.s32 $0xFFFFC000  }
0x14e: {  	p0 =	sne.s32 s6, $0x400;
	_ =	swait.ge [sflag:s16], $0x4000  }
.Ltmp0:
0x14f: {  	[sflag:s16] =	ssyncset.done $0x0;
	(pc) =	sbr.rel @p0 .LBB2_2-.Ltmp0, $4  }
0x150: {  	[sflag:s16] =	ssyncadd.s32 $0xFFFFC000  }
0x151: {  	[spmem:s2] =	stream.indirect.scatter.add.f32 [tilespmem:s15], [sflag:$0x3], $0x80, s5, s12, $0xb8;
	[tilespmem:$0x1D000] =	vst v63  }
0x152: {  	_ =	swait.ge [sflag:s10], $0x4000  }
0x153: {  	s6 =	sadd.s32 $0x100, s6;
	s9 =	rddreg [dreg:$0x4];
	[sflag:s10] =	ssyncset.done $0x0  }
0x154: {  	[sflag:s10] =	ssyncadd.s32 $0xFFFFC000;
	s6 =	sadd.s32 s8, s9  }
0x155: {  	[tilespmem:s3], [sflag:$0x3] =	stream.linear.gather [hbm4b:s6+s3], $0x800, $0x38;
	[tilespmem:$0x1D000] =	vst v63  }
0x156: {  	_ =	swait.ge [sflag:s10], $0x800  }
0x157: {  	s7 =	rddreg [dreg:$0x3];
	[sflag:s10] =	ssyncset.done $0x0  }
0x158: {  	[sflag:s10] =	ssyncadd.s32 $0xFFFFF800;
	s6 =	sadd.s32 s8, s7  }
0x159: {  	[tilespmem:s11], [sflag:$0x3] =	stream.linear.gather [hbm4b:s6+s3], $0x800, $0x38;
	[tilespmem:$0x1D000] =	vst v63  }
0x15a: {  	_ =	swait.ge [sflag:s10], $0x800  }
0x15b: {  	[sflag:s10] =	ssyncset.done $0x0  }
0x15c: {  	[sflag:s10] =	ssyncadd.s32 $0xFFFFF800  }
0x15d: {  	[tilespmem:s13], [sflag:$0x1] =	stream.indirect.gather [hbm4b:s4+s12], $0x80, s3, s12, $0xb8;
	[tilespmem:$0x1D000] =	vst v63  }
0x15e: {  	_ =	swait.ge [sflag:s14], $0x4000  }
0x15f: {  	[sflag:s14] =	ssyncset.done $0x0  }
0x160: {  	[sflag:s14] =	ssyncadd.s32 $0xFFFFC000  }
0x161: {  	[tilespmem:s15], [sflag:$0x2] =	stream.indirect.gather [hbm4b:s4+s12], $0x80, s12, s12, $0xb8;
	[tilespmem:$0x1D000] =	vst v63  }
0x162: {  	_ = 	snop  }
0x163: {  	[spmem:s2] =	stream.indirect.scatter.add.f32 [tilespmem:s13], [sflag:$0x3], $0x80, s11, s12, $0xb8;
	[tilespmem:$0x1D000] =	vst v63  }
0x164: {  	_ =	swait.ge [sflag:s10], $0x4000  }
0x165: {  	[sflag:s10] =	ssyncset.done $0x0  }
0x166: {  	[sflag:s10] =	ssyncadd.s32 $0xFFFFC000  }
0x167: {  	_ =	swait.ge [sflag:s16], $0x4000  }
0x168: {  	[sflag:s16] =	ssyncset.done $0x0  }
0x169: {  	s9 =	rddreg [dreg:$0x5];
	[sflag:s16] =	ssyncadd.s32 $0xFFFFC000  }
0x16a: {  	[tilespmem:s13], [sflag:$0x1] =	stream.indirect.gather [hbm4b:s4+s12], $0x80, s9, s12, $0xb8;
	[tilespmem:$0x1D000] =	vst v63  }
0x16b: {  	s7 =	rddreg [dreg:$0x6]  }
0x16c: {  	[spmem:s2] =	stream.indirect.scatter.add.f32 [tilespmem:s15], [sflag:$0x3], $0x80, s7, s12, $0xb8;
	[tilespmem:$0x1D000] =	vst v63  }
0x16d: {  	_ =	swait.ge [sflag:s10], $0x4000  }
0x16e: {  	[sflag:s10] =	ssyncset.done $0x0  }
0x16f: {  	[sflag:s10] =	ssyncadd.s32 $0xFFFFC000  }
0x170: {  	_ =	swait.ge [sflag:s14], $0x4000  }
0x171: {  	[sflag:s14] =	ssyncset.done $0x0  }
0x172: {  	s8 =	rddreg [dreg:$0x7];
	[sflag:s14] =	ssyncadd.s32 $0xFFFFC000  }
0x173: {  	[tilespmem:s15], [sflag:$0x2] =	stream.indirect.gather [hbm4b:s4+s12], $0x80, s8, s12, $0xb8;
	[tilespmem:$0x1D000] =	vst v63  }
0x174: {  	s9 =	rddreg [dreg:$0x8]  }
0x175: {  	[spmem:s2] =	stream.indirect.scatter.add.f32 [tilespmem:s13], [sflag:$0x3], $0x80, s9, s12, $0xb8;
	[tilespmem:$0x1D000] =	vst v63  }
0x176: {  	_ =	swait.ge [sflag:s10], $0x4000  }
0x177: {  	[sflag:s10] =	ssyncset.done $0x0  }
0x178: {  	[sflag:s10] =	ssyncadd.s32 $0xFFFFC000  }
0x179: {  	_ =	swait.ge [sflag:s16], $0x4000  }
0x17a: {  	[sflag:s16] =	ssyncset.done $0x0  }
0x17b: {  	s8 =	rddreg [dreg:$0x9];
	[sflag:s16] =	ssyncadd.s32 $0xFFFFC000  }
0x17c: {  	[tilespmem:s13], [sflag:$0x1] =	stream.indirect.gather [hbm4b:s4+s12], $0x80, s8, s12, $0xb8;
	[tilespmem:$0x1D000] =	vst v63  }
0x17d: {  	s9 =	rddreg [dreg:$0xa]  }
0x17e: {  	[spmem:s2] =	stream.indirect.scatter.add.f32 [tilespmem:s15], [sflag:$0x3], $0x80, s9, s12, $0xb8;
	[tilespmem:$0x1D000] =	vst v63  }
0x17f: {  	_ =	swait.ge [sflag:s10], $0x4000  }
0x180: {  	[sflag:s10] =	ssyncset.done $0x0  }
0x181: {  	[sflag:s10] =	ssyncadd.s32 $0xFFFFC000  }
0x182: {  	_ =	swait.ge [sflag:s14], $0x4000  }
0x183: {  	[sflag:s14] =	ssyncset.done $0x0  }
0x184: {  	s8 =	rddreg [dreg:$0xb];
	[sflag:s14] =	ssyncadd.s32 $0xFFFFC000  }
0x185: {  	[tilespmem:s15], [sflag:$0x2] =	stream.indirect.gather [hbm4b:s4+s12], $0x80, s8, s12, $0xb8;
	[tilespmem:$0x1D000] =	vst v63  }
0x186: {  	s9 =	rddreg [dreg:$0xc]  }
0x187: {  	[spmem:s2] =	stream.indirect.scatter.add.f32 [tilespmem:s13], [sflag:$0x3], $0x80, s9, s12, $0xb8;
	[tilespmem:$0x1D000] =	vst v63  }
0x188: {  	_ =	swait.ge [sflag:s10], $0x4000  }
0x189: {  	[sflag:s10] =	ssyncset.done $0x0  }
0x18a: {  	[sflag:s10] =	ssyncadd.s32 $0xFFFFC000  }
0x18b: {  	_ =	swait.ge [sflag:s16], $0x4000  }
0x18c: {  	[sflag:s16] =	ssyncset.done $0x0  }
0x18d: {  	s8 =	rddreg [dreg:$0xd];
	[sflag:s16] =	ssyncadd.s32 $0xFFFFC000  }
0x18e: {  	[tilespmem:s13], [sflag:$0x1] =	stream.indirect.gather [hbm4b:s4+s12], $0x80, s8, s12, $0xb8;
	[tilespmem:$0x1D000] =	vst v63  }
0x18f: {  	s9 =	rddreg [dreg:$0xe]  }
0x190: {  	[spmem:s2] =	stream.indirect.scatter.add.f32 [tilespmem:s15], [sflag:$0x3], $0x80, s9, s12, $0xb8;
	[tilespmem:$0x1D000] =	vst v63  }
0x191: {  	_ =	swait.ge [sflag:s10], $0x4000  }
0x192: {  	[sflag:s10] =	ssyncset.done $0x0  }
0x193: {  	[sflag:s10] =	ssyncadd.s32 $0xFFFFC000  }
0x194: {  	_ =	swait.ge [sflag:s14], $0x4000  }
0x195: {  	[sflag:s14] =	ssyncset.done $0x0  }
0x196: {  	s7 =	rddreg [dreg:$0xf];
	[sflag:s14] =	ssyncadd.s32 $0xFFFFC000  }
0x197: {  	[tilespmem:s15], [sflag:$0x2] =	stream.indirect.gather [hbm4b:s4+s12], $0x80, s7, s12, $0xb8;
	[tilespmem:$0x1D000] =	vst v63  }
0x198: {  	s8 =	rddreg [dreg:$0x10]  }
0x199: {  	[spmem:s2] =	stream.indirect.scatter.add.f32 [tilespmem:s13], [sflag:$0x3], $0x80, s8, s12, $0xb8;
	[tilespmem:$0x1D000] =	vst v63  }
0x19a: {  	_ =	swait.ge [sflag:s10], $0x4000  }
0x19b: {  	[sflag:s10] =	ssyncset.done $0x0  }
0x19c: {  	[sflag:s10] =	ssyncadd.s32 $0xFFFFC000  }
0x19d: {  	_ =	swait.ge [sflag:s16], $0x4000  }
0x19e: {  	[sflag:s16] =	ssyncset.done $0x0  }
0x19f: {  	[sflag:s16] =	ssyncadd.s32 $0xFFFFC000  }
0x1a0: {  	[tilespmem:s13], [sflag:$0x1] =	stream.indirect.gather [hbm4b:s4+s12], $0x80, s17, s12, $0xb8;
	[tilespmem:$0x1D000] =	vst v63  }
0x1a1: {  	_ = 	snop  }
0x1a2: {  	[spmem:s2] =	stream.indirect.scatter.add.f32 [tilespmem:s15], [sflag:$0x3], $0x80, s18, s12, $0xb8;
	[tilespmem:$0x1D000] =	vst v63  }
0x1a3: {  	_ =	swait.ge [sflag:s10], $0x4000  }
0x1a4: {  	[sflag:s10] =	ssyncset.done $0x0  }
0x1a5: {  	[sflag:s10] =	ssyncadd.s32 $0xFFFFC000  }
0x1a6: {  	_ =	swait.ge [sflag:s14], $0x4000  }
0x1a7: {  	[sflag:s14] =	ssyncset.done $0x0  }
0x1a8: {  	[sflag:s14] =	ssyncadd.s32 $0xFFFFC000  }
0x1a9: {  	[tilespmem:s15], [sflag:$0x2] =	stream.indirect.gather [hbm4b:s4+s12], $0x80, s19, s12, $0xb8;
	[tilespmem:$0x1D000] =	vst v63  }
0x1aa: {  	_ = 	snop  }
0x1ab: {  	[spmem:s2] =	stream.indirect.scatter.add.f32 [tilespmem:s13], [sflag:$0x3], $0x80, s20, s12, $0xb8;
	[tilespmem:$0x1D000] =	vst v63  }
0x1ac: {  	_ =	swait.ge [sflag:s10], $0x4000  }
0x1ad: {  	[sflag:s10] =	ssyncset.done $0x0  }
0x1ae: {  	[sflag:s10] =	ssyncadd.s32 $0xFFFFC000  }
0x1af: {  	_ =	swait.ge [sflag:s16], $0x4000  }
0x1b0: {  	[sflag:s16] =	ssyncset.done $0x0  }
0x1b1: {  	[sflag:s16] =	ssyncadd.s32 $0xFFFFC000  }
0x1b2: {  	[tilespmem:s13], [sflag:$0x1] =	stream.indirect.gather [hbm4b:s4+s12], $0x80, s21, s12, $0xb8;
	[tilespmem:$0x1D000] =	vst v63  }
0x1b3: {  	_ = 	snop  }
0x1b4: {  	[spmem:s2] =	stream.indirect.scatter.add.f32 [tilespmem:s15], [sflag:$0x3], $0x80, s22, s12, $0xb8;
	[tilespmem:$0x1D000] =	vst v63  }
0x1b5: {  	_ =	swait.ge [sflag:s10], $0x4000  }
0x1b6: {  	[sflag:s10] =	ssyncset.done $0x0  }
0x1b7: {  	[sflag:s10] =	ssyncadd.s32 $0xFFFFC000  }
0x1b8: {  	_ =	swait.ge [sflag:s14], $0x4000  }
0x1b9: {  	[sflag:s14] =	ssyncset.done $0x0  }
0x1ba: {  	[sflag:s14] =	ssyncadd.s32 $0xFFFFC000  }
0x1bb: {  	[tilespmem:s15], [sflag:$0x2] =	stream.indirect.gather [hbm4b:s4+s12], $0x80, s23, s12, $0xb8;
	[tilespmem:$0x1D000] =	vst v63  }
0x1bc: {  	_ = 	snop  }
0x1bd: {  	[spmem:s2] =	stream.indirect.scatter.add.f32 [tilespmem:s13], [sflag:$0x3], $0x80, s24, s12, $0xb8;
	[tilespmem:$0x1D000] =	vst v63  }
0x1be: {  	_ =	swait.ge [sflag:s10], $0x4000  }
0x1bf: {  	[sflag:s10] =	ssyncset.done $0x0  }
0x1c0: {  	[sflag:s10] =	ssyncadd.s32 $0xFFFFC000  }
0x1c1: {  	_ =	swait.ge [sflag:s16], $0x4000  }
0x1c2: {  	[sflag:s16] =	ssyncset.done $0x0  }
0x1c3: {  	[sflag:s16] =	ssyncadd.s32 $0xFFFFC000  }
0x1c4: {  	[tilespmem:s13], [sflag:$0x1] =	stream.indirect.gather [hbm4b:s4+s12], $0x80, s25, s12, $0xb8;
	[tilespmem:$0x1D000] =	vst v63  }
0x1c5: {  	_ = 	snop  }
0x1c6: {  	[spmem:s2] =	stream.indirect.scatter.add.f32 [tilespmem:s15], [sflag:$0x3], $0x80, s26, s12, $0xb8;
	[tilespmem:$0x1D000] =	vst v63  }
0x1c7: {  	_ =	swait.ge [sflag:s10], $0x4000  }
0x1c8: {  	[sflag:s10] =	ssyncset.done $0x0  }
0x1c9: {  	[sflag:s10] =	ssyncadd.s32 $0xFFFFC000  }
0x1ca: {  	_ =	swait.ge [sflag:s14], $0x4000  }
0x1cb: {  	[sflag:s14] =	ssyncset.done $0x0  }
0x1cc: {  	[sflag:s14] =	ssyncadd.s32 $0xFFFFC000  }
0x1cd: {  	[tilespmem:s15], [sflag:$0x2] =	stream.indirect.gather [hbm4b:s4+s12], $0x80, s28, s12, $0xb8;
	[tilespmem:$0x1D000] =	vst v63  }
0x1ce: {  	_ = 	snop  }
0x1cf: {  	[spmem:s2] =	stream.indirect.scatter.add.f32 [tilespmem:s13], [sflag:$0x3], $0x80, s29, s12, $0xb8;
	[tilespmem:$0x1D000] =	vst v63  }
0x1d0: {  	_ =	swait.ge [sflag:s10], $0x4000  }
0x1d1: {  	[sflag:s10] =	ssyncset.done $0x0  }
0x1d2: {  	[sflag:s10] =	ssyncadd.s32 $0xFFFFC000  }
0x1d3: {  	_ =	swait.ge [sflag:s16], $0x4000  }
0x1d4: {  	[sflag:s16] =	ssyncset.done $0x0  }
0x1d5: {  	[sflag:s16] =	ssyncadd.s32 $0xFFFFC000  }
0x1d6: {  	[tilespmem:s13], [sflag:$0x1] =	stream.indirect.gather [hbm4b:s4+s12], $0x80, s30, s12, $0xb8;
	[tilespmem:$0x1D000] =	vst v63  }
0x1d7: {  	_ = 	snop  }
0x1d8: {  	[spmem:s2] =	stream.indirect.scatter.add.f32 [tilespmem:s15], [sflag:$0x3], $0x80, s31, s12, $0xb8;
	[tilespmem:$0x1D000] =	vst v63  }
0x1d9: {  	_ =	swait.ge [sflag:s10], $0x4000  }
0x1da: {  	[sflag:s10] =	ssyncset.done $0x0  }
0x1db: {  	[sflag:s10] =	ssyncadd.s32 $0xFFFFC000  }
0x1dc: {  	_ =	swait.ge [sflag:s14], $0x4000  }
0x1dd: {  	[sflag:s14] =	ssyncset.done $0x0  }
0x1de: {  	[sflag:s14] =	ssyncadd.s32 $0xFFFFC000  }
0x1df: {  	[tilespmem:s15], [sflag:$0x2] =	stream.indirect.gather [hbm4b:s4+s12], $0x80, s1, s12, $0xb8;
	[tilespmem:$0x1D000] =	vst v63  }
0x1e0: {  	_ = 	snop  }
0x1e1: {  	[spmem:s2] =	stream.indirect.scatter.add.f32 [tilespmem:s13], [sflag:$0x3], $0x80, s0, s12, $0xb8;
	[tilespmem:$0x1D000] =	vst v63  }
0x1e2: {  	_ =	swait.ge [sflag:s10], $0x4000  }
0x1e3: {  	[sflag:s10] =	ssyncset.done $0x0  }
0x1e4: {  	[sflag:s10] =	ssyncadd.s32 $0xFFFFC000  }
0x1e5: {  	_ =	swait.ge [sflag:s16], $0x4000  }
0x1e6: {  	[sflag:s16] =	ssyncset.done $0x0  }
0x1e7: {  	[sflag:s16] =	ssyncadd.s32 $0xFFFFC000  }
0x1e8: {  	[spmem:s2] =	stream.indirect.scatter.add.f32 [tilespmem:s15], [sflag:$0x3], $0x80, s5, s12, $0xb8;
	[tilespmem:$0x1D000] =	vst v63  }
0x1e9: {  	_ =	swait.ge [sflag:s10], $0x4000  }
0x1ea: {  	[sflag:s10] =	ssyncset.done $0x0  }
0x1eb: {  	[sflag:s10] =	ssyncadd.s32 $0xFFFFC000  }
0x1ec: {  	[bflag:$0x0] =	sbarrier.arrive $0xFFFF  }
0x1ed: {  	s7 =	rddreg [dreg:$0x12]  }
0x1ee: {  	s9 =	rddreg [dreg:$0x13]  }
0x1ef: {  	s8 =	rddreg [dreg:$0x15]  }
0x1f0: {  	[hbm:s9], [sflag:s7] =	dma.local [spmem:s8], $0x2800  }
0x1f1: {  	_ =	swait.ge [sflag:s10], $0x2800  }
0x1f2: {  	s6 =	rddreg [dreg:$0x16]  }
0x1f3: {  	s9 =	sadd.s32 $0x1, s6;
	s6 =	rddreg [dreg:$0x14]  }
0x1f4: {  	p0 =	sne.s32 s9, s6  }
.Ltmp1:
0x1f5: {  	_ = 	snop;
	(pc) =	sbr.rel @p0 .LBB2_1-.Ltmp1, $3  }
0x1f6: {  	_ =	sdelay $0x1  }
0x1f7: {  	[sflag:s10] =	ssyncset.done $0x0  }
0x1f8: {  	[sflag:s10] =	ssyncadd.s32 $0xFFFFD800  }
0x1f9: {  	_ =	sfence.sel $0x180000  }
0x1fa: {  	[bflag:$0x0] =	sbarrier.arrive $0xFFFF  }
0x1fb: {  	_ =	strace $0x9000004A  }
0x1fc: {  	s0 =	stileid.u32;
	[bflag:$0x2] =	sbarrier.arrive $0xFFFF  }
0x1fd: {  	p0 =	sne.s32 s0, $0x0;
	s0 =	rddreg [dreg:$0x2]  }
0x1fe: {  	s0 =	sadd.s32 @!p0 $0x100000, s0  }
0x1ff: {  	[sflag:s0] =	ssyncadd.tile.s32 @!p0 $0x1;
	_ =	shalt  }
.Lfunc_end2:
_tile_overlayer_lowered:
.L_overlay_start_2:
0x200: {  	(tag) =	ssettag $0x2  }
0x201: {  	s0 =	rddreg [dreg:$0x0];
	s2 =	stileid.u32  }
0x202: {  	s1 =	rddreg [dreg:$0x1];
	p0 =	sne.s32 s2, $0x0  }
0x203: {  	s3 =	rddreg [dreg:$0x2];
	[bflag:$0x3] =	sbarrier.arrive $0xFFFF;
	s2 =	simm.s32 @!p0 $0x1C03  }
0x204: {  	[timem:s3], [sflag:s2] =	dma.local @!p0 [hbm:s0], s1  }
0x205: {  	s0 =	simm.s32 @!p0 $0x3  }
0x206: {  	_ =	swait.ge @!p0 [sflag:s0], s1  }
0x207: {  	s1 =	ssub.s32 @!p0 $0x0, s1;
	[sflag:s0] =	ssyncset.done @!p0 $0x0  }
0x208: {  	[sflag:s0] =	ssyncadd.s32 @!p0 s1  }
0x209: {  	[bflag:$0x3] =	sbarrier.arrive $0xFFFF  }
0x20a: {  	_ =	shalt  }

// kernel: kernel.14.cloned.1.call-start
scs
__scs_entry_jumppad:
0x0: {  	(pc) =	sbr.rel $0x88, $3  }
0x1: {  	(tag) =	ssettag $0x0;
	lr =	simm.s32 $0x1  }
0x2: {  	[smem:$0x3F98] =	sst lr;
	_ =	strace $0xD0000000  }
0x3: {  	_ = 	snop  }
0x4: {  	_ = 	snop  }
0x5: {  	_ = 	snop  }
0x6: {  	_ = 	snop  }
0x7: {  	_ = 	snop  }
__scs_overlays_trampoline_lowered:
0x8: {  	[smem:$0x3FA7] =	sst s0  }
0x9: {  	[smem:$0x3FA8] =	sst s1  }
0xa: {  	[smem:$0x3FA9] =	sst s2  }
0xb: {  	[smem:$0x3FAA] =	sst s3  }
0xc: {  	[smem:$0x3FAB] =	sst s4  }
0xd: {  	[smem:$0x3FAC] =	sst s5  }
0xe: {  	[smem:$0x3FAD] =	sst s6  }
0xf: {  	[smem:$0x3FAE] =	sst s7  }
0x10: {  	[smem:$0x3FAF] =	sst s8  }
0x11: {  	[smem:$0x3FB0] =	sst s9;
	s0 =	simm.s32 @!p0 $0x0  }
0x12: {  	s1 =	sld [smem:$0x3F96];
	s0 =	simm.s32 @p0 $0x1  }
0x13: {  	[smem:$0x3FB1] =	sst s0;
	s0 =	simm.s32 @!p1 $0x0  }
0x14: {  	s2 =	sld [smem:$0x3F95];
	s0 =	simm.s32 @p1 $0x1  }
0x15: {  	[smem:$0x3FB2] =	sst s0;
	s0 =	simm.s32 @!p2 $0x0  }
0x16: {  	s3 =	sld [smem:$0x3FDB];
	s0 =	simm.s32 @p2 $0x1  }
0x17: {  	s4 =	simm.s32 $0x1BF5;
	[smem:$0x3FB4] =	sst s0  }
0x18: {  	s0 =	sld [smem:$0x3F97];
	_ =	swait.ge [sflag:s4], $0x0  }
0x19: {  	s7 =	sld [smem:$0x3F98]  }
0x1a: {  	s8 =	sadd.s32 $0xFFFFE003, lr  }
0x1b: {  	s9 =	sadd.s32 $0xFFFFFEF7, lr;
	s5 =	simm.s32 $0xFFFFFFFF;
	p2 =	slt.u32 s8, $0xFFFFF086  }
0x1c: {  	p1 =	slt.u32 s9, $0xF7A;
	s5 =	simm.s32 @!p2 $0x0  }
0x1d: {  	s5 =	simm.s32 @p1 $0x1;
	p0 =	seq.s32 s7, s2  }
0x1e: {  	s7 =	smul.u32 @!p0 $0xF7A, s2;
	p2 =	seq.s32 @!p0 s5, $0x0  }
0x1f: {  	s9 =	smul.u32 $0xF7A, s1;
	s8 =	simm.s32 @!p0 $0x1BF5;
	p2 =	por !p2, p0  }
0x20: {  	[sflag:s8] =	ssyncset.s32 @!p0 $0xFFFFF086;
	s6 =	sadd.s32 @!p0 s3, s7;
	s7 =	simm.s32 @!p0 $0x108  }
0x21: {  	s3 =	sadd.s32 s3, s9;
	s6 =	sadd.s32 @!p0 $0x88, s6;
	s7 =	simm.s32 @p2 $0x1082  }
0x22: {  	[simem:s7], [sflag:s8] =	dma.local @!p0 [hbm:s6], $0xF7A  }
0x23: {  	s9 =	sor.u32 $0xD0000000, s2;
	s6 =	simm.s32 $0x108;
	_ =	swait.ge @!p0 [sflag:s8], $0x0  }
0x24: {  	s3 =	sadd.s32 $0x88, s3;
	s6 =	simm.s32 @!p1 $0x1082;
	[sflag:s4] =	ssyncset.s32 $0xFFFFF086  }
0x25: {  	[simem:s6], [sflag:s4] =	dma.local [hbm:s3], $0xF7A  }
0x26: {  	[smem:$0x3F98] =	sst s1;
	(tag) =	ssettag s2;
	_ =	strace s9  }
0x27: {  	s1 =	sld [smem:$0x3FA8]  }
0x28: {  	s2 =	sld [smem:$0x3FA9]  }
0x29: {  	s4 =	sld [smem:$0x3FAB]  }
0x2a: {  	p0 =	seq.s32 s5, $0x0;
	s5 =	sld [smem:$0x3FAC]  }
0x2b: {  	s6 =	sld [smem:$0x3FAD]  }
0x2c: {  	s7 =	sld [smem:$0x3FAE]  }
0x2d: {  	s3 =	simm.s32 $0x108;
	s8 =	sld [smem:$0x3FAF]  }
0x2e: {  	s3 =	simm.s32 @!p0 $0x1082;
	s9 =	sld [smem:$0x3FB0]  }
0x2f: {  	lr =	sadd.s32 s0, s3;
	s0 =	sld [smem:$0x3FA7]  }
0x30: {  	s3 =	sld [smem:$0x3FAA]  }
0x31: {  	[smem:$0x3FB3] =	sst s10  }
0x32: {  	s10 =	sld [smem:$0x3FB1];
	_ =	sdelay $0x3  }
0x33: {  	p0 =	seq.s32 s10, $0x1;
	s10 =	sld [smem:$0x3FB3];
	_ =	sdelay $0x3  }
0x34: {  	[smem:$0x3FB3] =	sst s10  }
0x35: {  	s10 =	sld [smem:$0x3FB2];
	_ =	sdelay $0x3  }
0x36: {  	p1 =	seq.s32 s10, $0x1;
	s10 =	sld [smem:$0x3FB3];
	_ =	sdelay $0x3  }
0x37: {  	[smem:$0x3FB3] =	sst s10  }
0x38: {  	s10 =	sld [smem:$0x3FB4]  }
0x39: {  	_ = 	snop;
	(pc) =	sbr.ind lr, $3  }
0x3a: {  	_ = 	snop  }
0x3b: {  	_ = 	snop  }
0x3c: {  	p2 =	seq.s32 s10, $0x1;
	s10 =	sld [smem:$0x3FB3]  }
0x3d: {  	_ =	shalt  }
0x3e: {  	_ =	shalt  }
0x3f: {  	_ =	shalt  }
0x40: {  	_ =	shalt  }
0x41: {  	_ =	shalt  }
0x42: {  	_ =	shalt  }
0x43: {  	_ =	shalt  }
0x44: {  	_ =	shalt  }
0x45: {  	_ =	shalt  }
0x46: {  	_ =	shalt  }
0x47: {  	_ =	shalt  }
0x48: {  	_ =	shalt  }
0x49: {  	_ =	shalt  }
0x4a: {  	_ =	shalt  }
0x4b: {  	_ =	shalt  }
0x4c: {  	_ =	shalt  }
0x4d: {  	_ =	shalt  }
0x4e: {  	_ =	shalt  }
0x4f: {  	_ =	shalt  }
0x50: {  	_ =	shalt  }
0x51: {  	_ =	shalt  }
0x52: {  	_ =	shalt  }
0x53: {  	_ =	shalt  }
0x54: {  	_ =	shalt  }
0x55: {  	_ =	shalt  }
0x56: {  	_ =	shalt  }
0x57: {  	_ =	shalt  }
0x58: {  	_ =	shalt  }
0x59: {  	_ =	shalt  }
0x5a: {  	_ =	shalt  }
0x5b: {  	_ =	shalt  }
0x5c: {  	_ =	shalt  }
0x5d: {  	_ =	shalt  }
0x5e: {  	_ =	shalt  }
0x5f: {  	_ =	shalt  }
0x60: {  	_ =	shalt  }
0x61: {  	_ =	shalt  }
0x62: {  	_ =	shalt  }
0x63: {  	_ =	shalt  }
0x64: {  	_ =	shalt  }
0x65: {  	_ =	shalt  }
0x66: {  	_ =	shalt  }
0x67: {  	_ =	shalt  }
0x68: {  	_ =	shalt  }
0x69: {  	_ =	shalt  }
0x6a: {  	_ =	shalt  }
0x6b: {  	_ =	shalt  }
0x6c: {  	_ =	shalt  }
0x6d: {  	_ =	shalt  }
0x6e: {  	_ =	shalt  }
0x6f: {  	_ =	shalt  }
0x70: {  	_ =	shalt  }
0x71: {  	_ =	shalt  }
0x72: {  	_ =	shalt  }
0x73: {  	_ =	shalt  }
0x74: {  	_ =	shalt  }
0x75: {  	_ =	shalt  }
0x76: {  	_ =	shalt  }
0x77: {  	_ =	shalt  }
0x78: {  	_ =	shalt  }
0x79: {  	_ =	shalt  }
0x7a: {  	_ =	shalt  }
0x7b: {  	_ =	shalt  }
0x7c: {  	_ =	shalt  }
0x7d: {  	_ =	shalt  }
0x7e: {  	_ =	shalt  }
0x7f: {  	_ =	shalt  }
0x80: {  	_ =	shalt  }
0x81: {  	_ =	shalt  }
0x82: {  	_ =	shalt  }
0x83: {  	_ =	shalt  }
0x84: {  	_ =	shalt  }
0x85: {  	_ =	shalt  }
0x86: {  	_ =	shalt  }
0x87: {  	_ =	shalt  }
.Lfunc_end0:
.L_simem_size_0:
called_computation.2_lowered:
.L_overlay_start_0:
0x88: {  	s2 =	sld [smem:$0x3FD9]  }
0x89: {  	s3 =	sld [smem:$0x3FFE];
	_ =	sdelay $0x1  }
0x8a: {  	s1 =	srdreg.scid  }
0x8b: {  	s0 =	sand.u32 $0x1, s1  }
0x8c: {  	s16 =	sshll.u32 s0, $0xA;
	s2 =	sadd.s32 s3, s2  }
0x8d: {  	s2 =	sadd.s32 s2, s16  }
0x8e: {  	[smem:$0x3FBF] =	sst s2  }
0x8f: {  	_ = 	snop  }
0x90: {  	(tm) =	ssettm $0x1  }
0x91: {  	s17 =	sld [smem:$0x3FFB];
	_ =	sdelay $0x3  }
0x92: {  	_ =	strace s17  }
0x93: {  	s2 =	sld [smem:$0x3FFC];
	_ =	sdelay $0x3  }
0x94: {  	_ =	strace s2  }
0x95: {  	s2 =	sld [smem:$0x3FFD];
	_ =	sdelay $0x3  }
0x96: {  	_ =	strace s2  }
0x97: {  	_ =	strace $0x8FFFFFFF  }
0x98: {  	s18 =	sld [smem:$0x3FDB];
	_ =	sdelay $0x1  }
0x99: {  	s19 =	simm.s32 $_scs_section_size  }
0x9a: {  	s4 =	simm.s32 $_size__tile_overlayer_lowered;
	s5 =	simm.s32 $_tile_overlayer_lowered  }
0x9b: {  	s22 =	simm.s32 $0x1BFF;
	s21 =	sshll.u32 s5, $0x1;
	s2 =	sadd.s32 s19, s18  }
0x9c: {  	s6 =	simm.s32 $0x0;
	s20 =	sshll.u32 s4, $0x1;
	s4 =	sadd.s32 s21, s2  }
0x9d: {  	[timem:s6], [sflag:s22] =	dma.local [hbm:s4], s20  }
0x9e: {  	_ =	swait.ge [sflag:s22], s20  }
0x9f: {  	s3 =	ssub.s32 $0x0, s20;
	[sflag:s22] =	ssyncset.done $0x0  }
0xa0: {  	[sflag:s22] =	ssyncadd.s32 s3;
	_ =	sdelay $0x1  }
0xa1: {  	s23 =	simm.s32 $0x1B8B  }
0xa2: {  	_ =	swait.ge [sflag:s23], $0x1  }
0xa3: {  	[sflag:s23] =	ssyncset.done $0x0  }
0xa4: {  	s25 =	simm.s32 $0x1B8E;
	s24 =	sld [smem:$0x3FFE];
	[sflag:s23] =	ssyncadd.s32 $0xFFFFFFFF  }
0xa5: {  	s26 =	simm.s32 $execute0_lowered;
	[smem:$0x3FD2] =	sst s25  }
0xa6: {  	s4 =	sshll.u32 s26, $0x1;
	_ =	strace $0x8000004C;
	[dreg:$0x1] =	wrdreg $0xFFFFFFFF  }
0xa7: {  	s28 =	simm.s32 $_size_execute0_lowered;
	s2 =	sadd.s32 s2, s4;
	[dreg:$0x0] =	wrdreg $0x0  }
0xa8: {  	s4 =	sshll.u32 s28, $0x1;
	[dreg:$0x2] =	wrdreg s2  }
0xa9: {  	[dreg:$0x3] =	wrdreg s4  }
0xaa: {  	[dreg:$0x4] =	wrdreg $0xC0  }
0xab: {  	_ =	task [dreg:s6], $0x5FFFF  }
0xac: {  	[dreg:$0x1] =	wrdreg $0xFFFFFFFF  }
0xad: {  	[dreg:$0x0] =	wrdreg $0x60  }
0xae: {  	[dreg:$0x2] =	wrdreg s24  }
0xaf: {  	[dreg:$0x3] =	wrdreg $0x90000  }
0xb0: {  	[dreg:$0x4] =	wrdreg $0x9  }
0xb1: {  	_ =	task.clear_ibuf [dreg:s6], $0x5FFFF;
	_ =	strace $0x9000004C  }
0xb2: {  	s29 =	simm.s32 $0x9;
	_ =	strace $0x8000004E  }
0xb3: {  	_ =	swait.ge [sflag:s29], $0x1  }
0xb4: {  	[sflag:s29] =	ssyncadd.s32 $0xFFFFFFFF  }
0xb5: {  	_ =	strace $0x9000004E  }
0xb6: {  	_ =	sfence  }
0xb7: {  	s30 =	sld [smem:$0x0];
	_ =	sdelay $0x2  }
0xb8: {  	s31 =	sshll.u32 s1, $0xD;
	s1 =	sshrl.u32 s1, $0x2  }
0xb9: {  	s3 =	sand.u32 $0x4000, s31;
	s1 =	sadd.s32 s1, s30  }
0xba: {  	s0 =	sor.u32 s3, s0;
	s1 =	sshll.u32 s1, $0x11  }
0xbb: {  	s0 =	sor.u32 s1, s0  }
0xbc: {  	s0 =	sadd.s32 $0x8F2B, s0  }
0xbd: {  	[sflag:s0] =	ssyncadd.remote.s32 $0x1  }
0xbe: {  	_ =	sfence.sel $0xFFFF  }
0xbf: {  	[dreg:$0x0] =	wrdreg $0xFFFFFFFF;
	(pc) =	sbr.abs _section_cstart, $3  }
0xc0: {  	[dreg:$0x1] =	wrdreg $0xFFFFFFFF  }
0xc1: {  	_ =	task.clear_ibuf [dreg:s6], $0x2FFFF;
	_ =	strace $0x9FFFFFFF  }
0xc2: {  	(tm) =	ssettm $0x7FFFFFFF  }
0xc3: {  	_ =	shalt  }
tec
execute0_lowered:
.L_overlay_start_1:
0x0: {  	(tag) =	ssettag $0x1  }
0x1: {  	s0 =	srdreg.scid;
	s5 =	rddreg [dreg:$0x0]  }
0x2: {  	s9 =	stileid.u32;
	s2 =	rddreg [dreg:$0x1]  }
0x3: {  	s3 =	simm.s32 $0x0;
	s14 =	simm.s32 $0x100;
	s15 =	simm.s32 $0x880  }
0x4: {  	s17 =	simm.s32 $0x180;
	[smem:$0x7FF] =	sst s3;
	s7 =	sadd.s32 $0x16A00, s5  }
0x5: {  	s18 =	simm.s32 $0x900;
	_ =	strace $0x8000004D;
	[dreg:$0x11] =	wrdreg s7  }
0x6: {  	s19 =	simm.s32 $0x200;
	s20 =	simm.s32 $0x980;
	[dreg:$0x5] =	wrdreg s14  }
0x7: {  	s21 =	simm.s32 $0x280;
	s22 =	simm.s32 $0xA00;
	[dreg:$0x6] =	wrdreg s15  }
0x8: {  	s23 =	simm.s32 $0x300;
	s24 =	simm.s32 $0xA80;
	[dreg:$0x7] =	wrdreg s17  }
0x9: {  	s25 =	simm.s32 $0x380;
	s26 =	simm.s32 $0xB00;
	[dreg:$0x8] =	wrdreg s18  }
0xa: {  	s28 =	simm.s32 $0x680;
	s29 =	simm.s32 $0xE00;
	[dreg:$0x9] =	wrdreg s19  }
0xb: {  	s30 =	simm.s32 $0x700;
	s31 =	simm.s32 $0xE80;
	[dreg:$0xa] =	wrdreg s20  }
0xc: {  	s0 =	sand.u32 $0x1, s0;
	s1 =	smul.u32 $0x2800, s9;
	[dreg:$0xb] =	wrdreg s21  }
0xd: {  	s11 =	smul.u32 $0x50000, s9;
	s16 =	sshll.u32 s9, $0x6;
	[dreg:$0xc] =	wrdreg s22  }
0xe: {  	s9 =	simm.s32 $0x0;
	s4 =	smul.u32 $0x28000, s0;
	[dreg:$0xd] =	wrdreg s23  }
0xf: {  	s0 =	ssub.s32 $0x2, s0;
	s7 =	sor.u32 $0x1C03, s16;
	[dreg:$0xe] =	wrdreg s24  }
0x10: {  	s14 =	simm.s32 $0x1;
	[dreg:$0xf] =	wrdreg s25;
	s15 =	simm.s32 $0x5000  }
0x11: {  	s16 =	simm.s32 $0x2;
	[dreg:$0x10] =	wrdreg s26;
	s17 =	simm.s32 $0x400  }
0x12: {  	s18 =	simm.s32 $0xB80;
	s19 =	simm.s32 $0x480;
	s20 =	simm.s32 $0xC00  }
0x13: {  	s21 =	simm.s32 $0x500;
	s22 =	simm.s32 $0xC80;
	s23 =	simm.s32 $0x580  }
0x14: {  	s24 =	simm.s32 $0xD00;
	s25 =	simm.s32 $0x600;
	s26 =	simm.s32 $0xD80  }
0x15: {  	s10 =	sshrl.u32 s0, $0x1;
	s13 =	sshrl.u32 s11, $0x2;
	s11 =	simm.s32 $0x800  }
0x16: {  	[dreg:$0x12] =	wrdreg s7;
	s1 =	sadd.s32 s1, s4;
	s4 =	sadd.s32 $0x19200, s5  }
0x17: {  	s0 =	ssub.s32 s0, s10;
	s10 =	simm.s32 $0x3;
	s6 =	sshrl.u32 s1, $0x3  }
0x18: {  	s1 =	sadd.s32 s1, s5;
	s0 =	smax.u32 s0, $0x1;
	s6 =	sadd.s32 s6, s5  }
0x19: {  	s1 =	sadd.s32 $0x41200, s1;
	[dreg:$0x14] =	wrdreg s0;
	s0 =	simm.s32 $0xF00  }
0x1a: {  	s5 =	simm.s32 $0xF80;
	s8 =	sadd.s32 $0xCA00, s6;
	[dreg:$0x13] =	wrdreg s1  }
0x1b: {  	s12 =	sadd.s32 $0x2A00, s6;
	s6 =	sadd.s32 s13, s2;
	[dreg:$0x3] =	wrdreg s8  }
0x1c: {  	s13 =	simm.s32 $0x1000;
	[dreg:$0x4] =	wrdreg s12;
	s8 =	sshrl.u32 s6, $0x3  }
0x1d: {  	s1 =	simm.s32 $0x780;
	s12 =	simm.s32 $0x80;
	[dreg:$0x15] =	wrdreg s8  }
.LBB2_1:
0x1e: {  	[dreg:$0x16] =	wrdreg s9  }
0x1f: {  	s6 =	rddreg [dreg:$0x11]  }
0x20: {  	[spmem:s8], [sflag:s7] =	dma.local [hbm:s6], $0x2800  }
0x21: {  	_ =	swait.ge [sflag:s10], $0x2800  }
0x22: {  	[sflag:s10] =	ssyncset.done $0x0  }
0x23: {  	[sflag:s10] =	ssyncadd.s32 $0xFFFFD800  }
0x24: {  	[bflag:$0x0] =	sbarrier.arrive $0xFFFF  }
0x25: {  	s7 =	rddreg [dreg:$0x4]  }
0x26: {  	s6 =	sadd.s32 $0x0, s7  }
0x27: {  	[tilespmem:s3], [sflag:$0x3] =	stream.linear.gather [hbm4b:s6+s3], $0x800, $0x38;
	[tilespmem:$0x1D000] =	vst v63  }
0x28: {  	_ =	swait.ge [sflag:s10], $0x800  }
0x29: {  	s8 =	rddreg [dreg:$0x3];
	[sflag:s10] =	ssyncset.done $0x0  }
0x2a: {  	[sflag:s10] =	ssyncadd.s32 $0xFFFFF800;
	s6 =	sadd.s32 $0x0, s8  }
0x2b: {  	[tilespmem:s11], [sflag:$0x3] =	stream.linear.gather [hbm4b:s6+s3], $0x800, $0x38;
	[tilespmem:$0x1D000] =	vst v63  }
0x2c: {  	_ =	swait.ge [sflag:s10], $0x800  }
0x2d: {  	[sflag:s10] =	ssyncset.done $0x0  }
0x2e: {  	[sflag:s10] =	ssyncadd.s32 $0xFFFFF800  }
0x2f: {  	[tilespmem:s13], [sflag:$0x1] =	stream.indirect.gather [hbm4b:s4+s12], $0x80, s3, s12, $0xb8;
	[tilespmem:$0x1D000] =	vst v63  }
0x30: {  	_ =	swait.ge [sflag:s14], $0x4000  }
0x31: {  	[sflag:s14] =	ssyncset.done $0x0  }
0x32: {  	[sflag:s14] =	ssyncadd.s32 $0xFFFFC000  }
0x33: {  	[tilespmem:s15], [sflag:$0x2] =	stream.indirect.gather [hbm4b:s4+s12], $0x80, s12, s12, $0xb8;
	[tilespmem:$0x1D000] =	vst v63  }
0x34: {  	_ = 	snop  }
0x35: {  	[spmem:s2] =	stream.indirect.scatter.add.f32 [tilespmem:s13], [sflag:$0x3], $0x80, s11, s12, $0xb8;
	[tilespmem:$0x1D000] =	vst v63  }
0x36: {  	_ =	swait.ge [sflag:s10], $0x4000  }
0x37: {  	[sflag:s10] =	ssyncset.done $0x0  }
0x38: {  	[sflag:s10] =	ssyncadd.s32 $0xFFFFC000  }
0x39: {  	_ =	swait.ge [sflag:s16], $0x4000  }
0x3a: {  	[sflag:s16] =	ssyncset.done $0x0  }
0x3b: {  	s9 =	rddreg [dreg:$0x5];
	[sflag:s16] =	ssyncadd.s32 $0xFFFFC000  }
0x3c: {  	[tilespmem:s13], [sflag:$0x1] =	stream.indirect.gather [hbm4b:s4+s12], $0x80, s9, s12, $0xb8;
	[tilespmem:$0x1D000] =	vst v63  }
0x3d: {  	s7 =	rddreg [dreg:$0x6]  }
0x3e: {  	[spmem:s2] =	stream.indirect.scatter.add.f32 [tilespmem:s15], [sflag:$0x3], $0x80, s7, s12, $0xb8;
	[tilespmem:$0x1D000] =	vst v63  }
0x3f: {  	_ =	swait.ge [sflag:s10], $0x4000  }
0x40: {  	[sflag:s10] =	ssyncset.done $0x0  }
0x41: {  	[sflag:s10] =	ssyncadd.s32 $0xFFFFC000  }
0x42: {  	_ =	swait.ge [sflag:s14], $0x4000  }
0x43: {  	[sflag:s14] =	ssyncset.done $0x0  }
0x44: {  	s9 =	rddreg [dreg:$0x7];
	[sflag:s14] =	ssyncadd.s32 $0xFFFFC000  }
0x45: {  	[tilespmem:s15], [sflag:$0x2] =	stream.indirect.gather [hbm4b:s4+s12], $0x80, s9, s12, $0xb8;
	[tilespmem:$0x1D000] =	vst v63  }
0x46: {  	s7 =	rddreg [dreg:$0x8]  }
0x47: {  	[spmem:s2] =	stream.indirect.scatter.add.f32 [tilespmem:s13], [sflag:$0x3], $0x80, s7, s12, $0xb8;
	[tilespmem:$0x1D000] =	vst v63  }
0x48: {  	_ =	swait.ge [sflag:s10], $0x4000  }
0x49: {  	[sflag:s10] =	ssyncset.done $0x0  }
0x4a: {  	[sflag:s10] =	ssyncadd.s32 $0xFFFFC000  }
0x4b: {  	_ =	swait.ge [sflag:s16], $0x4000  }
0x4c: {  	[sflag:s16] =	ssyncset.done $0x0  }
0x4d: {  	s9 =	rddreg [dreg:$0x9];
	[sflag:s16] =	ssyncadd.s32 $0xFFFFC000  }
0x4e: {  	[tilespmem:s13], [sflag:$0x1] =	stream.indirect.gather [hbm4b:s4+s12], $0x80, s9, s12, $0xb8;
	[tilespmem:$0x1D000] =	vst v63  }
0x4f: {  	s7 =	rddreg [dreg:$0xa]  }
0x50: {  	[spmem:s2] =	stream.indirect.scatter.add.f32 [tilespmem:s15], [sflag:$0x3], $0x80, s7, s12, $0xb8;
	[tilespmem:$0x1D000] =	vst v63  }
0x51: {  	_ =	swait.ge [sflag:s10], $0x4000  }
0x52: {  	[sflag:s10] =	ssyncset.done $0x0  }
0x53: {  	[sflag:s10] =	ssyncadd.s32 $0xFFFFC000  }
0x54: {  	_ =	swait.ge [sflag:s14], $0x4000  }
0x55: {  	[sflag:s14] =	ssyncset.done $0x0  }
0x56: {  	s9 =	rddreg [dreg:$0xb];
	[sflag:s14] =	ssyncadd.s32 $0xFFFFC000  }
0x57: {  	[tilespmem:s15], [sflag:$0x2] =	stream.indirect.gather [hbm4b:s4+s12], $0x80, s9, s12, $0xb8;
	[tilespmem:$0x1D000] =	vst v63  }
0x58: {  	s7 =	rddreg [dreg:$0xc]  }
0x59: {  	[spmem:s2] =	stream.indirect.scatter.add.f32 [tilespmem:s13], [sflag:$0x3], $0x80, s7, s12, $0xb8;
	[tilespmem:$0x1D000] =	vst v63  }
0x5a: {  	_ =	swait.ge [sflag:s10], $0x4000  }
0x5b: {  	[sflag:s10] =	ssyncset.done $0x0  }
0x5c: {  	[sflag:s10] =	ssyncadd.s32 $0xFFFFC000  }
0x5d: {  	_ =	swait.ge [sflag:s16], $0x4000  }
0x5e: {  	[sflag:s16] =	ssyncset.done $0x0  }
0x5f: {  	s9 =	rddreg [dreg:$0xd];
	[sflag:s16] =	ssyncadd.s32 $0xFFFFC000  }
0x60: {  	[tilespmem:s13], [sflag:$0x1] =	stream.indirect.gather [hbm4b:s4+s12], $0x80, s9, s12, $0xb8;
	[tilespmem:$0x1D000] =	vst v63  }
0x61: {  	s7 =	rddreg [dreg:$0xe]  }
0x62: {  	[spmem:s2] =	stream.indirect.scatter.add.f32 [tilespmem:s15], [sflag:$0x3], $0x80, s7, s12, $0xb8;
	[tilespmem:$0x1D000] =	vst v63  }
0x63: {  	_ =	swait.ge [sflag:s10], $0x4000  }
0x64: {  	[sflag:s10] =	ssyncset.done $0x0  }
0x65: {  	[sflag:s10] =	ssyncadd.s32 $0xFFFFC000  }
0x66: {  	_ =	swait.ge [sflag:s14], $0x4000  }
0x67: {  	[sflag:s14] =	ssyncset.done $0x0  }
0x68: {  	s8 =	rddreg [dreg:$0xf];
	[sflag:s14] =	ssyncadd.s32 $0xFFFFC000  }
0x69: {  	[tilespmem:s15], [sflag:$0x2] =	stream.indirect.gather [hbm4b:s4+s12], $0x80, s8, s12, $0xb8;
	[tilespmem:$0x1D000] =	vst v63  }
0x6a: {  	s9 =	rddreg [dreg:$0x10]  }
0x6b: {  	[spmem:s2] =	stream.indirect.scatter.add.f32 [tilespmem:s13], [sflag:$0x3], $0x80, s9, s12, $0xb8;
	[tilespmem:$0x1D000] =	vst v63  }
0x6c: {  	_ =	swait.ge [sflag:s10], $0x4000  }
0x6d: {  	[sflag:s10] =	ssyncset.done $0x0  }
0x6e: {  	[sflag:s10] =	ssyncadd.s32 $0xFFFFC000  }
0x6f: {  	_ =	swait.ge [sflag:s16], $0x4000  }
0x70: {  	[sflag:s16] =	ssyncset.done $0x0  }
0x71: {  	[sflag:s16] =	ssyncadd.s32 $0xFFFFC000  }
0x72: {  	[tilespmem:s13], [sflag:$0x1] =	stream.indirect.gather [hbm4b:s4+s12], $0x80, s17, s12, $0xb8;
	[tilespmem:$0x1D000] =	vst v63  }
0x73: {  	_ = 	snop  }
0x74: {  	[spmem:s2] =	stream.indirect.scatter.add.f32 [tilespmem:s15], [sflag:$0x3], $0x80, s18, s12, $0xb8;
	[tilespmem:$0x1D000] =	vst v63  }
0x75: {  	_ =	swait.ge [sflag:s10], $0x4000  }
0x76: {  	[sflag:s10] =	ssyncset.done $0x0  }
0x77: {  	[sflag:s10] =	ssyncadd.s32 $0xFFFFC000  }
0x78: {  	_ =	swait.ge [sflag:s14], $0x4000  }
0x79: {  	[sflag:s14] =	ssyncset.done $0x0  }
0x7a: {  	[sflag:s14] =	ssyncadd.s32 $0xFFFFC000  }
0x7b: {  	[tilespmem:s15], [sflag:$0x2] =	stream.indirect.gather [hbm4b:s4+s12], $0x80, s19, s12, $0xb8;
	[tilespmem:$0x1D000] =	vst v63  }
0x7c: {  	_ = 	snop  }
0x7d: {  	[spmem:s2] =	stream.indirect.scatter.add.f32 [tilespmem:s13], [sflag:$0x3], $0x80, s20, s12, $0xb8;
	[tilespmem:$0x1D000] =	vst v63  }
0x7e: {  	_ =	swait.ge [sflag:s10], $0x4000  }
0x7f: {  	[sflag:s10] =	ssyncset.done $0x0  }
0x80: {  	[sflag:s10] =	ssyncadd.s32 $0xFFFFC000  }
0x81: {  	_ =	swait.ge [sflag:s16], $0x4000  }
0x82: {  	[sflag:s16] =	ssyncset.done $0x0  }
0x83: {  	[sflag:s16] =	ssyncadd.s32 $0xFFFFC000  }
0x84: {  	[tilespmem:s13], [sflag:$0x1] =	stream.indirect.gather [hbm4b:s4+s12], $0x80, s21, s12, $0xb8;
	[tilespmem:$0x1D000] =	vst v63  }
0x85: {  	_ = 	snop  }
0x86: {  	[spmem:s2] =	stream.indirect.scatter.add.f32 [tilespmem:s15], [sflag:$0x3], $0x80, s22, s12, $0xb8;
	[tilespmem:$0x1D000] =	vst v63  }
0x87: {  	_ =	swait.ge [sflag:s10], $0x4000  }
0x88: {  	[sflag:s10] =	ssyncset.done $0x0  }
0x89: {  	[sflag:s10] =	ssyncadd.s32 $0xFFFFC000  }
0x8a: {  	_ =	swait.ge [sflag:s14], $0x4000  }
0x8b: {  	[sflag:s14] =	ssyncset.done $0x0  }
0x8c: {  	[sflag:s14] =	ssyncadd.s32 $0xFFFFC000  }
0x8d: {  	[tilespmem:s15], [sflag:$0x2] =	stream.indirect.gather [hbm4b:s4+s12], $0x80, s23, s12, $0xb8;
	[tilespmem:$0x1D000] =	vst v63  }
0x8e: {  	_ = 	snop  }
0x8f: {  	[spmem:s2] =	stream.indirect.scatter.add.f32 [tilespmem:s13], [sflag:$0x3], $0x80, s24, s12, $0xb8;
	[tilespmem:$0x1D000] =	vst v63  }
0x90: {  	_ =	swait.ge [sflag:s10], $0x4000  }
0x91: {  	[sflag:s10] =	ssyncset.done $0x0  }
0x92: {  	[sflag:s10] =	ssyncadd.s32 $0xFFFFC000  }
0x93: {  	_ =	swait.ge [sflag:s16], $0x4000  }
0x94: {  	[sflag:s16] =	ssyncset.done $0x0  }
0x95: {  	[sflag:s16] =	ssyncadd.s32 $0xFFFFC000  }
0x96: {  	[tilespmem:s13], [sflag:$0x1] =	stream.indirect.gather [hbm4b:s4+s12], $0x80, s25, s12, $0xb8;
	[tilespmem:$0x1D000] =	vst v63  }
0x97: {  	_ = 	snop  }
0x98: {  	[spmem:s2] =	stream.indirect.scatter.add.f32 [tilespmem:s15], [sflag:$0x3], $0x80, s26, s12, $0xb8;
	[tilespmem:$0x1D000] =	vst v63  }
0x99: {  	_ =	swait.ge [sflag:s10], $0x4000  }
0x9a: {  	[sflag:s10] =	ssyncset.done $0x0  }
0x9b: {  	[sflag:s10] =	ssyncadd.s32 $0xFFFFC000  }
0x9c: {  	_ =	swait.ge [sflag:s14], $0x4000  }
0x9d: {  	[sflag:s14] =	ssyncset.done $0x0  }
0x9e: {  	[sflag:s14] =	ssyncadd.s32 $0xFFFFC000  }
0x9f: {  	[tilespmem:s15], [sflag:$0x2] =	stream.indirect.gather [hbm4b:s4+s12], $0x80, s28, s12, $0xb8;
	[tilespmem:$0x1D000] =	vst v63  }
0xa0: {  	_ = 	snop  }
0xa1: {  	[spmem:s2] =	stream.indirect.scatter.add.f32 [tilespmem:s13], [sflag:$0x3], $0x80, s29, s12, $0xb8;
	[tilespmem:$0x1D000] =	vst v63  }
0xa2: {  	_ =	swait.ge [sflag:s10], $0x4000  }
0xa3: {  	[sflag:s10] =	ssyncset.done $0x0  }
0xa4: {  	[sflag:s10] =	ssyncadd.s32 $0xFFFFC000  }
0xa5: {  	_ =	swait.ge [sflag:s16], $0x4000  }
0xa6: {  	[sflag:s16] =	ssyncset.done $0x0  }
0xa7: {  	[sflag:s16] =	ssyncadd.s32 $0xFFFFC000  }
0xa8: {  	[tilespmem:s13], [sflag:$0x1] =	stream.indirect.gather [hbm4b:s4+s12], $0x80, s30, s12, $0xb8;
	[tilespmem:$0x1D000] =	vst v63  }
0xa9: {  	_ = 	snop  }
0xaa: {  	[spmem:s2] =	stream.indirect.scatter.add.f32 [tilespmem:s15], [sflag:$0x3], $0x80, s31, s12, $0xb8;
	[tilespmem:$0x1D000] =	vst v63  }
0xab: {  	_ =	swait.ge [sflag:s10], $0x4000  }
0xac: {  	[sflag:s10] =	ssyncset.done $0x0  }
0xad: {  	[sflag:s10] =	ssyncadd.s32 $0xFFFFC000  }
0xae: {  	_ =	swait.ge [sflag:s14], $0x4000  }
0xaf: {  	[sflag:s14] =	ssyncset.done $0x0  }
0xb0: {  	[sflag:s14] =	ssyncadd.s32 $0xFFFFC000  }
0xb1: {  	[tilespmem:s15], [sflag:$0x2] =	stream.indirect.gather [hbm4b:s4+s12], $0x80, s1, s12, $0xb8;
	[tilespmem:$0x1D000] =	vst v63  }
0xb2: {  	_ = 	snop  }
0xb3: {  	[spmem:s2] =	stream.indirect.scatter.add.f32 [tilespmem:s13], [sflag:$0x3], $0x80, s0, s12, $0xb8;
	[tilespmem:$0x1D000] =	vst v63  }
0xb4: {  	_ =	swait.ge [sflag:s10], $0x4000  }
0xb5: {  	[sflag:s10] =	ssyncset.done $0x0  }
0xb6: {  	[sflag:s10] =	ssyncadd.s32 $0xFFFFC000  }
0xb7: {  	_ =	swait.ge [sflag:s16], $0x4000  }
0xb8: {  	[sflag:s16] =	ssyncset.done $0x0  }
0xb9: {  	[sflag:s16] =	ssyncadd.s32 $0xFFFFC000  }
0xba: {  	[spmem:s2] =	stream.indirect.scatter.add.f32 [tilespmem:s15], [sflag:$0x3], $0x80, s5, s12, $0xb8;
	[tilespmem:$0x1D000] =	vst v63  }
0xbb: {  	s6 =	simm.s32 $0x200;
	_ =	swait.ge [sflag:s10], $0x4000  }
0xbc: {  	s8 =	simm.s32 $0x100;
	s9 =	rddreg [dreg:$0x4];
	[sflag:s10] =	ssyncset.done $0x0  }
.LBB2_2:
0xbd: {  	[sflag:s10] =	ssyncadd.s32 $0xFFFFC000;
	s9 =	sadd.s32 s8, s9  }
0xbe: {  	[tilespmem:s3], [sflag:$0x3] =	stream.linear.gather [hbm4b:s9+s3], $0x800, $0x38;
	[tilespmem:$0x1D000] =	vst v63  }
0xbf: {  	_ =	swait.ge [sflag:s10], $0x800  }
0xc0: {  	s9 =	rddreg [dreg:$0x3];
	[sflag:s10] =	ssyncset.done $0x0  }
0xc1: {  	[sflag:s10] =	ssyncadd.s32 $0xFFFFF800;
	s9 =	sadd.s32 s8, s9  }
0xc2: {  	[tilespmem:s11], [sflag:$0x3] =	stream.linear.gather [hbm4b:s9+s3], $0x800, $0x38;
	[tilespmem:$0x1D000] =	vst v63  }
0xc3: {  	_ =	swait.ge [sflag:s10], $0x800  }
0xc4: {  	[sflag:s10] =	ssyncset.done $0x0  }
0xc5: {  	[sflag:s10] =	ssyncadd.s32 $0xFFFFF800  }
0xc6: {  	[tilespmem:s13], [sflag:$0x1] =	stream.indirect.gather [hbm4b:s4+s12], $0x80, s3, s12, $0xb8;
	[tilespmem:$0x1D000] =	vst v63  }
0xc7: {  	_ =	swait.ge [sflag:s14], $0x4000  }
0xc8: {  	[sflag:s14] =	ssyncset.done $0x0  }
0xc9: {  	[sflag:s14] =	ssyncadd.s32 $0xFFFFC000  }
0xca: {  	[tilespmem:s15], [sflag:$0x2] =	stream.indirect.gather [hbm4b:s4+s12], $0x80, s12, s12, $0xb8;
	[tilespmem:$0x1D000] =	vst v63  }
0xcb: {  	_ = 	snop  }
0xcc: {  	[spmem:s2] =	stream.indirect.scatter.add.f32 [tilespmem:s13], [sflag:$0x3], $0x80, s11, s12, $0xb8;
	[tilespmem:$0x1D000] =	vst v63  }
0xcd: {  	_ =	swait.ge [sflag:s10], $0x4000  }
0xce: {  	[sflag:s10] =	ssyncset.done $0x0  }
0xcf: {  	[sflag:s10] =	ssyncadd.s32 $0xFFFFC000  }
0xd0: {  	_ =	swait.ge [sflag:s16], $0x4000  }
0xd1: {  	s7 =	smov.u32 s6;
	[sflag:s16] =	ssyncset.done $0x0  }
0xd2: {  	s8 =	smov.u32 s7;
	s7 =	rddreg [dreg:$0x5];
	[sflag:s16] =	ssyncadd.s32 $0xFFFFC000  }
0xd3: {  	[tilespmem:s13], [sflag:$0x1] =	stream.indirect.gather [hbm4b:s4+s12], $0x80, s7, s12, $0xb8;
	[tilespmem:$0x1D000] =	vst v63  }
0xd4: {  	s9 =	rddreg [dreg:$0x6]  }
0xd5: {  	[spmem:s2] =	stream.indirect.scatter.add.f32 [tilespmem:s15], [sflag:$0x3], $0x80, s9, s12, $0xb8;
	[tilespmem:$0x1D000] =	vst v63  }
0xd6: {  	_ =	swait.ge [sflag:s10], $0x4000  }
0xd7: {  	[sflag:s10] =	ssyncset.done $0x0  }
0xd8: {  	[sflag:s10] =	ssyncadd.s32 $0xFFFFC000  }
0xd9: {  	_ =	swait.ge [sflag:s14], $0x4000  }
0xda: {  	[sflag:s14] =	ssyncset.done $0x0  }
0xdb: {  	s7 =	rddreg [dreg:$0x7];
	[sflag:s14] =	ssyncadd.s32 $0xFFFFC000  }
0xdc: {  	[tilespmem:s15], [sflag:$0x2] =	stream.indirect.gather [hbm4b:s4+s12], $0x80, s7, s12, $0xb8;
	[tilespmem:$0x1D000] =	vst v63  }
0xdd: {  	s9 =	rddreg [dreg:$0x8]  }
0xde: {  	[spmem:s2] =	stream.indirect.scatter.add.f32 [tilespmem:s13], [sflag:$0x3], $0x80, s9, s12, $0xb8;
	[tilespmem:$0x1D000] =	vst v63  }
0xdf: {  	_ =	swait.ge [sflag:s10], $0x4000  }
0xe0: {  	[sflag:s10] =	ssyncset.done $0x0  }
0xe1: {  	[sflag:s10] =	ssyncadd.s32 $0xFFFFC000  }
0xe2: {  	_ =	swait.ge [sflag:s16], $0x4000  }
0xe3: {  	[sflag:s16] =	ssyncset.done $0x0  }
0xe4: {  	s7 =	rddreg [dreg:$0x9];
	[sflag:s16] =	ssyncadd.s32 $0xFFFFC000  }
0xe5: {  	[tilespmem:s13], [sflag:$0x1] =	stream.indirect.gather [hbm4b:s4+s12], $0x80, s7, s12, $0xb8;
	[tilespmem:$0x1D000] =	vst v63  }
0xe6: {  	s9 =	rddreg [dreg:$0xa]  }
0xe7: {  	[spmem:s2] =	stream.indirect.scatter.add.f32 [tilespmem:s15], [sflag:$0x3], $0x80, s9, s12, $0xb8;
	[tilespmem:$0x1D000] =	vst v63  }
0xe8: {  	_ =	swait.ge [sflag:s10], $0x4000  }
0xe9: {  	[sflag:s10] =	ssyncset.done $0x0  }
0xea: {  	[sflag:s10] =	ssyncadd.s32 $0xFFFFC000  }
0xeb: {  	_ =	swait.ge [sflag:s14], $0x4000  }
0xec: {  	[sflag:s14] =	ssyncset.done $0x0  }
0xed: {  	s7 =	rddreg [dreg:$0xb];
	[sflag:s14] =	ssyncadd.s32 $0xFFFFC000  }
0xee: {  	[tilespmem:s15], [sflag:$0x2] =	stream.indirect.gather [hbm4b:s4+s12], $0x80, s7, s12, $0xb8;
	[tilespmem:$0x1D000] =	vst v63  }
0xef: {  	s9 =	rddreg [dreg:$0xc]  }
0xf0: {  	[spmem:s2] =	stream.indirect.scatter.add.f32 [tilespmem:s13], [sflag:$0x3], $0x80, s9, s12, $0xb8;
	[tilespmem:$0x1D000] =	vst v63  }
0xf1: {  	_ =	swait.ge [sflag:s10], $0x4000  }
0xf2: {  	[sflag:s10] =	ssyncset.done $0x0  }
0xf3: {  	[sflag:s10] =	ssyncadd.s32 $0xFFFFC000  }
0xf4: {  	_ =	swait.ge [sflag:s16], $0x4000  }
0xf5: {  	[sflag:s16] =	ssyncset.done $0x0  }
0xf6: {  	s7 =	rddreg [dreg:$0xd];
	[sflag:s16] =	ssyncadd.s32 $0xFFFFC000  }
0xf7: {  	[tilespmem:s13], [sflag:$0x1] =	stream.indirect.gather [hbm4b:s4+s12], $0x80, s7, s12, $0xb8;
	[tilespmem:$0x1D000] =	vst v63  }
0xf8: {  	s9 =	rddreg [dreg:$0xe]  }
0xf9: {  	[spmem:s2] =	stream.indirect.scatter.add.f32 [tilespmem:s15], [sflag:$0x3], $0x80, s9, s12, $0xb8;
	[tilespmem:$0x1D000] =	vst v63  }
0xfa: {  	_ =	swait.ge [sflag:s10], $0x4000  }
0xfb: {  	[sflag:s10] =	ssyncset.done $0x0  }
0xfc: {  	[sflag:s10] =	ssyncadd.s32 $0xFFFFC000  }
0xfd: {  	_ =	swait.ge [sflag:s14], $0x4000  }
0xfe: {  	[sflag:s14] =	ssyncset.done $0x0  }
0xff: {  	s7 =	rddreg [dreg:$0xf];
	[sflag:s14] =	ssyncadd.s32 $0xFFFFC000  }
0x100: {  	[tilespmem:s15], [sflag:$0x2] =	stream.indirect.gather [hbm4b:s4+s12], $0x80, s7, s12, $0xb8;
	[tilespmem:$0x1D000] =	vst v63  }
0x101: {  	s9 =	rddreg [dreg:$0x10]  }
0x102: {  	[spmem:s2] =	stream.indirect.scatter.add.f32 [tilespmem:s13], [sflag:$0x3], $0x80, s9, s12, $0xb8;
	[tilespmem:$0x1D000] =	vst v63  }
0x103: {  	_ =	swait.ge [sflag:s10], $0x4000  }
0x104: {  	[sflag:s10] =	ssyncset.done $0x0  }
0x105: {  	[sflag:s10] =	ssyncadd.s32 $0xFFFFC000  }
0x106: {  	_ =	swait.ge [sflag:s16], $0x4000  }
0x107: {  	[sflag:s16] =	ssyncset.done $0x0  }
0x108: {  	[sflag:s16] =	ssyncadd.s32 $0xFFFFC000  }
0x109: {  	[tilespmem:s13], [sflag:$0x1] =	stream.indirect.gather [hbm4b:s4+s12], $0x80, s17, s12, $0xb8;
	[tilespmem:$0x1D000] =	vst v63  }
0x10a: {  	_ = 	snop  }
0x10b: {  	[spmem:s2] =	stream.indirect.scatter.add.f32 [tilespmem:s15], [sflag:$0x3], $0x80, s18, s12, $0xb8;
	[tilespmem:$0x1D000] =	vst v63  }
0x10c: {  	_ =	swait.ge [sflag:s10], $0x4000  }
0x10d: {  	[sflag:s10] =	ssyncset.done $0x0  }
0x10e: {  	[sflag:s10] =	ssyncadd.s32 $0xFFFFC000  }
0x10f: {  	_ =	swait.ge [sflag:s14], $0x4000  }
0x110: {  	[sflag:s14] =	ssyncset.done $0x0  }
0x111: {  	[sflag:s14] =	ssyncadd.s32 $0xFFFFC000  }
0x112: {  	[tilespmem:s15], [sflag:$0x2] =	stream.indirect.gather [hbm4b:s4+s12], $0x80, s19, s12, $0xb8;
	[tilespmem:$0x1D000] =	vst v63  }
0x113: {  	_ = 	snop  }
0x114: {  	[spmem:s2] =	stream.indirect.scatter.add.f32 [tilespmem:s13], [sflag:$0x3], $0x80, s20, s12, $0xb8;
	[tilespmem:$0x1D000] =	vst v63  }
0x115: {  	_ =	swait.ge [sflag:s10], $0x4000  }
0x116: {  	[sflag:s10] =	ssyncset.done $0x0  }
0x117: {  	[sflag:s10] =	ssyncadd.s32 $0xFFFFC000  }
0x118: {  	_ =	swait.ge [sflag:s16], $0x4000  }
0x119: {  	[sflag:s16] =	ssyncset.done $0x0  }
0x11a: {  	[sflag:s16] =	ssyncadd.s32 $0xFFFFC000  }
0x11b: {  	[tilespmem:s13], [sflag:$0x1] =	stream.indirect.gather [hbm4b:s4+s12], $0x80, s21, s12, $0xb8;
	[tilespmem:$0x1D000] =	vst v63  }
0x11c: {  	_ = 	snop  }
0x11d: {  	[spmem:s2] =	stream.indirect.scatter.add.f32 [tilespmem:s15], [sflag:$0x3], $0x80, s22, s12, $0xb8;
	[tilespmem:$0x1D000] =	vst v63  }
0x11e: {  	_ =	swait.ge [sflag:s10], $0x4000  }
0x11f: {  	[sflag:s10] =	ssyncset.done $0x0  }
0x120: {  	[sflag:s10] =	ssyncadd.s32 $0xFFFFC000  }
0x121: {  	_ =	swait.ge [sflag:s14], $0x4000  }
0x122: {  	[sflag:s14] =	ssyncset.done $0x0  }
0x123: {  	[sflag:s14] =	ssyncadd.s32 $0xFFFFC000  }
0x124: {  	[tilespmem:s15], [sflag:$0x2] =	stream.indirect.gather [hbm4b:s4+s12], $0x80, s23, s12, $0xb8;
	[tilespmem:$0x1D000] =	vst v63  }
0x125: {  	_ = 	snop  }
0x126: {  	[spmem:s2] =	stream.indirect.scatter.add.f32 [tilespmem:s13], [sflag:$0x3], $0x80, s24, s12, $0xb8;
	[tilespmem:$0x1D000] =	vst v63  }
0x127: {  	_ =	swait.ge [sflag:s10], $0x4000  }
0x128: {  	[sflag:s10] =	ssyncset.done $0x0  }
0x129: {  	[sflag:s10] =	ssyncadd.s32 $0xFFFFC000  }
0x12a: {  	_ =	swait.ge [sflag:s16], $0x4000  }
0x12b: {  	[sflag:s16] =	ssyncset.done $0x0  }
0x12c: {  	[sflag:s16] =	ssyncadd.s32 $0xFFFFC000  }
0x12d: {  	[tilespmem:s13], [sflag:$0x1] =	stream.indirect.gather [hbm4b:s4+s12], $0x80, s25, s12, $0xb8;
	[tilespmem:$0x1D000] =	vst v63  }
0x12e: {  	_ = 	snop  }
0x12f: {  	[spmem:s2] =	stream.indirect.scatter.add.f32 [tilespmem:s15], [sflag:$0x3], $0x80, s26, s12, $0xb8;
	[tilespmem:$0x1D000] =	vst v63  }
0x130: {  	_ =	swait.ge [sflag:s10], $0x4000  }
0x131: {  	[sflag:s10] =	ssyncset.done $0x0  }
0x132: {  	[sflag:s10] =	ssyncadd.s32 $0xFFFFC000  }
0x133: {  	_ =	swait.ge [sflag:s14], $0x4000  }
0x134: {  	[sflag:s14] =	ssyncset.done $0x0  }
0x135: {  	[sflag:s14] =	ssyncadd.s32 $0xFFFFC000  }
0x136: {  	[tilespmem:s15], [sflag:$0x2] =	stream.indirect.gather [hbm4b:s4+s12], $0x80, s28, s12, $0xb8;
	[tilespmem:$0x1D000] =	vst v63  }
0x137: {  	_ = 	snop  }
0x138: {  	[spmem:s2] =	stream.indirect.scatter.add.f32 [tilespmem:s13], [sflag:$0x3], $0x80, s29, s12, $0xb8;
	[tilespmem:$0x1D000] =	vst v63  }
0x139: {  	_ =	swait.ge [sflag:s10], $0x4000  }
0x13a: {  	[sflag:s10] =	ssyncset.done $0x0  }
0x13b: {  	[sflag:s10] =	ssyncadd.s32 $0xFFFFC000  }
0x13c: {  	_ =	swait.ge [sflag:s16], $0x4000  }
0x13d: {  	[sflag:s16] =	ssyncset.done $0x0  }
0x13e: {  	[sflag:s16] =	ssyncadd.s32 $0xFFFFC000  }
0x13f: {  	[tilespmem:s13], [sflag:$0x1] =	stream.indirect.gather [hbm4b:s4+s12], $0x80, s30, s12, $0xb8;
	[tilespmem:$0x1D000] =	vst v63  }
0x140: {  	_ = 	snop  }
0x141: {  	[spmem:s2] =	stream.indirect.scatter.add.f32 [tilespmem:s15], [sflag:$0x3], $0x80, s31, s12, $0xb8;
	[tilespmem:$0x1D000] =	vst v63  }
0x142: {  	_ =	swait.ge [sflag:s10], $0x4000  }
0x143: {  	[sflag:s10] =	ssyncset.done $0x0  }
0x144: {  	[sflag:s10] =	ssyncadd.s32 $0xFFFFC000  }
0x145: {  	_ =	swait.ge [sflag:s14], $0x4000  }
0x146: {  	[sflag:s14] =	ssyncset.done $0x0  }
0x147: {  	[sflag:s14] =	ssyncadd.s32 $0xFFFFC000  }
0x148: {  	[tilespmem:s15], [sflag:$0x2] =	stream.indirect.gather [hbm4b:s4+s12], $0x80, s1, s12, $0xb8;
	[tilespmem:$0x1D000] =	vst v63  }
0x149: {  	_ = 	snop  }
0x14a: {  	[spmem:s2] =	stream.indirect.scatter.add.f32 [tilespmem:s13], [sflag:$0x3], $0x80, s0, s12, $0xb8;
	[tilespmem:$0x1D000] =	vst v63  }
0x14b: {  	_ =	swait.ge [sflag:s10], $0x4000  }
0x14c: {  	[sflag:s10] =	ssyncset.done $0x0  }
0x14d: {  	[sflag:s10] =	ssyncadd.s32 $0xFFFFC000  }
0x14e: {  	p0 =	sne.s32 s6, $0x400;
	_ =	swait.ge [sflag:s16], $0x4000  }
.Ltmp0:
0x14f: {  	[sflag:s16] =	ssyncset.done $0x0;
	(pc) =	sbr.rel @p0 .LBB2_2-.Ltmp0, $4  }
0x150: {  	[sflag:s16] =	ssyncadd.s32 $0xFFFFC000  }
0x151: {  	[spmem:s2] =	stream.indirect.scatter.add.f32 [tilespmem:s15], [sflag:$0x3], $0x80, s5, s12, $0xb8;
	[tilespmem:$0x1D000] =	vst v63  }
0x152: {  	_ =	swait.ge [sflag:s10], $0x4000  }
0x153: {  	s6 =	sadd.s32 $0x100, s6;
	s9 =	rddreg [dreg:$0x4];
	[sflag:s10] =	ssyncset.done $0x0  }
0x154: {  	[sflag:s10] =	ssyncadd.s32 $0xFFFFC000;
	s6 =	sadd.s32 s8, s9  }
0x155: {  	[tilespmem:s3], [sflag:$0x3] =	stream.linear.gather [hbm4b:s6+s3], $0x800, $0x38;
	[tilespmem:$0x1D000] =	vst v63  }
0x156: {  	_ =	swait.ge [sflag:s10], $0x800  }
0x157: {  	s7 =	rddreg [dreg:$0x3];
	[sflag:s10] =	ssyncset.done $0x0  }
0x158: {  	[sflag:s10] =	ssyncadd.s32 $0xFFFFF800;
	s6 =	sadd.s32 s8, s7  }
0x159: {  	[tilespmem:s11], [sflag:$0x3] =	stream.linear.gather [hbm4b:s6+s3], $0x800, $0x38;
	[tilespmem:$0x1D000] =	vst v63  }
0x15a: {  	_ =	swait.ge [sflag:s10], $0x800  }
0x15b: {  	[sflag:s10] =	ssyncset.done $0x0  }
0x15c: {  	[sflag:s10] =	ssyncadd.s32 $0xFFFFF800  }
0x15d: {  	[tilespmem:s13], [sflag:$0x1] =	stream.indirect.gather [hbm4b:s4+s12], $0x80, s3, s12, $0xb8;
	[tilespmem:$0x1D000] =	vst v63  }
0x15e: {  	_ =	swait.ge [sflag:s14], $0x4000  }
0x15f: {  	[sflag:s14] =	ssyncset.done $0x0  }
0x160: {  	[sflag:s14] =	ssyncadd.s32 $0xFFFFC000  }
0x161: {  	[tilespmem:s15], [sflag:$0x2] =	stream.indirect.gather [hbm4b:s4+s12], $0x80, s12, s12, $0xb8;
	[tilespmem:$0x1D000] =	vst v63  }
0x162: {  	_ = 	snop  }
0x163: {  	[spmem:s2] =	stream.indirect.scatter.add.f32 [tilespmem:s13], [sflag:$0x3], $0x80, s11, s12, $0xb8;
	[tilespmem:$0x1D000] =	vst v63  }
0x164: {  	_ =	swait.ge [sflag:s10], $0x4000  }
0x165: {  	[sflag:s10] =	ssyncset.done $0x0  }
0x166: {  	[sflag:s10] =	ssyncadd.s32 $0xFFFFC000  }
0x167: {  	_ =	swait.ge [sflag:s16], $0x4000  }
0x168: {  	[sflag:s16] =	ssyncset.done $0x0  }
0x169: {  	s9 =	rddreg [dreg:$0x5];
	[sflag:s16] =	ssyncadd.s32 $0xFFFFC000  }
0x16a: {  	[tilespmem:s13], [sflag:$0x1] =	stream.indirect.gather [hbm4b:s4+s12], $0x80, s9, s12, $0xb8;
	[tilespmem:$0x1D000] =	vst v63  }
0x16b: {  	s7 =	rddreg [dreg:$0x6]  }
0x16c: {  	[spmem:s2] =	stream.indirect.scatter.add.f32 [tilespmem:s15], [sflag:$0x3], $0x80, s7, s12, $0xb8;
	[tilespmem:$0x1D000] =	vst v63  }
0x16d: {  	_ =	swait.ge [sflag:s10], $0x4000  }
0x16e: {  	[sflag:s10] =	ssyncset.done $0x0  }
0x16f: {  	[sflag:s10] =	ssyncadd.s32 $0xFFFFC000  }
0x170: {  	_ =	swait.ge [sflag:s14], $0x4000  }
0x171: {  	[sflag:s14] =	ssyncset.done $0x0  }
0x172: {  	s8 =	rddreg [dreg:$0x7];
	[sflag:s14] =	ssyncadd.s32 $0xFFFFC000  }
0x173: {  	[tilespmem:s15], [sflag:$0x2] =	stream.indirect.gather [hbm4b:s4+s12], $0x80, s8, s12, $0xb8;
	[tilespmem:$0x1D000] =	vst v63  }
0x174: {  	s9 =	rddreg [dreg:$0x8]  }
0x175: {  	[spmem:s2] =	stream.indirect.scatter.add.f32 [tilespmem:s13], [sflag:$0x3], $0x80, s9, s12, $0xb8;
	[tilespmem:$0x1D000] =	vst v63  }
0x176: {  	_ =	swait.ge [sflag:s10], $0x4000  }
0x177: {  	[sflag:s10] =	ssyncset.done $0x0  }
0x178: {  	[sflag:s10] =	ssyncadd.s32 $0xFFFFC000  }
0x179: {  	_ =	swait.ge [sflag:s16], $0x4000  }
0x17a: {  	[sflag:s16] =	ssyncset.done $0x0  }
0x17b: {  	s8 =	rddreg [dreg:$0x9];
	[sflag:s16] =	ssyncadd.s32 $0xFFFFC000  }
0x17c: {  	[tilespmem:s13], [sflag:$0x1] =	stream.indirect.gather [hbm4b:s4+s12], $0x80, s8, s12, $0xb8;
	[tilespmem:$0x1D000] =	vst v63  }
0x17d: {  	s9 =	rddreg [dreg:$0xa]  }
0x17e: {  	[spmem:s2] =	stream.indirect.scatter.add.f32 [tilespmem:s15], [sflag:$0x3], $0x80, s9, s12, $0xb8;
	[tilespmem:$0x1D000] =	vst v63  }
0x17f: {  	_ =	swait.ge [sflag:s10], $0x4000  }
0x180: {  	[sflag:s10] =	ssyncset.done $0x0  }
0x181: {  	[sflag:s10] =	ssyncadd.s32 $0xFFFFC000  }
0x182: {  	_ =	swait.ge [sflag:s14], $0x4000  }
0x183: {  	[sflag:s14] =	ssyncset.done $0x0  }
0x184: {  	s8 =	rddreg [dreg:$0xb];
	[sflag:s14] =	ssyncadd.s32 $0xFFFFC000  }
0x185: {  	[tilespmem:s15], [sflag:$0x2] =	stream.indirect.gather [hbm4b:s4+s12], $0x80, s8, s12, $0xb8;
	[tilespmem:$0x1D000] =	vst v63  }
0x186: {  	s9 =	rddreg [dreg:$0xc]  }
0x187: {  	[spmem:s2] =	stream.indirect.scatter.add.f32 [tilespmem:s13], [sflag:$0x3], $0x80, s9, s12, $0xb8;
	[tilespmem:$0x1D000] =	vst v63  }
0x188: {  	_ =	swait.ge [sflag:s10], $0x4000  }
0x189: {  	[sflag:s10] =	ssyncset.done $0x0  }
0x18a: {  	[sflag:s10] =	ssyncadd.s32 $0xFFFFC000  }
0x18b: {  	_ =	swait.ge [sflag:s16], $0x4000  }
0x18c: {  	[sflag:s16] =	ssyncset.done $0x0  }
0x18d: {  	s8 =	rddreg [dreg:$0xd];
	[sflag:s16] =	ssyncadd.s32 $0xFFFFC000  }
0x18e: {  	[tilespmem:s13], [sflag:$0x1] =	stream.indirect.gather [hbm4b:s4+s12], $0x80, s8, s12, $0xb8;
	[tilespmem:$0x1D000] =	vst v63  }
0x18f: {  	s9 =	rddreg [dreg:$0xe]  }
0x190: {  	[spmem:s2] =	stream.indirect.scatter.add.f32 [tilespmem:s15], [sflag:$0x3], $0x80, s9, s12, $0xb8;
	[tilespmem:$0x1D000] =	vst v63  }
0x191: {  	_ =	swait.ge [sflag:s10], $0x4000  }
0x192: {  	[sflag:s10] =	ssyncset.done $0x0  }
0x193: {  	[sflag:s10] =	ssyncadd.s32 $0xFFFFC000  }
0x194: {  	_ =	swait.ge [sflag:s14], $0x4000  }
0x195: {  	[sflag:s14] =	ssyncset.done $0x0  }
0x196: {  	s7 =	rddreg [dreg:$0xf];
	[sflag:s14] =	ssyncadd.s32 $0xFFFFC000  }
0x197: {  	[tilespmem:s15], [sflag:$0x2] =	stream.indirect.gather [hbm4b:s4+s12], $0x80, s7, s12, $0xb8;
	[tilespmem:$0x1D000] =	vst v63  }
0x198: {  	s8 =	rddreg [dreg:$0x10]  }
0x199: {  	[spmem:s2] =	stream.indirect.scatter.add.f32 [tilespmem:s13], [sflag:$0x3], $0x80, s8, s12, $0xb8;
	[tilespmem:$0x1D000] =	vst v63  }
0x19a: {  	_ =	swait.ge [sflag:s10], $0x4000  }
0x19b: {  	[sflag:s10] =	ssyncset.done $0x0  }
0x19c: {  	[sflag:s10] =	ssyncadd.s32 $0xFFFFC000  }
0x19d: {  	_ =	swait.ge [sflag:s16], $0x4000  }
0x19e: {  	[sflag:s16] =	ssyncset.done $0x0  }
0x19f: {  	[sflag:s16] =	ssyncadd.s32 $0xFFFFC000  }
0x1a0: {  	[tilespmem:s13], [sflag:$0x1] =	stream.indirect.gather [hbm4b:s4+s12], $0x80, s17, s12, $0xb8;
	[tilespmem:$0x1D000] =	vst v63  }
0x1a1: {  	_ = 	snop  }
0x1a2: {  	[spmem:s2] =	stream.indirect.scatter.add.f32 [tilespmem:s15], [sflag:$0x3], $0x80, s18, s12, $0xb8;
	[tilespmem:$0x1D000] =	vst v63  }
0x1a3: {  	_ =	swait.ge [sflag:s10], $0x4000  }
0x1a4: {  	[sflag:s10] =	ssyncset.done $0x0  }
0x1a5: {  	[sflag:s10] =	ssyncadd.s32 $0xFFFFC000  }
0x1a6: {  	_ =	swait.ge [sflag:s14], $0x4000  }
0x1a7: {  	[sflag:s14] =	ssyncset.done $0x0  }
0x1a8: {  	[sflag:s14] =	ssyncadd.s32 $0xFFFFC000  }
0x1a9: {  	[tilespmem:s15], [sflag:$0x2] =	stream.indirect.gather [hbm4b:s4+s12], $0x80, s19, s12, $0xb8;
	[tilespmem:$0x1D000] =	vst v63  }
0x1aa: {  	_ = 	snop  }
0x1ab: {  	[spmem:s2] =	stream.indirect.scatter.add.f32 [tilespmem:s13], [sflag:$0x3], $0x80, s20, s12, $0xb8;
	[tilespmem:$0x1D000] =	vst v63  }
0x1ac: {  	_ =	swait.ge [sflag:s10], $0x4000  }
0x1ad: {  	[sflag:s10] =	ssyncset.done $0x0  }
0x1ae: {  	[sflag:s10] =	ssyncadd.s32 $0xFFFFC000  }
0x1af: {  	_ =	swait.ge [sflag:s16], $0x4000  }
0x1b0: {  	[sflag:s16] =	ssyncset.done $0x0  }
0x1b1: {  	[sflag:s16] =	ssyncadd.s32 $0xFFFFC000  }
0x1b2: {  	[tilespmem:s13], [sflag:$0x1] =	stream.indirect.gather [hbm4b:s4+s12], $0x80, s21, s12, $0xb8;
	[tilespmem:$0x1D000] =	vst v63  }
0x1b3: {  	_ = 	snop  }
0x1b4: {  	[spmem:s2] =	stream.indirect.scatter.add.f32 [tilespmem:s15], [sflag:$0x3], $0x80, s22, s12, $0xb8;
	[tilespmem:$0x1D000] =	vst v63  }
0x1b5: {  	_ =	swait.ge [sflag:s10], $0x4000  }
0x1b6: {  	[sflag:s10] =	ssyncset.done $0x0  }
0x1b7: {  	[sflag:s10] =	ssyncadd.s32 $0xFFFFC000  }
0x1b8: {  	_ =	swait.ge [sflag:s14], $0x4000  }
0x1b9: {  	[sflag:s14] =	ssyncset.done $0x0  }
0x1ba: {  	[sflag:s14] =	ssyncadd.s32 $0xFFFFC000  }
0x1bb: {  	[tilespmem:s15], [sflag:$0x2] =	stream.indirect.gather [hbm4b:s4+s12], $0x80, s23, s12, $0xb8;
	[tilespmem:$0x1D000] =	vst v63  }
0x1bc: {  	_ = 	snop  }
0x1bd: {  	[spmem:s2] =	stream.indirect.scatter.add.f32 [tilespmem:s13], [sflag:$0x3], $0x80, s24, s12, $0xb8;
	[tilespmem:$0x1D000] =	vst v63  }
0x1be: {  	_ =	swait.ge [sflag:s10], $0x4000  }
0x1bf: {  	[sflag:s10] =	ssyncset.done $0x0  }
0x1c0: {  	[sflag:s10] =	ssyncadd.s32 $0xFFFFC000  }
0x1c1: {  	_ =	swait.ge [sflag:s16], $0x4000  }
0x1c2: {  	[sflag:s16] =	ssyncset.done $0x0  }
0x1c3: {  	[sflag:s16] =	ssyncadd.s32 $0xFFFFC000  }
0x1c4: {  	[tilespmem:s13], [sflag:$0x1] =	stream.indirect.gather [hbm4b:s4+s12], $0x80, s25, s12, $0xb8;
	[tilespmem:$0x1D000] =	vst v63  }
0x1c5: {  	_ = 	snop  }
0x1c6: {  	[spmem:s2] =	stream.indirect.scatter.add.f32 [tilespmem:s15], [sflag:$0x3], $0x80, s26, s12, $0xb8;
	[tilespmem:$0x1D000] =	vst v63  }
0x1c7: {  	_ =	swait.ge [sflag:s10], $0x4000  }
0x1c8: {  	[sflag:s10] =	ssyncset.done $0x0  }
0x1c9: {  	[sflag:s10] =	ssyncadd.s32 $0xFFFFC000  }
0x1ca: {  	_ =	swait.ge [sflag:s14], $0x4000  }
0x1cb: {  	[sflag:s14] =	ssyncset.done $0x0  }
0x1cc: {  	[sflag:s14] =	ssyncadd.s32 $0xFFFFC000  }
0x1cd: {  	[tilespmem:s15], [sflag:$0x2] =	stream.indirect.gather [hbm4b:s4+s12], $0x80, s28, s12, $0xb8;
	[tilespmem:$0x1D000] =	vst v63  }
0x1ce: {  	_ = 	snop  }
0x1cf: {  	[spmem:s2] =	stream.indirect.scatter.add.f32 [tilespmem:s13], [sflag:$0x3], $0x80, s29, s12, $0xb8;
	[tilespmem:$0x1D000] =	vst v63  }
0x1d0: {  	_ =	swait.ge [sflag:s10], $0x4000  }
0x1d1: {  	[sflag:s10] =	ssyncset.done $0x0  }
0x1d2: {  	[sflag:s10] =	ssyncadd.s32 $0xFFFFC000  }
0x1d3: {  	_ =	swait.ge [sflag:s16], $0x4000  }
0x1d4: {  	[sflag:s16] =	ssyncset.done $0x0  }
0x1d5: {  	[sflag:s16] =	ssyncadd.s32 $0xFFFFC000  }
0x1d6: {  	[tilespmem:s13], [sflag:$0x1] =	stream.indirect.gather [hbm4b:s4+s12], $0x80, s30, s12, $0xb8;
	[tilespmem:$0x1D000] =	vst v63  }
0x1d7: {  	_ = 	snop  }
0x1d8: {  	[spmem:s2] =	stream.indirect.scatter.add.f32 [tilespmem:s15], [sflag:$0x3], $0x80, s31, s12, $0xb8;
	[tilespmem:$0x1D000] =	vst v63  }
0x1d9: {  	_ =	swait.ge [sflag:s10], $0x4000  }
0x1da: {  	[sflag:s10] =	ssyncset.done $0x0  }
0x1db: {  	[sflag:s10] =	ssyncadd.s32 $0xFFFFC000  }
0x1dc: {  	_ =	swait.ge [sflag:s14], $0x4000  }
0x1dd: {  	[sflag:s14] =	ssyncset.done $0x0  }
0x1de: {  	[sflag:s14] =	ssyncadd.s32 $0xFFFFC000  }
0x1df: {  	[tilespmem:s15], [sflag:$0x2] =	stream.indirect.gather [hbm4b:s4+s12], $0x80, s1, s12, $0xb8;
	[tilespmem:$0x1D000] =	vst v63  }
0x1e0: {  	_ = 	snop  }
0x1e1: {  	[spmem:s2] =	stream.indirect.scatter.add.f32 [tilespmem:s13], [sflag:$0x3], $0x80, s0, s12, $0xb8;
	[tilespmem:$0x1D000] =	vst v63  }
0x1e2: {  	_ =	swait.ge [sflag:s10], $0x4000  }
0x1e3: {  	[sflag:s10] =	ssyncset.done $0x0  }
0x1e4: {  	[sflag:s10] =	ssyncadd.s32 $0xFFFFC000  }
0x1e5: {  	_ =	swait.ge [sflag:s16], $0x4000  }
0x1e6: {  	[sflag:s16] =	ssyncset.done $0x0  }
0x1e7: {  	[sflag:s16] =	ssyncadd.s32 $0xFFFFC000  }
0x1e8: {  	[spmem:s2] =	stream.indirect.scatter.add.f32 [tilespmem:s15], [sflag:$0x3], $0x80, s5, s12, $0xb8;
	[tilespmem:$0x1D000] =	vst v63  }
0x1e9: {  	_ =	swait.ge [sflag:s10], $0x4000  }
0x1ea: {  	[sflag:s10] =	ssyncset.done $0x0  }
0x1eb: {  	[sflag:s10] =	ssyncadd.s32 $0xFFFFC000  }
0x1ec: {  	[bflag:$0x0] =	sbarrier.arrive $0xFFFF  }
0x1ed: {  	s7 =	rddreg [dreg:$0x12]  }
0x1ee: {  	s9 =	rddreg [dreg:$0x13]  }
0x1ef: {  	s8 =	rddreg [dreg:$0x15]  }
0x1f0: {  	[hbm:s9], [sflag:s7] =	dma.local [spmem:s8], $0x2800  }
0x1f1: {  	_ =	swait.ge [sflag:s10], $0x2800  }
0x1f2: {  	s6 =	rddreg [dreg:$0x16]  }
0x1f3: {  	s9 =	sadd.s32 $0x1, s6;
	s6 =	rddreg [dreg:$0x14]  }
0x1f4: {  	p0 =	sne.s32 s9, s6  }
.Ltmp1:
0x1f5: {  	_ = 	snop;
	(pc) =	sbr.rel @p0 .LBB2_1-.Ltmp1, $3  }
0x1f6: {  	_ =	sdelay $0x1  }
0x1f7: {  	[sflag:s10] =	ssyncset.done $0x0  }
0x1f8: {  	[sflag:s10] =	ssyncadd.s32 $0xFFFFD800  }
0x1f9: {  	_ =	sfence.sel $0x180000  }
0x1fa: {  	[bflag:$0x0] =	sbarrier.arrive $0xFFFF  }
0x1fb: {  	_ =	strace $0x9000004D  }
0x1fc: {  	s0 =	stileid.u32;
	[bflag:$0x2] =	sbarrier.arrive $0xFFFF  }
0x1fd: {  	p0 =	sne.s32 s0, $0x0;
	s0 =	rddreg [dreg:$0x2]  }
0x1fe: {  	s0 =	sadd.s32 @!p0 $0x100000, s0  }
0x1ff: {  	[sflag:s0] =	ssyncadd.tile.s32 @!p0 $0x1;
	_ =	shalt  }
.Lfunc_end2:
_tile_overlayer_lowered:
.L_overlay_start_2:
0x200: {  	(tag) =	ssettag $0x2  }
0x201: {  	s0 =	rddreg [dreg:$0x0];
	s2 =	stileid.u32  }
0x202: {  	s1 =	rddreg [dreg:$0x1];
	p0 =	sne.s32 s2, $0x0  }
0x203: {  	s3 =	rddreg [dreg:$0x2];
	[bflag:$0x3] =	sbarrier.arrive $0xFFFF;
	s2 =	simm.s32 @!p0 $0x1C03  }
0x204: {  	[timem:s3], [sflag:s2] =	dma.local @!p0 [hbm:s0], s1  }
0x205: {  	s0 =	simm.s32 @!p0 $0x3  }
0x206: {  	_ =	swait.ge @!p0 [sflag:s0], s1  }
0x207: {  	s1 =	ssub.s32 @!p0 $0x0, s1;
	[sflag:s0] =	ssyncset.done @!p0 $0x0  }
0x208: {  	[sflag:s0] =	ssyncadd.s32 @!p0 s1  }
0x209: {  	[bflag:$0x3] =	sbarrier.arrive $0xFFFF  }
0x20a: {  	_ =	shalt  }

// kernel: kernel.8.cloned.1.call-start
scs
__scs_entry_jumppad:
0x0: {  	(pc) =	sbr.rel $0x88, $3  }
0x1: {  	(tag) =	ssettag $0x0;
	lr =	simm.s32 $0x1  }
0x2: {  	[smem:$0x3F98] =	sst lr;
	_ =	strace $0xD0000000  }
0x3: {  	_ = 	snop  }
0x4: {  	_ = 	snop  }
0x5: {  	_ = 	snop  }
0x6: {  	_ = 	snop  }
0x7: {  	_ = 	snop  }
__scs_overlays_trampoline_lowered:
0x8: {  	[smem:$0x3FA7] =	sst s0  }
0x9: {  	[smem:$0x3FA8] =	sst s1  }
0xa: {  	[smem:$0x3FA9] =	sst s2  }
0xb: {  	[smem:$0x3FAA] =	sst s3  }
0xc: {  	[smem:$0x3FAB] =	sst s4  }
0xd: {  	[smem:$0x3FAC] =	sst s5  }
0xe: {  	[smem:$0x3FAD] =	sst s6  }
0xf: {  	[smem:$0x3FAE] =	sst s7  }
0x10: {  	[smem:$0x3FAF] =	sst s8  }
0x11: {  	[smem:$0x3FB0] =	sst s9;
	s0 =	simm.s32 @!p0 $0x0  }
0x12: {  	s1 =	sld [smem:$0x3F96];
	s0 =	simm.s32 @p0 $0x1  }
0x13: {  	[smem:$0x3FB1] =	sst s0;
	s0 =	simm.s32 @!p1 $0x0  }
0x14: {  	s2 =	sld [smem:$0x3F95];
	s0 =	simm.s32 @p1 $0x1  }
0x15: {  	[smem:$0x3FB2] =	sst s0;
	s0 =	simm.s32 @!p2 $0x0  }
0x16: {  	s3 =	sld [smem:$0x3FDB];
	s0 =	simm.s32 @p2 $0x1  }
0x17: {  	s4 =	simm.s32 $0x1BF5;
	[smem:$0x3FB4] =	sst s0  }
0x18: {  	s0 =	sld [smem:$0x3F97];
	_ =	swait.ge [sflag:s4], $0x0  }
0x19: {  	s7 =	sld [smem:$0x3F98]  }
0x1a: {  	s8 =	sadd.s32 $0xFFFFE003, lr  }
0x1b: {  	s9 =	sadd.s32 $0xFFFFFEF7, lr;
	s5 =	simm.s32 $0xFFFFFFFF;
	p2 =	slt.u32 s8, $0xFFFFF086  }
0x1c: {  	p1 =	slt.u32 s9, $0xF7A;
	s5 =	simm.s32 @!p2 $0x0  }
0x1d: {  	s5 =	simm.s32 @p1 $0x1;
	p0 =	seq.s32 s7, s2  }
0x1e: {  	s7 =	smul.u32 @!p0 $0xF7A, s2;
	p2 =	seq.s32 @!p0 s5, $0x0  }
0x1f: {  	s9 =	smul.u32 $0xF7A, s1;
	s8 =	simm.s32 @!p0 $0x1BF5;
	p2 =	por !p2, p0  }
0x20: {  	[sflag:s8] =	ssyncset.s32 @!p0 $0xFFFFF086;
	s6 =	sadd.s32 @!p0 s3, s7;
	s7 =	simm.s32 @!p0 $0x108  }
0x21: {  	s3 =	sadd.s32 s3, s9;
	s6 =	sadd.s32 @!p0 $0x88, s6;
	s7 =	simm.s32 @p2 $0x1082  }
0x22: {  	[simem:s7], [sflag:s8] =	dma.local @!p0 [hbm:s6], $0xF7A  }
0x23: {  	s9 =	sor.u32 $0xD0000000, s2;
	s6 =	simm.s32 $0x108;
	_ =	swait.ge @!p0 [sflag:s8], $0x0  }
0x24: {  	s3 =	sadd.s32 $0x88, s3;
	s6 =	simm.s32 @!p1 $0x1082;
	[sflag:s4] =	ssyncset.s32 $0xFFFFF086  }
0x25: {  	[simem:s6], [sflag:s4] =	dma.local [hbm:s3], $0xF7A  }
0x26: {  	[smem:$0x3F98] =	sst s1;
	(tag) =	ssettag s2;
	_ =	strace s9  }
0x27: {  	s1 =	sld [smem:$0x3FA8]  }
0x28: {  	s2 =	sld [smem:$0x3FA9]  }
0x29: {  	s4 =	sld [smem:$0x3FAB]  }
0x2a: {  	p0 =	seq.s32 s5, $0x0;
	s5 =	sld [smem:$0x3FAC]  }
0x2b: {  	s6 =	sld [smem:$0x3FAD]  }
0x2c: {  	s7 =	sld [smem:$0x3FAE]  }
0x2d: {  	s3 =	simm.s32 $0x108;
	s8 =	sld [smem:$0x3FAF]  }
0x2e: {  	s3 =	simm.s32 @!p0 $0x1082;
	s9 =	sld [smem:$0x3FB0]  }
0x2f: {  	lr =	sadd.s32 s0, s3;
	s0 =	sld [smem:$0x3FA7]  }
0x30: {  	s3 =	sld [smem:$0x3FAA]  }
0x31: {  	[smem:$0x3FB3] =	sst s10  }
0x32: {  	s10 =	sld [smem:$0x3FB1];
	_ =	sdelay $0x3  }
0x33: {  	p0 =	seq.s32 s10, $0x1;
	s10 =	sld [smem:$0x3FB3];
	_ =	sdelay $0x3  }
0x34: {  	[smem:$0x3FB3] =	sst s10  }
0x35: {  	s10 =	sld [smem:$0x3FB2];
	_ =	sdelay $0x3  }
0x36: {  	p1 =	seq.s32 s10, $0x1;
	s10 =	sld [smem:$0x3FB3];
	_ =	sdelay $0x3  }
0x37: {  	[smem:$0x3FB3] =	sst s10  }
0x38: {  	s10 =	sld [smem:$0x3FB4]  }
0x39: {  	_ = 	snop;
	(pc) =	sbr.ind lr, $3  }
0x3a: {  	_ = 	snop  }
0x3b: {  	_ = 	snop  }
0x3c: {  	p2 =	seq.s32 s10, $0x1;
	s10 =	sld [smem:$0x3FB3]  }
0x3d: {  	_ =	shalt  }
0x3e: {  	_ =	shalt  }
0x3f: {  	_ =	shalt  }
0x40: {  	_ =	shalt  }
0x41: {  	_ =	shalt  }
0x42: {  	_ =	shalt  }
0x43: {  	_ =	shalt  }
0x44: {  	_ =	shalt  }
0x45: {  	_ =	shalt  }
0x46: {  	_ =	shalt  }
0x47: {  	_ =	shalt  }
0x48: {  	_ =	shalt  }
0x49: {  	_ =	shalt  }
0x4a: {  	_ =	shalt  }
0x4b: {  	_ =	shalt  }
0x4c: {  	_ =	shalt  }
0x4d: {  	_ =	shalt  }
0x4e: {  	_ =	shalt  }
0x4f: {  	_ =	shalt  }
0x50: {  	_ =	shalt  }
0x51: {  	_ =	shalt  }
0x52: {  	_ =	shalt  }
0x53: {  	_ =	shalt  }
0x54: {  	_ =	shalt  }
0x55: {  	_ =	shalt  }
0x56: {  	_ =	shalt  }
0x57: {  	_ =	shalt  }
0x58: {  	_ =	shalt  }
0x59: {  	_ =	shalt  }
0x5a: {  	_ =	shalt  }
0x5b: {  	_ =	shalt  }
0x5c: {  	_ =	shalt  }
0x5d: {  	_ =	shalt  }
0x5e: {  	_ =	shalt  }
0x5f: {  	_ =	shalt  }
0x60: {  	_ =	shalt  }
0x61: {  	_ =	shalt  }
0x62: {  	_ =	shalt  }
0x63: {  	_ =	shalt  }
0x64: {  	_ =	shalt  }
0x65: {  	_ =	shalt  }
0x66: {  	_ =	shalt  }
0x67: {  	_ =	shalt  }
0x68: {  	_ =	shalt  }
0x69: {  	_ =	shalt  }
0x6a: {  	_ =	shalt  }
0x6b: {  	_ =	shalt  }
0x6c: {  	_ =	shalt  }
0x6d: {  	_ =	shalt  }
0x6e: {  	_ =	shalt  }
0x6f: {  	_ =	shalt  }
0x70: {  	_ =	shalt  }
0x71: {  	_ =	shalt  }
0x72: {  	_ =	shalt  }
0x73: {  	_ =	shalt  }
0x74: {  	_ =	shalt  }
0x75: {  	_ =	shalt  }
0x76: {  	_ =	shalt  }
0x77: {  	_ =	shalt  }
0x78: {  	_ =	shalt  }
0x79: {  	_ =	shalt  }
0x7a: {  	_ =	shalt  }
0x7b: {  	_ =	shalt  }
0x7c: {  	_ =	shalt  }
0x7d: {  	_ =	shalt  }
0x7e: {  	_ =	shalt  }
0x7f: {  	_ =	shalt  }
0x80: {  	_ =	shalt  }
0x81: {  	_ =	shalt  }
0x82: {  	_ =	shalt  }
0x83: {  	_ =	shalt  }
0x84: {  	_ =	shalt  }
0x85: {  	_ =	shalt  }
0x86: {  	_ =	shalt  }
0x87: {  	_ =	shalt  }
.Lfunc_end0:
.L_simem_size_0:
called_computation_lowered:
.L_overlay_start_0:
0x88: {  	s2 =	sld [smem:$0x3FD9]  }
0x89: {  	s3 =	sld [smem:$0x3FFE];
	_ =	sdelay $0x1  }
0x8a: {  	s1 =	srdreg.scid  }
0x8b: {  	s0 =	sand.u32 $0x1, s1  }
0x8c: {  	s16 =	sshll.u32 s0, $0xA;
	s2 =	sadd.s32 s3, s2  }
0x8d: {  	s2 =	sadd.s32 s2, s16  }
0x8e: {  	[smem:$0x3FBF] =	sst s2  }
0x8f: {  	_ = 	snop  }
0x90: {  	(tm) =	ssettm $0x1  }
0x91: {  	s17 =	sld [smem:$0x3FFB];
	_ =	sdelay $0x3  }
0x92: {  	_ =	strace s17  }
0x93: {  	s2 =	sld [smem:$0x3FFC];
	_ =	sdelay $0x3  }
0x94: {  	_ =	strace s2  }
0x95: {  	s2 =	sld [smem:$0x3FFD];
	_ =	sdelay $0x3  }
0x96: {  	_ =	strace s2  }
0x97: {  	_ =	strace $0x8FFFFFFF  }
0x98: {  	s18 =	sld [smem:$0x3FDB];
	_ =	sdelay $0x1  }
0x99: {  	s19 =	simm.s32 $_scs_section_size  }
0x9a: {  	s4 =	simm.s32 $_size__tile_overlayer_lowered;
	s5 =	simm.s32 $_tile_overlayer_lowered  }
0x9b: {  	s22 =	simm.s32 $0x1BFF;
	s21 =	sshll.u32 s5, $0x1;
	s2 =	sadd.s32 s19, s18  }
0x9c: {  	s6 =	simm.s32 $0x0;
	s20 =	sshll.u32 s4, $0x1;
	s4 =	sadd.s32 s21, s2  }
0x9d: {  	[timem:s6], [sflag:s22] =	dma.local [hbm:s4], s20  }
0x9e: {  	_ =	swait.ge [sflag:s22], s20  }
0x9f: {  	s3 =	ssub.s32 $0x0, s20;
	[sflag:s22] =	ssyncset.done $0x0  }
0xa0: {  	[sflag:s22] =	ssyncadd.s32 s3;
	_ =	sdelay $0x1  }
0xa1: {  	s23 =	simm.s32 $0x1B8B  }
0xa2: {  	_ =	swait.ge [sflag:s23], $0x1  }
0xa3: {  	[sflag:s23] =	ssyncset.done $0x0  }
0xa4: {  	s25 =	simm.s32 $0x1B8E;
	s24 =	sld [smem:$0x3FFE];
	[sflag:s23] =	ssyncadd.s32 $0xFFFFFFFF  }
0xa5: {  	s26 =	simm.s32 $execute0_lowered;
	[smem:$0x3FD2] =	sst s25  }
0xa6: {  	s4 =	sshll.u32 s26, $0x1;
	_ =	strace $0x80000046;
	[dreg:$0x1] =	wrdreg $0xFFFFFFFF  }
0xa7: {  	s28 =	simm.s32 $_size_execute0_lowered;
	s2 =	sadd.s32 s2, s4;
	[dreg:$0x0] =	wrdreg $0x0  }
0xa8: {  	s4 =	sshll.u32 s28, $0x1;
	[dreg:$0x2] =	wrdreg s2  }
0xa9: {  	[dreg:$0x3] =	wrdreg s4  }
0xaa: {  	[dreg:$0x4] =	wrdreg $0xC0  }
0xab: {  	_ =	task [dreg:s6], $0x5FFFF  }
0xac: {  	[dreg:$0x1] =	wrdreg $0xFFFFFFFF  }
0xad: {  	[dreg:$0x0] =	wrdreg $0x60  }
0xae: {  	[dreg:$0x2] =	wrdreg s24  }
0xaf: {  	[dreg:$0x3] =	wrdreg $0x68000  }
0xb0: {  	[dreg:$0x4] =	wrdreg $0x9  }
0xb1: {  	_ =	task.clear_ibuf [dreg:s6], $0x5FFFF;
	_ =	strace $0x90000046  }
0xb2: {  	s29 =	simm.s32 $0x9;
	_ =	strace $0x80000048  }
0xb3: {  	_ =	swait.ge [sflag:s29], $0x1  }
0xb4: {  	[sflag:s29] =	ssyncadd.s32 $0xFFFFFFFF  }
0xb5: {  	_ =	strace $0x90000048  }
0xb6: {  	_ =	sfence  }
0xb7: {  	s30 =	sld [smem:$0x0];
	_ =	sdelay $0x2  }
0xb8: {  	s31 =	sshll.u32 s1, $0xD;
	s1 =	sshrl.u32 s1, $0x2  }
0xb9: {  	s3 =	sand.u32 $0x4000, s31;
	s1 =	sadd.s32 s1, s30  }
0xba: {  	s0 =	sor.u32 s3, s0;
	s1 =	sshll.u32 s1, $0x11  }
0xbb: {  	s0 =	sor.u32 s1, s0  }
0xbc: {  	s0 =	sadd.s32 $0x8F2B, s0  }
0xbd: {  	[sflag:s0] =	ssyncadd.remote.s32 $0x1  }
0xbe: {  	_ =	sfence.sel $0xFFFF  }
0xbf: {  	[dreg:$0x0] =	wrdreg $0xFFFFFFFF;
	(pc) =	sbr.abs _section_cstart, $3  }
0xc0: {  	[dreg:$0x1] =	wrdreg $0xFFFFFFFF  }
0xc1: {  	_ =	task.clear_ibuf [dreg:s6], $0x2FFFF;
	_ =	strace $0x9FFFFFFF  }
0xc2: {  	(tm) =	ssettm $0x7FFFFFFF  }
0xc3: {  	_ =	shalt  }
tec
execute0_lowered:
.L_overlay_start_1:
0x0: {  	(tag) =	ssettag $0x1  }
0x1: {  	s6 =	rddreg [dreg:$0x0]  }
0x2: {  	s0 =	srdreg.scid;
	s2 =	rddreg [dreg:$0x1]  }
0x3: {  	s3 =	simm.s32 $0x0;
	s5 =	sand.u32 $0x1, s0;
	s0 =	stileid.u32  }
0x4: {  	s13 =	simm.s32 $0x80;
	s14 =	simm.s32 $0x1;
	s7 =	smul.u32 $0x2800, s0  }
0x5: {  	s15 =	simm.s32 $0x0;
	[smem:$0x7FF] =	sst s3;
	s9 =	smul.u32 $0x28000, s5  }
0x6: {  	s1 =	sshll.u32 s5, $0x4;
	s10 =	ssub.s32 $0x2, s5;
	s11 =	smul.u32 $0x50000, s0  }
0x7: {  	s5 =	sadd.s32 $0x16A00, s6;
	s31 =	sshll.u32 s0, $0x6;
	s4 =	sor.u32 s0, s1  }
0x8: {  	s1 =	rddreg [dreg:$0x2];
	_ =	strace $0x80000047;
	s29 =	sshrl.u32 s10, $0x1  }
0x9: {  	s4 =	smul.u32 $0x500, s4;
	s7 =	sadd.s32 s7, s9;
	s9 =	ssub.s32 s10, s29  }
0xa: {  	s30 =	sshrl.u32 s11, $0x2;
	s10 =	simm.s32 $0x2800;
	s11 =	sor.u32 $0x1C02, s31  }
0xb: {  	s7 =	sadd.s32 s7, s6;
	s12 =	sadd.s32 s30, s2;
	s8 =	sadd.s32 s4, s6  }
0xc: {  	s4 =	sadd.s32 $0x19200, s6;
	s7 =	sadd.s32 $0x19A00, s7;
	s12 =	sshrl.u32 s12, $0x3  }
0xd: {  	s6 =	sadd.s32 $0xCA00, s8;
	s8 =	smax.u32 s9, $0x1;
	s9 =	simm.s32 $0x2  }
.LBB2_1:
0xe: {  	[tilespmem:s3], [sflag:$0x2] =	stream.linear.gather [hbm4b:s6+s3], $0x2800, $0x38;
	[tilespmem:$0x1A800] =	vst v63  }
0xf: {  	_ =	swait.ge [sflag:s9], $0x2800  }
0x10: {  	[sflag:s9] =	ssyncset.done $0x0  }
0x11: {  	[sflag:s9] =	ssyncadd.s32 $0xFFFFD800  }
0x12: {  	[tilespmem:s10], [sflag:$0x2] =	stream.linear.gather [hbm4b:s4+s3], $0x4000, $0x38;
	[tilespmem:$0x1A800] =	vst v63  }
0x13: {  	_ =	swait.ge [sflag:s9], $0x4000  }
0x14: {  	[sflag:s9] =	ssyncset.done $0x0  }
0x15: {  	[sflag:s9] =	ssyncadd.s32 $0xFFFFC000  }
0x16: {  	[spmem:s12], [sflag:s11] =	dma.local [hbm:s5], $0x2800  }
0x17: {  	_ =	swait.ge [sflag:s9], $0x2800  }
0x18: {  	[sflag:s9] =	ssyncset.done $0x0  }
0x19: {  	[sflag:s9] =	ssyncadd.s32 $0xFFFFD800  }
0x1a: {  	s16 =	simm.s32 $0x0;
	[bflag:$0x0] =	sbarrier.arrive $0xFFFF  }
0x1b: {  	[spmem:s2] =	stream.indirect.scatter.add.f32 [tilespmem:s10], [sflag:$0x1], $0x80, s16, s13, $0xb8;
	[tilespmem:$0x1A800] =	vst v63  }
0x1c: {  	s31 =	simm.s32 $0x80  }
0x1d: {  	[spmem:s2] =	stream.indirect.scatter.add.f32 [tilespmem:s10], [sflag:$0x1], $0x80, s31, s13, $0xb8;
	[tilespmem:$0x1A800] =	vst v63  }
0x1e: {  	s17 =	simm.s32 $0x100  }
0x1f: {  	[spmem:s2] =	stream.indirect.scatter.add.f32 [tilespmem:s10], [sflag:$0x1], $0x80, s17, s13, $0xb8;
	[tilespmem:$0x1A800] =	vst v63  }
0x20: {  	s18 =	simm.s32 $0x180  }
0x21: {  	[spmem:s2] =	stream.indirect.scatter.add.f32 [tilespmem:s10], [sflag:$0x1], $0x80, s18, s13, $0xb8;
	[tilespmem:$0x1A800] =	vst v63  }
0x22: {  	s19 =	simm.s32 $0x200  }
0x23: {  	[spmem:s2] =	stream.indirect.scatter.add.f32 [tilespmem:s10], [sflag:$0x1], $0x80, s19, s13, $0xb8;
	[tilespmem:$0x1A800] =	vst v63  }
0x24: {  	s20 =	simm.s32 $0x280  }
0x25: {  	[spmem:s2] =	stream.indirect.scatter.add.f32 [tilespmem:s10], [sflag:$0x1], $0x80, s20, s13, $0xb8;
	[tilespmem:$0x1A800] =	vst v63  }
0x26: {  	s21 =	simm.s32 $0x300  }
0x27: {  	[spmem:s2] =	stream.indirect.scatter.add.f32 [tilespmem:s10], [sflag:$0x1], $0x80, s21, s13, $0xb8;
	[tilespmem:$0x1A800] =	vst v63  }
0x28: {  	s22 =	simm.s32 $0x380  }
0x29: {  	[spmem:s2] =	stream.indirect.scatter.add.f32 [tilespmem:s10], [sflag:$0x1], $0x80, s22, s13, $0xb8;
	[tilespmem:$0x1A800] =	vst v63  }
0x2a: {  	s23 =	simm.s32 $0x400  }
0x2b: {  	[spmem:s2] =	stream.indirect.scatter.add.f32 [tilespmem:s10], [sflag:$0x1], $0x80, s23, s13, $0xb8;
	[tilespmem:$0x1A800] =	vst v63  }
0x2c: {  	s24 =	simm.s32 $0x480  }
0x2d: {  	[spmem:s2] =	stream.indirect.scatter.add.f32 [tilespmem:s10], [sflag:$0x1], $0x80, s24, s13, $0xb8;
	[tilespmem:$0x1A800] =	vst v63  }
0x2e: {  	s25 =	simm.s32 $0x500  }
0x2f: {  	[spmem:s2] =	stream.indirect.scatter.add.f32 [tilespmem:s10], [sflag:$0x1], $0x80, s25, s13, $0xb8;
	[tilespmem:$0x1A800] =	vst v63  }
0x30: {  	s26 =	simm.s32 $0x580  }
0x31: {  	[spmem:s2] =	stream.indirect.scatter.add.f32 [tilespmem:s10], [sflag:$0x1], $0x80, s26, s13, $0xb8;
	[tilespmem:$0x1A800] =	vst v63  }
0x32: {  	s28 =	simm.s32 $0x600  }
0x33: {  	[spmem:s2] =	stream.indirect.scatter.add.f32 [tilespmem:s10], [sflag:$0x1], $0x80, s28, s13, $0xb8;
	[tilespmem:$0x1A800] =	vst v63  }
0x34: {  	s29 =	simm.s32 $0x680  }
0x35: {  	[spmem:s2] =	stream.indirect.scatter.add.f32 [tilespmem:s10], [sflag:$0x1], $0x80, s29, s13, $0xb8;
	[tilespmem:$0x1A800] =	vst v63  }
0x36: {  	s30 =	simm.s32 $0x700  }
0x37: {  	[spmem:s2] =	stream.indirect.scatter.add.f32 [tilespmem:s10], [sflag:$0x1], $0x80, s30, s13, $0xb8;
	[tilespmem:$0x1A800] =	vst v63  }
0x38: {  	s31 =	simm.s32 $0x780  }
0x39: {  	[spmem:s2] =	stream.indirect.scatter.add.f32 [tilespmem:s10], [sflag:$0x1], $0x80, s31, s13, $0xb8;
	[tilespmem:$0x1A800] =	vst v63  }
0x3a: {  	_ =	swait.ge [sflag:s14], $0x4000  }
0x3b: {  	[sflag:s14] =	ssyncset.done $0x0  }
0x3c: {  	[sflag:s14] =	ssyncadd.s32 $0xFFFFC000  }
0x3d: {  	_ =	swait.ge [sflag:s14], $0x4000  }
0x3e: {  	[sflag:s14] =	ssyncset.done $0x0  }
0x3f: {  	[sflag:s14] =	ssyncadd.s32 $0xFFFFC000  }
0x40: {  	_ =	swait.ge [sflag:s14], $0x4000  }
0x41: {  	[sflag:s14] =	ssyncset.done $0x0  }
0x42: {  	[sflag:s14] =	ssyncadd.s32 $0xFFFFC000  }
0x43: {  	_ =	swait.ge [sflag:s14], $0x4000  }
0x44: {  	[sflag:s14] =	ssyncset.done $0x0  }
0x45: {  	[sflag:s14] =	ssyncadd.s32 $0xFFFFC000  }
0x46: {  	_ =	swait.ge [sflag:s14], $0x4000  }
0x47: {  	[sflag:s14] =	ssyncset.done $0x0  }
0x48: {  	[sflag:s14] =	ssyncadd.s32 $0xFFFFC000  }
0x49: {  	_ =	swait.ge [sflag:s14], $0x4000  }
0x4a: {  	[sflag:s14] =	ssyncset.done $0x0  }
0x4b: {  	[sflag:s14] =	ssyncadd.s32 $0xFFFFC000  }
0x4c: {  	_ =	swait.ge [sflag:s14], $0x4000  }
0x4d: {  	[sflag:s14] =	ssyncset.done $0x0  }
0x4e: {  	[sflag:s14] =	ssyncadd.s32 $0xFFFFC000  }
0x4f: {  	_ =	swait.ge [sflag:s14], $0x4000  }
0x50: {  	[sflag:s14] =	ssyncset.done $0x0  }
0x51: {  	[sflag:s14] =	ssyncadd.s32 $0xFFFFC000  }
0x52: {  	_ =	swait.ge [sflag:s14], $0x4000  }
0x53: {  	[sflag:s14] =	ssyncset.done $0x0  }
0x54: {  	[sflag:s14] =	ssyncadd.s32 $0xFFFFC000  }
0x55: {  	_ =	swait.ge [sflag:s14], $0x4000  }
0x56: {  	[sflag:s14] =	ssyncset.done $0x0  }
0x57: {  	[sflag:s14] =	ssyncadd.s32 $0xFFFFC000  }
0x58: {  	_ =	swait.ge [sflag:s14], $0x4000  }
0x59: {  	[sflag:s14] =	ssyncset.done $0x0  }
0x5a: {  	[sflag:s14] =	ssyncadd.s32 $0xFFFFC000  }
0x5b: {  	_ =	swait.ge [sflag:s14], $0x4000  }
0x5c: {  	[sflag:s14] =	ssyncset.done $0x0  }
0x5d: {  	[sflag:s14] =	ssyncadd.s32 $0xFFFFC000  }
0x5e: {  	_ =	swait.ge [sflag:s14], $0x4000  }
0x5f: {  	[sflag:s14] =	ssyncset.done $0x0  }
0x60: {  	[sflag:s14] =	ssyncadd.s32 $0xFFFFC000  }
0x61: {  	_ =	swait.ge [sflag:s14], $0x4000  }
0x62: {  	[sflag:s14] =	ssyncset.done $0x0  }
0x63: {  	[sflag:s14] =	ssyncadd.s32 $0xFFFFC000  }
0x64: {  	_ =	swait.ge [sflag:s14], $0x4000  }
0x65: {  	[sflag:s14] =	ssyncset.done $0x0  }
0x66: {  	[sflag:s14] =	ssyncadd.s32 $0xFFFFC000  }
0x67: {  	_ =	swait.ge [sflag:s14], $0x4000  }
0x68: {  	s16 =	simm.s32 $0x2000;
	s19 =	simm.s32 $0x4000;
	[sflag:s14] =	ssyncset.done $0x0  }
.LBB2_2:
0x69: {  	s18 =	sshra.s32 s16, $0x2  }
0x6a: {  	[sflag:s14] =	ssyncadd.s32 $0xFFFFC000;
	s16 =	smov.u32 s19;
	s17 =	sadd.s32 $0x2000, s19  }
0x6b: {  	[spmem:s2] =	stream.indirect.scatter.add.f32 [tilespmem:s10], [sflag:$0x1], $0x80, s18, s13, $0xb8;
	[tilespmem:$0x1A800] =	vst v63  }
0x6c: {  	p0 =	sne.s32 s19, $0x8000;
	s19 =	sadd.s32 $0x80, s18  }
0x6d: {  	[spmem:s2] =	stream.indirect.scatter.add.f32 [tilespmem:s10], [sflag:$0x1], $0x80, s19, s13, $0xb8;
	[tilespmem:$0x1A800] =	vst v63  }
0x6e: {  	s19 =	sadd.s32 $0x100, s18  }
0x6f: {  	[spmem:s2] =	stream.indirect.scatter.add.f32 [tilespmem:s10], [sflag:$0x1], $0x80, s19, s13, $0xb8;
	[tilespmem:$0x1A800] =	vst v63  }
0x70: {  	s19 =	sadd.s32 $0x180, s18  }
0x71: {  	[spmem:s2] =	stream.indirect.scatter.add.f32 [tilespmem:s10], [sflag:$0x1], $0x80, s19, s13, $0xb8;
	[tilespmem:$0x1A800] =	vst v63  }
0x72: {  	s19 =	sadd.s32 $0x200, s18  }
0x73: {  	[spmem:s2] =	stream.indirect.scatter.add.f32 [tilespmem:s10], [sflag:$0x1], $0x80, s19, s13, $0xb8;
	[tilespmem:$0x1A800] =	vst v63  }
0x74: {  	s19 =	sadd.s32 $0x280, s18  }
0x75: {  	[spmem:s2] =	stream.indirect.scatter.add.f32 [tilespmem:s10], [sflag:$0x1], $0x80, s19, s13, $0xb8;
	[tilespmem:$0x1A800] =	vst v63  }
0x76: {  	s19 =	sadd.s32 $0x300, s18  }
0x77: {  	[spmem:s2] =	stream.indirect.scatter.add.f32 [tilespmem:s10], [sflag:$0x1], $0x80, s19, s13, $0xb8;
	[tilespmem:$0x1A800] =	vst v63  }
0x78: {  	s19 =	sadd.s32 $0x380, s18  }
0x79: {  	[spmem:s2] =	stream.indirect.scatter.add.f32 [tilespmem:s10], [sflag:$0x1], $0x80, s19, s13, $0xb8;
	[tilespmem:$0x1A800] =	vst v63  }
0x7a: {  	s19 =	sadd.s32 $0x400, s18  }
0x7b: {  	[spmem:s2] =	stream.indirect.scatter.add.f32 [tilespmem:s10], [sflag:$0x1], $0x80, s19, s13, $0xb8;
	[tilespmem:$0x1A800] =	vst v63  }
0x7c: {  	s19 =	sadd.s32 $0x480, s18  }
0x7d: {  	[spmem:s2] =	stream.indirect.scatter.add.f32 [tilespmem:s10], [sflag:$0x1], $0x80, s19, s13, $0xb8;
	[tilespmem:$0x1A800] =	vst v63  }
0x7e: {  	s19 =	sadd.s32 $0x500, s18  }
0x7f: {  	[spmem:s2] =	stream.indirect.scatter.add.f32 [tilespmem:s10], [sflag:$0x1], $0x80, s19, s13, $0xb8;
	[tilespmem:$0x1A800] =	vst v63  }
0x80: {  	s19 =	sadd.s32 $0x580, s18  }
0x81: {  	[spmem:s2] =	stream.indirect.scatter.add.f32 [tilespmem:s10], [sflag:$0x1], $0x80, s19, s13, $0xb8;
	[tilespmem:$0x1A800] =	vst v63  }
0x82: {  	s19 =	sadd.s32 $0x600, s18  }
0x83: {  	[spmem:s2] =	stream.indirect.scatter.add.f32 [tilespmem:s10], [sflag:$0x1], $0x80, s19, s13, $0xb8;
	[tilespmem:$0x1A800] =	vst v63  }
0x84: {  	s19 =	sadd.s32 $0x680, s18  }
0x85: {  	[spmem:s2] =	stream.indirect.scatter.add.f32 [tilespmem:s10], [sflag:$0x1], $0x80, s19, s13, $0xb8;
	[tilespmem:$0x1A800] =	vst v63  }
0x86: {  	s19 =	sadd.s32 $0x700, s18  }
0x87: {  	[spmem:s2] =	stream.indirect.scatter.add.f32 [tilespmem:s10], [sflag:$0x1], $0x80, s19, s13, $0xb8;
	[tilespmem:$0x1A800] =	vst v63  }
0x88: {  	s18 =	sadd.s32 $0x780, s18  }
0x89: {  	[spmem:s2] =	stream.indirect.scatter.add.f32 [tilespmem:s10], [sflag:$0x1], $0x80, s18, s13, $0xb8;
	[tilespmem:$0x1A800] =	vst v63  }
0x8a: {  	_ =	swait.ge [sflag:s14], $0x4000  }
0x8b: {  	[sflag:s14] =	ssyncset.done $0x0  }
0x8c: {  	[sflag:s14] =	ssyncadd.s32 $0xFFFFC000  }
0x8d: {  	_ =	swait.ge [sflag:s14], $0x4000  }
0x8e: {  	[sflag:s14] =	ssyncset.done $0x0  }
0x8f: {  	[sflag:s14] =	ssyncadd.s32 $0xFFFFC000  }
0x90: {  	_ =	swait.ge [sflag:s14], $0x4000  }
0x91: {  	[sflag:s14] =	ssyncset.done $0x0  }
0x92: {  	[sflag:s14] =	ssyncadd.s32 $0xFFFFC000  }
0x93: {  	_ =	swait.ge [sflag:s14], $0x4000  }
0x94: {  	[sflag:s14] =	ssyncset.done $0x0  }
0x95: {  	[sflag:s14] =	ssyncadd.s32 $0xFFFFC000  }
0x96: {  	_ =	swait.ge [sflag:s14], $0x4000  }
0x97: {  	[sflag:s14] =	ssyncset.done $0x0  }
0x98: {  	[sflag:s14] =	ssyncadd.s32 $0xFFFFC000  }
0x99: {  	_ =	swait.ge [sflag:s14], $0x4000  }
0x9a: {  	[sflag:s14] =	ssyncset.done $0x0  }
0x9b: {  	[sflag:s14] =	ssyncadd.s32 $0xFFFFC000  }
0x9c: {  	_ =	swait.ge [sflag:s14], $0x4000  }
0x9d: {  	[sflag:s14] =	ssyncset.done $0x0  }
0x9e: {  	[sflag:s14] =	ssyncadd.s32 $0xFFFFC000  }
0x9f: {  	_ =	swait.ge [sflag:s14], $0x4000  }
0xa0: {  	[sflag:s14] =	ssyncset.done $0x0  }
0xa1: {  	[sflag:s14] =	ssyncadd.s32 $0xFFFFC000  }
0xa2: {  	_ =	swait.ge [sflag:s14], $0x4000  }
0xa3: {  	[sflag:s14] =	ssyncset.done $0x0  }
0xa4: {  	[sflag:s14] =	ssyncadd.s32 $0xFFFFC000  }
0xa5: {  	_ =	swait.ge [sflag:s14], $0x4000  }
0xa6: {  	[sflag:s14] =	ssyncset.done $0x0  }
0xa7: {  	[sflag:s14] =	ssyncadd.s32 $0xFFFFC000  }
0xa8: {  	_ =	swait.ge [sflag:s14], $0x4000  }
0xa9: {  	[sflag:s14] =	ssyncset.done $0x0  }
0xaa: {  	[sflag:s14] =	ssyncadd.s32 $0xFFFFC000  }
0xab: {  	_ =	swait.ge [sflag:s14], $0x4000  }
0xac: {  	[sflag:s14] =	ssyncset.done $0x0  }
0xad: {  	[sflag:s14] =	ssyncadd.s32 $0xFFFFC000  }
0xae: {  	_ =	swait.ge [sflag:s14], $0x4000  }
0xaf: {  	[sflag:s14] =	ssyncset.done $0x0  }
0xb0: {  	[sflag:s14] =	ssyncadd.s32 $0xFFFFC000  }
0xb1: {  	_ =	swait.ge [sflag:s14], $0x4000  }
0xb2: {  	[sflag:s14] =	ssyncset.done $0x0  }
0xb3: {  	[sflag:s14] =	ssyncadd.s32 $0xFFFFC000  }
.Ltmp0:
0xb4: {  	_ =	swait.ge [sflag:s14], $0x4000;
	(pc) =	sbr.rel @p0 .LBB2_2-.Ltmp0, $4  }
0xb5: {  	[sflag:s14] =	ssyncset.done $0x0  }
0xb6: {  	[sflag:s14] =	ssyncadd.s32 $0xFFFFC000  }
0xb7: {  	_ =	swait.ge [sflag:s14], $0x4000  }
0xb8: {  	s19 =	smov.u32 s17;
	[sflag:s14] =	ssyncset.done $0x0  }
0xb9: {  	s16 =	sshra.s32 s16, $0x2;
	[sflag:s14] =	ssyncadd.s32 $0xFFFFC000  }
0xba: {  	[spmem:s2] =	stream.indirect.scatter.add.f32 [tilespmem:s10], [sflag:$0x1], $0x80, s16, s13, $0xb8;
	[tilespmem:$0x1A800] =	vst v63  }
0xbb: {  	s17 =	sadd.s32 $0x80, s16  }
0xbc: {  	[spmem:s2] =	stream.indirect.scatter.add.f32 [tilespmem:s10], [sflag:$0x1], $0x80, s17, s13, $0xb8;
	[tilespmem:$0x1A800] =	vst v63  }
0xbd: {  	s18 =	sadd.s32 $0x100, s16  }
0xbe: {  	[spmem:s2] =	stream.indirect.scatter.add.f32 [tilespmem:s10], [sflag:$0x1], $0x80, s18, s13, $0xb8;
	[tilespmem:$0x1A800] =	vst v63  }
0xbf: {  	s19 =	sadd.s32 $0x180, s16  }
0xc0: {  	[spmem:s2] =	stream.indirect.scatter.add.f32 [tilespmem:s10], [sflag:$0x1], $0x80, s19, s13, $0xb8;
	[tilespmem:$0x1A800] =	vst v63  }
0xc1: {  	s20 =	sadd.s32 $0x200, s16  }
0xc2: {  	[spmem:s2] =	stream.indirect.scatter.add.f32 [tilespmem:s10], [sflag:$0x1], $0x80, s20, s13, $0xb8;
	[tilespmem:$0x1A800] =	vst v63  }
0xc3: {  	s21 =	sadd.s32 $0x280, s16  }
0xc4: {  	[spmem:s2] =	stream.indirect.scatter.add.f32 [tilespmem:s10], [sflag:$0x1], $0x80, s21, s13, $0xb8;
	[tilespmem:$0x1A800] =	vst v63  }
0xc5: {  	s22 =	sadd.s32 $0x300, s16  }
0xc6: {  	[spmem:s2] =	stream.indirect.scatter.add.f32 [tilespmem:s10], [sflag:$0x1], $0x80, s22, s13, $0xb8;
	[tilespmem:$0x1A800] =	vst v63  }
0xc7: {  	s23 =	sadd.s32 $0x380, s16  }
0xc8: {  	[spmem:s2] =	stream.indirect.scatter.add.f32 [tilespmem:s10], [sflag:$0x1], $0x80, s23, s13, $0xb8;
	[tilespmem:$0x1A800] =	vst v63  }
0xc9: {  	s24 =	sadd.s32 $0x400, s16  }
0xca: {  	[spmem:s2] =	stream.indirect.scatter.add.f32 [tilespmem:s10], [sflag:$0x1], $0x80, s24, s13, $0xb8;
	[tilespmem:$0x1A800] =	vst v63  }
0xcb: {  	s25 =	sadd.s32 $0x480, s16  }
0xcc: {  	[spmem:s2] =	stream.indirect.scatter.add.f32 [tilespmem:s10], [sflag:$0x1], $0x80, s25, s13, $0xb8;
	[tilespmem:$0x1A800] =	vst v63  }
0xcd: {  	s26 =	sadd.s32 $0x500, s16  }
0xce: {  	[spmem:s2] =	stream.indirect.scatter.add.f32 [tilespmem:s10], [sflag:$0x1], $0x80, s26, s13, $0xb8;
	[tilespmem:$0x1A800] =	vst v63  }
0xcf: {  	s28 =	sadd.s32 $0x580, s16  }
0xd0: {  	[spmem:s2] =	stream.indirect.scatter.add.f32 [tilespmem:s10], [sflag:$0x1], $0x80, s28, s13, $0xb8;
	[tilespmem:$0x1A800] =	vst v63  }
0xd1: {  	s29 =	sadd.s32 $0x600, s16  }
0xd2: {  	[spmem:s2] =	stream.indirect.scatter.add.f32 [tilespmem:s10], [sflag:$0x1], $0x80, s29, s13, $0xb8;
	[tilespmem:$0x1A800] =	vst v63  }
0xd3: {  	s30 =	sadd.s32 $0x680, s16  }
0xd4: {  	[spmem:s2] =	stream.indirect.scatter.add.f32 [tilespmem:s10], [sflag:$0x1], $0x80, s30, s13, $0xb8;
	[tilespmem:$0x1A800] =	vst v63  }
0xd5: {  	s31 =	sadd.s32 $0x700, s16  }
0xd6: {  	[spmem:s2] =	stream.indirect.scatter.add.f32 [tilespmem:s10], [sflag:$0x1], $0x80, s31, s13, $0xb8;
	[tilespmem:$0x1A800] =	vst v63  }
0xd7: {  	s16 =	sadd.s32 $0x780, s16  }
0xd8: {  	[spmem:s2] =	stream.indirect.scatter.add.f32 [tilespmem:s10], [sflag:$0x1], $0x80, s16, s13, $0xb8;
	[tilespmem:$0x1A800] =	vst v63  }
0xd9: {  	_ =	swait.ge [sflag:s14], $0x4000  }
0xda: {  	[sflag:s14] =	ssyncset.done $0x0  }
0xdb: {  	[sflag:s14] =	ssyncadd.s32 $0xFFFFC000  }
0xdc: {  	_ =	swait.ge [sflag:s14], $0x4000  }
0xdd: {  	[sflag:s14] =	ssyncset.done $0x0  }
0xde: {  	[sflag:s14] =	ssyncadd.s32 $0xFFFFC000  }
0xdf: {  	_ =	swait.ge [sflag:s14], $0x4000  }
0xe0: {  	[sflag:s14] =	ssyncset.done $0x0  }
0xe1: {  	[sflag:s14] =	ssyncadd.s32 $0xFFFFC000  }
0xe2: {  	_ =	swait.ge [sflag:s14], $0x4000  }
0xe3: {  	[sflag:s14] =	ssyncset.done $0x0  }
0xe4: {  	[sflag:s14] =	ssyncadd.s32 $0xFFFFC000  }
0xe5: {  	_ =	swait.ge [sflag:s14], $0x4000  }
0xe6: {  	[sflag:s14] =	ssyncset.done $0x0  }
0xe7: {  	[sflag:s14] =	ssyncadd.s32 $0xFFFFC000  }
0xe8: {  	_ =	swait.ge [sflag:s14], $0x4000  }
0xe9: {  	[sflag:s14] =	ssyncset.done $0x0  }
0xea: {  	[sflag:s14] =	ssyncadd.s32 $0xFFFFC000  }
0xeb: {  	_ =	swait.ge [sflag:s14], $0x4000  }
0xec: {  	[sflag:s14] =	ssyncset.done $0x0  }
0xed: {  	[sflag:s14] =	ssyncadd.s32 $0xFFFFC000  }
0xee: {  	_ =	swait.ge [sflag:s14], $0x4000  }
0xef: {  	[sflag:s14] =	ssyncset.done $0x0  }
0xf0: {  	[sflag:s14] =	ssyncadd.s32 $0xFFFFC000  }
0xf1: {  	_ =	swait.ge [sflag:s14], $0x4000  }
0xf2: {  	[sflag:s14] =	ssyncset.done $0x0  }
0xf3: {  	[sflag:s14] =	ssyncadd.s32 $0xFFFFC000  }
0xf4: {  	_ =	swait.ge [sflag:s14], $0x4000  }
0xf5: {  	[sflag:s14] =	ssyncset.done $0x0  }
0xf6: {  	[sflag:s14] =	ssyncadd.s32 $0xFFFFC000  }
0xf7: {  	_ =	swait.ge [sflag:s14], $0x4000  }
0xf8: {  	[sflag:s14] =	ssyncset.done $0x0  }
0xf9: {  	[sflag:s14] =	ssyncadd.s32 $0xFFFFC000  }
0xfa: {  	_ =	swait.ge [sflag:s14], $0x4000  }
0xfb: {  	[sflag:s14] =	ssyncset.done $0x0  }
0xfc: {  	[sflag:s14] =	ssyncadd.s32 $0xFFFFC000  }
0xfd: {  	_ =	swait.ge [sflag:s14], $0x4000  }
0xfe: {  	[sflag:s14] =	ssyncset.done $0x0  }
0xff: {  	[sflag:s14] =	ssyncadd.s32 $0xFFFFC000  }
0x100: {  	_ =	swait.ge [sflag:s14], $0x4000  }
0x101: {  	[sflag:s14] =	ssyncset.done $0x0  }
0x102: {  	[sflag:s14] =	ssyncadd.s32 $0xFFFFC000  }
0x103: {  	_ =	swait.ge [sflag:s14], $0x4000  }
0x104: {  	[sflag:s14] =	ssyncset.done $0x0  }
0x105: {  	[sflag:s14] =	ssyncadd.s32 $0xFFFFC000  }
0x106: {  	_ =	swait.ge [sflag:s14], $0x4000  }
0x107: {  	s15 =	sadd.s32 $0x1, s15;
	[sflag:s14] =	ssyncset.done $0x0  }
0x108: {  	p0 =	sne.s32 s15, s8;
	[sflag:s14] =	ssyncadd.s32 $0xFFFFC000  }
.Ltmp1:
0x109: {  	[bflag:$0x0] =	sbarrier.arrive $0xFFFF;
	(pc) =	sbr.rel @p0 .LBB2_1-.Ltmp1, $4  }
0x10a: {  	[hbm:s7], [sflag:s11] =	dma.local [spmem:s12], $0x2800  }
0x10b: {  	_ =	swait.ge [sflag:s9], $0x2800  }
0x10c: {  	[sflag:s9] =	ssyncset.done $0x0  }
0x10d: {  	[sflag:s9] =	ssyncadd.s32 $0xFFFFD800  }
0x10e: {  	_ =	sfence.sel $0x180000  }
0x10f: {  	[bflag:$0x0] =	sbarrier.arrive $0xFFFF  }
0x110: {  	p0 =	sne.s32 s0, $0x0;
	_ =	strace $0x90000047  }
0x111: {  	s0 =	sadd.s32 @!p0 $0x100000, s1;
	[bflag:$0x2] =	sbarrier.arrive $0xFFFF  }
0x112: {  	[sflag:s0] =	ssyncadd.tile.s32 @!p0 $0x1;
	_ =	shalt  }
.Lfunc_end2:
_tile_overlayer_lowered:
.L_overlay_start_2:
0x113: {  	(tag) =	ssettag $0x2  }
0x114: {  	s0 =	rddreg [dreg:$0x0];
	s2 =	stileid.u32  }
0x115: {  	s1 =	rddreg [dreg:$0x1];
	p0 =	sne.s32 s2, $0x0  }
0x116: {  	s3 =	rddreg [dreg:$0x2];
	[bflag:$0x3] =	sbarrier.arrive $0xFFFF;
	s2 =	simm.s32 @!p0 $0x1C02  }
0x117: {  	[timem:s3], [sflag:s2] =	dma.local @!p0 [hbm:s0], s1  }
0x118: {  	s0 =	simm.s32 @!p0 $0x2  }
0x119: {  	_ =	swait.ge @!p0 [sflag:s0], s1  }
0x11a: {  	s1 =	ssub.s32 @!p0 $0x0, s1;
	[sflag:s0] =	ssyncset.done @!p0 $0x0  }
0x11b: {  	[sflag:s0] =	ssyncadd.s32 @!p0 s1  }
0x11c: {  	[bflag:$0x3] =	sbarrier.arrive $0xFFFF  }
0x11d: {  	_ =	shalt  }

</sc_bundles>
